<compile_context>
chip_gen: v7x
topology: tpu7x:2x2x1
jax: 0.10.2.dev20260603
libtpu: 0.0.44.dev20260713+nightly
codegen_flags: <defaults>
</compile_context>

<pallas_src>
import functools

import jax
import jax.numpy as jnp
from jax import lax
from jax.experimental import pallas as pl
from jax.experimental.pallas import tpu as pltpu
from jax.experimental.pallas import tpu_sc as plsc

NC = 2
NS = 16
NW = NC * NS
CHUNK = 128
GK = 4
BR = 2048
LW = 128


def _mesh():
  return plsc.VectorSubcoreMesh(core_axis_name="c", subcore_axis_name="s")


@functools.lru_cache(maxsize=None)
def _deg_kernel(NP, J):
  rpt = NP // NS

  def body(dstp_hbm, out_hbm, dst_idx, ones_b, lin, deg_sh):
    c = lax.axis_index("c")
    s = lax.axis_index("s")
    w = c * NS + s
    base = s * rpt
    pltpu.sync_copy(dstp_hbm.at[w], dst_idx)
    for k in range(CHUNK // 16):
      ones_b[pl.ds(k * 16, 16)] = jnp.ones((16,), jnp.float32)
    for k in range(rpt // 16):
      lin[pl.ds(k * 16, 16)] = jnp.zeros((16,), jnp.float32)
    pltpu.sync_copy(lin, deg_sh.at[pl.ds(base, rpt)])
    plsc.subcore_barrier()

    def step(j, carry):
      pltpu.sync_copy(ones_b, deg_sh.at[dst_idx.at[j]], add=True)
      return carry

    lax.fori_loop(0, J, step, 0)
    plsc.subcore_barrier()
    pltpu.sync_copy(deg_sh.at[pl.ds(base, rpt)], lin)
    pltpu.sync_copy(lin, out_hbm.at[c].at[pl.ds(base, rpt)])

  return pl.kernel(
      body,
      out_type=jax.ShapeDtypeStruct((NC, NP), jnp.float32),
      mesh=_mesh(),
      scratch_types=[
          pltpu.VMEM((J, CHUNK), jnp.int32),
          pltpu.VMEM((CHUNK,), jnp.float32),
          pltpu.VMEM((rpt,), jnp.float32),
          pltpu.VMEM_SHARED((NP,), jnp.float32),
      ],
  )


@functools.lru_cache(maxsize=None)
def _edge_kernel(NP, J, D):
  rpt = NP // NS
  wb = rpt // CHUNK
  NG = J // GK

  def body(z_hbm, ep_hbm, out_hbm,
           ibufA, ibufB, rows0, rows1, acc, semiA, semiB,
           sem0, sem1, ssem0, ssem1):
    c = lax.axis_index("c")
    s = lax.axis_index("s")
    w = c * NS + s
    base = s * rpt
    pltpu.async_copy(ep_hbm.at[w].at[0], ibufA, semiA)

    def zr(r, carry):
      for k in range(D // 16):
        rows0[r, pl.ds(k * 16, 16)] = jnp.zeros((16,), jnp.float32)
      return carry

    lax.fori_loop(0, CHUNK, zr, 0)
    for k in range(wb):
      pltpu.sync_copy(rows0, acc.at[pl.ds(base + k * CHUNK, CHUNK)])
    plsc.subcore_barrier()

    rows = (rows0, rows1)
    gsem = (sem0, sem1)
    ssem = (ssem0, ssem1)

    pltpu.make_async_copy(ep_hbm.at[w].at[0], ibufA, semiA).wait()
    pltpu.async_copy(z_hbm.at[ibufA.at[0].at[0]], rows0, sem0)

    def half(cur, nxt, semi_nxt, nxt_g, guard, refill, first_wait_guard):
      for k in range(GK):
        p = k % 2
        rb, gs = rows[p], gsem[p]
        nrb, ngs = rows[1 - p], gsem[1 - p]
        pltpu.make_async_copy(z_hbm.at[cur.at[k].at[0]], rb, gs).wait()
        pltpu.make_async_copy(rb, acc.at[cur.at[k].at[1]], ssem[p]).start(add=True)
        def _retire_prev():
          pltpu.make_async_copy(nrb, acc.at[cur.at[k].at[1]], ssem[1 - p]).wait()
        if k == 0 and first_wait_guard is not None:
          pl.when(first_wait_guard)(_retire_prev)
        else:
          _retire_prev()
        if k == 0:
          tbuf, tsem, tg, tguard = refill
          def _refill():
            pltpu.async_copy(ep_hbm.at[w].at[tg], tbuf, tsem)
          if tguard is None:
            _refill()
          else:
            pl.when(tguard)(_refill)
        if k < GK - 1:
          pltpu.async_copy(z_hbm.at[cur.at[k + 1].at[0]], nrb, ngs)
        else:
          def _start_next():
            pltpu.make_async_copy(ep_hbm.at[w].at[nxt_g], nxt, semi_nxt).wait()
            pltpu.async_copy(z_hbm.at[nxt.at[0].at[0]], nrb, ngs)
          if guard is None:
            _start_next()
          else:
            pl.when(guard)(_start_next)

    def step(i, carry):
      more = i < NG // 2 - 1
      half(ibufA, ibufB, semiB, 2 * i + 1, None,
           (ibufB, semiB, 2 * i + 1, None), i > 0)
      half(ibufB, ibufA, semiA, 2 * i + 2, more,
           (ibufA, semiA, 2 * i + 2, more), None)
      return carry

    lax.fori_loop(0, NG // 2, step, 0)
    pltpu.make_async_copy(rows1, acc.at[ibufB.at[GK - 1].at[1]], ssem1).wait()
    plsc.subcore_barrier()
    for k in range(wb):
      sl = pl.ds(base + k * CHUNK, CHUNK)
      pltpu.sync_copy(acc.at[sl], rows0)
      pltpu.sync_copy(rows0, out_hbm.at[c].at[sl])

  return pl.kernel(
      body,
      out_type=jax.ShapeDtypeStruct((NC, NP, D), jnp.float32),
      mesh=_mesh(),
      scratch_types=[
          pltpu.VMEM((GK, 2, CHUNK), jnp.int32),
          pltpu.VMEM((GK, 2, CHUNK), jnp.int32),
          pltpu.VMEM((CHUNK, D), jnp.float32),
          pltpu.VMEM((CHUNK, D), jnp.float32),
          pltpu.VMEM_SHARED((NP, D), jnp.float32),
          pltpu.SemaphoreType.DMA,
          pltpu.SemaphoreType.DMA,
          pltpu.SemaphoreType.DMA,
          pltpu.SemaphoreType.DMA,
          pltpu.SemaphoreType.DMA,
          pltpu.SemaphoreType.DMA,
      ],
  )


def _dot(a, b):
  return jnp.dot(a, b, preferred_element_type=jnp.float32,
                 precision=lax.Precision.HIGHEST)


def _tc1(x_pad, W1, deg_parts):
  NP, D = x_pad.shape
  H = W1.shape[1]

  def body(x_ref, w_ref, dp_ref, z_ref, dinv_ref):
    deg = jnp.sum(dp_ref[...], axis=0) + 1.0
    dinv = lax.rsqrt(deg)
    z_ref[...] = _dot(x_ref[...], w_ref[...]) * dinv[:, None]
    dinv_ref[...] = dinv

  return pl.pallas_call(
      body,
      grid=(NP // BR,),
      in_specs=[
          pl.BlockSpec((BR, D), lambda i: (i, 0)),
          pl.BlockSpec((D, H), lambda i: (0, 0)),
          pl.BlockSpec((NC, BR), lambda i: (0, i)),
      ],
      out_specs=[
          pl.BlockSpec((BR, H), lambda i: (i, 0)),
          pl.BlockSpec((BR,), lambda i: (i,)),
      ],
      out_shape=[
          jax.ShapeDtypeStruct((NP, H), jnp.float32),
          jax.ShapeDtypeStruct((NP,), jnp.float32),
      ],
  )(x_pad, W1, deg_parts)


def _tc2(parts1, z1, dinv, b1, W2, n_valid):
  _, NP, D = parts1.shape
  H = W2.shape[1]

  def body(p_ref, z1_ref, dinv_ref, b1_ref, w2_ref, h1_ref, z2_ref):
    i = pl.program_id(0)
    sacc = p_ref[0] + p_ref[1] + z1_ref[...]
    dinv_c = dinv_ref[...][:, None]
    h1 = jnp.maximum(sacc * dinv_c + b1_ref[...][None, :], 0.0)
    h1_ref[...] = h1
    row = i * BR + lax.broadcasted_iota(jnp.int32, (BR, 1), 0)
    z2 = _dot(h1, w2_ref[...]) * dinv_c
    z2_ref[...] = jnp.where(row < n_valid, z2, 0.0)

  return pl.pallas_call(
      body,
      grid=(NP // BR,),
      in_specs=[
          pl.BlockSpec((NC, BR, D), lambda i: (0, i, 0)),
          pl.BlockSpec((BR, D), lambda i: (i, 0)),
          pl.BlockSpec((BR,), lambda i: (i,)),
          pl.BlockSpec((D,), lambda i: (0,)),
          pl.BlockSpec((D, H), lambda i: (0, 0)),
      ],
      out_specs=[
          pl.BlockSpec((BR, H), lambda i: (i, 0)),
          pl.BlockSpec((BR, H), lambda i: (i, 0)),
      ],
      out_shape=[
          jax.ShapeDtypeStruct((NP, H), jnp.float32),
          jax.ShapeDtypeStruct((NP, H), jnp.float32),
      ],
  )(parts1, z1, dinv, b1, W2)


def _tc3(parts2, z2, dinv, b2, h1, alpha, Wc_p, Wf_p, bc_p, bf_p):
  _, NP, D = parts2.shape

  def body(p_ref, z2_ref, dinv_ref, b2_ref, h1_ref, a_ref,
           wc_ref, wf_ref, bc_ref, bf_ref, out_ref):
    dinv_c = dinv_ref[...][:, None]
    h2 = jnp.maximum((p_ref[0] + p_ref[1] + z2_ref[...]) * dinv_c
                     + b2_ref[...][None, :], 0.0)
    a = a_ref[...][:, None]
    h1 = h1_ref[...]
    h2a = a * h2 + (1.0 - a) * h1
    lc = _dot(h1, wc_ref[...]) + bc_ref[...][None, :]
    lf = _dot(h2a, wf_ref[...]) + bf_ref[...][None, :]
    out_ref[...] = 0.5 * lc + 0.5 * lf

  return pl.pallas_call(
      body,
      grid=(NP // BR,),
      in_specs=[
          pl.BlockSpec((NC, BR, D), lambda i: (0, i, 0)),
          pl.BlockSpec((BR, D), lambda i: (i, 0)),
          pl.BlockSpec((BR,), lambda i: (i,)),
          pl.BlockSpec((D,), lambda i: (0,)),
          pl.BlockSpec((BR, D), lambda i: (i, 0)),
          pl.BlockSpec((BR,), lambda i: (i,)),
          pl.BlockSpec((D, LW), lambda i: (0, 0)),
          pl.BlockSpec((D, LW), lambda i: (0, 0)),
          pl.BlockSpec((LW,), lambda i: (0,)),
          pl.BlockSpec((LW,), lambda i: (0,)),
      ],
      out_specs=pl.BlockSpec((BR, LW), lambda i: (i, 0)),
      out_shape=jax.ShapeDtypeStruct((NP, LW), jnp.float32),
  )(parts2, z2, dinv, b2, h1, alpha, Wc_p, Wf_p, bc_p, bf_p)


def kernel(x, edge_index, h_node, W1, b1, Wc, bc, W2, b2, Wf, bf):
  N, D = x.shape
  H = W1.shape[1]
  E = edge_index.shape[1]
  C = Wc.shape[1]

  NP = -(-N // (NS * CHUNK)) * (NS * CHUNK)
  if NP == N:
    NP += NS * CHUNK
  J = -(-E // (NW * CHUNK))
  J = -(-J // (2 * GK)) * (2 * GK)
  EP = NW * J * CHUNK
  npad = EP - E

  src = edge_index[0].astype(jnp.int32)
  dst = edge_index[1].astype(jnp.int32)
  pad_idx = (N + jnp.arange(npad, dtype=jnp.int32) % (NP - N))
  srcp = jnp.concatenate([src, pad_idx]).reshape(NW, J, CHUNK)
  dstp = jnp.concatenate([dst, pad_idx]).reshape(NW, J, CHUNK)
  ep = jnp.stack([srcp, dstp], axis=2).reshape(NW, J // GK, GK, 2, CHUNK)

  x_pad = jnp.pad(x, ((0, NP - N), (0, 0)))
  a_pad = jnp.pad(h_node, (0, NP - N))
  Wc_p = jnp.pad(Wc, ((0, 0), (0, LW - C)))
  Wf_p = jnp.pad(Wf, ((0, 0), (0, LW - C)))
  bc_p = jnp.pad(bc, (0, LW - C))
  bf_p = jnp.pad(bf, (0, LW - C))

  deg_parts = _deg_kernel(NP, J)(dstp)
  z1, dinv = _tc1(x_pad, W1, deg_parts)
  seg = _edge_kernel(NP, J, H)
  parts1 = seg(z1, ep)
  h1, z2 = _tc2(parts1, z1, dinv, b1, W2, N)
  parts2 = seg(z2, ep)
  logits_pad = _tc3(parts2, z2, dinv, b2, h1, a_pad, Wc_p, Wf_p, bc_p, bf_p)
  return logits_pad[:N, :C]

# --- scband reference (transcript-rebuilt; emitter-appended) ---
"""Pipeline reference for scband-cp-abr-plus-18287970746774 (READ-ONLY COPY).

The authoritative reference and input builder live on the scoring server;
editing this copy changes nothing except your own understanding.
"""

import jax, jax.numpy as jnp
import numpy as np

N = 10000
E = 320000
D = 128
H = 128


def gcn_conv(x, edge_index, W, b):
    n = x.shape[0]
    self_idx = jnp.arange(n, dtype=edge_index.dtype)
    src = jnp.concatenate([edge_index[0], self_idx])
    dst = jnp.concatenate([edge_index[1], self_idx])
    deg = jax.ops.segment_sum(jnp.ones_like(src, dtype=x.dtype), dst, num_segments=n)
    dinv = jax.lax.rsqrt(jnp.maximum(deg, 1.0))
    norm = dinv[src] * dinv[dst]
    xw = x @ W
    msg = xw[src] * norm[:, None]
    out = jax.ops.segment_sum(msg, dst, num_segments=n)
    return out + b


def setup_inputs(seed: int = 0) -> dict:
    key = jax.random.key(seed)
    ks = jax.random.split(key, 12)
    x = jax.random.normal(ks[0], (N, D), dtype=jnp.float32)
    edge_index = jax.random.randint(ks[1], (2, E), 0, N, dtype=jnp.int64)
    h_node = jax.random.uniform(ks[2], (N,), dtype=jnp.float32)
    W1 = jax.random.normal(ks[3], (D, H), dtype=jnp.float32) * (1.0 / np.sqrt(D))
    b1 = jnp.zeros((H,), dtype=jnp.float32)
    Wc = jax.random.normal(ks[4], (H, 2), dtype=jnp.float32) * (1.0 / np.sqrt(H))
    bc = jnp.zeros((2,), dtype=jnp.float32)
    W2 = jax.random.normal(ks[5], (H, H), dtype=jnp.float32) * (1.0 / np.sqrt(H))
    b2 = jnp.zeros((H,), dtype=jnp.float32)
    Wf = jax.random.normal(ks[6], (H, 2), dtype=jnp.float32) * (1.0 / np.sqrt(H))
    bf = jnp.zeros((2,), dtype=jnp.float32)
    return {"x": x, "edge_index": edge_index, "h_node": h_node, "W1": W1, "b1": b1,
            "Wc": Wc, "bc": bc, "W2": W2, "b2": b2, "Wf": Wf, "bf": bf}


def reference(x, edge_index, h_node, W1, b1, Wc, bc, W2, b2, Wf, bf):
    h1 = jax.nn.relu(gcn_conv(x, edge_index, W1, b1))
    logits_coarse = h1 @ Wc + bc
    alpha = h_node[:, None]
    h2 = jax.nn.relu(gcn_conv(h1, edge_index, W2, b2))
    h2_adaptive = alpha * h2 + (1.0 - alpha) * h1
    logits_fine = h2_adaptive @ Wf + bf
    logits = 0.5 * logits_coarse + 0.5 * logits_fine
    return logits

if __name__ == "__main__":
    import jax
    _d = setup_inputs()
    print(jax.jit(kernel)(*tuple(_d.values())))

</pallas_src>

<mosaic_0001>
#map = affine_map<(d0, d1) -> (0, 0, 0)>
#map1 = affine_map<(d0, d1) -> (0, 0)>
module attributes {stable_mosaic.version = 14 : i64} {
  func.func @body(%arg0: i32, %arg1: i32, %arg2: memref<32x80x128xi32, #tpu.memory_space<hbm>>, %arg3: memref<2x10240xf32, #tpu.memory_space<hbm>>, %arg4: memref<80x128xi32, #tpu.memory_space<vmem>>, %arg5: memref<128xf32, #tpu.memory_space<vmem>>, %arg6: memref<640xf32, #tpu.memory_space<vmem>>, %arg7: memref<10240xf32, #tpu.memory_space<vmem_shared>>) attributes {dimension_semantics = [#tpu.dimension_semantics<core_parallel>, #tpu.dimension_semantics<subcore_parallel>], iteration_bounds = array<i64: 2, 16>, scalar_prefetch = 0 : i64, scratch_operands = 4 : i64, tpu.core_type = #tpu.core_type<sc_vector_subcore>, window_params = [{transform_indices = #map}, {transform_indices = #map1}]} {
    %mul3A = arith.constant 16 : i32
    %mul3A_0 = arith.muli %arg0, %mul3A : i32
    %add3A = arith.addi %mul3A_0, %arg1 : i32
    %mul3A_1 = arith.constant 640 : i32
    %mul3A_2 = arith.muli %arg1, %mul3A_1 : i32
    "tpu.region"() ({
      %run_scoped3A = tpu.sem_alloc : memref<!tpu.dma_semaphore, #tpu.memory_space<semaphore_mem>>
      %dma_start3A = arith.constant 0 : i32
      %dma_start3A_295 = arith.constant 0 : i32
      %dma_start3A_296 = tpu.memref_slice %arg2[%add3A, %dma_start3A, %dma_start3A_295] : memref<32x80x128xi32, #tpu.memory_space<hbm>> -> memref<1x80x128xi32, #tpu.memory_space<hbm>>
      %dma_start3A_297 = tpu.memref_squeeze %dma_start3A_296 : memref<1x80x128xi32, #tpu.memory_space<hbm>> -> memref<80x128xi32, #tpu.memory_space<hbm>>
      %dma_start3A_298 = arith.constant 0 : i32
      %dma_start3A_299 = arith.constant 0 : i32
      %dma_start3A_300 = tpu.memref_slice %arg2[%add3A, %dma_start3A_298, %dma_start3A_299] : memref<32x80x128xi32, #tpu.memory_space<hbm>> -> memref<1x80x128xi32, #tpu.memory_space<hbm>>
      %dma_start3A_301 = tpu.memref_squeeze %dma_start3A_300 : memref<1x80x128xi32, #tpu.memory_space<hbm>> -> memref<80x128xi32, #tpu.memory_space<hbm>>
      tpu.enqueue_dma source(%dma_start3A_301 : memref<80x128xi32, #tpu.memory_space<hbm>>) target(%arg4 : memref<80x128xi32, #tpu.memory_space<vmem>>) target_semaphore(%run_scoped3A : memref<!tpu.dma_semaphore, #tpu.memory_space<semaphore_mem>>)
      %dma_wait3A = arith.constant 0 : i32
      %dma_wait3A_302 = arith.constant 0 : i32
      %dma_wait3A_303 = tpu.memref_slice %arg2[%add3A, %dma_wait3A, %dma_wait3A_302] : memref<32x80x128xi32, #tpu.memory_space<hbm>> -> memref<1x80x128xi32, #tpu.memory_space<hbm>>
      %dma_wait3A_304 = tpu.memref_squeeze %dma_wait3A_303 : memref<1x80x128xi32, #tpu.memory_space<hbm>> -> memref<80x128xi32, #tpu.memory_space<hbm>>
      %dma_wait3A_305 = arith.constant 0 : i32
      %dma_wait3A_306 = arith.constant 0 : i32
      %dma_wait3A_307 = tpu.memref_slice %arg2[%add3A, %dma_wait3A_305, %dma_wait3A_306] : memref<32x80x128xi32, #tpu.memory_space<hbm>> -> memref<1x80x128xi32, #tpu.memory_space<hbm>>
      %dma_wait3A_308 = tpu.memref_squeeze %dma_wait3A_307 : memref<1x80x128xi32, #tpu.memory_space<hbm>> -> memref<80x128xi32, #tpu.memory_space<hbm>>
      tpu.wait_dma2 semaphore(%run_scoped3A : memref<!tpu.dma_semaphore, #tpu.memory_space<semaphore_mem>>) src(%dma_wait3A_308 : memref<80x128xi32, #tpu.memory_space<hbm>>) dst(%arg4 : memref<80x128xi32, #tpu.memory_space<vmem>>)
      tpu.yield
    }) : () -> ()
    %broadcast_in_dim3A = arith.constant 1.000000e+00 : f32
    %broadcast_in_dim3A_3 = vector.broadcast %broadcast_in_dim3A : f32 to vector<16xf32>
    %swap3A = arith.constant 0 : index
    %swap3A_4 = tpu.vector_load %arg5[%swap3A] {strides = array<i32>} : memref<128xf32, #tpu.memory_space<vmem>>, vector<16xf32>,
    %swap3A_5 = vector.shape_cast %swap3A_4 : vector<16xf32> to vector<16xf32>
    %swap3A_6 = vector.shape_cast %broadcast_in_dim3A_3 : vector<16xf32> to vector<16xf32>
    tpu.vector_store %arg5[%swap3A], %swap3A_6 {strides = array<i32>} : memref<128xf32, #tpu.memory_space<vmem>>, vector<16xf32>,
    %broadcast_in_dim3A_7 = arith.constant 1.000000e+00 : f32
    %broadcast_in_dim3A_8 = vector.broadcast %broadcast_in_dim3A_7 : f32 to vector<16xf32>
    %swap3A_9 = arith.constant 16 : index
    %swap3A_10 = tpu.vector_load %arg5[%swap3A_9] {strides = array<i32>} : memref<128xf32, #tpu.memory_space<vmem>>, vector<16xf32>,
    %swap3A_11 = vector.shape_cast %swap3A_10 : vector<16xf32> to vector<16xf32>
    %swap3A_12 = vector.shape_cast %broadcast_in_dim3A_8 : vector<16xf32> to vector<16xf32>
    tpu.vector_store %arg5[%swap3A_9], %swap3A_12 {strides = array<i32>} : memref<128xf32, #tpu.memory_space<vmem>>, vector<16xf32>,
    %broadcast_in_dim3A_13 = arith.constant 1.000000e+00 : f32
    %broadcast_in_dim3A_14 = vector.broadcast %broadcast_in_dim3A_13 : f32 to vector<16xf32>
    %swap3A_15 = arith.constant 32 : index
    %swap3A_16 = tpu.vector_load %arg5[%swap3A_15] {strides = array<i32>} : memref<128xf32, #tpu.memory_space<vmem>>, vector<16xf32>,
    %swap3A_17 = vector.shape_cast %swap3A_16 : vector<16xf32> to vector<16xf32>
    %swap3A_18 = vector.shape_cast %broadcast_in_dim3A_14 : vector<16xf32> to vector<16xf32>
    tpu.vector_store %arg5[%swap3A_15], %swap3A_18 {strides = array<i32>} : memref<128xf32, #tpu.memory_space<vmem>>, vector<16xf32>,
    %broadcast_in_dim3A_19 = arith.constant 1.000000e+00 : f32
    %broadcast_in_dim3A_20 = vector.broadcast %broadcast_in_dim3A_19 : f32 to vector<16xf32>
    %swap3A_21 = arith.constant 48 : index
    %swap3A_22 = tpu.vector_load %arg5[%swap3A_21] {strides = array<i32>} : memref<128xf32, #tpu.memory_space<vmem>>, vector<16xf32>,
    %swap3A_23 = vector.shape_cast %swap3A_22 : vector<16xf32> to vector<16xf32>
    %swap3A_24 = vector.shape_cast %broadcast_in_dim3A_20 : vector<16xf32> to vector<16xf32>
    tpu.vector_store %arg5[%swap3A_21], %swap3A_24 {strides = array<i32>} : memref<128xf32, #tpu.memory_space<vmem>>, vector<16xf32>,
    %broadcast_in_dim3A_25 = arith.constant 1.000000e+00 : f32
    %broadcast_in_dim3A_26 = vector.broadcast %broadcast_in_dim3A_25 : f32 to vector<16xf32>
    %swap3A_27 = arith.constant 64 : index
    %swap3A_28 = tpu.vector_load %arg5[%swap3A_27] {strides = array<i32>} : memref<128xf32, #tpu.memory_space<vmem>>, vector<16xf32>,
    %swap3A_29 = vector.shape_cast %swap3A_28 : vector<16xf32> to vector<16xf32>
    %swap3A_30 = vector.shape_cast %broadcast_in_dim3A_26 : vector<16xf32> to vector<16xf32>
    tpu.vector_store %arg5[%swap3A_27], %swap3A_30 {strides = array<i32>} : memref<128xf32, #tpu.memory_space<vmem>>, vector<16xf32>,
    %broadcast_in_dim3A_31 = arith.constant 1.000000e+00 : f32
    %broadcast_in_dim3A_32 = vector.broadcast %broadcast_in_dim3A_31 : f32 to vector<16xf32>
    %swap3A_33 = arith.constant 80 : index
    %swap3A_34 = tpu.vector_load %arg5[%swap3A_33] {strides = array<i32>} : memref<128xf32, #tpu.memory_space<vmem>>, vector<16xf32>,
    %swap3A_35 = vector.shape_cast %swap3A_34 : vector<16xf32> to vector<16xf32>
    %swap3A_36 = vector.shape_cast %broadcast_in_dim3A_32 : vector<16xf32> to vector<16xf32>
    tpu.vector_store %arg5[%swap3A_33], %swap3A_36 {strides = array<i32>} : memref<128xf32, #tpu.memory_space<vmem>>, vector<16xf32>,
    %broadcast_in_dim3A_37 = arith.constant 1.000000e+00 : f32
    %broadcast_in_dim3A_38 = vector.broadcast %broadcast_in_dim3A_37 : f32 to vector<16xf32>
    %swap3A_39 = arith.constant 96 : index
    %swap3A_40 = tpu.vector_load %arg5[%swap3A_39] {strides = array<i32>} : memref<128xf32, #tpu.memory_space<vmem>>, vector<16xf32>,
    %swap3A_41 = vector.shape_cast %swap3A_40 : vector<16xf32> to vector<16xf32>
    %swap3A_42 = vector.shape_cast %broadcast_in_dim3A_38 : vector<16xf32> to vector<16xf32>
    tpu.vector_store %arg5[%swap3A_39], %swap3A_42 {strides = array<i32>} : memref<128xf32, #tpu.memory_space<vmem>>, vector<16xf32>,
    %broadcast_in_dim3A_43 = arith.constant 1.000000e+00 : f32
    %broadcast_in_dim3A_44 = vector.broadcast %broadcast_in_dim3A_43 : f32 to vector<16xf32>
    %swap3A_45 = arith.constant 112 : index
    %swap3A_46 = tpu.vector_load %arg5[%swap3A_45] {strides = array<i32>} : memref<128xf32, #tpu.memory_space<vmem>>, vector<16xf32>,
    %swap3A_47 = vector.shape_cast %swap3A_46 : vector<16xf32> to vector<16xf32>
    %swap3A_48 = vector.shape_cast %broadcast_in_dim3A_44 : vector<16xf32> to vector<16xf32>
    tpu.vector_store %arg5[%swap3A_45], %swap3A_48 {strides = array<i32>} : memref<128xf32, #tpu.memory_space<vmem>>, vector<16xf32>,
    %broadcast_in_dim3A_49 = arith.constant 0.000000e+00 : f32
    %broadcast_in_dim3A_50 = vector.broadcast %broadcast_in_dim3A_49 : f32 to vector<16xf32>
    %swap3A_51 = arith.constant 0 : index
    %swap3A_52 = tpu.vector_load %arg6[%swap3A_51] {strides = array<i32>} : memref<640xf32, #tpu.memory_space<vmem>>, vector<16xf32>,
    %swap3A_53 = vector.shape_cast %swap3A_52 : vector<16xf32> to vector<16xf32>
    %swap3A_54 = vector.shape_cast %broadcast_in_dim3A_50 : vector<16xf32> to vector<16xf32>
    tpu.vector_store %arg6[%swap3A_51], %swap3A_54 {strides = array<i32>} : memref<640xf32, #tpu.memory_space<vmem>>, vector<16xf32>,
    %broadcast_in_dim3A_55 = arith.constant 0.000000e+00 : f32
    %broadcast_in_dim3A_56 = vector.broadcast %broadcast_in_dim3A_55 : f32 to vector<16xf32>
    %swap3A_57 = arith.constant 16 : index
    %swap3A_58 = tpu.vector_load %arg6[%swap3A_57] {strides = array<i32>} : memref<640xf32, #tpu.memory_space<vmem>>, vector<16xf32>,
    %swap3A_59 = vector.shape_cast %swap3A_58 : vector<16xf32> to vector<16xf32>
    %swap3A_60 = vector.shape_cast %broadcast_in_dim3A_56 : vector<16xf32> to vector<16xf32>
    tpu.vector_store %arg6[%swap3A_57], %swap3A_60 {strides = array<i32>} : memref<640xf32, #tpu.memory_space<vmem>>, vector<16xf32>,
    %broadcast_in_dim3A_61 = arith.constant 0.000000e+00 : f32
    %broadcast_in_dim3A_62 = vector.broadcast %broadcast_in_dim3A_61 : f32 to vector<16xf32>
    %swap3A_63 = arith.constant 32 : index
    %swap3A_64 = tpu.vector_load %arg6[%swap3A_63] {strides = array<i32>} : memref<640xf32, #tpu.memory_space<vmem>>, vector<16xf32>,
    %swap3A_65 = vector.shape_cast %swap3A_64 : vector<16xf32> to vector<16xf32>
    %swap3A_66 = vector.shape_cast %broadcast_in_dim3A_62 : vector<16xf32> to vector<16xf32>
    tpu.vector_store %arg6[%swap3A_63], %swap3A_66 {strides = array<i32>} : memref<640xf32, #tpu.memory_space<vmem>>, vector<16xf32>,
    %broadcast_in_dim3A_67 = arith.constant 0.000000e+00 : f32
    %broadcast_in_dim3A_68 = vector.broadcast %broadcast_in_dim3A_67 : f32 to vector<16xf32>
    %swap3A_69 = arith.constant 48 : index
    %swap3A_70 = tpu.vector_load %arg6[%swap3A_69] {strides = array<i32>} : memref<640xf32, #tpu.memory_space<vmem>>, vector<16xf32>,
    %swap3A_71 = vector.shape_cast %swap3A_70 : vector<16xf32> to vector<16xf32>
    %swap3A_72 = vector.shape_cast %broadcast_in_dim3A_68 : vector<16xf32> to vector<16xf32>
    tpu.vector_store %arg6[%swap3A_69], %swap3A_72 {strides = array<i32>} : memref<640xf32, #tpu.memory_space<vmem>>, vector<16xf32>,
    %broadcast_in_dim3A_73 = arith.constant 0.000000e+00 : f32
    %broadcast_in_dim3A_74 = vector.broadcast %broadcast_in_dim3A_73 : f32 to vector<16xf32>
    %swap3A_75 = arith.constant 64 : index
    %swap3A_76 = tpu.vector_load %arg6[%swap3A_75] {strides = array<i32>} : memref<640xf32, #tpu.memory_space<vmem>>, vector<16xf32>,
    %swap3A_77 = vector.shape_cast %swap3A_76 : vector<16xf32> to vector<16xf32>
    %swap3A_78 = vector.shape_cast %broadcast_in_dim3A_74 : vector<16xf32> to vector<16xf32>
    tpu.vector_store %arg6[%swap3A_75], %swap3A_78 {strides = array<i32>} : memref<640xf32, #tpu.memory_space<vmem>>, vector<16xf32>,
    %broadcast_in_dim3A_79 = arith.constant 0.000000e+00 : f32
    %broadcast_in_dim3A_80 = vector.broadcast %broadcast_in_dim3A_79 : f32 to vector<16xf32>
    %swap3A_81 = arith.constant 80 : index
    %swap3A_82 = tpu.vector_load %arg6[%swap3A_81] {strides = array<i32>} : memref<640xf32, #tpu.memory_space<vmem>>, vector<16xf32>,
    %swap3A_83 = vector.shape_cast %swap3A_82 : vector<16xf32> to vector<16xf32>
    %swap3A_84 = vector.shape_cast %broadcast_in_dim3A_80 : vector<16xf32> to vector<16xf32>
    tpu.vector_store %arg6[%swap3A_81], %swap3A_84 {strides = array<i32>} : memref<640xf32, #tpu.memory_space<vmem>>, vector<16xf32>,
    %broadcast_in_dim3A_85 = arith.constant 0.000000e+00 : f32
    %broadcast_in_dim3A_86 = vector.broadcast %broadcast_in_dim3A_85 : f32 to vector<16xf32>
    %swap3A_87 = arith.constant 96 : index
    %swap3A_88 = tpu.vector_load %arg6[%swap3A_87] {strides = array<i32>} : memref<640xf32, #tpu.memory_space<vmem>>, vector<16xf32>,
    %swap3A_89 = vector.shape_cast %swap3A_88 : vector<16xf32> to vector<16xf32>
    %swap3A_90 = vector.shape_cast %broadcast_in_dim3A_86 : vector<16xf32> to vector<16xf32>
    tpu.vector_store %arg6[%swap3A_87], %swap3A_90 {strides = array<i32>} : memref<640xf32, #tpu.memory_space<vmem>>, vector<16xf32>,
    %broadcast_in_dim3A_91 = arith.constant 0.000000e+00 : f32
    %broadcast_in_dim3A_92 = vector.broadcast %broadcast_in_dim3A_91 : f32 to vector<16xf32>
    %swap3A_93 = arith.constant 112 : index
    %swap3A_94 = tpu.vector_load %arg6[%swap3A_93] {strides = array<i32>} : memref<640xf32, #tpu.memory_space<vmem>>, vector<16xf32>,
    %swap3A_95 = vector.shape_cast %swap3A_94 : vector<16xf32> to vector<16xf32>
    %swap3A_96 = vector.shape_cast %broadcast_in_dim3A_92 : vector<16xf32> to vector<16xf32>
    tpu.vector_store %arg6[%swap3A_93], %swap3A_96 {strides = array<i32>} : memref<640xf32, #tpu.memory_space<vmem>>, vector<16xf32>,
    %broadcast_in_dim3A_97 = arith.constant 0.000000e+00 : f32
    %broadcast_in_dim3A_98 = vector.broadcast %broadcast_in_dim3A_97 : f32 to vector<16xf32>
    %swap3A_99 = arith.constant 128 : index
    %swap3A_100 = tpu.vector_load %arg6[%swap3A_99] {strides = array<i32>} : memref<640xf32, #tpu.memory_space<vmem>>, vector<16xf32>,
    %swap3A_101 = vector.shape_cast %swap3A_100 : vector<16xf32> to vector<16xf32>
    %swap3A_102 = vector.shape_cast %broadcast_in_dim3A_98 : vector<16xf32> to vector<16xf32>
    tpu.vector_store %arg6[%swap3A_99], %swap3A_102 {strides = array<i32>} : memref<640xf32, #tpu.memory_space<vmem>>, vector<16xf32>,
    %broadcast_in_dim3A_103 = arith.constant 0.000000e+00 : f32
    %broadcast_in_dim3A_104 = vector.broadcast %broadcast_in_dim3A_103 : f32 to vector<16xf32>
    %swap3A_105 = arith.constant 144 : index
    %swap3A_106 = tpu.vector_load %arg6[%swap3A_105] {strides = array<i32>} : memref<640xf32, #tpu.memory_space<vmem>>, vector<16xf32>,
    %swap3A_107 = vector.shape_cast %swap3A_106 : vector<16xf32> to vector<16xf32>
    %swap3A_108 = vector.shape_cast %broadcast_in_dim3A_104 : vector<16xf32> to vector<16xf32>
    tpu.vector_store %arg6[%swap3A_105], %swap3A_108 {strides = array<i32>} : memref<640xf32, #tpu.memory_space<vmem>>, vector<16xf32>,
    %broadcast_in_dim3A_109 = arith.constant 0.000000e+00 : f32
    %broadcast_in_dim3A_110 = vector.broadcast %broadcast_in_dim3A_109 : f32 to vector<16xf32>
    %swap3A_111 = arith.constant 160 : index
    %swap3A_112 = tpu.vector_load %arg6[%swap3A_111] {strides = array<i32>} : memref<640xf32, #tpu.memory_space<vmem>>, vector<16xf32>,
    %swap3A_113 = vector.shape_cast %swap3A_112 : vector<16xf32> to vector<16xf32>
    %swap3A_114 = vector.shape_cast %broadcast_in_dim3A_110 : vector<16xf32> to vector<16xf32>
    tpu.vector_store %arg6[%swap3A_111], %swap3A_114 {strides = array<i32>} : memref<640xf32, #tpu.memory_space<vmem>>, vector<16xf32>,
    %broadcast_in_dim3A_115 = arith.constant 0.000000e+00 : f32
    %broadcast_in_dim3A_116 = vector.broadcast %broadcast_in_dim3A_115 : f32 to vector<16xf32>
    %swap3A_117 = arith.constant 176 : index
    %swap3A_118 = tpu.vector_load %arg6[%swap3A_117] {strides = array<i32>} : memref<640xf32, #tpu.memory_space<vmem>>, vector<16xf32>,
    %swap3A_119 = vector.shape_cast %swap3A_118 : vector<16xf32> to vector<16xf32>
    %swap3A_120 = vector.shape_cast %broadcast_in_dim3A_116 : vector<16xf32> to vector<16xf32>
    tpu.vector_store %arg6[%swap3A_117], %swap3A_120 {strides = array<i32>} : memref<640xf32, #tpu.memory_space<vmem>>, vector<16xf32>,
    %broadcast_in_dim3A_121 = arith.constant 0.000000e+00 : f32
    %broadcast_in_dim3A_122 = vector.broadcast %broadcast_in_dim3A_121 : f32 to vector<16xf32>
    %swap3A_123 = arith.constant 192 : index
    %swap3A_124 = tpu.vector_load %arg6[%swap3A_123] {strides = array<i32>} : memref<640xf32, #tpu.memory_space<vmem>>, vector<16xf32>,
    %swap3A_125 = vector.shape_cast %swap3A_124 : vector<16xf32> to vector<16xf32>
    %swap3A_126 = vector.shape_cast %broadcast_in_dim3A_122 : vector<16xf32> to vector<16xf32>
    tpu.vector_store %arg6[%swap3A_123], %swap3A_126 {strides = array<i32>} : memref<640xf32, #tpu.memory_space<vmem>>, vector<16xf32>,
    %broadcast_in_dim3A_127 = arith.constant 0.000000e+00 : f32
    %broadcast_in_dim3A_128 = vector.broadcast %broadcast_in_dim3A_127 : f32 to vector<16xf32>
    %swap3A_129 = arith.constant 208 : index
    %swap3A_130 = tpu.vector_load %arg6[%swap3A_129] {strides = array<i32>} : memref<640xf32, #tpu.memory_space<vmem>>, vector<16xf32>,
    %swap3A_131 = vector.shape_cast %swap3A_130 : vector<16xf32> to vector<16xf32>
    %swap3A_132 = vector.shape_cast %broadcast_in_dim3A_128 : vector<16xf32> to vector<16xf32>
    tpu.vector_store %arg6[%swap3A_129], %swap3A_132 {strides = array<i32>} : memref<640xf32, #tpu.memory_space<vmem>>, vector<16xf32>,
    %broadcast_in_dim3A_133 = arith.constant 0.000000e+00 : f32
    %broadcast_in_dim3A_134 = vector.broadcast %broadcast_in_dim3A_133 : f32 to vector<16xf32>
    %swap3A_135 = arith.constant 224 : index
    %swap3A_136 = tpu.vector_load %arg6[%swap3A_135] {strides = array<i32>} : memref<640xf32, #tpu.memory_space<vmem>>, vector<16xf32>,
    %swap3A_137 = vector.shape_cast %swap3A_136 : vector<16xf32> to vector<16xf32>
    %swap3A_138 = vector.shape_cast %broadcast_in_dim3A_134 : vector<16xf32> to vector<16xf32>
    tpu.vector_store %arg6[%swap3A_135], %swap3A_138 {strides = array<i32>} : memref<640xf32, #tpu.memory_space<vmem>>, vector<16xf32>,
    %broadcast_in_dim3A_139 = arith.constant 0.000000e+00 : f32
    %broadcast_in_dim3A_140 = vector.broadcast %broadcast_in_dim3A_139 : f32 to vector<16xf32>
    %swap3A_141 = arith.constant 240 : index
    %swap3A_142 = tpu.vector_load %arg6[%swap3A_141] {strides = array<i32>} : memref<640xf32, #tpu.memory_space<vmem>>, vector<16xf32>,
    %swap3A_143 = vector.shape_cast %swap3A_142 : vector<16xf32> to vector<16xf32>
    %swap3A_144 = vector.shape_cast %broadcast_in_dim3A_140 : vector<16xf32> to vector<16xf32>
    tpu.vector_store %arg6[%swap3A_141], %swap3A_144 {strides = array<i32>} : memref<640xf32, #tpu.memory_space<vmem>>, vector<16xf32>,
    %broadcast_in_dim3A_145 = arith.constant 0.000000e+00 : f32
    %broadcast_in_dim3A_146 = vector.broadcast %broadcast_in_dim3A_145 : f32 to vector<16xf32>
    %swap3A_147 = arith.constant 256 : index
    %swap3A_148 = tpu.vector_load %arg6[%swap3A_147] {strides = array<i32>} : memref<640xf32, #tpu.memory_space<vmem>>, vector<16xf32>,
    %swap3A_149 = vector.shape_cast %swap3A_148 : vector<16xf32> to vector<16xf32>
    %swap3A_150 = vector.shape_cast %broadcast_in_dim3A_146 : vector<16xf32> to vector<16xf32>
    tpu.vector_store %arg6[%swap3A_147], %swap3A_150 {strides = array<i32>} : memref<640xf32, #tpu.memory_space<vmem>>, vector<16xf32>,
    %broadcast_in_dim3A_151 = arith.constant 0.000000e+00 : f32
    %broadcast_in_dim3A_152 = vector.broadcast %broadcast_in_dim3A_151 : f32 to vector<16xf32>
    %swap3A_153 = arith.constant 272 : index
    %swap3A_154 = tpu.vector_load %arg6[%swap3A_153] {strides = array<i32>} : memref<640xf32, #tpu.memory_space<vmem>>, vector<16xf32>,
    %swap3A_155 = vector.shape_cast %swap3A_154 : vector<16xf32> to vector<16xf32>
    %swap3A_156 = vector.shape_cast %broadcast_in_dim3A_152 : vector<16xf32> to vector<16xf32>
    tpu.vector_store %arg6[%swap3A_153], %swap3A_156 {strides = array<i32>} : memref<640xf32, #tpu.memory_space<vmem>>, vector<16xf32>,
    %broadcast_in_dim3A_157 = arith.constant 0.000000e+00 : f32
    %broadcast_in_dim3A_158 = vector.broadcast %broadcast_in_dim3A_157 : f32 to vector<16xf32>
    %swap3A_159 = arith.constant 288 : index
    %swap3A_160 = tpu.vector_load %arg6[%swap3A_159] {strides = array<i32>} : memref<640xf32, #tpu.memory_space<vmem>>, vector<16xf32>,
    %swap3A_161 = vector.shape_cast %swap3A_160 : vector<16xf32> to vector<16xf32>
    %swap3A_162 = vector.shape_cast %broadcast_in_dim3A_158 : vector<16xf32> to vector<16xf32>
    tpu.vector_store %arg6[%swap3A_159], %swap3A_162 {strides = array<i32>} : memref<640xf32, #tpu.memory_space<vmem>>, vector<16xf32>,
    %broadcast_in_dim3A_163 = arith.constant 0.000000e+00 : f32
    %broadcast_in_dim3A_164 = vector.broadcast %broadcast_in_dim3A_163 : f32 to vector<16xf32>
    %swap3A_165 = arith.constant 304 : index
    %swap3A_166 = tpu.vector_load %arg6[%swap3A_165] {strides = array<i32>} : memref<640xf32, #tpu.memory_space<vmem>>, vector<16xf32>,
    %swap3A_167 = vector.shape_cast %swap3A_166 : vector<16xf32> to vector<16xf32>
    %swap3A_168 = vector.shape_cast %broadcast_in_dim3A_164 : vector<16xf32> to vector<16xf32>
    tpu.vector_store %arg6[%swap3A_165], %swap3A_168 {strides = array<i32>} : memref<640xf32, #tpu.memory_space<vmem>>, vector<16xf32>,
    %broadcast_in_dim3A_169 = arith.constant 0.000000e+00 : f32
    %broadcast_in_dim3A_170 = vector.broadcast %broadcast_in_dim3A_169 : f32 to vector<16xf32>
    %swap3A_171 = arith.constant 320 : index
    %swap3A_172 = tpu.vector_load %arg6[%swap3A_171] {strides = array<i32>} : memref<640xf32, #tpu.memory_space<vmem>>, vector<16xf32>,
    %swap3A_173 = vector.shape_cast %swap3A_172 : vector<16xf32> to vector<16xf32>
    %swap3A_174 = vector.shape_cast %broadcast_in_dim3A_170 : vector<16xf32> to vector<16xf32>
    tpu.vector_store %arg6[%swap3A_171], %swap3A_174 {strides = array<i32>} : memref<640xf32, #tpu.memory_space<vmem>>, vector<16xf32>,
    %broadcast_in_dim3A_175 = arith.constant 0.000000e+00 : f32
    %broadcast_in_dim3A_176 = vector.broadcast %broadcast_in_dim3A_175 : f32 to vector<16xf32>
    %swap3A_177 = arith.constant 336 : index
    %swap3A_178 = tpu.vector_load %arg6[%swap3A_177] {strides = array<i32>} : memref<640xf32, #tpu.memory_space<vmem>>, vector<16xf32>,
    %swap3A_179 = vector.shape_cast %swap3A_178 : vector<16xf32> to vector<16xf32>
    %swap3A_180 = vector.shape_cast %broadcast_in_dim3A_176 : vector<16xf32> to vector<16xf32>
    tpu.vector_store %arg6[%swap3A_177], %swap3A_180 {strides = array<i32>} : memref<640xf32, #tpu.memory_space<vmem>>, vector<16xf32>,
    %broadcast_in_dim3A_181 = arith.constant 0.000000e+00 : f32
    %broadcast_in_dim3A_182 = vector.broadcast %broadcast_in_dim3A_181 : f32 to vector<16xf32>
    %swap3A_183 = arith.constant 352 : index
    %swap3A_184 = tpu.vector_load %arg6[%swap3A_183] {strides = array<i32>} : memref<640xf32, #tpu.memory_space<vmem>>, vector<16xf32>,
    %swap3A_185 = vector.shape_cast %swap3A_184 : vector<16xf32> to vector<16xf32>
    %swap3A_186 = vector.shape_cast %broadcast_in_dim3A_182 : vector<16xf32> to vector<16xf32>
    tpu.vector_store %arg6[%swap3A_183], %swap3A_186 {strides = array<i32>} : memref<640xf32, #tpu.memory_space<vmem>>, vector<16xf32>,
    %broadcast_in_dim3A_187 = arith.constant 0.000000e+00 : f32
    %broadcast_in_dim3A_188 = vector.broadcast %broadcast_in_dim3A_187 : f32 to vector<16xf32>
    %swap3A_189 = arith.constant 368 : index
    %swap3A_190 = tpu.vector_load %arg6[%swap3A_189] {strides = array<i32>} : memref<640xf32, #tpu.memory_space<vmem>>, vector<16xf32>,
    %swap3A_191 = vector.shape_cast %swap3A_190 : vector<16xf32> to vector<16xf32>
    %swap3A_192 = vector.shape_cast %broadcast_in_dim3A_188 : vector<16xf32> to vector<16xf32>
    tpu.vector_store %arg6[%swap3A_189], %swap3A_192 {strides = array<i32>} : memref<640xf32, #tpu.memory_space<vmem>>, vector<16xf32>,
    %broadcast_in_dim3A_193 = arith.constant 0.000000e+00 : f32
    %broadcast_in_dim3A_194 = vector.broadcast %broadcast_in_dim3A_193 : f32 to vector<16xf32>
    %swap3A_195 = arith.constant 384 : index
    %swap3A_196 = tpu.vector_load %arg6[%swap3A_195] {strides = array<i32>} : memref<640xf32, #tpu.memory_space<vmem>>, vector<16xf32>,
    %swap3A_197 = vector.shape_cast %swap3A_196 : vector<16xf32> to vector<16xf32>
    %swap3A_198 = vector.shape_cast %broadcast_in_dim3A_194 : vector<16xf32> to vector<16xf32>
    tpu.vector_store %arg6[%swap3A_195], %swap3A_198 {strides = array<i32>} : memref<640xf32, #tpu.memory_space<vmem>>, vector<16xf32>,
    %broadcast_in_dim3A_199 = arith.constant 0.000000e+00 : f32
    %broadcast_in_dim3A_200 = vector.broadcast %broadcast_in_dim3A_199 : f32 to vector<16xf32>
    %swap3A_201 = arith.constant 400 : index
    %swap3A_202 = tpu.vector_load %arg6[%swap3A_201] {strides = array<i32>} : memref<640xf32, #tpu.memory_space<vmem>>, vector<16xf32>,
    %swap3A_203 = vector.shape_cast %swap3A_202 : vector<16xf32> to vector<16xf32>
    %swap3A_204 = vector.shape_cast %broadcast_in_dim3A_200 : vector<16xf32> to vector<16xf32>
    tpu.vector_store %arg6[%swap3A_201], %swap3A_204 {strides = array<i32>} : memref<640xf32, #tpu.memory_space<vmem>>, vector<16xf32>,
    %broadcast_in_dim3A_205 = arith.constant 0.000000e+00 : f32
    %broadcast_in_dim3A_206 = vector.broadcast %broadcast_in_dim3A_205 : f32 to vector<16xf32>
    %swap3A_207 = arith.constant 416 : index
    %swap3A_208 = tpu.vector_load %arg6[%swap3A_207] {strides = array<i32>} : memref<640xf32, #tpu.memory_space<vmem>>, vector<16xf32>,
    %swap3A_209 = vector.shape_cast %swap3A_208 : vector<16xf32> to vector<16xf32>
    %swap3A_210 = vector.shape_cast %broadcast_in_dim3A_206 : vector<16xf32> to vector<16xf32>
    tpu.vector_store %arg6[%swap3A_207], %swap3A_210 {strides = array<i32>} : memref<640xf32, #tpu.memory_space<vmem>>, vector<16xf32>,
    %broadcast_in_dim3A_211 = arith.constant 0.000000e+00 : f32
    %broadcast_in_dim3A_212 = vector.broadcast %broadcast_in_dim3A_211 : f32 to vector<16xf32>
    %swap3A_213 = arith.constant 432 : index
    %swap3A_214 = tpu.vector_load %arg6[%swap3A_213] {strides = array<i32>} : memref<640xf32, #tpu.memory_space<vmem>>, vector<16xf32>,
    %swap3A_215 = vector.shape_cast %swap3A_214 : vector<16xf32> to vector<16xf32>
    %swap3A_216 = vector.shape_cast %broadcast_in_dim3A_212 : vector<16xf32> to vector<16xf32>
    tpu.vector_store %arg6[%swap3A_213], %swap3A_216 {strides = array<i32>} : memref<640xf32, #tpu.memory_space<vmem>>, vector<16xf32>,
    %broadcast_in_dim3A_217 = arith.constant 0.000000e+00 : f32
    %broadcast_in_dim3A_218 = vector.broadcast %broadcast_in_dim3A_217 : f32 to vector<16xf32>
    %swap3A_219 = arith.constant 448 : index
    %swap3A_220 = tpu.vector_load %arg6[%swap3A_219] {strides = array<i32>} : memref<640xf32, #tpu.memory_space<vmem>>, vector<16xf32>,
    %swap3A_221 = vector.shape_cast %swap3A_220 : vector<16xf32> to vector<16xf32>
    %swap3A_222 = vector.shape_cast %broadcast_in_dim3A_218 : vector<16xf32> to vector<16xf32>
    tpu.vector_store %arg6[%swap3A_219], %swap3A_222 {strides = array<i32>} : memref<640xf32, #tpu.memory_space<vmem>>, vector<16xf32>,
    %broadcast_in_dim3A_223 = arith.constant 0.000000e+00 : f32
    %broadcast_in_dim3A_224 = vector.broadcast %broadcast_in_dim3A_223 : f32 to vector<16xf32>
    %swap3A_225 = arith.constant 464 : index
    %swap3A_226 = tpu.vector_load %arg6[%swap3A_225] {strides = array<i32>} : memref<640xf32, #tpu.memory_space<vmem>>, vector<16xf32>,
    %swap3A_227 = vector.shape_cast %swap3A_226 : vector<16xf32> to vector<16xf32>
    %swap3A_228 = vector.shape_cast %broadcast_in_dim3A_224 : vector<16xf32> to vector<16xf32>
    tpu.vector_store %arg6[%swap3A_225], %swap3A_228 {strides = array<i32>} : memref<640xf32, #tpu.memory_space<vmem>>, vector<16xf32>,
    %broadcast_in_dim3A_229 = arith.constant 0.000000e+00 : f32
    %broadcast_in_dim3A_230 = vector.broadcast %broadcast_in_dim3A_229 : f32 to vector<16xf32>
    %swap3A_231 = arith.constant 480 : index
    %swap3A_232 = tpu.vector_load %arg6[%swap3A_231] {strides = array<i32>} : memref<640xf32, #tpu.memory_space<vmem>>, vector<16xf32>,
    %swap3A_233 = vector.shape_cast %swap3A_232 : vector<16xf32> to vector<16xf32>
    %swap3A_234 = vector.shape_cast %broadcast_in_dim3A_230 : vector<16xf32> to vector<16xf32>
    tpu.vector_store %arg6[%swap3A_231], %swap3A_234 {strides = array<i32>} : memref<640xf32, #tpu.memory_space<vmem>>, vector<16xf32>,
    %broadcast_in_dim3A_235 = arith.constant 0.000000e+00 : f32
    %broadcast_in_dim3A_236 = vector.broadcast %broadcast_in_dim3A_235 : f32 to vector<16xf32>
    %swap3A_237 = arith.constant 496 : index
    %swap3A_238 = tpu.vector_load %arg6[%swap3A_237] {strides = array<i32>} : memref<640xf32, #tpu.memory_space<vmem>>, vector<16xf32>,
    %swap3A_239 = vector.shape_cast %swap3A_238 : vector<16xf32> to vector<16xf32>
    %swap3A_240 = vector.shape_cast %broadcast_in_dim3A_236 : vector<16xf32> to vector<16xf32>
    tpu.vector_store %arg6[%swap3A_237], %swap3A_240 {strides = array<i32>} : memref<640xf32, #tpu.memory_space<vmem>>, vector<16xf32>,
    %broadcast_in_dim3A_241 = arith.constant 0.000000e+00 : f32
    %broadcast_in_dim3A_242 = vector.broadcast %broadcast_in_dim3A_241 : f32 to vector<16xf32>
    %swap3A_243 = arith.constant 512 : index
    %swap3A_244 = tpu.vector_load %arg6[%swap3A_243] {strides = array<i32>} : memref<640xf32, #tpu.memory_space<vmem>>, vector<16xf32>,
    %swap3A_245 = vector.shape_cast %swap3A_244 : vector<16xf32> to vector<16xf32>
    %swap3A_246 = vector.shape_cast %broadcast_in_dim3A_242 : vector<16xf32> to vector<16xf32>
    tpu.vector_store %arg6[%swap3A_243], %swap3A_246 {strides = array<i32>} : memref<640xf32, #tpu.memory_space<vmem>>, vector<16xf32>,
    %broadcast_in_dim3A_247 = arith.constant 0.000000e+00 : f32
    %broadcast_in_dim3A_248 = vector.broadcast %broadcast_in_dim3A_247 : f32 to vector<16xf32>
    %swap3A_249 = arith.constant 528 : index
    %swap3A_250 = tpu.vector_load %arg6[%swap3A_249] {strides = array<i32>} : memref<640xf32, #tpu.memory_space<vmem>>, vector<16xf32>,
    %swap3A_251 = vector.shape_cast %swap3A_250 : vector<16xf32> to vector<16xf32>
    %swap3A_252 = vector.shape_cast %broadcast_in_dim3A_248 : vector<16xf32> to vector<16xf32>
    tpu.vector_store %arg6[%swap3A_249], %swap3A_252 {strides = array<i32>} : memref<640xf32, #tpu.memory_space<vmem>>, vector<16xf32>,
    %broadcast_in_dim3A_253 = arith.constant 0.000000e+00 : f32
    %broadcast_in_dim3A_254 = vector.broadcast %broadcast_in_dim3A_253 : f32 to vector<16xf32>
    %swap3A_255 = arith.constant 544 : index
    %swap3A_256 = tpu.vector_load %arg6[%swap3A_255] {strides = array<i32>} : memref<640xf32, #tpu.memory_space<vmem>>, vector<16xf32>,
    %swap3A_257 = vector.shape_cast %swap3A_256 : vector<16xf32> to vector<16xf32>
    %swap3A_258 = vector.shape_cast %broadcast_in_dim3A_254 : vector<16xf32> to vector<16xf32>
    tpu.vector_store %arg6[%swap3A_255], %swap3A_258 {strides = array<i32>} : memref<640xf32, #tpu.memory_space<vmem>>, vector<16xf32>,
    %broadcast_in_dim3A_259 = arith.constant 0.000000e+00 : f32
    %broadcast_in_dim3A_260 = vector.broadcast %broadcast_in_dim3A_259 : f32 to vector<16xf32>
    %swap3A_261 = arith.constant 560 : index
    %swap3A_262 = tpu.vector_load %arg6[%swap3A_261] {strides = array<i32>} : memref<640xf32, #tpu.memory_space<vmem>>, vector<16xf32>,
    %swap3A_263 = vector.shape_cast %swap3A_262 : vector<16xf32> to vector<16xf32>
    %swap3A_264 = vector.shape_cast %broadcast_in_dim3A_260 : vector<16xf32> to vector<16xf32>
    tpu.vector_store %arg6[%swap3A_261], %swap3A_264 {strides = array<i32>} : memref<640xf32, #tpu.memory_space<vmem>>, vector<16xf32>,
    %broadcast_in_dim3A_265 = arith.constant 0.000000e+00 : f32
    %broadcast_in_dim3A_266 = vector.broadcast %broadcast_in_dim3A_265 : f32 to vector<16xf32>
    %swap3A_267 = arith.constant 576 : index
    %swap3A_268 = tpu.vector_load %arg6[%swap3A_267] {strides = array<i32>} : memref<640xf32, #tpu.memory_space<vmem>>, vector<16xf32>,
    %swap3A_269 = vector.shape_cast %swap3A_268 : vector<16xf32> to vector<16xf32>
    %swap3A_270 = vector.shape_cast %broadcast_in_dim3A_266 : vector<16xf32> to vector<16xf32>
    tpu.vector_store %arg6[%swap3A_267], %swap3A_270 {strides = array<i32>} : memref<640xf32, #tpu.memory_space<vmem>>, vector<16xf32>,
    %broadcast_in_dim3A_271 = arith.constant 0.000000e+00 : f32
    %broadcast_in_dim3A_272 = vector.broadcast %broadcast_in_dim3A_271 : f32 to vector<16xf32>
    %swap3A_273 = arith.constant 592 : index
    %swap3A_274 = tpu.vector_load %arg6[%swap3A_273] {strides = array<i32>} : memref<640xf32, #tpu.memory_space<vmem>>, vector<16xf32>,
    %swap3A_275 = vector.shape_cast %swap3A_274 : vector<16xf32> to vector<16xf32>
    %swap3A_276 = vector.shape_cast %broadcast_in_dim3A_272 : vector<16xf32> to vector<16xf32>
    tpu.vector_store %arg6[%swap3A_273], %swap3A_276 {strides = array<i32>} : memref<640xf32, #tpu.memory_space<vmem>>, vector<16xf32>,
    %broadcast_in_dim3A_277 = arith.constant 0.000000e+00 : f32
    %broadcast_in_dim3A_278 = vector.broadcast %broadcast_in_dim3A_277 : f32 to vector<16xf32>
    %swap3A_279 = arith.constant 608 : index
    %swap3A_280 = tpu.vector_load %arg6[%swap3A_279] {strides = array<i32>} : memref<640xf32, #tpu.memory_space<vmem>>, vector<16xf32>,
    %swap3A_281 = vector.shape_cast %swap3A_280 : vector<16xf32> to vector<16xf32>
    %swap3A_282 = vector.shape_cast %broadcast_in_dim3A_278 : vector<16xf32> to vector<16xf32>
    tpu.vector_store %arg6[%swap3A_279], %swap3A_282 {strides = array<i32>} : memref<640xf32, #tpu.memory_space<vmem>>, vector<16xf32>,
    %broadcast_in_dim3A_283 = arith.constant 0.000000e+00 : f32
    %broadcast_in_dim3A_284 = vector.broadcast %broadcast_in_dim3A_283 : f32 to vector<16xf32>
    %swap3A_285 = arith.constant 624 : index
    %swap3A_286 = tpu.vector_load %arg6[%swap3A_285] {strides = array<i32>} : memref<640xf32, #tpu.memory_space<vmem>>, vector<16xf32>,
    %swap3A_287 = vector.shape_cast %swap3A_286 : vector<16xf32> to vector<16xf32>
    %swap3A_288 = vector.shape_cast %broadcast_in_dim3A_284 : vector<16xf32> to vector<16xf32>
    tpu.vector_store %arg6[%swap3A_285], %swap3A_288 {strides = array<i32>} : memref<640xf32, #tpu.memory_space<vmem>>, vector<16xf32>,
    "tpu.region"() ({
      %run_scoped3A = tpu.sem_alloc : memref<!tpu.dma_semaphore, #tpu.memory_space<semaphore_mem>>
      %dma_start3A = tpu.memref_slice %arg7[%mul3A_2] : memref<10240xf32, #tpu.memory_space<vmem_shared>> -> memref<640xf32, #tpu.memory_space<vmem_shared>>
      %dma_start3A_295 = tpu.memref_slice %arg7[%mul3A_2] : memref<10240xf32, #tpu.memory_space<vmem_shared>> -> memref<640xf32, #tpu.memory_space<vmem_shared>>
      tpu.enqueue_dma source(%arg6 : memref<640xf32, #tpu.memory_space<vmem>>) target(%dma_start3A_295 : memref<640xf32, #tpu.memory_space<vmem_shared>>) target_semaphore(%run_scoped3A : memref<!tpu.dma_semaphore, #tpu.memory_space<semaphore_mem>>)
      %dma_wait3A = tpu.memref_slice %arg7[%mul3A_2] : memref<10240xf32, #tpu.memory_space<vmem_shared>> -> memref<640xf32, #tpu.memory_space<vmem_shared>>
      %dma_wait3A_296 = tpu.memref_slice %arg7[%mul3A_2] : memref<10240xf32, #tpu.memory_space<vmem_shared>> -> memref<640xf32, #tpu.memory_space<vmem_shared>>
      tpu.wait_dma2 semaphore(%run_scoped3A : memref<!tpu.dma_semaphore, #tpu.memory_space<semaphore_mem>>) src(%arg6 : memref<640xf32, #tpu.memory_space<vmem>>) dst(%dma_wait3A_296 : memref<640xf32, #tpu.memory_space<vmem_shared>>)
      tpu.yield
    }) : () -> ()
    %barrier3A = arith.constant 0 : index
    tpu.barrier barrier_id(%barrier3A)
    %scan3A = arith.constant 0 : i32
    %scan3A_289 = arith.constant 0 : i32
    %scan3A_290 = arith.constant 80 : i32
    %scan3A_291 = arith.addi %scan3A_289, %scan3A_290 : i32
    %scan3A_292 = arith.constant 1 : i32
    scf.for %scan3A_295 = %scan3A_289 to %scan3A_291 step %scan3A_292  : i32 {
      "tpu.region"() ({
        %run_scoped3A = tpu.sem_alloc : memref<!tpu.dma_semaphore, #tpu.memory_space<semaphore_mem>>
        %dma_start3A = arith.constant 0 : i32
        %dma_start3A_296 = tpu.memref_slice %arg4[%scan3A_295, %dma_start3A] : memref<80x128xi32, #tpu.memory_space<vmem>> -> memref<1x128xi32, #tpu.memory_space<vmem>>
        %dma_start3A_297 = tpu.memref_squeeze %dma_start3A_296 : memref<1x128xi32, #tpu.memory_space<vmem>> -> memref<128xi32, #tpu.memory_space<vmem>>
        %dma_start3A_298 = arith.constant 0 : i32
        %dma_start3A_299 = tpu.memref_slice %arg7[%dma_start3A_298] : memref<10240xf32, #tpu.memory_space<vmem_shared>> -> memref<10240xf32, #tpu.memory_space<vmem_shared>>
        tpu.enqueue_indirect_dma source(%arg5 : memref<128xf32, #tpu.memory_space<vmem>>) target(%dma_start3A_299 : memref<10240xf32, #tpu.memory_space<vmem_shared>>) offsets(%dma_start3A_297 : memref<128xi32, #tpu.memory_space<vmem>>) semaphore(%run_scoped3A : memref<!tpu.dma_semaphore, #tpu.memory_space<semaphore_mem>>) {add = true}
        %dma_wait3A = arith.constant 0 : i32
        %dma_wait3A_300 = tpu.memref_slice %arg4[%scan3A_295, %dma_wait3A] : memref<80x128xi32, #tpu.memory_space<vmem>> -> memref<1x128xi32, #tpu.memory_space<vmem>>
        %dma_wait3A_301 = tpu.memref_squeeze %dma_wait3A_300 : memref<1x128xi32, #tpu.memory_space<vmem>> -> memref<128xi32, #tpu.memory_space<vmem>>
        %dma_wait3A_302 = arith.constant 0 : i32
        %dma_wait3A_303 = tpu.memref_slice %arg7[%dma_wait3A_302] : memref<10240xf32, #tpu.memory_space<vmem_shared>> -> memref<10240xf32, #tpu.memory_space<vmem_shared>>
        tpu.wait_indirect_dma semaphore(%run_scoped3A : memref<!tpu.dma_semaphore, #tpu.memory_space<semaphore_mem>>) src(%arg5 : memref<128xf32, #tpu.memory_space<vmem>>) dst(%dma_wait3A_303 : memref<10240xf32, #tpu.memory_space<vmem_shared>>)
        tpu.yield
      }) : () -> ()
    }
    %scan3A_293 = arith.constant 80 : i32
    %barrier3A_294 = arith.constant 0 : index
    tpu.barrier barrier_id(%barrier3A_294)
    "tpu.region"() ({
      %run_scoped3A = tpu.sem_alloc : memref<!tpu.dma_semaphore, #tpu.memory_space<semaphore_mem>>
      %dma_start3A = tpu.memref_slice %arg7[%mul3A_2] : memref<10240xf32, #tpu.memory_space<vmem_shared>> -> memref<640xf32, #tpu.memory_space<vmem_shared>>
      %dma_start3A_295 = tpu.memref_slice %arg7[%mul3A_2] : memref<10240xf32, #tpu.memory_space<vmem_shared>> -> memref<640xf32, #tpu.memory_space<vmem_shared>>
      tpu.enqueue_dma source(%dma_start3A_295 : memref<640xf32, #tpu.memory_space<vmem_shared>>) target(%arg6 : memref<640xf32, #tpu.memory_space<vmem>>) target_semaphore(%run_scoped3A : memref<!tpu.dma_semaphore, #tpu.memory_space<semaphore_mem>>)
      %dma_wait3A = tpu.memref_slice %arg7[%mul3A_2] : memref<10240xf32, #tpu.memory_space<vmem_shared>> -> memref<640xf32, #tpu.memory_space<vmem_shared>>
      %dma_wait3A_296 = tpu.memref_slice %arg7[%mul3A_2] : memref<10240xf32, #tpu.memory_space<vmem_shared>> -> memref<640xf32, #tpu.memory_space<vmem_shared>>
      tpu.wait_dma2 semaphore(%run_scoped3A : memref<!tpu.dma_semaphore, #tpu.memory_space<semaphore_mem>>) src(%dma_wait3A_296 : memref<640xf32, #tpu.memory_space<vmem_shared>>) dst(%arg6 : memref<640xf32, #tpu.memory_space<vmem>>)
      tpu.yield
    }) : () -> ()
    "tpu.region"() ({
      %run_scoped3A = tpu.sem_alloc : memref<!tpu.dma_semaphore, #tpu.memory_space<semaphore_mem>>
      %dma_start3A = arith.constant 0 : i32
      %dma_start3A_295 = tpu.memref_slice %arg3[%arg0, %dma_start3A] : memref<2x10240xf32, #tpu.memory_space<hbm>> -> memref<1x10240xf32, #tpu.memory_space<hbm>>
      %dma_start3A_296 = tpu.memref_squeeze %dma_start3A_295 : memref<1x10240xf32, #tpu.memory_space<hbm>> -> memref<10240xf32, #tpu.memory_space<hbm>>
      %dma_start3A_297 = tpu.memref_slice %dma_start3A_296[%mul3A_2] : memref<10240xf32, #tpu.memory_space<hbm>> -> memref<640xf32, #tpu.memory_space<hbm>>
      %dma_start3A_298 = arith.constant 0 : i32
      %dma_start3A_299 = tpu.memref_slice %arg3[%arg0, %dma_start3A_298] : memref<2x10240xf32, #tpu.memory_space<hbm>> -> memref<1x10240xf32, #tpu.memory_space<hbm>>
      %dma_start3A_300 = tpu.memref_squeeze %dma_start3A_299 : memref<1x10240xf32, #tpu.memory_space<hbm>> -> memref<10240xf32, #tpu.memory_space<hbm>>
      %dma_start3A_301 = tpu.memref_slice %dma_start3A_300[%mul3A_2] : memref<10240xf32, #tpu.memory_space<hbm>> -> memref<640xf32, #tpu.memory_space<hbm>>
      tpu.enqueue_dma source(%arg6 : memref<640xf32, #tpu.memory_space<vmem>>) target(%dma_start3A_301 : memref<640xf32, #tpu.memory_space<hbm>>) target_semaphore(%run_scoped3A : memref<!tpu.dma_semaphore, #tpu.memory_space<semaphore_mem>>)
      %dma_wait3A = arith.constant 0 : i32
      %dma_wait3A_302 = tpu.memref_slice %arg3[%arg0, %dma_wait3A] : memref<2x10240xf32, #tpu.memory_space<hbm>> -> memref<1x10240xf32, #tpu.memory_space<hbm>>
      %dma_wait3A_303 = tpu.memref_squeeze %dma_wait3A_302 : memref<1x10240xf32, #tpu.memory_space<hbm>> -> memref<10240xf32, #tpu.memory_space<hbm>>
      %dma_wait3A_304 = tpu.memref_slice %dma_wait3A_303[%mul3A_2] : memref<10240xf32, #tpu.memory_space<hbm>> -> memref<640xf32, #tpu.memory_space<hbm>>
      %dma_wait3A_305 = arith.constant 0 : i32
      %dma_wait3A_306 = tpu.memref_slice %arg3[%arg0, %dma_wait3A_305] : memref<2x10240xf32, #tpu.memory_space<hbm>> -> memref<1x10240xf32, #tpu.memory_space<hbm>>
      %dma_wait3A_307 = tpu.memref_squeeze %dma_wait3A_306 : memref<1x10240xf32, #tpu.memory_space<hbm>> -> memref<10240xf32, #tpu.memory_space<hbm>>
      %dma_wait3A_308 = tpu.memref_slice %dma_wait3A_307[%mul3A_2] : memref<10240xf32, #tpu.memory_space<hbm>> -> memref<640xf32, #tpu.memory_space<hbm>>
      tpu.wait_dma2 semaphore(%run_scoped3A : memref<!tpu.dma_semaphore, #tpu.memory_space<semaphore_mem>>) src(%arg6 : memref<640xf32, #tpu.memory_space<vmem>>) dst(%dma_wait3A_308 : memref<640xf32, #tpu.memory_space<hbm>>)
      tpu.yield
    }) : () -> ()
    return
  }
}

#map = affine_map<(d0, d1) -> (0, 0)>
#map1 = affine_map<(d0, d1) -> (0, 0, 0, 0, 0)>
#map2 = affine_map<(d0, d1) -> (0, 0, 0)>
module attributes {stable_mosaic.version = 14 : i64} {
  func.func @body(%arg0: i32, %arg1: i32, %arg2: memref<10240x128xf32, #tpu.memory_space<hbm>>, %arg3: memref<32x20x4x2x128xi32, #tpu.memory_space<hbm>>, %arg4: memref<2x10240x128xf32, #tpu.memory_space<hbm>>, %arg5: memref<4x2x128xi32, #tpu.memory_space<vmem>>, %arg6: memref<4x2x128xi32, #tpu.memory_space<vmem>>, %arg7: memref<128x128xf32, #tpu.memory_space<vmem>>, %arg8: memref<128x128xf32, #tpu.memory_space<vmem>>, %arg9: memref<10240x128xf32, #tpu.memory_space<vmem_shared>>, %arg10: memref<!tpu.dma_semaphore, #tpu.memory_space<semaphore_mem>>, %arg11: memref<!tpu.dma_semaphore, #tpu.memory_space<semaphore_mem>>, %arg12: memref<!tpu.dma_semaphore, #tpu.memory_space<semaphore_mem>>, %arg13: memref<!tpu.dma_semaphore, #tpu.memory_space<semaphore_mem>>, %arg14: memref<!tpu.dma_semaphore, #tpu.memory_space<semaphore_mem>>, %arg15: memref<!tpu.dma_semaphore, #tpu.memory_space<semaphore_mem>>) attributes {dimension_semantics = [#tpu.dimension_semantics<core_parallel>, #tpu.dimension_semantics<subcore_parallel>], iteration_bounds = array<i64: 2, 16>, scalar_prefetch = 0 : i64, scratch_operands = 11 : i64, tpu.core_type = #tpu.core_type<sc_vector_subcore>, window_params = [{transform_indices = #map}, {transform_indices = #map1}, {transform_indices = #map2}]} {
    %mul3A = arith.constant 16 : i32
    %mul3A_0 = arith.muli %arg0, %mul3A : i32
    %add3A = arith.addi %mul3A_0, %arg1 : i32
    %mul3A_1 = arith.constant 640 : i32
    %mul3A_2 = arith.muli %arg1, %mul3A_1 : i32
    %dma_start3A = arith.constant 0 : i32
    %dma_start3A_3 = arith.constant 0 : i32
    %dma_start3A_4 = arith.constant 0 : i32
    %dma_start3A_5 = arith.constant 0 : i32
    %dma_start3A_6 = arith.constant 0 : i32
    %dma_start3A_7 = tpu.memref_slice %arg3[%add3A, %dma_start3A_3, %dma_start3A_4, %dma_start3A_5, %dma_start3A_6] : memref<32x20x4x2x128xi32, #tpu.memory_space<hbm>> -> memref<1x20x4x2x128xi32, #tpu.memory_space<hbm>>
    %dma_start3A_8 = tpu.memref_squeeze %dma_start3A_7 : memref<1x20x4x2x128xi32, #tpu.memory_space<hbm>> -> memref<20x4x2x128xi32, #tpu.memory_space<hbm>>
    %dma_start3A_9 = arith.constant 0 : i32
    %dma_start3A_10 = arith.constant 0 : i32
    %dma_start3A_11 = arith.constant 0 : i32
    %dma_start3A_12 = tpu.memref_slice %dma_start3A_8[%dma_start3A, %dma_start3A_9, %dma_start3A_10, %dma_start3A_11] : memref<20x4x2x128xi32, #tpu.memory_space<hbm>> -> memref<1x4x2x128xi32, #tpu.memory_space<hbm>>
    %dma_start3A_13 = tpu.memref_squeeze %dma_start3A_12 : memref<1x4x2x128xi32, #tpu.memory_space<hbm>> -> memref<4x2x128xi32, #tpu.memory_space<hbm>>
    %dma_start3A_14 = arith.constant 0 : i32
    %dma_start3A_15 = arith.constant 0 : i32
    %dma_start3A_16 = arith.constant 0 : i32
    %dma_start3A_17 = arith.constant 0 : i32
    %dma_start3A_18 = tpu.memref_slice %arg3[%add3A, %dma_start3A_14, %dma_start3A_15, %dma_start3A_16, %dma_start3A_17] : memref<32x20x4x2x128xi32, #tpu.memory_space<hbm>> -> memref<1x20x4x2x128xi32, #tpu.memory_space<hbm>>
    %dma_start3A_19 = tpu.memref_squeeze %dma_start3A_18 : memref<1x20x4x2x128xi32, #tpu.memory_space<hbm>> -> memref<20x4x2x128xi32, #tpu.memory_space<hbm>>
    %dma_start3A_20 = arith.constant 0 : i32
    %dma_start3A_21 = arith.constant 0 : i32
    %dma_start3A_22 = arith.constant 0 : i32
    %dma_start3A_23 = tpu.memref_slice %dma_start3A_19[%dma_start3A, %dma_start3A_20, %dma_start3A_21, %dma_start3A_22] : memref<20x4x2x128xi32, #tpu.memory_space<hbm>> -> memref<1x4x2x128xi32, #tpu.memory_space<hbm>>
    %dma_start3A_24 = tpu.memref_squeeze %dma_start3A_23 : memref<1x4x2x128xi32, #tpu.memory_space<hbm>> -> memref<4x2x128xi32, #tpu.memory_space<hbm>>
    tpu.enqueue_dma source(%dma_start3A_24 : memref<4x2x128xi32, #tpu.memory_space<hbm>>) target(%arg5 : memref<4x2x128xi32, #tpu.memory_space<vmem>>) target_semaphore(%arg10 : memref<!tpu.dma_semaphore, #tpu.memory_space<semaphore_mem>>)
    %scan3A = arith.constant 0 : i32
    %scan3A_25 = arith.constant 0 : i32
    %scan3A_26 = arith.constant 128 : i32
    %scan3A_27 = arith.addi %scan3A_25, %scan3A_26 : i32
    %scan3A_28 = arith.constant 1 : i32
    scf.for %scan3A_103 = %scan3A_25 to %scan3A_27 step %scan3A_28  : i32 {
      %broadcast_in_dim3A = arith.constant 0.000000e+00 : f32
      %broadcast_in_dim3A_104 = vector.broadcast %broadcast_in_dim3A : f32 to vector<16xf32>
      %swap3A = arith.index_cast %scan3A_103 : i32 to index
      %swap3A_105 = arith.constant 0 : index
      %swap3A_106 = tpu.vector_load %arg7[%swap3A, %swap3A_105] {strides = array<i32>} : memref<128x128xf32, #tpu.memory_space<vmem>>, vector<1x16xf32>,
      %swap3A_107 = vector.shape_cast %swap3A_106 : vector<1x16xf32> to vector<16xf32>
      %swap3A_108 = vector.shape_cast %broadcast_in_dim3A_104 : vector<16xf32> to vector<1x16xf32>
      tpu.vector_store %arg7[%swap3A, %swap3A_105], %swap3A_108 {strides = array<i32>} : memref<128x128xf32, #tpu.memory_space<vmem>>, vector<1x16xf32>,
      %broadcast_in_dim3A_109 = arith.constant 0.000000e+00 : f32
      %broadcast_in_dim3A_110 = vector.broadcast %broadcast_in_dim3A_109 : f32 to vector<16xf32>
      %swap3A_111 = arith.index_cast %scan3A_103 : i32 to index
      %swap3A_112 = arith.constant 16 : index
      %swap3A_113 = tpu.vector_load %arg7[%swap3A_111, %swap3A_112] {strides = array<i32>} : memref<128x128xf32, #tpu.memory_space<vmem>>, vector<1x16xf32>,
      %swap3A_114 = vector.shape_cast %swap3A_113 : vector<1x16xf32> to vector<16xf32>
      %swap3A_115 = vector.shape_cast %broadcast_in_dim3A_110 : vector<16xf32> to vector<1x16xf32>
      tpu.vector_store %arg7[%swap3A_111, %swap3A_112], %swap3A_115 {strides = array<i32>} : memref<128x128xf32, #tpu.memory_space<vmem>>, vector<1x16xf32>,
      %broadcast_in_dim3A_116 = arith.constant 0.000000e+00 : f32
      %broadcast_in_dim3A_117 = vector.broadcast %broadcast_in_dim3A_116 : f32 to vector<16xf32>
      %swap3A_118 = arith.index_cast %scan3A_103 : i32 to index
      %swap3A_119 = arith.constant 32 : index
      %swap3A_120 = tpu.vector_load %arg7[%swap3A_118, %swap3A_119] {strides = array<i32>} : memref<128x128xf32, #tpu.memory_space<vmem>>, vector<1x16xf32>,
      %swap3A_121 = vector.shape_cast %swap3A_120 : vector<1x16xf32> to vector<16xf32>
      %swap3A_122 = vector.shape_cast %broadcast_in_dim3A_117 : vector<16xf32> to vector<1x16xf32>
      tpu.vector_store %arg7[%swap3A_118, %swap3A_119], %swap3A_122 {strides = array<i32>} : memref<128x128xf32, #tpu.memory_space<vmem>>, vector<1x16xf32>,
      %broadcast_in_dim3A_123 = arith.constant 0.000000e+00 : f32
      %broadcast_in_dim3A_124 = vector.broadcast %broadcast_in_dim3A_123 : f32 to vector<16xf32>
      %swap3A_125 = arith.index_cast %scan3A_103 : i32 to index
      %swap3A_126 = arith.constant 48 : index
      %swap3A_127 = tpu.vector_load %arg7[%swap3A_125, %swap3A_126] {strides = array<i32>} : memref<128x128xf32, #tpu.memory_space<vmem>>, vector<1x16xf32>,
      %swap3A_128 = vector.shape_cast %swap3A_127 : vector<1x16xf32> to vector<16xf32>
      %swap3A_129 = vector.shape_cast %broadcast_in_dim3A_124 : vector<16xf32> to vector<1x16xf32>
      tpu.vector_store %arg7[%swap3A_125, %swap3A_126], %swap3A_129 {strides = array<i32>} : memref<128x128xf32, #tpu.memory_space<vmem>>, vector<1x16xf32>,
      %broadcast_in_dim3A_130 = arith.constant 0.000000e+00 : f32
      %broadcast_in_dim3A_131 = vector.broadcast %broadcast_in_dim3A_130 : f32 to vector<16xf32>
      %swap3A_132 = arith.index_cast %scan3A_103 : i32 to index
      %swap3A_133 = arith.constant 64 : index
      %swap3A_134 = tpu.vector_load %arg7[%swap3A_132, %swap3A_133] {strides = array<i32>} : memref<128x128xf32, #tpu.memory_space<vmem>>, vector<1x16xf32>,
      %swap3A_135 = vector.shape_cast %swap3A_134 : vector<1x16xf32> to vector<16xf32>
      %swap3A_136 = vector.shape_cast %broadcast_in_dim3A_131 : vector<16xf32> to vector<1x16xf32>
      tpu.vector_store %arg7[%swap3A_132, %swap3A_133], %swap3A_136 {strides = array<i32>} : memref<128x128xf32, #tpu.memory_space<vmem>>, vector<1x16xf32>,
      %broadcast_in_dim3A_137 = arith.constant 0.000000e+00 : f32
      %broadcast_in_dim3A_138 = vector.broadcast %broadcast_in_dim3A_137 : f32 to vector<16xf32>
      %swap3A_139 = arith.index_cast %scan3A_103 : i32 to index
      %swap3A_140 = arith.constant 80 : index
      %swap3A_141 = tpu.vector_load %arg7[%swap3A_139, %swap3A_140] {strides = array<i32>} : memref<128x128xf32, #tpu.memory_space<vmem>>, vector<1x16xf32>,
      %swap3A_142 = vector.shape_cast %swap3A_141 : vector<1x16xf32> to vector<16xf32>
      %swap3A_143 = vector.shape_cast %broadcast_in_dim3A_138 : vector<16xf32> to vector<1x16xf32>
      tpu.vector_store %arg7[%swap3A_139, %swap3A_140], %swap3A_143 {strides = array<i32>} : memref<128x128xf32, #tpu.memory_space<vmem>>, vector<1x16xf32>,
      %broadcast_in_dim3A_144 = arith.constant 0.000000e+00 : f32
      %broadcast_in_dim3A_145 = vector.broadcast %broadcast_in_dim3A_144 : f32 to vector<16xf32>
      %swap3A_146 = arith.index_cast %scan3A_103 : i32 to index
      %swap3A_147 = arith.constant 96 : index
      %swap3A_148 = tpu.vector_load %arg7[%swap3A_146, %swap3A_147] {strides = array<i32>} : memref<128x128xf32, #tpu.memory_space<vmem>>, vector<1x16xf32>,
      %swap3A_149 = vector.shape_cast %swap3A_148 : vector<1x16xf32> to vector<16xf32>
      %swap3A_150 = vector.shape_cast %broadcast_in_dim3A_145 : vector<16xf32> to vector<1x16xf32>
      tpu.vector_store %arg7[%swap3A_146, %swap3A_147], %swap3A_150 {strides = array<i32>} : memref<128x128xf32, #tpu.memory_space<vmem>>, vector<1x16xf32>,
      %broadcast_in_dim3A_151 = arith.constant 0.000000e+00 : f32
      %broadcast_in_dim3A_152 = vector.broadcast %broadcast_in_dim3A_151 : f32 to vector<16xf32>
      %swap3A_153 = arith.index_cast %scan3A_103 : i32 to index
      %swap3A_154 = arith.constant 112 : index
      %swap3A_155 = tpu.vector_load %arg7[%swap3A_153, %swap3A_154] {strides = array<i32>} : memref<128x128xf32, #tpu.memory_space<vmem>>, vector<1x16xf32>,
      %swap3A_156 = vector.shape_cast %swap3A_155 : vector<1x16xf32> to vector<16xf32>
      %swap3A_157 = vector.shape_cast %broadcast_in_dim3A_152 : vector<16xf32> to vector<1x16xf32>
      tpu.vector_store %arg7[%swap3A_153, %swap3A_154], %swap3A_157 {strides = array<i32>} : memref<128x128xf32, #tpu.memory_space<vmem>>, vector<1x16xf32>,
    }
    %scan3A_29 = arith.constant 128 : i32
    %add3A_30 = arith.constant 0 : i32
    %add3A_31 = arith.addi %mul3A_2, %add3A_30 : i32
    "tpu.region"() ({
      %run_scoped3A = tpu.sem_alloc : memref<!tpu.dma_semaphore, #tpu.memory_space<semaphore_mem>>
      %dma_start3A_103 = arith.constant 0 : i32
      %dma_start3A_104 = tpu.memref_slice %arg9[%add3A_31, %dma_start3A_103] : memref<10240x128xf32, #tpu.memory_space<vmem_shared>> -> memref<128x128xf32, #tpu.memory_space<vmem_shared>>
      %dma_start3A_105 = arith.constant 0 : i32
      %dma_start3A_106 = tpu.memref_slice %arg9[%add3A_31, %dma_start3A_105] : memref<10240x128xf32, #tpu.memory_space<vmem_shared>> -> memref<128x128xf32, #tpu.memory_space<vmem_shared>>
      tpu.enqueue_dma source(%arg7 : memref<128x128xf32, #tpu.memory_space<vmem>>) target(%dma_start3A_106 : memref<128x128xf32, #tpu.memory_space<vmem_shared>>) target_semaphore(%run_scoped3A : memref<!tpu.dma_semaphore, #tpu.memory_space<semaphore_mem>>)
      %dma_wait3A_107 = arith.constant 0 : i32
      %dma_wait3A_108 = tpu.memref_slice %arg9[%add3A_31, %dma_wait3A_107] : memref<10240x128xf32, #tpu.memory_space<vmem_shared>> -> memref<128x128xf32, #tpu.memory_space<vmem_shared>>
      %dma_wait3A_109 = arith.constant 0 : i32
      %dma_wait3A_110 = tpu.memref_slice %arg9[%add3A_31, %dma_wait3A_109] : memref<10240x128xf32, #tpu.memory_space<vmem_shared>> -> memref<128x128xf32, #tpu.memory_space<vmem_shared>>
      tpu.wait_dma2 semaphore(%run_scoped3A : memref<!tpu.dma_semaphore, #tpu.memory_space<semaphore_mem>>) src(%arg7 : memref<128x128xf32, #tpu.memory_space<vmem>>) dst(%dma_wait3A_110 : memref<128x128xf32, #tpu.memory_space<vmem_shared>>)
      tpu.yield
    }) : () -> ()
    %add3A_32 = arith.constant 128 : i32
    %add3A_33 = arith.addi %mul3A_2, %add3A_32 : i32
    "tpu.region"() ({
      %run_scoped3A = tpu.sem_alloc : memref<!tpu.dma_semaphore, #tpu.memory_space<semaphore_mem>>
      %dma_start3A_103 = arith.constant 0 : i32
      %dma_start3A_104 = tpu.memref_slice %arg9[%add3A_33, %dma_start3A_103] : memref<10240x128xf32, #tpu.memory_space<vmem_shared>> -> memref<128x128xf32, #tpu.memory_space<vmem_shared>>
      %dma_start3A_105 = arith.constant 0 : i32
      %dma_start3A_106 = tpu.memref_slice %arg9[%add3A_33, %dma_start3A_105] : memref<10240x128xf32, #tpu.memory_space<vmem_shared>> -> memref<128x128xf32, #tpu.memory_space<vmem_shared>>
      tpu.enqueue_dma source(%arg7 : memref<128x128xf32, #tpu.memory_space<vmem>>) target(%dma_start3A_106 : memref<128x128xf32, #tpu.memory_space<vmem_shared>>) target_semaphore(%run_scoped3A : memref<!tpu.dma_semaphore, #tpu.memory_space<semaphore_mem>>)
      %dma_wait3A_107 = arith.constant 0 : i32
      %dma_wait3A_108 = tpu.memref_slice %arg9[%add3A_33, %dma_wait3A_107] : memref<10240x128xf32, #tpu.memory_space<vmem_shared>> -> memref<128x128xf32, #tpu.memory_space<vmem_shared>>
      %dma_wait3A_109 = arith.constant 0 : i32
      %dma_wait3A_110 = tpu.memref_slice %arg9[%add3A_33, %dma_wait3A_109] : memref<10240x128xf32, #tpu.memory_space<vmem_shared>> -> memref<128x128xf32, #tpu.memory_space<vmem_shared>>
      tpu.wait_dma2 semaphore(%run_scoped3A : memref<!tpu.dma_semaphore, #tpu.memory_space<semaphore_mem>>) src(%arg7 : memref<128x128xf32, #tpu.memory_space<vmem>>) dst(%dma_wait3A_110 : memref<128x128xf32, #tpu.memory_space<vmem_shared>>)
      tpu.yield
    }) : () -> ()
    %add3A_34 = arith.constant 256 : i32
    %add3A_35 = arith.addi %mul3A_2, %add3A_34 : i32
    "tpu.region"() ({
      %run_scoped3A = tpu.sem_alloc : memref<!tpu.dma_semaphore, #tpu.memory_space<semaphore_mem>>
      %dma_start3A_103 = arith.constant 0 : i32
      %dma_start3A_104 = tpu.memref_slice %arg9[%add3A_35, %dma_start3A_103] : memref<10240x128xf32, #tpu.memory_space<vmem_shared>> -> memref<128x128xf32, #tpu.memory_space<vmem_shared>>
      %dma_start3A_105 = arith.constant 0 : i32
      %dma_start3A_106 = tpu.memref_slice %arg9[%add3A_35, %dma_start3A_105] : memref<10240x128xf32, #tpu.memory_space<vmem_shared>> -> memref<128x128xf32, #tpu.memory_space<vmem_shared>>
      tpu.enqueue_dma source(%arg7 : memref<128x128xf32, #tpu.memory_space<vmem>>) target(%dma_start3A_106 : memref<128x128xf32, #tpu.memory_space<vmem_shared>>) target_semaphore(%run_scoped3A : memref<!tpu.dma_semaphore, #tpu.memory_space<semaphore_mem>>)
      %dma_wait3A_107 = arith.constant 0 : i32
      %dma_wait3A_108 = tpu.memref_slice %arg9[%add3A_35, %dma_wait3A_107] : memref<10240x128xf32, #tpu.memory_space<vmem_shared>> -> memref<128x128xf32, #tpu.memory_space<vmem_shared>>
      %dma_wait3A_109 = arith.constant 0 : i32
      %dma_wait3A_110 = tpu.memref_slice %arg9[%add3A_35, %dma_wait3A_109] : memref<10240x128xf32, #tpu.memory_space<vmem_shared>> -> memref<128x128xf32, #tpu.memory_space<vmem_shared>>
      tpu.wait_dma2 semaphore(%run_scoped3A : memref<!tpu.dma_semaphore, #tpu.memory_space<semaphore_mem>>) src(%arg7 : memref<128x128xf32, #tpu.memory_space<vmem>>) dst(%dma_wait3A_110 : memref<128x128xf32, #tpu.memory_space<vmem_shared>>)
      tpu.yield
    }) : () -> ()
    %add3A_36 = arith.constant 384 : i32
    %add3A_37 = arith.addi %mul3A_2, %add3A_36 : i32
    "tpu.region"() ({
      %run_scoped3A = tpu.sem_alloc : memref<!tpu.dma_semaphore, #tpu.memory_space<semaphore_mem>>
      %dma_start3A_103 = arith.constant 0 : i32
      %dma_start3A_104 = tpu.memref_slice %arg9[%add3A_37, %dma_start3A_103] : memref<10240x128xf32, #tpu.memory_space<vmem_shared>> -> memref<128x128xf32, #tpu.memory_space<vmem_shared>>
      %dma_start3A_105 = arith.constant 0 : i32
      %dma_start3A_106 = tpu.memref_slice %arg9[%add3A_37, %dma_start3A_105] : memref<10240x128xf32, #tpu.memory_space<vmem_shared>> -> memref<128x128xf32, #tpu.memory_space<vmem_shared>>
      tpu.enqueue_dma source(%arg7 : memref<128x128xf32, #tpu.memory_space<vmem>>) target(%dma_start3A_106 : memref<128x128xf32, #tpu.memory_space<vmem_shared>>) target_semaphore(%run_scoped3A : memref<!tpu.dma_semaphore, #tpu.memory_space<semaphore_mem>>)
      %dma_wait3A_107 = arith.constant 0 : i32
      %dma_wait3A_108 = tpu.memref_slice %arg9[%add3A_37, %dma_wait3A_107] : memref<10240x128xf32, #tpu.memory_space<vmem_shared>> -> memref<128x128xf32, #tpu.memory_space<vmem_shared>>
      %dma_wait3A_109 = arith.constant 0 : i32
      %dma_wait3A_110 = tpu.memref_slice %arg9[%add3A_37, %dma_wait3A_109] : memref<10240x128xf32, #tpu.memory_space<vmem_shared>> -> memref<128x128xf32, #tpu.memory_space<vmem_shared>>
      tpu.wait_dma2 semaphore(%run_scoped3A : memref<!tpu.dma_semaphore, #tpu.memory_space<semaphore_mem>>) src(%arg7 : memref<128x128xf32, #tpu.memory_space<vmem>>) dst(%dma_wait3A_110 : memref<128x128xf32, #tpu.memory_space<vmem_shared>>)
      tpu.yield
    }) : () -> ()
    %add3A_38 = arith.constant 512 : i32
    %add3A_39 = arith.addi %mul3A_2, %add3A_38 : i32
    "tpu.region"() ({
      %run_scoped3A = tpu.sem_alloc : memref<!tpu.dma_semaphore, #tpu.memory_space<semaphore_mem>>
      %dma_start3A_103 = arith.constant 0 : i32
      %dma_start3A_104 = tpu.memref_slice %arg9[%add3A_39, %dma_start3A_103] : memref<10240x128xf32, #tpu.memory_space<vmem_shared>> -> memref<128x128xf32, #tpu.memory_space<vmem_shared>>
      %dma_start3A_105 = arith.constant 0 : i32
      %dma_start3A_106 = tpu.memref_slice %arg9[%add3A_39, %dma_start3A_105] : memref<10240x128xf32, #tpu.memory_space<vmem_shared>> -> memref<128x128xf32, #tpu.memory_space<vmem_shared>>
      tpu.enqueue_dma source(%arg7 : memref<128x128xf32, #tpu.memory_space<vmem>>) target(%dma_start3A_106 : memref<128x128xf32, #tpu.memory_space<vmem_shared>>) target_semaphore(%run_scoped3A : memref<!tpu.dma_semaphore, #tpu.memory_space<semaphore_mem>>)
      %dma_wait3A_107 = arith.constant 0 : i32
      %dma_wait3A_108 = tpu.memref_slice %arg9[%add3A_39, %dma_wait3A_107] : memref<10240x128xf32, #tpu.memory_space<vmem_shared>> -> memref<128x128xf32, #tpu.memory_space<vmem_shared>>
      %dma_wait3A_109 = arith.constant 0 : i32
      %dma_wait3A_110 = tpu.memref_slice %arg9[%add3A_39, %dma_wait3A_109] : memref<10240x128xf32, #tpu.memory_space<vmem_shared>> -> memref<128x128xf32, #tpu.memory_space<vmem_shared>>
      tpu.wait_dma2 semaphore(%run_scoped3A : memref<!tpu.dma_semaphore, #tpu.memory_space<semaphore_mem>>) src(%arg7 : memref<128x128xf32, #tpu.memory_space<vmem>>) dst(%dma_wait3A_110 : memref<128x128xf32, #tpu.memory_space<vmem_shared>>)
      tpu.yield
    }) : () -> ()
    %barrier3A = arith.constant 0 : index
    tpu.barrier barrier_id(%barrier3A)
    %dma_wait3A = arith.constant 0 : i32
    %dma_wait3A_40 = arith.constant 0 : i32
    %dma_wait3A_41 = arith.constant 0 : i32
    %dma_wait3A_42 = arith.constant 0 : i32
    %dma_wait3A_43 = arith.constant 0 : i32
    %dma_wait3A_44 = tpu.memref_slice %arg3[%add3A, %dma_wait3A_40, %dma_wait3A_41, %dma_wait3A_42, %dma_wait3A_43] : memref<32x20x4x2x128xi32, #tpu.memory_space<hbm>> -> memref<1x20x4x2x128xi32, #tpu.memory_space<hbm>>
    %dma_wait3A_45 = tpu.memref_squeeze %dma_wait3A_44 : memref<1x20x4x2x128xi32, #tpu.memory_space<hbm>> -> memref<20x4x2x128xi32, #tpu.memory_space<hbm>>
    %dma_wait3A_46 = arith.constant 0 : i32
    %dma_wait3A_47 = arith.constant 0 : i32
    %dma_wait3A_48 = arith.constant 0 : i32
    %dma_wait3A_49 = tpu.memref_slice %dma_wait3A_45[%dma_wait3A, %dma_wait3A_46, %dma_wait3A_47, %dma_wait3A_48] : memref<20x4x2x128xi32, #tpu.memory_space<hbm>> -> memref<1x4x2x128xi32, #tpu.memory_space<hbm>>
    %dma_wait3A_50 = tpu.memref_squeeze %dma_wait3A_49 : memref<1x4x2x128xi32, #tpu.memory_space<hbm>> -> memref<4x2x128xi32, #tpu.memory_space<hbm>>
    %dma_wait3A_51 = arith.constant 0 : i32
    %dma_wait3A_52 = arith.constant 0 : i32
    %dma_wait3A_53 = arith.constant 0 : i32
    %dma_wait3A_54 = arith.constant 0 : i32
    %dma_wait3A_55 = tpu.memref_slice %arg3[%add3A, %dma_wait3A_51, %dma_wait3A_52, %dma_wait3A_53, %dma_wait3A_54] : memref<32x20x4x2x128xi32, #tpu.memory_space<hbm>> -> memref<1x20x4x2x128xi32, #tpu.memory_space<hbm>>
    %dma_wait3A_56 = tpu.memref_squeeze %dma_wait3A_55 : memref<1x20x4x2x128xi32, #tpu.memory_space<hbm>> -> memref<20x4x2x128xi32, #tpu.memory_space<hbm>>
    %dma_wait3A_57 = arith.constant 0 : i32
    %dma_wait3A_58 = arith.constant 0 : i32
    %dma_wait3A_59 = arith.constant 0 : i32
    %dma_wait3A_60 = tpu.memref_slice %dma_wait3A_56[%dma_wait3A, %dma_wait3A_57, %dma_wait3A_58, %dma_wait3A_59] : memref<20x4x2x128xi32, #tpu.memory_space<hbm>> -> memref<1x4x2x128xi32, #tpu.memory_space<hbm>>
    %dma_wait3A_61 = tpu.memref_squeeze %dma_wait3A_60 : memref<1x4x2x128xi32, #tpu.memory_space<hbm>> -> memref<4x2x128xi32, #tpu.memory_space<hbm>>
    tpu.wait_dma2 semaphore(%arg10 : memref<!tpu.dma_semaphore, #tpu.memory_space<semaphore_mem>>) src(%dma_wait3A_61 : memref<4x2x128xi32, #tpu.memory_space<hbm>>) dst(%arg5 : memref<4x2x128xi32, #tpu.memory_space<vmem>>)
    %dma_start3A_62 = arith.constant 0 : i32
    %dma_start3A_63 = arith.constant 0 : i32
    %dma_start3A_64 = arith.constant 0 : i32
    %dma_start3A_65 = arith.constant 0 : i32
    %dma_start3A_66 = tpu.memref_slice %arg5[%dma_start3A_62, %dma_start3A_64, %dma_start3A_65] : memref<4x2x128xi32, #tpu.memory_space<vmem>> -> memref<1x2x128xi32, #tpu.memory_space<vmem>>
    %dma_start3A_67 = tpu.memref_squeeze %dma_start3A_66 : memref<1x2x128xi32, #tpu.memory_space<vmem>> -> memref<2x128xi32, #tpu.memory_space<vmem>>
    %dma_start3A_68 = arith.constant 0 : i32
    %dma_start3A_69 = tpu.memref_slice %dma_start3A_67[%dma_start3A_63, %dma_start3A_68] : memref<2x128xi32, #tpu.memory_space<vmem>> -> memref<1x128xi32, #tpu.memory_space<vmem>>
    %dma_start3A_70 = tpu.memref_squeeze %dma_start3A_69 : memref<1x128xi32, #tpu.memory_space<vmem>> -> memref<128xi32, #tpu.memory_space<vmem>>
    %dma_start3A_71 = arith.constant 0 : i32
    %dma_start3A_72 = arith.constant 0 : i32
    %dma_start3A_73 = tpu.memref_slice %arg2[%dma_start3A_71, %dma_start3A_72] : memref<10240x128xf32, #tpu.memory_space<hbm>> -> memref<10240x128xf32, #tpu.memory_space<hbm>>
    tpu.enqueue_indirect_dma source(%dma_start3A_73 : memref<10240x128xf32, #tpu.memory_space<hbm>>) target(%arg7 : memref<128x128xf32, #tpu.memory_space<vmem>>) offsets(%dma_start3A_70 : memref<128xi32, #tpu.memory_space<vmem>>) semaphore(%arg12 : memref<!tpu.dma_semaphore, #tpu.memory_space<semaphore_mem>>)
    %scan3A_74 = arith.constant 0 : i32
    %scan3A_75 = arith.constant 0 : i32
    %scan3A_76 = arith.constant 10 : i32
    %scan3A_77 = arith.addi %scan3A_75, %scan3A_76 : i32
    %scan3A_78 = arith.constant 1 : i32
    scf.for %scan3A_103 = %scan3A_75 to %scan3A_77 step %scan3A_78  : i32 {
      %lt3A = arith.constant 9 : i32
      %lt3A_104 = arith.cmpi slt, %scan3A_103, %lt3A : i32
      %mul3A_105 = arith.constant 2 : i32
      %mul3A_106 = arith.muli %mul3A_105, %scan3A_103 : i32
      %add3A_107 = arith.constant 1 : i32
      %add3A_108 = arith.addi %mul3A_106, %add3A_107 : i32
      %mul3A_109 = arith.constant 2 : i32
      %mul3A_110 = arith.muli %mul3A_109, %scan3A_103 : i32
      %add3A_111 = arith.constant 1 : i32
      %add3A_112 = arith.addi %mul3A_110, %add3A_111 : i32
      %gt3A = arith.constant 0 : i32
      %gt3A_113 = arith.cmpi sgt, %scan3A_103, %gt3A : i32
      %dma_wait3A_114 = arith.constant 0 : i32
      %dma_wait3A_115 = arith.constant 0 : i32
      %dma_wait3A_116 = arith.constant 0 : i32
      %dma_wait3A_117 = arith.constant 0 : i32
      %dma_wait3A_118 = tpu.memref_slice %arg5[%dma_wait3A_114, %dma_wait3A_116, %dma_wait3A_117] : memref<4x2x128xi32, #tpu.memory_space<vmem>> -> memref<1x2x128xi32, #tpu.memory_space<vmem>>
      %dma_wait3A_119 = tpu.memref_squeeze %dma_wait3A_118 : memref<1x2x128xi32, #tpu.memory_space<vmem>> -> memref<2x128xi32, #tpu.memory_space<vmem>>
      %dma_wait3A_120 = arith.constant 0 : i32
      %dma_wait3A_121 = tpu.memref_slice %dma_wait3A_119[%dma_wait3A_115, %dma_wait3A_120] : memref<2x128xi32, #tpu.memory_space<vmem>> -> memref<1x128xi32, #tpu.memory_space<vmem>>
      %dma_wait3A_122 = tpu.memref_squeeze %dma_wait3A_121 : memref<1x128xi32, #tpu.memory_space<vmem>> -> memref<128xi32, #tpu.memory_space<vmem>>
      %dma_wait3A_123 = arith.constant 0 : i32
      %dma_wait3A_124 = arith.constant 0 : i32
      %dma_wait3A_125 = tpu.memref_slice %arg2[%dma_wait3A_123, %dma_wait3A_124] : memref<10240x128xf32, #tpu.memory_space<hbm>> -> memref<10240x128xf32, #tpu.memory_space<hbm>>
      tpu.wait_indirect_dma semaphore(%arg12 : memref<!tpu.dma_semaphore, #tpu.memory_space<semaphore_mem>>) src(%dma_wait3A_125 : memref<10240x128xf32, #tpu.memory_space<hbm>>) dst(%arg7 : memref<128x128xf32, #tpu.memory_space<vmem>>)
      %dma_start3A_126 = arith.constant 0 : i32
      %dma_start3A_127 = arith.constant 1 : i32
      %dma_start3A_128 = arith.constant 0 : i32
      %dma_start3A_129 = arith.constant 0 : i32
      %dma_start3A_130 = tpu.memref_slice %arg5[%dma_start3A_126, %dma_start3A_128, %dma_start3A_129] : memref<4x2x128xi32, #tpu.memory_space<vmem>> -> memref<1x2x128xi32, #tpu.memory_space<vmem>>
      %dma_start3A_131 = tpu.memref_squeeze %dma_start3A_130 : memref<1x2x128xi32, #tpu.memory_space<vmem>> -> memref<2x128xi32, #tpu.memory_space<vmem>>
      %dma_start3A_132 = arith.constant 0 : i32
      %dma_start3A_133 = tpu.memref_slice %dma_start3A_131[%dma_start3A_127, %dma_start3A_132] : memref<2x128xi32, #tpu.memory_space<vmem>> -> memref<1x128xi32, #tpu.memory_space<vmem>>
      %dma_start3A_134 = tpu.memref_squeeze %dma_start3A_133 : memref<1x128xi32, #tpu.memory_space<vmem>> -> memref<128xi32, #tpu.memory_space<vmem>>
      %dma_start3A_135 = arith.constant 0 : i32
      %dma_start3A_136 = arith.constant 0 : i32
      %dma_start3A_137 = tpu.memref_slice %arg9[%dma_start3A_135, %dma_start3A_136] : memref<10240x128xf32, #tpu.memory_space<vmem_shared>> -> memref<10240x128xf32, #tpu.memory_space<vmem_shared>>
      tpu.enqueue_indirect_dma source(%arg7 : memref<128x128xf32, #tpu.memory_space<vmem>>) target(%dma_start3A_137 : memref<10240x128xf32, #tpu.memory_space<vmem_shared>>) offsets(%dma_start3A_134 : memref<128xi32, #tpu.memory_space<vmem>>) semaphore(%arg14 : memref<!tpu.dma_semaphore, #tpu.memory_space<semaphore_mem>>) {add = true}
      %convert_element_type3A = arith.extui %gt3A_113 : i1 to i32
      %cond3A = arith.constant 0 : i32
      %cond3A_138 = arith.cmpi ne, %convert_element_type3A, %cond3A : i32
      scf.if %cond3A_138 {
        %dma_wait3A_533 = arith.constant 0 : i32
        %dma_wait3A_534 = arith.constant 1 : i32
        %dma_wait3A_535 = arith.constant 0 : i32
        %dma_wait3A_536 = arith.constant 0 : i32
        %dma_wait3A_537 = tpu.memref_slice %arg5[%dma_wait3A_533, %dma_wait3A_535, %dma_wait3A_536] : memref<4x2x128xi32, #tpu.memory_space<vmem>> -> memref<1x2x128xi32, #tpu.memory_space<vmem>>
        %dma_wait3A_538 = tpu.memref_squeeze %dma_wait3A_537 : memref<1x2x128xi32, #tpu.memory_space<vmem>> -> memref<2x128xi32, #tpu.memory_space<vmem>>
        %dma_wait3A_539 = arith.constant 0 : i32
        %dma_wait3A_540 = tpu.memref_slice %dma_wait3A_538[%dma_wait3A_534, %dma_wait3A_539] : memref<2x128xi32, #tpu.memory_space<vmem>> -> memref<1x128xi32, #tpu.memory_space<vmem>>
        %dma_wait3A_541 = tpu.memref_squeeze %dma_wait3A_540 : memref<1x128xi32, #tpu.memory_space<vmem>> -> memref<128xi32, #tpu.memory_space<vmem>>
        %dma_wait3A_542 = arith.constant 0 : i32
        %dma_wait3A_543 = arith.constant 0 : i32
        %dma_wait3A_544 = tpu.memref_slice %arg9[%dma_wait3A_542, %dma_wait3A_543] : memref<10240x128xf32, #tpu.memory_space<vmem_shared>> -> memref<10240x128xf32, #tpu.memory_space<vmem_shared>>
        tpu.wait_indirect_dma semaphore(%arg15 : memref<!tpu.dma_semaphore, #tpu.memory_space<semaphore_mem>>) src(%arg8 : memref<128x128xf32, #tpu.memory_space<vmem>>) dst(%dma_wait3A_544 : memref<10240x128xf32, #tpu.memory_space<vmem_shared>>)
      } else {
      }
      %dma_start3A_139 = arith.constant 0 : i32
      %dma_start3A_140 = arith.constant 0 : i32
      %dma_start3A_141 = arith.constant 0 : i32
      %dma_start3A_142 = arith.constant 0 : i32
      %dma_start3A_143 = tpu.memref_slice %arg3[%add3A, %dma_start3A_139, %dma_start3A_140, %dma_start3A_141, %dma_start3A_142] : memref<32x20x4x2x128xi32, #tpu.memory_space<hbm>> -> memref<1x20x4x2x128xi32, #tpu.memory_space<hbm>>
      %dma_start3A_144 = tpu.memref_squeeze %dma_start3A_143 : memref<1x20x4x2x128xi32, #tpu.memory_space<hbm>> -> memref<20x4x2x128xi32, #tpu.memory_space<hbm>>
      %dma_start3A_145 = arith.constant 0 : i32
      %dma_start3A_146 = arith.constant 0 : i32
      %dma_start3A_147 = arith.constant 0 : i32
      %dma_start3A_148 = tpu.memref_slice %dma_start3A_144[%add3A_112, %dma_start3A_145, %dma_start3A_146, %dma_start3A_147] : memref<20x4x2x128xi32, #tpu.memory_space<hbm>> -> memref<1x4x2x128xi32, #tpu.memory_space<hbm>>
      %dma_start3A_149 = tpu.memref_squeeze %dma_start3A_148 : memref<1x4x2x128xi32, #tpu.memory_space<hbm>> -> memref<4x2x128xi32, #tpu.memory_space<hbm>>
      %dma_start3A_150 = arith.constant 0 : i32
      %dma_start3A_151 = arith.constant 0 : i32
      %dma_start3A_152 = arith.constant 0 : i32
      %dma_start3A_153 = arith.constant 0 : i32
      %dma_start3A_154 = tpu.memref_slice %arg3[%add3A, %dma_start3A_150, %dma_start3A_151, %dma_start3A_152, %dma_start3A_153] : memref<32x20x4x2x128xi32, #tpu.memory_space<hbm>> -> memref<1x20x4x2x128xi32, #tpu.memory_space<hbm>>
      %dma_start3A_155 = tpu.memref_squeeze %dma_start3A_154 : memref<1x20x4x2x128xi32, #tpu.memory_space<hbm>> -> memref<20x4x2x128xi32, #tpu.memory_space<hbm>>
      %dma_start3A_156 = arith.constant 0 : i32
      %dma_start3A_157 = arith.constant 0 : i32
      %dma_start3A_158 = arith.constant 0 : i32
      %dma_start3A_159 = tpu.memref_slice %dma_start3A_155[%add3A_112, %dma_start3A_156, %dma_start3A_157, %dma_start3A_158] : memref<20x4x2x128xi32, #tpu.memory_space<hbm>> -> memref<1x4x2x128xi32, #tpu.memory_space<hbm>>
      %dma_start3A_160 = tpu.memref_squeeze %dma_start3A_159 : memref<1x4x2x128xi32, #tpu.memory_space<hbm>> -> memref<4x2x128xi32, #tpu.memory_space<hbm>>
      tpu.enqueue_dma source(%dma_start3A_160 : memref<4x2x128xi32, #tpu.memory_space<hbm>>) target(%arg6 : memref<4x2x128xi32, #tpu.memory_space<vmem>>) target_semaphore(%arg11 : memref<!tpu.dma_semaphore, #tpu.memory_space<semaphore_mem>>)
      %dma_start3A_161 = arith.constant 1 : i32
      %dma_start3A_162 = arith.constant 0 : i32
      %dma_start3A_163 = arith.constant 0 : i32
      %dma_start3A_164 = arith.constant 0 : i32
      %dma_start3A_165 = tpu.memref_slice %arg5[%dma_start3A_161, %dma_start3A_163, %dma_start3A_164] : memref<4x2x128xi32, #tpu.memory_space<vmem>> -> memref<1x2x128xi32, #tpu.memory_space<vmem>>
      %dma_start3A_166 = tpu.memref_squeeze %dma_start3A_165 : memref<1x2x128xi32, #tpu.memory_space<vmem>> -> memref<2x128xi32, #tpu.memory_space<vmem>>
      %dma_start3A_167 = arith.constant 0 : i32
      %dma_start3A_168 = tpu.memref_slice %dma_start3A_166[%dma_start3A_162, %dma_start3A_167] : memref<2x128xi32, #tpu.memory_space<vmem>> -> memref<1x128xi32, #tpu.memory_space<vmem>>
      %dma_start3A_169 = tpu.memref_squeeze %dma_start3A_168 : memref<1x128xi32, #tpu.memory_space<vmem>> -> memref<128xi32, #tpu.memory_space<vmem>>
      %dma_start3A_170 = arith.constant 0 : i32
      %dma_start3A_171 = arith.constant 0 : i32
      %dma_start3A_172 = tpu.memref_slice %arg2[%dma_start3A_170, %dma_start3A_171] : memref<10240x128xf32, #tpu.memory_space<hbm>> -> memref<10240x128xf32, #tpu.memory_space<hbm>>
      tpu.enqueue_indirect_dma source(%dma_start3A_172 : memref<10240x128xf32, #tpu.memory_space<hbm>>) target(%arg8 : memref<128x128xf32, #tpu.memory_space<vmem>>) offsets(%dma_start3A_169 : memref<128xi32, #tpu.memory_space<vmem>>) semaphore(%arg13 : memref<!tpu.dma_semaphore, #tpu.memory_space<semaphore_mem>>)
      %dma_wait3A_173 = arith.constant 1 : i32
      %dma_wait3A_174 = arith.constant 0 : i32
      %dma_wait3A_175 = arith.constant 0 : i32
      %dma_wait3A_176 = arith.constant 0 : i32
      %dma_wait3A_177 = tpu.memref_slice %arg5[%dma_wait3A_173, %dma_wait3A_175, %dma_wait3A_176] : memref<4x2x128xi32, #tpu.memory_space<vmem>> -> memref<1x2x128xi32, #tpu.memory_space<vmem>>
      %dma_wait3A_178 = tpu.memref_squeeze %dma_wait3A_177 : memref<1x2x128xi32, #tpu.memory_space<vmem>> -> memref<2x128xi32, #tpu.memory_space<vmem>>
      %dma_wait3A_179 = arith.constant 0 : i32
      %dma_wait3A_180 = tpu.memref_slice %dma_wait3A_178[%dma_wait3A_174, %dma_wait3A_179] : memref<2x128xi32, #tpu.memory_space<vmem>> -> memref<1x128xi32, #tpu.memory_space<vmem>>
      %dma_wait3A_181 = tpu.memref_squeeze %dma_wait3A_180 : memref<1x128xi32, #tpu.memory_space<vmem>> -> memref<128xi32, #tpu.memory_space<vmem>>
      %dma_wait3A_182 = arith.constant 0 : i32
      %dma_wait3A_183 = arith.constant 0 : i32
      %dma_wait3A_184 = tpu.memref_slice %arg2[%dma_wait3A_182, %dma_wait3A_183] : memref<10240x128xf32, #tpu.memory_space<hbm>> -> memref<10240x128xf32, #tpu.memory_space<hbm>>
      tpu.wait_indirect_dma semaphore(%arg13 : memref<!tpu.dma_semaphore, #tpu.memory_space<semaphore_mem>>) src(%dma_wait3A_184 : memref<10240x128xf32, #tpu.memory_space<hbm>>) dst(%arg8 : memref<128x128xf32, #tpu.memory_space<vmem>>)
      %dma_start3A_185 = arith.constant 1 : i32
      %dma_start3A_186 = arith.constant 1 : i32
      %dma_start3A_187 = arith.constant 0 : i32
      %dma_start3A_188 = arith.constant 0 : i32
      %dma_start3A_189 = tpu.memref_slice %arg5[%dma_start3A_185, %dma_start3A_187, %dma_start3A_188] : memref<4x2x128xi32, #tpu.memory_space<vmem>> -> memref<1x2x128xi32, #tpu.memory_space<vmem>>
      %dma_start3A_190 = tpu.memref_squeeze %dma_start3A_189 : memref<1x2x128xi32, #tpu.memory_space<vmem>> -> memref<2x128xi32, #tpu.memory_space<vmem>>
      %dma_start3A_191 = arith.constant 0 : i32
      %dma_start3A_192 = tpu.memref_slice %dma_start3A_190[%dma_start3A_186, %dma_start3A_191] : memref<2x128xi32, #tpu.memory_space<vmem>> -> memref<1x128xi32, #tpu.memory_space<vmem>>
      %dma_start3A_193 = tpu.memref_squeeze %dma_start3A_192 : memref<1x128xi32, #tpu.memory_space<vmem>> -> memref<128xi32, #tpu.memory_space<vmem>>
      %dma_start3A_194 = arith.constant 0 : i32
      %dma_start3A_195 = arith.constant 0 : i32
      %dma_start3A_196 = tpu.memref_slice %arg9[%dma_start3A_194, %dma_start3A_195] : memref<10240x128xf32, #tpu.memory_space<vmem_shared>> -> memref<10240x128xf32, #tpu.memory_space<vmem_shared>>
      tpu.enqueue_indirect_dma source(%arg8 : memref<128x128xf32, #tpu.memory_space<vmem>>) target(%dma_start3A_196 : memref<10240x128xf32, #tpu.memory_space<vmem_shared>>) offsets(%dma_start3A_193 : memref<128xi32, #tpu.memory_space<vmem>>) semaphore(%arg15 : memref<!tpu.dma_semaphore, #tpu.memory_space<semaphore_mem>>) {add = true}
      %dma_wait3A_197 = arith.constant 1 : i32
      %dma_wait3A_198 = arith.constant 1 : i32
      %dma_wait3A_199 = arith.constant 0 : i32
      %dma_wait3A_200 = arith.constant 0 : i32
      %dma_wait3A_201 = tpu.memref_slice %arg5[%dma_wait3A_197, %dma_wait3A_199, %dma_wait3A_200] : memref<4x2x128xi32, #tpu.memory_space<vmem>> -> memref<1x2x128xi32, #tpu.memory_space<vmem>>
      %dma_wait3A_202 = tpu.memref_squeeze %dma_wait3A_201 : memref<1x2x128xi32, #tpu.memory_space<vmem>> -> memref<2x128xi32, #tpu.memory_space<vmem>>
      %dma_wait3A_203 = arith.constant 0 : i32
      %dma_wait3A_204 = tpu.memref_slice %dma_wait3A_202[%dma_wait3A_198, %dma_wait3A_203] : memref<2x128xi32, #tpu.memory_space<vmem>> -> memref<1x128xi32, #tpu.memory_space<vmem>>
      %dma_wait3A_205 = tpu.memref_squeeze %dma_wait3A_204 : memref<1x128xi32, #tpu.memory_space<vmem>> -> memref<128xi32, #tpu.memory_space<vmem>>
      %dma_wait3A_206 = arith.constant 0 : i32
      %dma_wait3A_207 = arith.constant 0 : i32
      %dma_wait3A_208 = tpu.memref_slice %arg9[%dma_wait3A_206, %dma_wait3A_207] : memref<10240x128xf32, #tpu.memory_space<vmem_shared>> -> memref<10240x128xf32, #tpu.memory_space<vmem_shared>>
      tpu.wait_indirect_dma semaphore(%arg14 : memref<!tpu.dma_semaphore, #tpu.memory_space<semaphore_mem>>) src(%arg7 : memref<128x128xf32, #tpu.memory_space<vmem>>) dst(%dma_wait3A_208 : memref<10240x128xf32, #tpu.memory_space<vmem_shared>>)
      %dma_start3A_209 = arith.constant 2 : i32
      %dma_start3A_210 = arith.constant 0 : i32
      %dma_start3A_211 = arith.constant 0 : i32
      %dma_start3A_212 = arith.constant 0 : i32
      %dma_start3A_213 = tpu.memref_slice %arg5[%dma_start3A_209, %dma_start3A_211, %dma_start3A_212] : memref<4x2x128xi32, #tpu.memory_space<vmem>> -> memref<1x2x128xi32, #tpu.memory_space<vmem>>
      %dma_start3A_214 = tpu.memref_squeeze %dma_start3A_213 : memref<1x2x128xi32, #tpu.memory_space<vmem>> -> memref<2x128xi32, #tpu.memory_space<vmem>>
      %dma_start3A_215 = arith.constant 0 : i32
      %dma_start3A_216 = tpu.memref_slice %dma_start3A_214[%dma_start3A_210, %dma_start3A_215] : memref<2x128xi32, #tpu.memory_space<vmem>> -> memref<1x128xi32, #tpu.memory_space<vmem>>
      %dma_start3A_217 = tpu.memref_squeeze %dma_start3A_216 : memref<1x128xi32, #tpu.memory_space<vmem>> -> memref<128xi32, #tpu.memory_space<vmem>>
      %dma_start3A_218 = arith.constant 0 : i32
      %dma_start3A_219 = arith.constant 0 : i32
      %dma_start3A_220 = tpu.memref_slice %arg2[%dma_start3A_218, %dma_start3A_219] : memref<10240x128xf32, #tpu.memory_space<hbm>> -> memref<10240x128xf32, #tpu.memory_space<hbm>>
      tpu.enqueue_indirect_dma source(%dma_start3A_220 : memref<10240x128xf32, #tpu.memory_space<hbm>>) target(%arg7 : memref<128x128xf32, #tpu.memory_space<vmem>>) offsets(%dma_start3A_217 : memref<128xi32, #tpu.memory_space<vmem>>) semaphore(%arg12 : memref<!tpu.dma_semaphore, #tpu.memory_space<semaphore_mem>>)
      %dma_wait3A_221 = arith.constant 2 : i32
      %dma_wait3A_222 = arith.constant 0 : i32
      %dma_wait3A_223 = arith.constant 0 : i32
      %dma_wait3A_224 = arith.constant 0 : i32
      %dma_wait3A_225 = tpu.memref_slice %arg5[%dma_wait3A_221, %dma_wait3A_223, %dma_wait3A_224] : memref<4x2x128xi32, #tpu.memory_space<vmem>> -> memref<1x2x128xi32, #tpu.memory_space<vmem>>
      %dma_wait3A_226 = tpu.memref_squeeze %dma_wait3A_225 : memref<1x2x128xi32, #tpu.memory_space<vmem>> -> memref<2x128xi32, #tpu.memory_space<vmem>>
      %dma_wait3A_227 = arith.constant 0 : i32
      %dma_wait3A_228 = tpu.memref_slice %dma_wait3A_226[%dma_wait3A_222, %dma_wait3A_227] : memref<2x128xi32, #tpu.memory_space<vmem>> -> memref<1x128xi32, #tpu.memory_space<vmem>>
      %dma_wait3A_229 = tpu.memref_squeeze %dma_wait3A_228 : memref<1x128xi32, #tpu.memory_space<vmem>> -> memref<128xi32, #tpu.memory_space<vmem>>
      %dma_wait3A_230 = arith.constant 0 : i32
      %dma_wait3A_231 = arith.constant 0 : i32
      %dma_wait3A_232 = tpu.memref_slice %arg2[%dma_wait3A_230, %dma_wait3A_231] : memref<10240x128xf32, #tpu.memory_space<hbm>> -> memref<10240x128xf32, #tpu.memory_space<hbm>>
      tpu.wait_indirect_dma semaphore(%arg12 : memref<!tpu.dma_semaphore, #tpu.memory_space<semaphore_mem>>) src(%dma_wait3A_232 : memref<10240x128xf32, #tpu.memory_space<hbm>>) dst(%arg7 : memref<128x128xf32, #tpu.memory_space<vmem>>)
      %dma_start3A_233 = arith.constant 2 : i32
      %dma_start3A_234 = arith.constant 1 : i32
      %dma_start3A_235 = arith.constant 0 : i32
      %dma_start3A_236 = arith.constant 0 : i32
      %dma_start3A_237 = tpu.memref_slice %arg5[%dma_start3A_233, %dma_start3A_235, %dma_start3A_236] : memref<4x2x128xi32, #tpu.memory_space<vmem>> -> memref<1x2x128xi32, #tpu.memory_space<vmem>>
      %dma_start3A_238 = tpu.memref_squeeze %dma_start3A_237 : memref<1x2x128xi32, #tpu.memory_space<vmem>> -> memref<2x128xi32, #tpu.memory_space<vmem>>
      %dma_start3A_239 = arith.constant 0 : i32
      %dma_start3A_240 = tpu.memref_slice %dma_start3A_238[%dma_start3A_234, %dma_start3A_239] : memref<2x128xi32, #tpu.memory_space<vmem>> -> memref<1x128xi32, #tpu.memory_space<vmem>>
      %dma_start3A_241 = tpu.memref_squeeze %dma_start3A_240 : memref<1x128xi32, #tpu.memory_space<vmem>> -> memref<128xi32, #tpu.memory_space<vmem>>
      %dma_start3A_242 = arith.constant 0 : i32
      %dma_start3A_243 = arith.constant 0 : i32
      %dma_start3A_244 = tpu.memref_slice %arg9[%dma_start3A_242, %dma_start3A_243] : memref<10240x128xf32, #tpu.memory_space<vmem_shared>> -> memref<10240x128xf32, #tpu.memory_space<vmem_shared>>
      tpu.enqueue_indirect_dma source(%arg7 : memref<128x128xf32, #tpu.memory_space<vmem>>) target(%dma_start3A_244 : memref<10240x128xf32, #tpu.memory_space<vmem_shared>>) offsets(%dma_start3A_241 : memref<128xi32, #tpu.memory_space<vmem>>) semaphore(%arg14 : memref<!tpu.dma_semaphore, #tpu.memory_space<semaphore_mem>>) {add = true}
      %dma_wait3A_245 = arith.constant 2 : i32
      %dma_wait3A_246 = arith.constant 1 : i32
      %dma_wait3A_247 = arith.constant 0 : i32
      %dma_wait3A_248 = arith.constant 0 : i32
      %dma_wait3A_249 = tpu.memref_slice %arg5[%dma_wait3A_245, %dma_wait3A_247, %dma_wait3A_248] : memref<4x2x128xi32, #tpu.memory_space<vmem>> -> memref<1x2x128xi32, #tpu.memory_space<vmem>>
      %dma_wait3A_250 = tpu.memref_squeeze %dma_wait3A_249 : memref<1x2x128xi32, #tpu.memory_space<vmem>> -> memref<2x128xi32, #tpu.memory_space<vmem>>
      %dma_wait3A_251 = arith.constant 0 : i32
      %dma_wait3A_252 = tpu.memref_slice %dma_wait3A_250[%dma_wait3A_246, %dma_wait3A_251] : memref<2x128xi32, #tpu.memory_space<vmem>> -> memref<1x128xi32, #tpu.memory_space<vmem>>
      %dma_wait3A_253 = tpu.memref_squeeze %dma_wait3A_252 : memref<1x128xi32, #tpu.memory_space<vmem>> -> memref<128xi32, #tpu.memory_space<vmem>>
      %dma_wait3A_254 = arith.constant 0 : i32
      %dma_wait3A_255 = arith.constant 0 : i32
      %dma_wait3A_256 = tpu.memref_slice %arg9[%dma_wait3A_254, %dma_wait3A_255] : memref<10240x128xf32, #tpu.memory_space<vmem_shared>> -> memref<10240x128xf32, #tpu.memory_space<vmem_shared>>
      tpu.wait_indirect_dma semaphore(%arg15 : memref<!tpu.dma_semaphore, #tpu.memory_space<semaphore_mem>>) src(%arg8 : memref<128x128xf32, #tpu.memory_space<vmem>>) dst(%dma_wait3A_256 : memref<10240x128xf32, #tpu.memory_space<vmem_shared>>)
      %dma_start3A_257 = arith.constant 3 : i32
      %dma_start3A_258 = arith.constant 0 : i32
      %dma_start3A_259 = arith.constant 0 : i32
      %dma_start3A_260 = arith.constant 0 : i32
      %dma_start3A_261 = tpu.memref_slice %arg5[%dma_start3A_257, %dma_start3A_259, %dma_start3A_260] : memref<4x2x128xi32, #tpu.memory_space<vmem>> -> memref<1x2x128xi32, #tpu.memory_space<vmem>>
      %dma_start3A_262 = tpu.memref_squeeze %dma_start3A_261 : memref<1x2x128xi32, #tpu.memory_space<vmem>> -> memref<2x128xi32, #tpu.memory_space<vmem>>
      %dma_start3A_263 = arith.constant 0 : i32
      %dma_start3A_264 = tpu.memref_slice %dma_start3A_262[%dma_start3A_258, %dma_start3A_263] : memref<2x128xi32, #tpu.memory_space<vmem>> -> memref<1x128xi32, #tpu.memory_space<vmem>>
      %dma_start3A_265 = tpu.memref_squeeze %dma_start3A_264 : memref<1x128xi32, #tpu.memory_space<vmem>> -> memref<128xi32, #tpu.memory_space<vmem>>
      %dma_start3A_266 = arith.constant 0 : i32
      %dma_start3A_267 = arith.constant 0 : i32
      %dma_start3A_268 = tpu.memref_slice %arg2[%dma_start3A_266, %dma_start3A_267] : memref<10240x128xf32, #tpu.memory_space<hbm>> -> memref<10240x128xf32, #tpu.memory_space<hbm>>
      tpu.enqueue_indirect_dma source(%dma_start3A_268 : memref<10240x128xf32, #tpu.memory_space<hbm>>) target(%arg8 : memref<128x128xf32, #tpu.memory_space<vmem>>) offsets(%dma_start3A_265 : memref<128xi32, #tpu.memory_space<vmem>>) semaphore(%arg13 : memref<!tpu.dma_semaphore, #tpu.memory_space<semaphore_mem>>)
      %dma_wait3A_269 = arith.constant 3 : i32
      %dma_wait3A_270 = arith.constant 0 : i32
      %dma_wait3A_271 = arith.constant 0 : i32
      %dma_wait3A_272 = arith.constant 0 : i32
      %dma_wait3A_273 = tpu.memref_slice %arg5[%dma_wait3A_269, %dma_wait3A_271, %dma_wait3A_272] : memref<4x2x128xi32, #tpu.memory_space<vmem>> -> memref<1x2x128xi32, #tpu.memory_space<vmem>>
      %dma_wait3A_274 = tpu.memref_squeeze %dma_wait3A_273 : memref<1x2x128xi32, #tpu.memory_space<vmem>> -> memref<2x128xi32, #tpu.memory_space<vmem>>
      %dma_wait3A_275 = arith.constant 0 : i32
      %dma_wait3A_276 = tpu.memref_slice %dma_wait3A_274[%dma_wait3A_270, %dma_wait3A_275] : memref<2x128xi32, #tpu.memory_space<vmem>> -> memref<1x128xi32, #tpu.memory_space<vmem>>
      %dma_wait3A_277 = tpu.memref_squeeze %dma_wait3A_276 : memref<1x128xi32, #tpu.memory_space<vmem>> -> memref<128xi32, #tpu.memory_space<vmem>>
      %dma_wait3A_278 = arith.constant 0 : i32
      %dma_wait3A_279 = arith.constant 0 : i32
      %dma_wait3A_280 = tpu.memref_slice %arg2[%dma_wait3A_278, %dma_wait3A_279] : memref<10240x128xf32, #tpu.memory_space<hbm>> -> memref<10240x128xf32, #tpu.memory_space<hbm>>
      tpu.wait_indirect_dma semaphore(%arg13 : memref<!tpu.dma_semaphore, #tpu.memory_space<semaphore_mem>>) src(%dma_wait3A_280 : memref<10240x128xf32, #tpu.memory_space<hbm>>) dst(%arg8 : memref<128x128xf32, #tpu.memory_space<vmem>>)
      %dma_start3A_281 = arith.constant 3 : i32
      %dma_start3A_282 = arith.constant 1 : i32
      %dma_start3A_283 = arith.constant 0 : i32
      %dma_start3A_284 = arith.constant 0 : i32
      %dma_start3A_285 = tpu.memref_slice %arg5[%dma_start3A_281, %dma_start3A_283, %dma_start3A_284] : memref<4x2x128xi32, #tpu.memory_space<vmem>> -> memref<1x2x128xi32, #tpu.memory_space<vmem>>
      %dma_start3A_286 = tpu.memref_squeeze %dma_start3A_285 : memref<1x2x128xi32, #tpu.memory_space<vmem>> -> memref<2x128xi32, #tpu.memory_space<vmem>>
      %dma_start3A_287 = arith.constant 0 : i32
      %dma_start3A_288 = tpu.memref_slice %dma_start3A_286[%dma_start3A_282, %dma_start3A_287] : memref<2x128xi32, #tpu.memory_space<vmem>> -> memref<1x128xi32, #tpu.memory_space<vmem>>
      %dma_start3A_289 = tpu.memref_squeeze %dma_start3A_288 : memref<1x128xi32, #tpu.memory_space<vmem>> -> memref<128xi32, #tpu.memory_space<vmem>>
      %dma_start3A_290 = arith.constant 0 : i32
      %dma_start3A_291 = arith.constant 0 : i32
      %dma_start3A_292 = tpu.memref_slice %arg9[%dma_start3A_290, %dma_start3A_291] : memref<10240x128xf32, #tpu.memory_space<vmem_shared>> -> memref<10240x128xf32, #tpu.memory_space<vmem_shared>>
      tpu.enqueue_indirect_dma source(%arg8 : memref<128x128xf32, #tpu.memory_space<vmem>>) target(%dma_start3A_292 : memref<10240x128xf32, #tpu.memory_space<vmem_shared>>) offsets(%dma_start3A_289 : memref<128xi32, #tpu.memory_space<vmem>>) semaphore(%arg15 : memref<!tpu.dma_semaphore, #tpu.memory_space<semaphore_mem>>) {add = true}
      %dma_wait3A_293 = arith.constant 3 : i32
      %dma_wait3A_294 = arith.constant 1 : i32
      %dma_wait3A_295 = arith.constant 0 : i32
      %dma_wait3A_296 = arith.constant 0 : i32
      %dma_wait3A_297 = tpu.memref_slice %arg5[%dma_wait3A_293, %dma_wait3A_295, %dma_wait3A_296] : memref<4x2x128xi32, #tpu.memory_space<vmem>> -> memref<1x2x128xi32, #tpu.memory_space<vmem>>
      %dma_wait3A_298 = tpu.memref_squeeze %dma_wait3A_297 : memref<1x2x128xi32, #tpu.memory_space<vmem>> -> memref<2x128xi32, #tpu.memory_space<vmem>>
      %dma_wait3A_299 = arith.constant 0 : i32
      %dma_wait3A_300 = tpu.memref_slice %dma_wait3A_298[%dma_wait3A_294, %dma_wait3A_299] : memref<2x128xi32, #tpu.memory_space<vmem>> -> memref<1x128xi32, #tpu.memory_space<vmem>>
      %dma_wait3A_301 = tpu.memref_squeeze %dma_wait3A_300 : memref<1x128xi32, #tpu.memory_space<vmem>> -> memref<128xi32, #tpu.memory_space<vmem>>
      %dma_wait3A_302 = arith.constant 0 : i32
      %dma_wait3A_303 = arith.constant 0 : i32
      %dma_wait3A_304 = tpu.memref_slice %arg9[%dma_wait3A_302, %dma_wait3A_303] : memref<10240x128xf32, #tpu.memory_space<vmem_shared>> -> memref<10240x128xf32, #tpu.memory_space<vmem_shared>>
      tpu.wait_indirect_dma semaphore(%arg14 : memref<!tpu.dma_semaphore, #tpu.memory_space<semaphore_mem>>) src(%arg7 : memref<128x128xf32, #tpu.memory_space<vmem>>) dst(%dma_wait3A_304 : memref<10240x128xf32, #tpu.memory_space<vmem_shared>>)
      %dma_wait3A_305 = arith.constant 0 : i32
      %dma_wait3A_306 = arith.constant 0 : i32
      %dma_wait3A_307 = arith.constant 0 : i32
      %dma_wait3A_308 = arith.constant 0 : i32
      %dma_wait3A_309 = tpu.memref_slice %arg3[%add3A, %dma_wait3A_305, %dma_wait3A_306, %dma_wait3A_307, %dma_wait3A_308] : memref<32x20x4x2x128xi32, #tpu.memory_space<hbm>> -> memref<1x20x4x2x128xi32, #tpu.memory_space<hbm>>
      %dma_wait3A_310 = tpu.memref_squeeze %dma_wait3A_309 : memref<1x20x4x2x128xi32, #tpu.memory_space<hbm>> -> memref<20x4x2x128xi32, #tpu.memory_space<hbm>>
      %dma_wait3A_311 = arith.constant 0 : i32
      %dma_wait3A_312 = arith.constant 0 : i32
      %dma_wait3A_313 = arith.constant 0 : i32
      %dma_wait3A_314 = tpu.memref_slice %dma_wait3A_310[%add3A_108, %dma_wait3A_311, %dma_wait3A_312, %dma_wait3A_313] : memref<20x4x2x128xi32, #tpu.memory_space<hbm>> -> memref<1x4x2x128xi32, #tpu.memory_space<hbm>>
      %dma_wait3A_315 = tpu.memref_squeeze %dma_wait3A_314 : memref<1x4x2x128xi32, #tpu.memory_space<hbm>> -> memref<4x2x128xi32, #tpu.memory_space<hbm>>
      %dma_wait3A_316 = arith.constant 0 : i32
      %dma_wait3A_317 = arith.constant 0 : i32
      %dma_wait3A_318 = arith.constant 0 : i32
      %dma_wait3A_319 = arith.constant 0 : i32
      %dma_wait3A_320 = tpu.memref_slice %arg3[%add3A, %dma_wait3A_316, %dma_wait3A_317, %dma_wait3A_318, %dma_wait3A_319] : memref<32x20x4x2x128xi32, #tpu.memory_space<hbm>> -> memref<1x20x4x2x128xi32, #tpu.memory_space<hbm>>
      %dma_wait3A_321 = tpu.memref_squeeze %dma_wait3A_320 : memref<1x20x4x2x128xi32, #tpu.memory_space<hbm>> -> memref<20x4x2x128xi32, #tpu.memory_space<hbm>>
      %dma_wait3A_322 = arith.constant 0 : i32
      %dma_wait3A_323 = arith.constant 0 : i32
      %dma_wait3A_324 = arith.constant 0 : i32
      %dma_wait3A_325 = tpu.memref_slice %dma_wait3A_321[%add3A_108, %dma_wait3A_322, %dma_wait3A_323, %dma_wait3A_324] : memref<20x4x2x128xi32, #tpu.memory_space<hbm>> -> memref<1x4x2x128xi32, #tpu.memory_space<hbm>>
      %dma_wait3A_326 = tpu.memref_squeeze %dma_wait3A_325 : memref<1x4x2x128xi32, #tpu.memory_space<hbm>> -> memref<4x2x128xi32, #tpu.memory_space<hbm>>
      tpu.wait_dma2 semaphore(%arg11 : memref<!tpu.dma_semaphore, #tpu.memory_space<semaphore_mem>>) src(%dma_wait3A_326 : memref<4x2x128xi32, #tpu.memory_space<hbm>>) dst(%arg6 : memref<4x2x128xi32, #tpu.memory_space<vmem>>)
      %dma_start3A_327 = arith.constant 0 : i32
      %dma_start3A_328 = arith.constant 0 : i32
      %dma_start3A_329 = arith.constant 0 : i32
      %dma_start3A_330 = arith.constant 0 : i32
      %dma_start3A_331 = tpu.memref_slice %arg6[%dma_start3A_327, %dma_start3A_329, %dma_start3A_330] : memref<4x2x128xi32, #tpu.memory_space<vmem>> -> memref<1x2x128xi32, #tpu.memory_space<vmem>>
      %dma_start3A_332 = tpu.memref_squeeze %dma_start3A_331 : memref<1x2x128xi32, #tpu.memory_space<vmem>> -> memref<2x128xi32, #tpu.memory_space<vmem>>
      %dma_start3A_333 = arith.constant 0 : i32
      %dma_start3A_334 = tpu.memref_slice %dma_start3A_332[%dma_start3A_328, %dma_start3A_333] : memref<2x128xi32, #tpu.memory_space<vmem>> -> memref<1x128xi32, #tpu.memory_space<vmem>>
      %dma_start3A_335 = tpu.memref_squeeze %dma_start3A_334 : memref<1x128xi32, #tpu.memory_space<vmem>> -> memref<128xi32, #tpu.memory_space<vmem>>
      %dma_start3A_336 = arith.constant 0 : i32
      %dma_start3A_337 = arith.constant 0 : i32
      %dma_start3A_338 = tpu.memref_slice %arg2[%dma_start3A_336, %dma_start3A_337] : memref<10240x128xf32, #tpu.memory_space<hbm>> -> memref<10240x128xf32, #tpu.memory_space<hbm>>
      tpu.enqueue_indirect_dma source(%dma_start3A_338 : memref<10240x128xf32, #tpu.memory_space<hbm>>) target(%arg7 : memref<128x128xf32, #tpu.memory_space<vmem>>) offsets(%dma_start3A_335 : memref<128xi32, #tpu.memory_space<vmem>>) semaphore(%arg12 : memref<!tpu.dma_semaphore, #tpu.memory_space<semaphore_mem>>)
      %mul3A_339 = arith.constant 2 : i32
      %mul3A_340 = arith.muli %mul3A_339, %scan3A_103 : i32
      %add3A_341 = arith.constant 2 : i32
      %add3A_342 = arith.addi %mul3A_340, %add3A_341 : i32
      %mul3A_343 = arith.constant 2 : i32
      %mul3A_344 = arith.muli %mul3A_343, %scan3A_103 : i32
      %add3A_345 = arith.constant 2 : i32
      %add3A_346 = arith.addi %mul3A_344, %add3A_345 : i32
      %dma_wait3A_347 = arith.constant 0 : i32
      %dma_wait3A_348 = arith.constant 0 : i32
      %dma_wait3A_349 = arith.constant 0 : i32
      %dma_wait3A_350 = arith.constant 0 : i32
      %dma_wait3A_351 = tpu.memref_slice %arg6[%dma_wait3A_347, %dma_wait3A_349, %dma_wait3A_350] : memref<4x2x128xi32, #tpu.memory_space<vmem>> -> memref<1x2x128xi32, #tpu.memory_space<vmem>>
      %dma_wait3A_352 = tpu.memref_squeeze %dma_wait3A_351 : memref<1x2x128xi32, #tpu.memory_space<vmem>> -> memref<2x128xi32, #tpu.memory_space<vmem>>
      %dma_wait3A_353 = arith.constant 0 : i32
      %dma_wait3A_354 = tpu.memref_slice %dma_wait3A_352[%dma_wait3A_348, %dma_wait3A_353] : memref<2x128xi32, #tpu.memory_space<vmem>> -> memref<1x128xi32, #tpu.memory_space<vmem>>
      %dma_wait3A_355 = tpu.memref_squeeze %dma_wait3A_354 : memref<1x128xi32, #tpu.memory_space<vmem>> -> memref<128xi32, #tpu.memory_space<vmem>>
      %dma_wait3A_356 = arith.constant 0 : i32
      %dma_wait3A_357 = arith.constant 0 : i32
      %dma_wait3A_358 = tpu.memref_slice %arg2[%dma_wait3A_356, %dma_wait3A_357] : memref<10240x128xf32, #tpu.memory_space<hbm>> -> memref<10240x128xf32, #tpu.memory_space<hbm>>
      tpu.wait_indirect_dma semaphore(%arg12 : memref<!tpu.dma_semaphore, #tpu.memory_space<semaphore_mem>>) src(%dma_wait3A_358 : memref<10240x128xf32, #tpu.memory_space<hbm>>) dst(%arg7 : memref<128x128xf32, #tpu.memory_space<vmem>>)
      %dma_start3A_359 = arith.constant 0 : i32
      %dma_start3A_360 = arith.constant 1 : i32
      %dma_start3A_361 = arith.constant 0 : i32
      %dma_start3A_362 = arith.constant 0 : i32
      %dma_start3A_363 = tpu.memref_slice %arg6[%dma_start3A_359, %dma_start3A_361, %dma_start3A_362] : memref<4x2x128xi32, #tpu.memory_space<vmem>> -> memref<1x2x128xi32, #tpu.memory_space<vmem>>
      %dma_start3A_364 = tpu.memref_squeeze %dma_start3A_363 : memref<1x2x128xi32, #tpu.memory_space<vmem>> -> memref<2x128xi32, #tpu.memory_space<vmem>>
      %dma_start3A_365 = arith.constant 0 : i32
      %dma_start3A_366 = tpu.memref_slice %dma_start3A_364[%dma_start3A_360, %dma_start3A_365] : memref<2x128xi32, #tpu.memory_space<vmem>> -> memref<1x128xi32, #tpu.memory_space<vmem>>
      %dma_start3A_367 = tpu.memref_squeeze %dma_start3A_366 : memref<1x128xi32, #tpu.memory_space<vmem>> -> memref<128xi32, #tpu.memory_space<vmem>>
      %dma_start3A_368 = arith.constant 0 : i32
      %dma_start3A_369 = arith.constant 0 : i32
      %dma_start3A_370 = tpu.memref_slice %arg9[%dma_start3A_368, %dma_start3A_369] : memref<10240x128xf32, #tpu.memory_space<vmem_shared>> -> memref<10240x128xf32, #tpu.memory_space<vmem_shared>>
      tpu.enqueue_indirect_dma source(%arg7 : memref<128x128xf32, #tpu.memory_space<vmem>>) target(%dma_start3A_370 : memref<10240x128xf32, #tpu.memory_space<vmem_shared>>) offsets(%dma_start3A_367 : memref<128xi32, #tpu.memory_space<vmem>>) semaphore(%arg14 : memref<!tpu.dma_semaphore, #tpu.memory_space<semaphore_mem>>) {add = true}
      %dma_wait3A_371 = arith.constant 0 : i32
      %dma_wait3A_372 = arith.constant 1 : i32
      %dma_wait3A_373 = arith.constant 0 : i32
      %dma_wait3A_374 = arith.constant 0 : i32
      %dma_wait3A_375 = tpu.memref_slice %arg6[%dma_wait3A_371, %dma_wait3A_373, %dma_wait3A_374] : memref<4x2x128xi32, #tpu.memory_space<vmem>> -> memref<1x2x128xi32, #tpu.memory_space<vmem>>
      %dma_wait3A_376 = tpu.memref_squeeze %dma_wait3A_375 : memref<1x2x128xi32, #tpu.memory_space<vmem>> -> memref<2x128xi32, #tpu.memory_space<vmem>>
      %dma_wait3A_377 = arith.constant 0 : i32
      %dma_wait3A_378 = tpu.memref_slice %dma_wait3A_376[%dma_wait3A_372, %dma_wait3A_377] : memref<2x128xi32, #tpu.memory_space<vmem>> -> memref<1x128xi32, #tpu.memory_space<vmem>>
      %dma_wait3A_379 = tpu.memref_squeeze %dma_wait3A_378 : memref<1x128xi32, #tpu.memory_space<vmem>> -> memref<128xi32, #tpu.memory_space<vmem>>
      %dma_wait3A_380 = arith.constant 0 : i32
      %dma_wait3A_381 = arith.constant 0 : i32
      %dma_wait3A_382 = tpu.memref_slice %arg9[%dma_wait3A_380, %dma_wait3A_381] : memref<10240x128xf32, #tpu.memory_space<vmem_shared>> -> memref<10240x128xf32, #tpu.memory_space<vmem_shared>>
      tpu.wait_indirect_dma semaphore(%arg15 : memref<!tpu.dma_semaphore, #tpu.memory_space<semaphore_mem>>) src(%arg8 : memref<128x128xf32, #tpu.memory_space<vmem>>) dst(%dma_wait3A_382 : memref<10240x128xf32, #tpu.memory_space<vmem_shared>>)
      %convert_element_type3A_383 = arith.extui %lt3A_104 : i1 to i32
      %cond3A_384 = arith.constant 0 : i32
      %cond3A_385 = arith.cmpi ne, %convert_element_type3A_383, %cond3A_384 : i32
      scf.if %cond3A_385 {
        %dma_start3A_533 = arith.constant 0 : i32
        %dma_start3A_534 = arith.constant 0 : i32
        %dma_start3A_535 = arith.constant 0 : i32
        %dma_start3A_536 = arith.constant 0 : i32
        %dma_start3A_537 = tpu.memref_slice %arg3[%add3A, %dma_start3A_533, %dma_start3A_534, %dma_start3A_535, %dma_start3A_536] : memref<32x20x4x2x128xi32, #tpu.memory_space<hbm>> -> memref<1x20x4x2x128xi32, #tpu.memory_space<hbm>>
        %dma_start3A_538 = tpu.memref_squeeze %dma_start3A_537 : memref<1x20x4x2x128xi32, #tpu.memory_space<hbm>> -> memref<20x4x2x128xi32, #tpu.memory_space<hbm>>
        %dma_start3A_539 = arith.constant 0 : i32
        %dma_start3A_540 = arith.constant 0 : i32
        %dma_start3A_541 = arith.constant 0 : i32
        %dma_start3A_542 = tpu.memref_slice %dma_start3A_538[%add3A_346, %dma_start3A_539, %dma_start3A_540, %dma_start3A_541] : memref<20x4x2x128xi32, #tpu.memory_space<hbm>> -> memref<1x4x2x128xi32, #tpu.memory_space<hbm>>
        %dma_start3A_543 = tpu.memref_squeeze %dma_start3A_542 : memref<1x4x2x128xi32, #tpu.memory_space<hbm>> -> memref<4x2x128xi32, #tpu.memory_space<hbm>>
        %dma_start3A_544 = arith.constant 0 : i32
        %dma_start3A_545 = arith.constant 0 : i32
        %dma_start3A_546 = arith.constant 0 : i32
        %dma_start3A_547 = arith.constant 0 : i32
        %dma_start3A_548 = tpu.memref_slice %arg3[%add3A, %dma_start3A_544, %dma_start3A_545, %dma_start3A_546, %dma_start3A_547] : memref<32x20x4x2x128xi32, #tpu.memory_space<hbm>> -> memref<1x20x4x2x128xi32, #tpu.memory_space<hbm>>
        %dma_start3A_549 = tpu.memref_squeeze %dma_start3A_548 : memref<1x20x4x2x128xi32, #tpu.memory_space<hbm>> -> memref<20x4x2x128xi32, #tpu.memory_space<hbm>>
        %dma_start3A_550 = arith.constant 0 : i32
        %dma_start3A_551 = arith.constant 0 : i32
        %dma_start3A_552 = arith.constant 0 : i32
        %dma_start3A_553 = tpu.memref_slice %dma_start3A_549[%add3A_346, %dma_start3A_550, %dma_start3A_551, %dma_start3A_552] : memref<20x4x2x128xi32, #tpu.memory_space<hbm>> -> memref<1x4x2x128xi32, #tpu.memory_space<hbm>>
        %dma_start3A_554 = tpu.memref_squeeze %dma_start3A_553 : memref<1x4x2x128xi32, #tpu.memory_space<hbm>> -> memref<4x2x128xi32, #tpu.memory_space<hbm>>
        tpu.enqueue_dma source(%dma_start3A_554 : memref<4x2x128xi32, #tpu.memory_space<hbm>>) target(%arg5 : memref<4x2x128xi32, #tpu.memory_space<vmem>>) target_semaphore(%arg10 : memref<!tpu.dma_semaphore, #tpu.memory_space<semaphore_mem>>)
      } else {
      }
      %dma_start3A_386 = arith.constant 1 : i32
      %dma_start3A_387 = arith.constant 0 : i32
      %dma_start3A_388 = arith.constant 0 : i32
      %dma_start3A_389 = arith.constant 0 : i32
      %dma_start3A_390 = tpu.memref_slice %arg6[%dma_start3A_386, %dma_start3A_388, %dma_start3A_389] : memref<4x2x128xi32, #tpu.memory_space<vmem>> -> memref<1x2x128xi32, #tpu.memory_space<vmem>>
      %dma_start3A_391 = tpu.memref_squeeze %dma_start3A_390 : memref<1x2x128xi32, #tpu.memory_space<vmem>> -> memref<2x128xi32, #tpu.memory_space<vmem>>
      %dma_start3A_392 = arith.constant 0 : i32
      %dma_start3A_393 = tpu.memref_slice %dma_start3A_391[%dma_start3A_387, %dma_start3A_392] : memref<2x128xi32, #tpu.memory_space<vmem>> -> memref<1x128xi32, #tpu.memory_space<vmem>>
      %dma_start3A_394 = tpu.memref_squeeze %dma_start3A_393 : memref<1x128xi32, #tpu.memory_space<vmem>> -> memref<128xi32, #tpu.memory_space<vmem>>
      %dma_start3A_395 = arith.constant 0 : i32
      %dma_start3A_396 = arith.constant 0 : i32
      %dma_start3A_397 = tpu.memref_slice %arg2[%dma_start3A_395, %dma_start3A_396] : memref<10240x128xf32, #tpu.memory_space<hbm>> -> memref<10240x128xf32, #tpu.memory_space<hbm>>
      tpu.enqueue_indirect_dma source(%dma_start3A_397 : memref<10240x128xf32, #tpu.memory_space<hbm>>) target(%arg8 : memref<128x128xf32, #tpu.memory_space<vmem>>) offsets(%dma_start3A_394 : memref<128xi32, #tpu.memory_space<vmem>>) semaphore(%arg13 : memref<!tpu.dma_semaphore, #tpu.memory_space<semaphore_mem>>)
      %dma_wait3A_398 = arith.constant 1 : i32
      %dma_wait3A_399 = arith.constant 0 : i32
      %dma_wait3A_400 = arith.constant 0 : i32
      %dma_wait3A_401 = arith.constant 0 : i32
      %dma_wait3A_402 = tpu.memref_slice %arg6[%dma_wait3A_398, %dma_wait3A_400, %dma_wait3A_401] : memref<4x2x128xi32, #tpu.memory_space<vmem>> -> memref<1x2x128xi32, #tpu.memory_space<vmem>>
      %dma_wait3A_403 = tpu.memref_squeeze %dma_wait3A_402 : memref<1x2x128xi32, #tpu.memory_space<vmem>> -> memref<2x128xi32, #tpu.memory_space<vmem>>
      %dma_wait3A_404 = arith.constant 0 : i32
      %dma_wait3A_405 = tpu.memref_slice %dma_wait3A_403[%dma_wait3A_399, %dma_wait3A_404] : memref<2x128xi32, #tpu.memory_space<vmem>> -> memref<1x128xi32, #tpu.memory_space<vmem>>
      %dma_wait3A_406 = tpu.memref_squeeze %dma_wait3A_405 : memref<1x128xi32, #tpu.memory_space<vmem>> -> memref<128xi32, #tpu.memory_space<vmem>>
      %dma_wait3A_407 = arith.constant 0 : i32
      %dma_wait3A_408 = arith.constant 0 : i32
      %dma_wait3A_409 = tpu.memref_slice %arg2[%dma_wait3A_407, %dma_wait3A_408] : memref<10240x128xf32, #tpu.memory_space<hbm>> -> memref<10240x128xf32, #tpu.memory_space<hbm>>
      tpu.wait_indirect_dma semaphore(%arg13 : memref<!tpu.dma_semaphore, #tpu.memory_space<semaphore_mem>>) src(%dma_wait3A_409 : memref<10240x128xf32, #tpu.memory_space<hbm>>) dst(%arg8 : memref<128x128xf32, #tpu.memory_space<vmem>>)
      %dma_start3A_410 = arith.constant 1 : i32
      %dma_start3A_411 = arith.constant 1 : i32
      %dma_start3A_412 = arith.constant 0 : i32
      %dma_start3A_413 = arith.constant 0 : i32
      %dma_start3A_414 = tpu.memref_slice %arg6[%dma_start3A_410, %dma_start3A_412, %dma_start3A_413] : memref<4x2x128xi32, #tpu.memory_space<vmem>> -> memref<1x2x128xi32, #tpu.memory_space<vmem>>
      %dma_start3A_415 = tpu.memref_squeeze %dma_start3A_414 : memref<1x2x128xi32, #tpu.memory_space<vmem>> -> memref<2x128xi32, #tpu.memory_space<vmem>>
      %dma_start3A_416 = arith.constant 0 : i32
      %dma_start3A_417 = tpu.memref_slice %dma_start3A_415[%dma_start3A_411, %dma_start3A_416] : memref<2x128xi32, #tpu.memory_space<vmem>> -> memref<1x128xi32, #tpu.memory_space<vmem>>
      %dma_start3A_418 = tpu.memref_squeeze %dma_start3A_417 : memref<1x128xi32, #tpu.memory_space<vmem>> -> memref<128xi32, #tpu.memory_space<vmem>>
      %dma_start3A_419 = arith.constant 0 : i32
      %dma_start3A_420 = arith.constant 0 : i32
      %dma_start3A_421 = tpu.memref_slice %arg9[%dma_start3A_419, %dma_start3A_420] : memref<10240x128xf32, #tpu.memory_space<vmem_shared>> -> memref<10240x128xf32, #tpu.memory_space<vmem_shared>>
      tpu.enqueue_indirect_dma source(%arg8 : memref<128x128xf32, #tpu.memory_space<vmem>>) target(%dma_start3A_421 : memref<10240x128xf32, #tpu.memory_space<vmem_shared>>) offsets(%dma_start3A_418 : memref<128xi32, #tpu.memory_space<vmem>>) semaphore(%arg15 : memref<!tpu.dma_semaphore, #tpu.memory_space<semaphore_mem>>) {add = true}
      %dma_wait3A_422 = arith.constant 1 : i32
      %dma_wait3A_423 = arith.constant 1 : i32
      %dma_wait3A_424 = arith.constant 0 : i32
      %dma_wait3A_425 = arith.constant 0 : i32
      %dma_wait3A_426 = tpu.memref_slice %arg6[%dma_wait3A_422, %dma_wait3A_424, %dma_wait3A_425] : memref<4x2x128xi32, #tpu.memory_space<vmem>> -> memref<1x2x128xi32, #tpu.memory_space<vmem>>
      %dma_wait3A_427 = tpu.memref_squeeze %dma_wait3A_426 : memref<1x2x128xi32, #tpu.memory_space<vmem>> -> memref<2x128xi32, #tpu.memory_space<vmem>>
      %dma_wait3A_428 = arith.constant 0 : i32
      %dma_wait3A_429 = tpu.memref_slice %dma_wait3A_427[%dma_wait3A_423, %dma_wait3A_428] : memref<2x128xi32, #tpu.memory_space<vmem>> -> memref<1x128xi32, #tpu.memory_space<vmem>>
      %dma_wait3A_430 = tpu.memref_squeeze %dma_wait3A_429 : memref<1x128xi32, #tpu.memory_space<vmem>> -> memref<128xi32, #tpu.memory_space<vmem>>
      %dma_wait3A_431 = arith.constant 0 : i32
      %dma_wait3A_432 = arith.constant 0 : i32
      %dma_wait3A_433 = tpu.memref_slice %arg9[%dma_wait3A_431, %dma_wait3A_432] : memref<10240x128xf32, #tpu.memory_space<vmem_shared>> -> memref<10240x128xf32, #tpu.memory_space<vmem_shared>>
      tpu.wait_indirect_dma semaphore(%arg14 : memref<!tpu.dma_semaphore, #tpu.memory_space<semaphore_mem>>) src(%arg7 : memref<128x128xf32, #tpu.memory_space<vmem>>) dst(%dma_wait3A_433 : memref<10240x128xf32, #tpu.memory_space<vmem_shared>>)
      %dma_start3A_434 = arith.constant 2 : i32
      %dma_start3A_435 = arith.constant 0 : i32
      %dma_start3A_436 = arith.constant 0 : i32
      %dma_start3A_437 = arith.constant 0 : i32
      %dma_start3A_438 = tpu.memref_slice %arg6[%dma_start3A_434, %dma_start3A_436, %dma_start3A_437] : memref<4x2x128xi32, #tpu.memory_space<vmem>> -> memref<1x2x128xi32, #tpu.memory_space<vmem>>
      %dma_start3A_439 = tpu.memref_squeeze %dma_start3A_438 : memref<1x2x128xi32, #tpu.memory_space<vmem>> -> memref<2x128xi32, #tpu.memory_space<vmem>>
      %dma_start3A_440 = arith.constant 0 : i32
      %dma_start3A_441 = tpu.memref_slice %dma_start3A_439[%dma_start3A_435, %dma_start3A_440] : memref<2x128xi32, #tpu.memory_space<vmem>> -> memref<1x128xi32, #tpu.memory_space<vmem>>
      %dma_start3A_442 = tpu.memref_squeeze %dma_start3A_441 : memref<1x128xi32, #tpu.memory_space<vmem>> -> memref<128xi32, #tpu.memory_space<vmem>>
      %dma_start3A_443 = arith.constant 0 : i32
      %dma_start3A_444 = arith.constant 0 : i32
      %dma_start3A_445 = tpu.memref_slice %arg2[%dma_start3A_443, %dma_start3A_444] : memref<10240x128xf32, #tpu.memory_space<hbm>> -> memref<10240x128xf32, #tpu.memory_space<hbm>>
      tpu.enqueue_indirect_dma source(%dma_start3A_445 : memref<10240x128xf32, #tpu.memory_space<hbm>>) target(%arg7 : memref<128x128xf32, #tpu.memory_space<vmem>>) offsets(%dma_start3A_442 : memref<128xi32, #tpu.memory_space<vmem>>) semaphore(%arg12 : memref<!tpu.dma_semaphore, #tpu.memory_space<semaphore_mem>>)
      %dma_wait3A_446 = arith.constant 2 : i32
      %dma_wait3A_447 = arith.constant 0 : i32
      %dma_wait3A_448 = arith.constant 0 : i32
      %dma_wait3A_449 = arith.constant 0 : i32
      %dma_wait3A_450 = tpu.memref_slice %arg6[%dma_wait3A_446, %dma_wait3A_448, %dma_wait3A_449] : memref<4x2x128xi32, #tpu.memory_space<vmem>> -> memref<1x2x128xi32, #tpu.memory_space<vmem>>
      %dma_wait3A_451 = tpu.memref_squeeze %dma_wait3A_450 : memref<1x2x128xi32, #tpu.memory_space<vmem>> -> memref<2x128xi32, #tpu.memory_space<vmem>>
      %dma_wait3A_452 = arith.constant 0 : i32
      %dma_wait3A_453 = tpu.memref_slice %dma_wait3A_451[%dma_wait3A_447, %dma_wait3A_452] : memref<2x128xi32, #tpu.memory_space<vmem>> -> memref<1x128xi32, #tpu.memory_space<vmem>>
      %dma_wait3A_454 = tpu.memref_squeeze %dma_wait3A_453 : memref<1x128xi32, #tpu.memory_space<vmem>> -> memref<128xi32, #tpu.memory_space<vmem>>
      %dma_wait3A_455 = arith.constant 0 : i32
      %dma_wait3A_456 = arith.constant 0 : i32
      %dma_wait3A_457 = tpu.memref_slice %arg2[%dma_wait3A_455, %dma_wait3A_456] : memref<10240x128xf32, #tpu.memory_space<hbm>> -> memref<10240x128xf32, #tpu.memory_space<hbm>>
      tpu.wait_indirect_dma semaphore(%arg12 : memref<!tpu.dma_semaphore, #tpu.memory_space<semaphore_mem>>) src(%dma_wait3A_457 : memref<10240x128xf32, #tpu.memory_space<hbm>>) dst(%arg7 : memref<128x128xf32, #tpu.memory_space<vmem>>)
      %dma_start3A_458 = arith.constant 2 : i32
      %dma_start3A_459 = arith.constant 1 : i32
      %dma_start3A_460 = arith.constant 0 : i32
      %dma_start3A_461 = arith.constant 0 : i32
      %dma_start3A_462 = tpu.memref_slice %arg6[%dma_start3A_458, %dma_start3A_460, %dma_start3A_461] : memref<4x2x128xi32, #tpu.memory_space<vmem>> -> memref<1x2x128xi32, #tpu.memory_space<vmem>>
      %dma_start3A_463 = tpu.memref_squeeze %dma_start3A_462 : memref<1x2x128xi32, #tpu.memory_space<vmem>> -> memref<2x128xi32, #tpu.memory_space<vmem>>
      %dma_start3A_464 = arith.constant 0 : i32
      %dma_start3A_465 = tpu.memref_slice %dma_start3A_463[%dma_start3A_459, %dma_start3A_464] : memref<2x128xi32, #tpu.memory_space<vmem>> -> memref<1x128xi32, #tpu.memory_space<vmem>>
      %dma_start3A_466 = tpu.memref_squeeze %dma_start3A_465 : memref<1x128xi32, #tpu.memory_space<vmem>> -> memref<128xi32, #tpu.memory_space<vmem>>
      %dma_start3A_467 = arith.constant 0 : i32
      %dma_start3A_468 = arith.constant 0 : i32
      %dma_start3A_469 = tpu.memref_slice %arg9[%dma_start3A_467, %dma_start3A_468] : memref<10240x128xf32, #tpu.memory_space<vmem_shared>> -> memref<10240x128xf32, #tpu.memory_space<vmem_shared>>
      tpu.enqueue_indirect_dma source(%arg7 : memref<128x128xf32, #tpu.memory_space<vmem>>) target(%dma_start3A_469 : memref<10240x128xf32, #tpu.memory_space<vmem_shared>>) offsets(%dma_start3A_466 : memref<128xi32, #tpu.memory_space<vmem>>) semaphore(%arg14 : memref<!tpu.dma_semaphore, #tpu.memory_space<semaphore_mem>>) {add = true}
      %dma_wait3A_470 = arith.constant 2 : i32
      %dma_wait3A_471 = arith.constant 1 : i32
      %dma_wait3A_472 = arith.constant 0 : i32
      %dma_wait3A_473 = arith.constant 0 : i32
      %dma_wait3A_474 = tpu.memref_slice %arg6[%dma_wait3A_470, %dma_wait3A_472, %dma_wait3A_473] : memref<4x2x128xi32, #tpu.memory_space<vmem>> -> memref<1x2x128xi32, #tpu.memory_space<vmem>>
      %dma_wait3A_475 = tpu.memref_squeeze %dma_wait3A_474 : memref<1x2x128xi32, #tpu.memory_space<vmem>> -> memref<2x128xi32, #tpu.memory_space<vmem>>
      %dma_wait3A_476 = arith.constant 0 : i32
      %dma_wait3A_477 = tpu.memref_slice %dma_wait3A_475[%dma_wait3A_471, %dma_wait3A_476] : memref<2x128xi32, #tpu.memory_space<vmem>> -> memref<1x128xi32, #tpu.memory_space<vmem>>
      %dma_wait3A_478 = tpu.memref_squeeze %dma_wait3A_477 : memref<1x128xi32, #tpu.memory_space<vmem>> -> memref<128xi32, #tpu.memory_space<vmem>>
      %dma_wait3A_479 = arith.constant 0 : i32
      %dma_wait3A_480 = arith.constant 0 : i32
      %dma_wait3A_481 = tpu.memref_slice %arg9[%dma_wait3A_479, %dma_wait3A_480] : memref<10240x128xf32, #tpu.memory_space<vmem_shared>> -> memref<10240x128xf32, #tpu.memory_space<vmem_shared>>
      tpu.wait_indirect_dma semaphore(%arg15 : memref<!tpu.dma_semaphore, #tpu.memory_space<semaphore_mem>>) src(%arg8 : memref<128x128xf32, #tpu.memory_space<vmem>>) dst(%dma_wait3A_481 : memref<10240x128xf32, #tpu.memory_space<vmem_shared>>)
      %dma_start3A_482 = arith.constant 3 : i32
      %dma_start3A_483 = arith.constant 0 : i32
      %dma_start3A_484 = arith.constant 0 : i32
      %dma_start3A_485 = arith.constant 0 : i32
      %dma_start3A_486 = tpu.memref_slice %arg6[%dma_start3A_482, %dma_start3A_484, %dma_start3A_485] : memref<4x2x128xi32, #tpu.memory_space<vmem>> -> memref<1x2x128xi32, #tpu.memory_space<vmem>>
      %dma_start3A_487 = tpu.memref_squeeze %dma_start3A_486 : memref<1x2x128xi32, #tpu.memory_space<vmem>> -> memref<2x128xi32, #tpu.memory_space<vmem>>
      %dma_start3A_488 = arith.constant 0 : i32
      %dma_start3A_489 = tpu.memref_slice %dma_start3A_487[%dma_start3A_483, %dma_start3A_488] : memref<2x128xi32, #tpu.memory_space<vmem>> -> memref<1x128xi32, #tpu.memory_space<vmem>>
      %dma_start3A_490 = tpu.memref_squeeze %dma_start3A_489 : memref<1x128xi32, #tpu.memory_space<vmem>> -> memref<128xi32, #tpu.memory_space<vmem>>
      %dma_start3A_491 = arith.constant 0 : i32
      %dma_start3A_492 = arith.constant 0 : i32
      %dma_start3A_493 = tpu.memref_slice %arg2[%dma_start3A_491, %dma_start3A_492] : memref<10240x128xf32, #tpu.memory_space<hbm>> -> memref<10240x128xf32, #tpu.memory_space<hbm>>
      tpu.enqueue_indirect_dma source(%dma_start3A_493 : memref<10240x128xf32, #tpu.memory_space<hbm>>) target(%arg8 : memref<128x128xf32, #tpu.memory_space<vmem>>) offsets(%dma_start3A_490 : memref<128xi32, #tpu.memory_space<vmem>>) semaphore(%arg13 : memref<!tpu.dma_semaphore, #tpu.memory_space<semaphore_mem>>)
      %dma_wait3A_494 = arith.constant 3 : i32
      %dma_wait3A_495 = arith.constant 0 : i32
      %dma_wait3A_496 = arith.constant 0 : i32
      %dma_wait3A_497 = arith.constant 0 : i32
      %dma_wait3A_498 = tpu.memref_slice %arg6[%dma_wait3A_494, %dma_wait3A_496, %dma_wait3A_497] : memref<4x2x128xi32, #tpu.memory_space<vmem>> -> memref<1x2x128xi32, #tpu.memory_space<vmem>>
      %dma_wait3A_499 = tpu.memref_squeeze %dma_wait3A_498 : memref<1x2x128xi32, #tpu.memory_space<vmem>> -> memref<2x128xi32, #tpu.memory_space<vmem>>
      %dma_wait3A_500 = arith.constant 0 : i32
      %dma_wait3A_501 = tpu.memref_slice %dma_wait3A_499[%dma_wait3A_495, %dma_wait3A_500] : memref<2x128xi32, #tpu.memory_space<vmem>> -> memref<1x128xi32, #tpu.memory_space<vmem>>
      %dma_wait3A_502 = tpu.memref_squeeze %dma_wait3A_501 : memref<1x128xi32, #tpu.memory_space<vmem>> -> memref<128xi32, #tpu.memory_space<vmem>>
      %dma_wait3A_503 = arith.constant 0 : i32
      %dma_wait3A_504 = arith.constant 0 : i32
      %dma_wait3A_505 = tpu.memref_slice %arg2[%dma_wait3A_503, %dma_wait3A_504] : memref<10240x128xf32, #tpu.memory_space<hbm>> -> memref<10240x128xf32, #tpu.memory_space<hbm>>
      tpu.wait_indirect_dma semaphore(%arg13 : memref<!tpu.dma_semaphore, #tpu.memory_space<semaphore_mem>>) src(%dma_wait3A_505 : memref<10240x128xf32, #tpu.memory_space<hbm>>) dst(%arg8 : memref<128x128xf32, #tpu.memory_space<vmem>>)
      %dma_start3A_506 = arith.constant 3 : i32
      %dma_start3A_507 = arith.constant 1 : i32
      %dma_start3A_508 = arith.constant 0 : i32
      %dma_start3A_509 = arith.constant 0 : i32
      %dma_start3A_510 = tpu.memref_slice %arg6[%dma_start3A_506, %dma_start3A_508, %dma_start3A_509] : memref<4x2x128xi32, #tpu.memory_space<vmem>> -> memref<1x2x128xi32, #tpu.memory_space<vmem>>
      %dma_start3A_511 = tpu.memref_squeeze %dma_start3A_510 : memref<1x2x128xi32, #tpu.memory_space<vmem>> -> memref<2x128xi32, #tpu.memory_space<vmem>>
      %dma_start3A_512 = arith.constant 0 : i32
      %dma_start3A_513 = tpu.memref_slice %dma_start3A_511[%dma_start3A_507, %dma_start3A_512] : memref<2x128xi32, #tpu.memory_space<vmem>> -> memref<1x128xi32, #tpu.memory_space<vmem>>
      %dma_start3A_514 = tpu.memref_squeeze %dma_start3A_513 : memref<1x128xi32, #tpu.memory_space<vmem>> -> memref<128xi32, #tpu.memory_space<vmem>>
      %dma_start3A_515 = arith.constant 0 : i32
      %dma_start3A_516 = arith.constant 0 : i32
      %dma_start3A_517 = tpu.memref_slice %arg9[%dma_start3A_515, %dma_start3A_516] : memref<10240x128xf32, #tpu.memory_space<vmem_shared>> -> memref<10240x128xf32, #tpu.memory_space<vmem_shared>>
      tpu.enqueue_indirect_dma source(%arg8 : memref<128x128xf32, #tpu.memory_space<vmem>>) target(%dma_start3A_517 : memref<10240x128xf32, #tpu.memory_space<vmem_shared>>) offsets(%dma_start3A_514 : memref<128xi32, #tpu.memory_space<vmem>>) semaphore(%arg15 : memref<!tpu.dma_semaphore, #tpu.memory_space<semaphore_mem>>) {add = true}
      %dma_wait3A_518 = arith.constant 3 : i32
      %dma_wait3A_519 = arith.constant 1 : i32
      %dma_wait3A_520 = arith.constant 0 : i32
      %dma_wait3A_521 = arith.constant 0 : i32
      %dma_wait3A_522 = tpu.memref_slice %arg6[%dma_wait3A_518, %dma_wait3A_520, %dma_wait3A_521] : memref<4x2x128xi32, #tpu.memory_space<vmem>> -> memref<1x2x128xi32, #tpu.memory_space<vmem>>
      %dma_wait3A_523 = tpu.memref_squeeze %dma_wait3A_522 : memref<1x2x128xi32, #tpu.memory_space<vmem>> -> memref<2x128xi32, #tpu.memory_space<vmem>>
      %dma_wait3A_524 = arith.constant 0 : i32
      %dma_wait3A_525 = tpu.memref_slice %dma_wait3A_523[%dma_wait3A_519, %dma_wait3A_524] : memref<2x128xi32, #tpu.memory_space<vmem>> -> memref<1x128xi32, #tpu.memory_space<vmem>>
      %dma_wait3A_526 = tpu.memref_squeeze %dma_wait3A_525 : memref<1x128xi32, #tpu.memory_space<vmem>> -> memref<128xi32, #tpu.memory_space<vmem>>
      %dma_wait3A_527 = arith.constant 0 : i32
      %dma_wait3A_528 = arith.constant 0 : i32
      %dma_wait3A_529 = tpu.memref_slice %arg9[%dma_wait3A_527, %dma_wait3A_528] : memref<10240x128xf32, #tpu.memory_space<vmem_shared>> -> memref<10240x128xf32, #tpu.memory_space<vmem_shared>>
      tpu.wait_indirect_dma semaphore(%arg14 : memref<!tpu.dma_semaphore, #tpu.memory_space<semaphore_mem>>) src(%arg7 : memref<128x128xf32, #tpu.memory_space<vmem>>) dst(%dma_wait3A_529 : memref<10240x128xf32, #tpu.memory_space<vmem_shared>>)
      %convert_element_type3A_530 = arith.extui %lt3A_104 : i1 to i32
      %cond3A_531 = arith.constant 0 : i32
      %cond3A_532 = arith.cmpi ne, %convert_element_type3A_530, %cond3A_531 : i32
      scf.if %cond3A_532 {
        %dma_wait3A_533 = arith.constant 0 : i32
        %dma_wait3A_534 = arith.constant 0 : i32
        %dma_wait3A_535 = arith.constant 0 : i32
        %dma_wait3A_536 = arith.constant 0 : i32
        %dma_wait3A_537 = tpu.memref_slice %arg3[%add3A, %dma_wait3A_533, %dma_wait3A_534, %dma_wait3A_535, %dma_wait3A_536] : memref<32x20x4x2x128xi32, #tpu.memory_space<hbm>> -> memref<1x20x4x2x128xi32, #tpu.memory_space<hbm>>
        %dma_wait3A_538 = tpu.memref_squeeze %dma_wait3A_537 : memref<1x20x4x2x128xi32, #tpu.memory_space<hbm>> -> memref<20x4x2x128xi32, #tpu.memory_space<hbm>>
        %dma_wait3A_539 = arith.constant 0 : i32
        %dma_wait3A_540 = arith.constant 0 : i32
        %dma_wait3A_541 = arith.constant 0 : i32
        %dma_wait3A_542 = tpu.memref_slice %dma_wait3A_538[%add3A_342, %dma_wait3A_539, %dma_wait3A_540, %dma_wait3A_541] : memref<20x4x2x128xi32, #tpu.memory_space<hbm>> -> memref<1x4x2x128xi32, #tpu.memory_space<hbm>>
        %dma_wait3A_543 = tpu.memref_squeeze %dma_wait3A_542 : memref<1x4x2x128xi32, #tpu.memory_space<hbm>> -> memref<4x2x128xi32, #tpu.memory_space<hbm>>
        %dma_wait3A_544 = arith.constant 0 : i32
        %dma_wait3A_545 = arith.constant 0 : i32
        %dma_wait3A_546 = arith.constant 0 : i32
        %dma_wait3A_547 = arith.constant 0 : i32
        %dma_wait3A_548 = tpu.memref_slice %arg3[%add3A, %dma_wait3A_544, %dma_wait3A_545, %dma_wait3A_546, %dma_wait3A_547] : memref<32x20x4x2x128xi32, #tpu.memory_space<hbm>> -> memref<1x20x4x2x128xi32, #tpu.memory_space<hbm>>
        %dma_wait3A_549 = tpu.memref_squeeze %dma_wait3A_548 : memref<1x20x4x2x128xi32, #tpu.memory_space<hbm>> -> memref<20x4x2x128xi32, #tpu.memory_space<hbm>>
        %dma_wait3A_550 = arith.constant 0 : i32
        %dma_wait3A_551 = arith.constant 0 : i32
        %dma_wait3A_552 = arith.constant 0 : i32
        %dma_wait3A_553 = tpu.memref_slice %dma_wait3A_549[%add3A_342, %dma_wait3A_550, %dma_wait3A_551, %dma_wait3A_552] : memref<20x4x2x128xi32, #tpu.memory_space<hbm>> -> memref<1x4x2x128xi32, #tpu.memory_space<hbm>>
        %dma_wait3A_554 = tpu.memref_squeeze %dma_wait3A_553 : memref<1x4x2x128xi32, #tpu.memory_space<hbm>> -> memref<4x2x128xi32, #tpu.memory_space<hbm>>
        tpu.wait_dma2 semaphore(%arg10 : memref<!tpu.dma_semaphore, #tpu.memory_space<semaphore_mem>>) src(%dma_wait3A_554 : memref<4x2x128xi32, #tpu.memory_space<hbm>>) dst(%arg5 : memref<4x2x128xi32, #tpu.memory_space<vmem>>)
        %dma_start3A_555 = arith.constant 0 : i32
        %dma_start3A_556 = arith.constant 0 : i32
        %dma_start3A_557 = arith.constant 0 : i32
        %dma_start3A_558 = arith.constant 0 : i32
        %dma_start3A_559 = tpu.memref_slice %arg5[%dma_start3A_555, %dma_start3A_557, %dma_start3A_558] : memref<4x2x128xi32, #tpu.memory_space<vmem>> -> memref<1x2x128xi32, #tpu.memory_space<vmem>>
        %dma_start3A_560 = tpu.memref_squeeze %dma_start3A_559 : memref<1x2x128xi32, #tpu.memory_space<vmem>> -> memref<2x128xi32, #tpu.memory_space<vmem>>
        %dma_start3A_561 = arith.constant 0 : i32
        %dma_start3A_562 = tpu.memref_slice %dma_start3A_560[%dma_start3A_556, %dma_start3A_561] : memref<2x128xi32, #tpu.memory_space<vmem>> -> memref<1x128xi32, #tpu.memory_space<vmem>>
        %dma_start3A_563 = tpu.memref_squeeze %dma_start3A_562 : memref<1x128xi32, #tpu.memory_space<vmem>> -> memref<128xi32, #tpu.memory_space<vmem>>
        %dma_start3A_564 = arith.constant 0 : i32
        %dma_start3A_565 = arith.constant 0 : i32
        %dma_start3A_566 = tpu.memref_slice %arg2[%dma_start3A_564, %dma_start3A_565] : memref<10240x128xf32, #tpu.memory_space<hbm>> -> memref<10240x128xf32, #tpu.memory_space<hbm>>
        tpu.enqueue_indirect_dma source(%dma_start3A_566 : memref<10240x128xf32, #tpu.memory_space<hbm>>) target(%arg7 : memref<128x128xf32, #tpu.memory_space<vmem>>) offsets(%dma_start3A_563 : memref<128xi32, #tpu.memory_space<vmem>>) semaphore(%arg12 : memref<!tpu.dma_semaphore, #tpu.memory_space<semaphore_mem>>)
      } else {
      }
    }
    %scan3A_79 = arith.constant 10 : i32
    %dma_wait3A_80 = arith.constant 3 : i32
    %dma_wait3A_81 = arith.constant 1 : i32
    %dma_wait3A_82 = arith.constant 0 : i32
    %dma_wait3A_83 = arith.constant 0 : i32
    %dma_wait3A_84 = tpu.memref_slice %arg6[%dma_wait3A_80, %dma_wait3A_82, %dma_wait3A_83] : memref<4x2x128xi32, #tpu.memory_space<vmem>> -> memref<1x2x128xi32, #tpu.memory_space<vmem>>
    %dma_wait3A_85 = tpu.memref_squeeze %dma_wait3A_84 : memref<1x2x128xi32, #tpu.memory_space<vmem>> -> memref<2x128xi32, #tpu.memory_space<vmem>>
    %dma_wait3A_86 = arith.constant 0 : i32
    %dma_wait3A_87 = tpu.memref_slice %dma_wait3A_85[%dma_wait3A_81, %dma_wait3A_86] : memref<2x128xi32, #tpu.memory_space<vmem>> -> memref<1x128xi32, #tpu.memory_space<vmem>>
    %dma_wait3A_88 = tpu.memref_squeeze %dma_wait3A_87 : memref<1x128xi32, #tpu.memory_space<vmem>> -> memref<128xi32, #tpu.memory_space<vmem>>
    %dma_wait3A_89 = arith.constant 0 : i32
    %dma_wait3A_90 = arith.constant 0 : i32
    %dma_wait3A_91 = tpu.memref_slice %arg9[%dma_wait3A_89, %dma_wait3A_90] : memref<10240x128xf32, #tpu.memory_space<vmem_shared>> -> memref<10240x128xf32, #tpu.memory_space<vmem_shared>>
    tpu.wait_indirect_dma semaphore(%arg15 : memref<!tpu.dma_semaphore, #tpu.memory_space<semaphore_mem>>) src(%arg8 : memref<128x128xf32, #tpu.memory_space<vmem>>) dst(%dma_wait3A_91 : memref<10240x128xf32, #tpu.memory_space<vmem_shared>>)
    %barrier3A_92 = arith.constant 0 : index
    tpu.barrier barrier_id(%barrier3A_92)
    %add3A_93 = arith.constant 0 : i32
    %add3A_94 = arith.addi %mul3A_2, %add3A_93 : i32
    "tpu.region"() ({
      %run_scoped3A = tpu.sem_alloc : memref<!tpu.dma_semaphore, #tpu.memory_space<semaphore_mem>>
      %dma_start3A_103 = arith.constant 0 : i32
      %dma_start3A_104 = tpu.memref_slice %arg9[%add3A_94, %dma_start3A_103] : memref<10240x128xf32, #tpu.memory_space<vmem_shared>> -> memref<128x128xf32, #tpu.memory_space<vmem_shared>>
      %dma_start3A_105 = arith.constant 0 : i32
      %dma_start3A_106 = tpu.memref_slice %arg9[%add3A_94, %dma_start3A_105] : memref<10240x128xf32, #tpu.memory_space<vmem_shared>> -> memref<128x128xf32, #tpu.memory_space<vmem_shared>>
      tpu.enqueue_dma source(%dma_start3A_106 : memref<128x128xf32, #tpu.memory_space<vmem_shared>>) target(%arg7 : memref<128x128xf32, #tpu.memory_space<vmem>>) target_semaphore(%run_scoped3A : memref<!tpu.dma_semaphore, #tpu.memory_space<semaphore_mem>>)
      %dma_wait3A_107 = arith.constant 0 : i32
      %dma_wait3A_108 = tpu.memref_slice %arg9[%add3A_94, %dma_wait3A_107] : memref<10240x128xf32, #tpu.memory_space<vmem_shared>> -> memref<128x128xf32, #tpu.memory_space<vmem_shared>>
      %dma_wait3A_109 = arith.constant 0 : i32
      %dma_wait3A_110 = tpu.memref_slice %arg9[%add3A_94, %dma_wait3A_109] : memref<10240x128xf32, #tpu.memory_space<vmem_shared>> -> memref<128x128xf32, #tpu.memory_space<vmem_shared>>
      tpu.wait_dma2 semaphore(%run_scoped3A : memref<!tpu.dma_semaphore, #tpu.memory_space<semaphore_mem>>) src(%dma_wait3A_110 : memref<128x128xf32, #tpu.memory_space<vmem_shared>>) dst(%arg7 : memref<128x128xf32, #tpu.memory_space<vmem>>)
      tpu.yield
    }) : () -> ()
    "tpu.region"() ({
      %run_scoped3A = tpu.sem_alloc : memref<!tpu.dma_semaphore, #tpu.memory_space<semaphore_mem>>
      %dma_start3A_103 = arith.constant 0 : i32
      %dma_start3A_104 = arith.constant 0 : i32
      %dma_start3A_105 = tpu.memref_slice %arg4[%arg0, %dma_start3A_103, %dma_start3A_104] : memref<2x10240x128xf32, #tpu.memory_space<hbm>> -> memref<1x10240x128xf32, #tpu.memory_space<hbm>>
      %dma_start3A_106 = tpu.memref_squeeze %dma_start3A_105 : memref<1x10240x128xf32, #tpu.memory_space<hbm>> -> memref<10240x128xf32, #tpu.memory_space<hbm>>
      %dma_start3A_107 = arith.constant 0 : i32
      %dma_start3A_108 = tpu.memref_slice %dma_start3A_106[%add3A_94, %dma_start3A_107] : memref<10240x128xf32, #tpu.memory_space<hbm>> -> memref<128x128xf32, #tpu.memory_space<hbm>>
      %dma_start3A_109 = arith.constant 0 : i32
      %dma_start3A_110 = arith.constant 0 : i32
      %dma_start3A_111 = tpu.memref_slice %arg4[%arg0, %dma_start3A_109, %dma_start3A_110] : memref<2x10240x128xf32, #tpu.memory_space<hbm>> -> memref<1x10240x128xf32, #tpu.memory_space<hbm>>
      %dma_start3A_112 = tpu.memref_squeeze %dma_start3A_111 : memref<1x10240x128xf32, #tpu.memory_space<hbm>> -> memref<10240x128xf32, #tpu.memory_space<hbm>>
      %dma_start3A_113 = arith.constant 0 : i32
      %dma_start3A_114 = tpu.memref_slice %dma_start3A_112[%add3A_94, %dma_start3A_113] : memref<10240x128xf32, #tpu.memory_space<hbm>> -> memref<128x128xf32, #tpu.memory_space<hbm>>
      tpu.enqueue_dma source(%arg7 : memref<128x128xf32, #tpu.memory_space<vmem>>) target(%dma_start3A_114 : memref<128x128xf32, #tpu.memory_space<hbm>>) target_semaphore(%run_scoped3A : memref<!tpu.dma_semaphore, #tpu.memory_space<semaphore_mem>>)
      %dma_wait3A_115 = arith.constant 0 : i32
      %dma_wait3A_116 = arith.constant 0 : i32
      %dma_wait3A_117 = tpu.memref_slice %arg4[%arg0, %dma_wait3A_115, %dma_wait3A_116] : memref<2x10240x128xf32, #tpu.memory_space<hbm>> -> memref<1x10240x128xf32, #tpu.memory_space<hbm>>
      %dma_wait3A_118 = tpu.memref_squeeze %dma_wait3A_117 : memref<1x10240x128xf32, #tpu.memory_space<hbm>> -> memref<10240x128xf32, #tpu.memory_space<hbm>>
      %dma_wait3A_119 = arith.constant 0 : i32
      %dma_wait3A_120 = tpu.memref_slice %dma_wait3A_118[%add3A_94, %dma_wait3A_119] : memref<10240x128xf32, #tpu.memory_space<hbm>> -> memref<128x128xf32, #tpu.memory_space<hbm>>
      %dma_wait3A_121 = arith.constant 0 : i32
      %dma_wait3A_122 = arith.constant 0 : i32
      %dma_wait3A_123 = tpu.memref_slice %arg4[%arg0, %dma_wait3A_121, %dma_wait3A_122] : memref<2x10240x128xf32, #tpu.memory_space<hbm>> -> memref<1x10240x128xf32, #tpu.memory_space<hbm>>
      %dma_wait3A_124 = tpu.memref_squeeze %dma_wait3A_123 : memref<1x10240x128xf32, #tpu.memory_space<hbm>> -> memref<10240x128xf32, #tpu.memory_space<hbm>>
      %dma_wait3A_125 = arith.constant 0 : i32
      %dma_wait3A_126 = tpu.memref_slice %dma_wait3A_124[%add3A_94, %dma_wait3A_125] : memref<10240x128xf32, #tpu.memory_space<hbm>> -> memref<128x128xf32, #tpu.memory_space<hbm>>
      tpu.wait_dma2 semaphore(%run_scoped3A : memref<!tpu.dma_semaphore, #tpu.memory_space<semaphore_mem>>) src(%arg7 : memref<128x128xf32, #tpu.memory_space<vmem>>) dst(%dma_wait3A_126 : memref<128x128xf32, #tpu.memory_space<hbm>>)
      tpu.yield
    }) : () -> ()
    %add3A_95 = arith.constant 128 : i32
    %add3A_96 = arith.addi %mul3A_2, %add3A_95 : i32
    "tpu.region"() ({
      %run_scoped3A = tpu.sem_alloc : memref<!tpu.dma_semaphore, #tpu.memory_space<semaphore_mem>>
      %dma_start3A_103 = arith.constant 0 : i32
      %dma_start3A_104 = tpu.memref_slice %arg9[%add3A_96, %dma_start3A_103] : memref<10240x128xf32, #tpu.memory_space<vmem_shared>> -> memref<128x128xf32, #tpu.memory_space<vmem_shared>>
      %dma_start3A_105 = arith.constant 0 : i32
      %dma_start3A_106 = tpu.memref_slice %arg9[%add3A_96, %dma_start3A_105] : memref<10240x128xf32, #tpu.memory_space<vmem_shared>> -> memref<128x128xf32, #tpu.memory_space<vmem_shared>>
      tpu.enqueue_dma source(%dma_start3A_106 : memref<128x128xf32, #tpu.memory_space<vmem_shared>>) target(%arg7 : memref<128x128xf32, #tpu.memory_space<vmem>>) target_semaphore(%run_scoped3A : memref<!tpu.dma_semaphore, #tpu.memory_space<semaphore_mem>>)
      %dma_wait3A_107 = arith.constant 0 : i32
      %dma_wait3A_108 = tpu.memref_slice %arg9[%add3A_96, %dma_wait3A_107] : memref<10240x128xf32, #tpu.memory_space<vmem_shared>> -> memref<128x128xf32, #tpu.memory_space<vmem_shared>>
      %dma_wait3A_109 = arith.constant 0 : i32
      %dma_wait3A_110 = tpu.memref_slice %arg9[%add3A_96, %dma_wait3A_109] : memref<10240x128xf32, #tpu.memory_space<vmem_shared>> -> memref<128x128xf32, #tpu.memory_space<vmem_shared>>
      tpu.wait_dma2 semaphore(%run_scoped3A : memref<!tpu.dma_semaphore, #tpu.memory_space<semaphore_mem>>) src(%dma_wait3A_110 : memref<128x128xf32, #tpu.memory_space<vmem_shared>>) dst(%arg7 : memref<128x128xf32, #tpu.memory_space<vmem>>)
      tpu.yield
    }) : () -> ()
    "tpu.region"() ({
      %run_scoped3A = tpu.sem_alloc : memref<!tpu.dma_semaphore, #tpu.memory_space<semaphore_mem>>
      %dma_start3A_103 = arith.constant 0 : i32
      %dma_start3A_104 = arith.constant 0 : i32
      %dma_start3A_105 = tpu.memref_slice %arg4[%arg0, %dma_start3A_103, %dma_start3A_104] : memref<2x10240x128xf32, #tpu.memory_space<hbm>> -> memref<1x10240x128xf32, #tpu.memory_space<hbm>>
      %dma_start3A_106 = tpu.memref_squeeze %dma_start3A_105 : memref<1x10240x128xf32, #tpu.memory_space<hbm>> -> memref<10240x128xf32, #tpu.memory_space<hbm>>
      %dma_start3A_107 = arith.constant 0 : i32
      %dma_start3A_108 = tpu.memref_slice %dma_start3A_106[%add3A_96, %dma_start3A_107] : memref<10240x128xf32, #tpu.memory_space<hbm>> -> memref<128x128xf32, #tpu.memory_space<hbm>>
      %dma_start3A_109 = arith.constant 0 : i32
      %dma_start3A_110 = arith.constant 0 : i32
      %dma_start3A_111 = tpu.memref_slice %arg4[%arg0, %dma_start3A_109, %dma_start3A_110] : memref<2x10240x128xf32, #tpu.memory_space<hbm>> -> memref<1x10240x128xf32, #tpu.memory_space<hbm>>
      %dma_start3A_112 = tpu.memref_squeeze %dma_start3A_111 : memref<1x10240x128xf32, #tpu.memory_space<hbm>> -> memref<10240x128xf32, #tpu.memory_space<hbm>>
      %dma_start3A_113 = arith.constant 0 : i32
      %dma_start3A_114 = tpu.memref_slice %dma_start3A_112[%add3A_96, %dma_start3A_113] : memref<10240x128xf32, #tpu.memory_space<hbm>> -> memref<128x128xf32, #tpu.memory_space<hbm>>
      tpu.enqueue_dma source(%arg7 : memref<128x128xf32, #tpu.memory_space<vmem>>) target(%dma_start3A_114 : memref<128x128xf32, #tpu.memory_space<hbm>>) target_semaphore(%run_scoped3A : memref<!tpu.dma_semaphore, #tpu.memory_space<semaphore_mem>>)
      %dma_wait3A_115 = arith.constant 0 : i32
      %dma_wait3A_116 = arith.constant 0 : i32
      %dma_wait3A_117 = tpu.memref_slice %arg4[%arg0, %dma_wait3A_115, %dma_wait3A_116] : memref<2x10240x128xf32, #tpu.memory_space<hbm>> -> memref<1x10240x128xf32, #tpu.memory_space<hbm>>
      %dma_wait3A_118 = tpu.memref_squeeze %dma_wait3A_117 : memref<1x10240x128xf32, #tpu.memory_space<hbm>> -> memref<10240x128xf32, #tpu.memory_space<hbm>>
      %dma_wait3A_119 = arith.constant 0 : i32
      %dma_wait3A_120 = tpu.memref_slice %dma_wait3A_118[%add3A_96, %dma_wait3A_119] : memref<10240x128xf32, #tpu.memory_space<hbm>> -> memref<128x128xf32, #tpu.memory_space<hbm>>
      %dma_wait3A_121 = arith.constant 0 : i32
      %dma_wait3A_122 = arith.constant 0 : i32
      %dma_wait3A_123 = tpu.memref_slice %arg4[%arg0, %dma_wait3A_121, %dma_wait3A_122] : memref<2x10240x128xf32, #tpu.memory_space<hbm>> -> memref<1x10240x128xf32, #tpu.memory_space<hbm>>
      %dma_wait3A_124 = tpu.memref_squeeze %dma_wait3A_123 : memref<1x10240x128xf32, #tpu.memory_space<hbm>> -> memref<10240x128xf32, #tpu.memory_space<hbm>>
      %dma_wait3A_125 = arith.constant 0 : i32
      %dma_wait3A_126 = tpu.memref_slice %dma_wait3A_124[%add3A_96, %dma_wait3A_125] : memref<10240x128xf32, #tpu.memory_space<hbm>> -> memref<128x128xf32, #tpu.memory_space<hbm>>
      tpu.wait_dma2 semaphore(%run_scoped3A : memref<!tpu.dma_semaphore, #tpu.memory_space<semaphore_mem>>) src(%arg7 : memref<128x128xf32, #tpu.memory_space<vmem>>) dst(%dma_wait3A_126 : memref<128x128xf32, #tpu.memory_space<hbm>>)
      tpu.yield
    }) : () -> ()
    %add3A_97 = arith.constant 256 : i32
    %add3A_98 = arith.addi %mul3A_2, %add3A_97 : i32
    "tpu.region"() ({
      %run_scoped3A = tpu.sem_alloc : memref<!tpu.dma_semaphore, #tpu.memory_space<semaphore_mem>>
      %dma_start3A_103 = arith.constant 0 : i32
      %dma_start3A_104 = tpu.memref_slice %arg9[%add3A_98, %dma_start3A_103] : memref<10240x128xf32, #tpu.memory_space<vmem_shared>> -> memref<128x128xf32, #tpu.memory_space<vmem_shared>>
      %dma_start3A_105 = arith.constant 0 : i32
      %dma_start3A_106 = tpu.memref_slice %arg9[%add3A_98, %dma_start3A_105] : memref<10240x128xf32, #tpu.memory_space<vmem_shared>> -> memref<128x128xf32, #tpu.memory_space<vmem_shared>>
      tpu.enqueue_dma source(%dma_start3A_106 : memref<128x128xf32, #tpu.memory_space<vmem_shared>>) target(%arg7 : memref<128x128xf32, #tpu.memory_space<vmem>>) target_semaphore(%run_scoped3A : memref<!tpu.dma_semaphore, #tpu.memory_space<semaphore_mem>>)
      %dma_wait3A_107 = arith.constant 0 : i32
      %dma_wait3A_108 = tpu.memref_slice %arg9[%add3A_98, %dma_wait3A_107] : memref<10240x128xf32, #tpu.memory_space<vmem_shared>> -> memref<128x128xf32, #tpu.memory_space<vmem_shared>>
      %dma_wait3A_109 = arith.constant 0 : i32
      %dma_wait3A_110 = tpu.memref_slice %arg9[%add3A_98, %dma_wait3A_109] : memref<10240x128xf32, #tpu.memory_space<vmem_shared>> -> memref<128x128xf32, #tpu.memory_space<vmem_shared>>
      tpu.wait_dma2 semaphore(%run_scoped3A : memref<!tpu.dma_semaphore, #tpu.memory_space<semaphore_mem>>) src(%dma_wait3A_110 : memref<128x128xf32, #tpu.memory_space<vmem_shared>>) dst(%arg7 : memref<128x128xf32, #tpu.memory_space<vmem>>)
      tpu.yield
    }) : () -> ()
    "tpu.region"() ({
      %run_scoped3A = tpu.sem_alloc : memref<!tpu.dma_semaphore, #tpu.memory_space<semaphore_mem>>
      %dma_start3A_103 = arith.constant 0 : i32
      %dma_start3A_104 = arith.constant 0 : i32
      %dma_start3A_105 = tpu.memref_slice %arg4[%arg0, %dma_start3A_103, %dma_start3A_104] : memref<2x10240x128xf32, #tpu.memory_space<hbm>> -> memref<1x10240x128xf32, #tpu.memory_space<hbm>>
      %dma_start3A_106 = tpu.memref_squeeze %dma_start3A_105 : memref<1x10240x128xf32, #tpu.memory_space<hbm>> -> memref<10240x128xf32, #tpu.memory_space<hbm>>
      %dma_start3A_107 = arith.constant 0 : i32
      %dma_start3A_108 = tpu.memref_slice %dma_start3A_106[%add3A_98, %dma_start3A_107] : memref<10240x128xf32, #tpu.memory_space<hbm>> -> memref<128x128xf32, #tpu.memory_space<hbm>>
      %dma_start3A_109 = arith.constant 0 : i32
      %dma_start3A_110 = arith.constant 0 : i32
      %dma_start3A_111 = tpu.memref_slice %arg4[%arg0, %dma_start3A_109, %dma_start3A_110] : memref<2x10240x128xf32, #tpu.memory_space<hbm>> -> memref<1x10240x128xf32, #tpu.memory_space<hbm>>
      %dma_start3A_112 = tpu.memref_squeeze %dma_start3A_111 : memref<1x10240x128xf32, #tpu.memory_space<hbm>> -> memref<10240x128xf32, #tpu.memory_space<hbm>>
      %dma_start3A_113 = arith.constant 0 : i32
      %dma_start3A_114 = tpu.memref_slice %dma_start3A_112[%add3A_98, %dma_start3A_113] : memref<10240x128xf32, #tpu.memory_space<hbm>> -> memref<128x128xf32, #tpu.memory_space<hbm>>
      tpu.enqueue_dma source(%arg7 : memref<128x128xf32, #tpu.memory_space<vmem>>) target(%dma_start3A_114 : memref<128x128xf32, #tpu.memory_space<hbm>>) target_semaphore(%run_scoped3A : memref<!tpu.dma_semaphore, #tpu.memory_space<semaphore_mem>>)
      %dma_wait3A_115 = arith.constant 0 : i32
      %dma_wait3A_116 = arith.constant 0 : i32
      %dma_wait3A_117 = tpu.memref_slice %arg4[%arg0, %dma_wait3A_115, %dma_wait3A_116] : memref<2x10240x128xf32, #tpu.memory_space<hbm>> -> memref<1x10240x128xf32, #tpu.memory_space<hbm>>
      %dma_wait3A_118 = tpu.memref_squeeze %dma_wait3A_117 : memref<1x10240x128xf32, #tpu.memory_space<hbm>> -> memref<10240x128xf32, #tpu.memory_space<hbm>>
      %dma_wait3A_119 = arith.constant 0 : i32
      %dma_wait3A_120 = tpu.memref_slice %dma_wait3A_118[%add3A_98, %dma_wait3A_119] : memref<10240x128xf32, #tpu.memory_space<hbm>> -> memref<128x128xf32, #tpu.memory_space<hbm>>
      %dma_wait3A_121 = arith.constant 0 : i32
      %dma_wait3A_122 = arith.constant 0 : i32
      %dma_wait3A_123 = tpu.memref_slice %arg4[%arg0, %dma_wait3A_121, %dma_wait3A_122] : memref<2x10240x128xf32, #tpu.memory_space<hbm>> -> memref<1x10240x128xf32, #tpu.memory_space<hbm>>
      %dma_wait3A_124 = tpu.memref_squeeze %dma_wait3A_123 : memref<1x10240x128xf32, #tpu.memory_space<hbm>> -> memref<10240x128xf32, #tpu.memory_space<hbm>>
      %dma_wait3A_125 = arith.constant 0 : i32
      %dma_wait3A_126 = tpu.memref_slice %dma_wait3A_124[%add3A_98, %dma_wait3A_125] : memref<10240x128xf32, #tpu.memory_space<hbm>> -> memref<128x128xf32, #tpu.memory_space<hbm>>
      tpu.wait_dma2 semaphore(%run_scoped3A : memref<!tpu.dma_semaphore, #tpu.memory_space<semaphore_mem>>) src(%arg7 : memref<128x128xf32, #tpu.memory_space<vmem>>) dst(%dma_wait3A_126 : memref<128x128xf32, #tpu.memory_space<hbm>>)
      tpu.yield
    }) : () -> ()
    %add3A_99 = arith.constant 384 : i32
    %add3A_100 = arith.addi %mul3A_2, %add3A_99 : i32
    "tpu.region"() ({
      %run_scoped3A = tpu.sem_alloc : memref<!tpu.dma_semaphore, #tpu.memory_space<semaphore_mem>>
      %dma_start3A_103 = arith.constant 0 : i32
      %dma_start3A_104 = tpu.memref_slice %arg9[%add3A_100, %dma_start3A_103] : memref<10240x128xf32, #tpu.memory_space<vmem_shared>> -> memref<128x128xf32, #tpu.memory_space<vmem_shared>>
      %dma_start3A_105 = arith.constant 0 : i32
      %dma_start3A_106 = tpu.memref_slice %arg9[%add3A_100, %dma_start3A_105] : memref<10240x128xf32, #tpu.memory_space<vmem_shared>> -> memref<128x128xf32, #tpu.memory_space<vmem_shared>>
      tpu.enqueue_dma source(%dma_start3A_106 : memref<128x128xf32, #tpu.memory_space<vmem_shared>>) target(%arg7 : memref<128x128xf32, #tpu.memory_space<vmem>>) target_semaphore(%run_scoped3A : memref<!tpu.dma_semaphore, #tpu.memory_space<semaphore_mem>>)
      %dma_wait3A_107 = arith.constant 0 : i32
      %dma_wait3A_108 = tpu.memref_slice %arg9[%add3A_100, %dma_wait3A_107] : memref<10240x128xf32, #tpu.memory_space<vmem_shared>> -> memref<128x128xf32, #tpu.memory_space<vmem_shared>>
      %dma_wait3A_109 = arith.constant 0 : i32
      %dma_wait3A_110 = tpu.memref_slice %arg9[%add3A_100, %dma_wait3A_109] : memref<10240x128xf32, #tpu.memory_space<vmem_shared>> -> memref<128x128xf32, #tpu.memory_space<vmem_shared>>
      tpu.wait_dma2 semaphore(%run_scoped3A : memref<!tpu.dma_semaphore, #tpu.memory_space<semaphore_mem>>) src(%dma_wait3A_110 : memref<128x128xf32, #tpu.memory_space<vmem_shared>>) dst(%arg7 : memref<128x128xf32, #tpu.memory_space<vmem>>)
      tpu.yield
    }) : () -> ()
    "tpu.region"() ({
      %run_scoped3A = tpu.sem_alloc : memref<!tpu.dma_semaphore, #tpu.memory_space<semaphore_mem>>
      %dma_start3A_103 = arith.constant 0 : i32
      %dma_start3A_104 = arith.constant 0 : i32
      %dma_start3A_105 = tpu.memref_slice %arg4[%arg0, %dma_start3A_103, %dma_start3A_104] : memref<2x10240x128xf32, #tpu.memory_space<hbm>> -> memref<1x10240x128xf32, #tpu.memory_space<hbm>>
      %dma_start3A_106 = tpu.memref_squeeze %dma_start3A_105 : memref<1x10240x128xf32, #tpu.memory_space<hbm>> -> memref<10240x128xf32, #tpu.memory_space<hbm>>
      %dma_start3A_107 = arith.constant 0 : i32
      %dma_start3A_108 = tpu.memref_slice %dma_start3A_106[%add3A_100, %dma_start3A_107] : memref<10240x128xf32, #tpu.memory_space<hbm>> -> memref<128x128xf32, #tpu.memory_space<hbm>>
      %dma_start3A_109 = arith.constant 0 : i32
      %dma_start3A_110 = arith.constant 0 : i32
      %dma_start3A_111 = tpu.memref_slice %arg4[%arg0, %dma_start3A_109, %dma_start3A_110] : memref<2x10240x128xf32, #tpu.memory_space<hbm>> -> memref<1x10240x128xf32, #tpu.memory_space<hbm>>
      %dma_start3A_112 = tpu.memref_squeeze %dma_start3A_111 : memref<1x10240x128xf32, #tpu.memory_space<hbm>> -> memref<10240x128xf32, #tpu.memory_space<hbm>>
      %dma_start3A_113 = arith.constant 0 : i32
      %dma_start3A_114 = tpu.memref_slice %dma_start3A_112[%add3A_100, %dma_start3A_113] : memref<10240x128xf32, #tpu.memory_space<hbm>> -> memref<128x128xf32, #tpu.memory_space<hbm>>
      tpu.enqueue_dma source(%arg7 : memref<128x128xf32, #tpu.memory_space<vmem>>) target(%dma_start3A_114 : memref<128x128xf32, #tpu.memory_space<hbm>>) target_semaphore(%run_scoped3A : memref<!tpu.dma_semaphore, #tpu.memory_space<semaphore_mem>>)
      %dma_wait3A_115 = arith.constant 0 : i32
      %dma_wait3A_116 = arith.constant 0 : i32
      %dma_wait3A_117 = tpu.memref_slice %arg4[%arg0, %dma_wait3A_115, %dma_wait3A_116] : memref<2x10240x128xf32, #tpu.memory_space<hbm>> -> memref<1x10240x128xf32, #tpu.memory_space<hbm>>
      %dma_wait3A_118 = tpu.memref_squeeze %dma_wait3A_117 : memref<1x10240x128xf32, #tpu.memory_space<hbm>> -> memref<10240x128xf32, #tpu.memory_space<hbm>>
      %dma_wait3A_119 = arith.constant 0 : i32
      %dma_wait3A_120 = tpu.memref_slice %dma_wait3A_118[%add3A_100, %dma_wait3A_119] : memref<10240x128xf32, #tpu.memory_space<hbm>> -> memref<128x128xf32, #tpu.memory_space<hbm>>
      %dma_wait3A_121 = arith.constant 0 : i32
      %dma_wait3A_122 = arith.constant 0 : i32
      %dma_wait3A_123 = tpu.memref_slice %arg4[%arg0, %dma_wait3A_121, %dma_wait3A_122] : memref<2x10240x128xf32, #tpu.memory_space<hbm>> -> memref<1x10240x128xf32, #tpu.memory_space<hbm>>
      %dma_wait3A_124 = tpu.memref_squeeze %dma_wait3A_123 : memref<1x10240x128xf32, #tpu.memory_space<hbm>> -> memref<10240x128xf32, #tpu.memory_space<hbm>>
      %dma_wait3A_125 = arith.constant 0 : i32
      %dma_wait3A_126 = tpu.memref_slice %dma_wait3A_124[%add3A_100, %dma_wait3A_125] : memref<10240x128xf32, #tpu.memory_space<hbm>> -> memref<128x128xf32, #tpu.memory_space<hbm>>
      tpu.wait_dma2 semaphore(%run_scoped3A : memref<!tpu.dma_semaphore, #tpu.memory_space<semaphore_mem>>) src(%arg7 : memref<128x128xf32, #tpu.memory_space<vmem>>) dst(%dma_wait3A_126 : memref<128x128xf32, #tpu.memory_space<hbm>>)
      tpu.yield
    }) : () -> ()
    %add3A_101 = arith.constant 512 : i32
    %add3A_102 = arith.addi %mul3A_2, %add3A_101 : i32
    "tpu.region"() ({
      %run_scoped3A = tpu.sem_alloc : memref<!tpu.dma_semaphore, #tpu.memory_space<semaphore_mem>>
      %dma_start3A_103 = arith.constant 0 : i32
      %dma_start3A_104 = tpu.memref_slice %arg9[%add3A_102, %dma_start3A_103] : memref<10240x128xf32, #tpu.memory_space<vmem_shared>> -> memref<128x128xf32, #tpu.memory_space<vmem_shared>>
      %dma_start3A_105 = arith.constant 0 : i32
      %dma_start3A_106 = tpu.memref_slice %arg9[%add3A_102, %dma_start3A_105] : memref<10240x128xf32, #tpu.memory_space<vmem_shared>> -> memref<128x128xf32, #tpu.memory_space<vmem_shared>>
      tpu.enqueue_dma source(%dma_start3A_106 : memref<128x128xf32, #tpu.memory_space<vmem_shared>>) target(%arg7 : memref<128x128xf32, #tpu.memory_space<vmem>>) target_semaphore(%run_scoped3A : memref<!tpu.dma_semaphore, #tpu.memory_space<semaphore_mem>>)
      %dma_wait3A_107 = arith.constant 0 : i32
      %dma_wait3A_108 = tpu.memref_slice %arg9[%add3A_102, %dma_wait3A_107] : memref<10240x128xf32, #tpu.memory_space<vmem_shared>> -> memref<128x128xf32, #tpu.memory_space<vmem_shared>>
      %dma_wait3A_109 = arith.constant 0 : i32
      %dma_wait3A_110 = tpu.memref_slice %arg9[%add3A_102, %dma_wait3A_109] : memref<10240x128xf32, #tpu.memory_space<vmem_shared>> -> memref<128x128xf32, #tpu.memory_space<vmem_shared>>
      tpu.wait_dma2 semaphore(%run_scoped3A : memref<!tpu.dma_semaphore, #tpu.memory_space<semaphore_mem>>) src(%dma_wait3A_110 : memref<128x128xf32, #tpu.memory_space<vmem_shared>>) dst(%arg7 : memref<128x128xf32, #tpu.memory_space<vmem>>)
      tpu.yield
    }) : () -> ()
    "tpu.region"() ({
      %run_scoped3A = tpu.sem_alloc : memref<!tpu.dma_semaphore, #tpu.memory_space<semaphore_mem>>
      %dma_start3A_103 = arith.constant 0 : i32
      %dma_start3A_104 = arith.constant 0 : i32
      %dma_start3A_105 = tpu.memref_slice %arg4[%arg0, %dma_start3A_103, %dma_start3A_104] : memref<2x10240x128xf32, #tpu.memory_space<hbm>> -> memref<1x10240x128xf32, #tpu.memory_space<hbm>>
      %dma_start3A_106 = tpu.memref_squeeze %dma_start3A_105 : memref<1x10240x128xf32, #tpu.memory_space<hbm>> -> memref<10240x128xf32, #tpu.memory_space<hbm>>
      %dma_start3A_107 = arith.constant 0 : i32
      %dma_start3A_108 = tpu.memref_slice %dma_start3A_106[%add3A_102, %dma_start3A_107] : memref<10240x128xf32, #tpu.memory_space<hbm>> -> memref<128x128xf32, #tpu.memory_space<hbm>>
      %dma_start3A_109 = arith.constant 0 : i32
      %dma_start3A_110 = arith.constant 0 : i32
      %dma_start3A_111 = tpu.memref_slice %arg4[%arg0, %dma_start3A_109, %dma_start3A_110] : memref<2x10240x128xf32, #tpu.memory_space<hbm>> -> memref<1x10240x128xf32, #tpu.memory_space<hbm>>
      %dma_start3A_112 = tpu.memref_squeeze %dma_start3A_111 : memref<1x10240x128xf32, #tpu.memory_space<hbm>> -> memref<10240x128xf32, #tpu.memory_space<hbm>>
      %dma_start3A_113 = arith.constant 0 : i32
      %dma_start3A_114 = tpu.memref_slice %dma_start3A_112[%add3A_102, %dma_start3A_113] : memref<10240x128xf32, #tpu.memory_space<hbm>> -> memref<128x128xf32, #tpu.memory_space<hbm>>
      tpu.enqueue_dma source(%arg7 : memref<128x128xf32, #tpu.memory_space<vmem>>) target(%dma_start3A_114 : memref<128x128xf32, #tpu.memory_space<hbm>>) target_semaphore(%run_scoped3A : memref<!tpu.dma_semaphore, #tpu.memory_space<semaphore_mem>>)
      %dma_wait3A_115 = arith.constant 0 : i32
      %dma_wait3A_116 = arith.constant 0 : i32
      %dma_wait3A_117 = tpu.memref_slice %arg4[%arg0, %dma_wait3A_115, %dma_wait3A_116] : memref<2x10240x128xf32, #tpu.memory_space<hbm>> -> memref<1x10240x128xf32, #tpu.memory_space<hbm>>
      %dma_wait3A_118 = tpu.memref_squeeze %dma_wait3A_117 : memref<1x10240x128xf32, #tpu.memory_space<hbm>> -> memref<10240x128xf32, #tpu.memory_space<hbm>>
      %dma_wait3A_119 = arith.constant 0 : i32
      %dma_wait3A_120 = tpu.memref_slice %dma_wait3A_118[%add3A_102, %dma_wait3A_119] : memref<10240x128xf32, #tpu.memory_space<hbm>> -> memref<128x128xf32, #tpu.memory_space<hbm>>
      %dma_wait3A_121 = arith.constant 0 : i32
      %dma_wait3A_122 = arith.constant 0 : i32
      %dma_wait3A_123 = tpu.memref_slice %arg4[%arg0, %dma_wait3A_121, %dma_wait3A_122] : memref<2x10240x128xf32, #tpu.memory_space<hbm>> -> memref<1x10240x128xf32, #tpu.memory_space<hbm>>
      %dma_wait3A_124 = tpu.memref_squeeze %dma_wait3A_123 : memref<1x10240x128xf32, #tpu.memory_space<hbm>> -> memref<10240x128xf32, #tpu.memory_space<hbm>>
      %dma_wait3A_125 = arith.constant 0 : i32
      %dma_wait3A_126 = tpu.memref_slice %dma_wait3A_124[%add3A_102, %dma_wait3A_125] : memref<10240x128xf32, #tpu.memory_space<hbm>> -> memref<128x128xf32, #tpu.memory_space<hbm>>
      tpu.wait_dma2 semaphore(%run_scoped3A : memref<!tpu.dma_semaphore, #tpu.memory_space<semaphore_mem>>) src(%arg7 : memref<128x128xf32, #tpu.memory_space<vmem>>) dst(%dma_wait3A_126 : memref<128x128xf32, #tpu.memory_space<hbm>>)
      tpu.yield
    }) : () -> ()
    return
  }
}

#map = affine_map<(d0, d1) -> (0, 0)>
#map1 = affine_map<(d0, d1) -> (0, 0, 0, 0, 0)>
#map2 = affine_map<(d0, d1) -> (0, 0, 0)>
module attributes {stable_mosaic.version = 14 : i64} {
  func.func @body(%arg0: i32, %arg1: i32, %arg2: memref<10240x128xf32, #tpu.memory_space<hbm>>, %arg3: memref<32x20x4x2x128xi32, #tpu.memory_space<hbm>>, %arg4: memref<2x10240x128xf32, #tpu.memory_space<hbm>>, %arg5: memref<4x2x128xi32, #tpu.memory_space<vmem>>, %arg6: memref<4x2x128xi32, #tpu.memory_space<vmem>>, %arg7: memref<128x128xf32, #tpu.memory_space<vmem>>, %arg8: memref<128x128xf32, #tpu.memory_space<vmem>>, %arg9: memref<10240x128xf32, #tpu.memory_space<vmem_shared>>, %arg10: memref<!tpu.dma_semaphore, #tpu.memory_space<semaphore_mem>>, %arg11: memref<!tpu.dma_semaphore, #tpu.memory_space<semaphore_mem>>, %arg12: memref<!tpu.dma_semaphore, #tpu.memory_space<semaphore_mem>>, %arg13: memref<!tpu.dma_semaphore, #tpu.memory_space<semaphore_mem>>, %arg14: memref<!tpu.dma_semaphore, #tpu.memory_space<semaphore_mem>>, %arg15: memref<!tpu.dma_semaphore, #tpu.memory_space<semaphore_mem>>) attributes {dimension_semantics = [#tpu.dimension_semantics<core_parallel>, #tpu.dimension_semantics<subcore_parallel>], iteration_bounds = array<i64: 2, 16>, scalar_prefetch = 0 : i64, scratch_operands = 11 : i64, tpu.core_type = #tpu.core_type<sc_vector_subcore>, window_params = [{transform_indices = #map}, {transform_indices = #map1}, {transform_indices = #map2}]} {
    %mul3A = arith.constant 16 : i32
    %mul3A_0 = arith.muli %arg0, %mul3A : i32
    %add3A = arith.addi %mul3A_0, %arg1 : i32
    %mul3A_1 = arith.constant 640 : i32
    %mul3A_2 = arith.muli %arg1, %mul3A_1 : i32
    %dma_start3A = arith.constant 0 : i32
    %dma_start3A_3 = arith.constant 0 : i32
    %dma_start3A_4 = arith.constant 0 : i32
    %dma_start3A_5 = arith.constant 0 : i32
    %dma_start3A_6 = arith.constant 0 : i32
    %dma_start3A_7 = tpu.memref_slice %arg3[%add3A, %dma_start3A_3, %dma_start3A_4, %dma_start3A_5, %dma_start3A_6] : memref<32x20x4x2x128xi32, #tpu.memory_space<hbm>> -> memref<1x20x4x2x128xi32, #tpu.memory_space<hbm>>
    %dma_start3A_8 = tpu.memref_squeeze %dma_start3A_7 : memref<1x20x4x2x128xi32, #tpu.memory_space<hbm>> -> memref<20x4x2x128xi32, #tpu.memory_space<hbm>>
    %dma_start3A_9 = arith.constant 0 : i32
    %dma_start3A_10 = arith.constant 0 : i32
    %dma_start3A_11 = arith.constant 0 : i32
    %dma_start3A_12 = tpu.memref_slice %dma_start3A_8[%dma_start3A, %dma_start3A_9, %dma_start3A_10, %dma_start3A_11] : memref<20x4x2x128xi32, #tpu.memory_space<hbm>> -> memref<1x4x2x128xi32, #tpu.memory_space<hbm>>
    %dma_start3A_13 = tpu.memref_squeeze %dma_start3A_12 : memref<1x4x2x128xi32, #tpu.memory_space<hbm>> -> memref<4x2x128xi32, #tpu.memory_space<hbm>>
    %dma_start3A_14 = arith.constant 0 : i32
    %dma_start3A_15 = arith.constant 0 : i32
    %dma_start3A_16 = arith.constant 0 : i32
    %dma_start3A_17 = arith.constant 0 : i32
    %dma_start3A_18 = tpu.memref_slice %arg3[%add3A, %dma_start3A_14, %dma_start3A_15, %dma_start3A_16, %dma_start3A_17] : memref<32x20x4x2x128xi32, #tpu.memory_space<hbm>> -> memref<1x20x4x2x128xi32, #tpu.memory_space<hbm>>
    %dma_start3A_19 = tpu.memref_squeeze %dma_start3A_18 : memref<1x20x4x2x128xi32, #tpu.memory_space<hbm>> -> memref<20x4x2x128xi32, #tpu.memory_space<hbm>>
    %dma_start3A_20 = arith.constant 0 : i32
    %dma_start3A_21 = arith.constant 0 : i32
    %dma_start3A_22 = arith.constant 0 : i32
    %dma_start3A_23 = tpu.memref_slice %dma_start3A_19[%dma_start3A, %dma_start3A_20, %dma_start3A_21, %dma_start3A_22] : memref<20x4x2x128xi32, #tpu.memory_space<hbm>> -> memref<1x4x2x128xi32, #tpu.memory_space<hbm>>
    %dma_start3A_24 = tpu.memref_squeeze %dma_start3A_23 : memref<1x4x2x128xi32, #tpu.memory_space<hbm>> -> memref<4x2x128xi32, #tpu.memory_space<hbm>>
    tpu.enqueue_dma source(%dma_start3A_24 : memref<4x2x128xi32, #tpu.memory_space<hbm>>) target(%arg5 : memref<4x2x128xi32, #tpu.memory_space<vmem>>) target_semaphore(%arg10 : memref<!tpu.dma_semaphore, #tpu.memory_space<semaphore_mem>>)
    %scan3A = arith.constant 0 : i32
    %scan3A_25 = arith.constant 0 : i32
    %scan3A_26 = arith.constant 128 : i32
    %scan3A_27 = arith.addi %scan3A_25, %scan3A_26 : i32
    %scan3A_28 = arith.constant 1 : i32
    scf.for %scan3A_103 = %scan3A_25 to %scan3A_27 step %scan3A_28  : i32 {
      %broadcast_in_dim3A = arith.constant 0.000000e+00 : f32
      %broadcast_in_dim3A_104 = vector.broadcast %broadcast_in_dim3A : f32 to vector<16xf32>
      %swap3A = arith.index_cast %scan3A_103 : i32 to index
      %swap3A_105 = arith.constant 0 : index
      %swap3A_106 = tpu.vector_load %arg7[%swap3A, %swap3A_105] {strides = array<i32>} : memref<128x128xf32, #tpu.memory_space<vmem>>, vector<1x16xf32>,
      %swap3A_107 = vector.shape_cast %swap3A_106 : vector<1x16xf32> to vector<16xf32>
      %swap3A_108 = vector.shape_cast %broadcast_in_dim3A_104 : vector<16xf32> to vector<1x16xf32>
      tpu.vector_store %arg7[%swap3A, %swap3A_105], %swap3A_108 {strides = array<i32>} : memref<128x128xf32, #tpu.memory_space<vmem>>, vector<1x16xf32>,
      %broadcast_in_dim3A_109 = arith.constant 0.000000e+00 : f32
      %broadcast_in_dim3A_110 = vector.broadcast %broadcast_in_dim3A_109 : f32 to vector<16xf32>
      %swap3A_111 = arith.index_cast %scan3A_103 : i32 to index
      %swap3A_112 = arith.constant 16 : index
      %swap3A_113 = tpu.vector_load %arg7[%swap3A_111, %swap3A_112] {strides = array<i32>} : memref<128x128xf32, #tpu.memory_space<vmem>>, vector<1x16xf32>,
      %swap3A_114 = vector.shape_cast %swap3A_113 : vector<1x16xf32> to vector<16xf32>
      %swap3A_115 = vector.shape_cast %broadcast_in_dim3A_110 : vector<16xf32> to vector<1x16xf32>
      tpu.vector_store %arg7[%swap3A_111, %swap3A_112], %swap3A_115 {strides = array<i32>} : memref<128x128xf32, #tpu.memory_space<vmem>>, vector<1x16xf32>,
      %broadcast_in_dim3A_116 = arith.constant 0.000000e+00 : f32
      %broadcast_in_dim3A_117 = vector.broadcast %broadcast_in_dim3A_116 : f32 to vector<16xf32>
      %swap3A_118 = arith.index_cast %scan3A_103 : i32 to index
      %swap3A_119 = arith.constant 32 : index
      %swap3A_120 = tpu.vector_load %arg7[%swap3A_118, %swap3A_119] {strides = array<i32>} : memref<128x128xf32, #tpu.memory_space<vmem>>, vector<1x16xf32>,
      %swap3A_121 = vector.shape_cast %swap3A_120 : vector<1x16xf32> to vector<16xf32>
      %swap3A_122 = vector.shape_cast %broadcast_in_dim3A_117 : vector<16xf32> to vector<1x16xf32>
      tpu.vector_store %arg7[%swap3A_118, %swap3A_119], %swap3A_122 {strides = array<i32>} : memref<128x128xf32, #tpu.memory_space<vmem>>, vector<1x16xf32>,
      %broadcast_in_dim3A_123 = arith.constant 0.000000e+00 : f32
      %broadcast_in_dim3A_124 = vector.broadcast %broadcast_in_dim3A_123 : f32 to vector<16xf32>
      %swap3A_125 = arith.index_cast %scan3A_103 : i32 to index
      %swap3A_126 = arith.constant 48 : index
      %swap3A_127 = tpu.vector_load %arg7[%swap3A_125, %swap3A_126] {strides = array<i32>} : memref<128x128xf32, #tpu.memory_space<vmem>>, vector<1x16xf32>,
      %swap3A_128 = vector.shape_cast %swap3A_127 : vector<1x16xf32> to vector<16xf32>
      %swap3A_129 = vector.shape_cast %broadcast_in_dim3A_124 : vector<16xf32> to vector<1x16xf32>
      tpu.vector_store %arg7[%swap3A_125, %swap3A_126], %swap3A_129 {strides = array<i32>} : memref<128x128xf32, #tpu.memory_space<vmem>>, vector<1x16xf32>,
      %broadcast_in_dim3A_130 = arith.constant 0.000000e+00 : f32
      %broadcast_in_dim3A_131 = vector.broadcast %broadcast_in_dim3A_130 : f32 to vector<16xf32>
      %swap3A_132 = arith.index_cast %scan3A_103 : i32 to index
      %swap3A_133 = arith.constant 64 : index
      %swap3A_134 = tpu.vector_load %arg7[%swap3A_132, %swap3A_133] {strides = array<i32>} : memref<128x128xf32, #tpu.memory_space<vmem>>, vector<1x16xf32>,
      %swap3A_135 = vector.shape_cast %swap3A_134 : vector<1x16xf32> to vector<16xf32>
      %swap3A_136 = vector.shape_cast %broadcast_in_dim3A_131 : vector<16xf32> to vector<1x16xf32>
      tpu.vector_store %arg7[%swap3A_132, %swap3A_133], %swap3A_136 {strides = array<i32>} : memref<128x128xf32, #tpu.memory_space<vmem>>, vector<1x16xf32>,
      %broadcast_in_dim3A_137 = arith.constant 0.000000e+00 : f32
      %broadcast_in_dim3A_138 = vector.broadcast %broadcast_in_dim3A_137 : f32 to vector<16xf32>
      %swap3A_139 = arith.index_cast %scan3A_103 : i32 to index
      %swap3A_140 = arith.constant 80 : index
      %swap3A_141 = tpu.vector_load %arg7[%swap3A_139, %swap3A_140] {strides = array<i32>} : memref<128x128xf32, #tpu.memory_space<vmem>>, vector<1x16xf32>,
      %swap3A_142 = vector.shape_cast %swap3A_141 : vector<1x16xf32> to vector<16xf32>
      %swap3A_143 = vector.shape_cast %broadcast_in_dim3A_138 : vector<16xf32> to vector<1x16xf32>
      tpu.vector_store %arg7[%swap3A_139, %swap3A_140], %swap3A_143 {strides = array<i32>} : memref<128x128xf32, #tpu.memory_space<vmem>>, vector<1x16xf32>,
      %broadcast_in_dim3A_144 = arith.constant 0.000000e+00 : f32
      %broadcast_in_dim3A_145 = vector.broadcast %broadcast_in_dim3A_144 : f32 to vector<16xf32>
      %swap3A_146 = arith.index_cast %scan3A_103 : i32 to index
      %swap3A_147 = arith.constant 96 : index
      %swap3A_148 = tpu.vector_load %arg7[%swap3A_146, %swap3A_147] {strides = array<i32>} : memref<128x128xf32, #tpu.memory_space<vmem>>, vector<1x16xf32>,
      %swap3A_149 = vector.shape_cast %swap3A_148 : vector<1x16xf32> to vector<16xf32>
      %swap3A_150 = vector.shape_cast %broadcast_in_dim3A_145 : vector<16xf32> to vector<1x16xf32>
      tpu.vector_store %arg7[%swap3A_146, %swap3A_147], %swap3A_150 {strides = array<i32>} : memref<128x128xf32, #tpu.memory_space<vmem>>, vector<1x16xf32>,
      %broadcast_in_dim3A_151 = arith.constant 0.000000e+00 : f32
      %broadcast_in_dim3A_152 = vector.broadcast %broadcast_in_dim3A_151 : f32 to vector<16xf32>
      %swap3A_153 = arith.index_cast %scan3A_103 : i32 to index
      %swap3A_154 = arith.constant 112 : index
      %swap3A_155 = tpu.vector_load %arg7[%swap3A_153, %swap3A_154] {strides = array<i32>} : memref<128x128xf32, #tpu.memory_space<vmem>>, vector<1x16xf32>,
      %swap3A_156 = vector.shape_cast %swap3A_155 : vector<1x16xf32> to vector<16xf32>
      %swap3A_157 = vector.shape_cast %broadcast_in_dim3A_152 : vector<16xf32> to vector<1x16xf32>
      tpu.vector_store %arg7[%swap3A_153, %swap3A_154], %swap3A_157 {strides = array<i32>} : memref<128x128xf32, #tpu.memory_space<vmem>>, vector<1x16xf32>,
    }
    %scan3A_29 = arith.constant 128 : i32
    %add3A_30 = arith.constant 0 : i32
    %add3A_31 = arith.addi %mul3A_2, %add3A_30 : i32
    "tpu.region"() ({
      %run_scoped3A = tpu.sem_alloc : memref<!tpu.dma_semaphore, #tpu.memory_space<semaphore_mem>>
      %dma_start3A_103 = arith.constant 0 : i32
      %dma_start3A_104 = tpu.memref_slice %arg9[%add3A_31, %dma_start3A_103] : memref<10240x128xf32, #tpu.memory_space<vmem_shared>> -> memref<128x128xf32, #tpu.memory_space<vmem_shared>>
      %dma_start3A_105 = arith.constant 0 : i32
      %dma_start3A_106 = tpu.memref_slice %arg9[%add3A_31, %dma_start3A_105] : memref<10240x128xf32, #tpu.memory_space<vmem_shared>> -> memref<128x128xf32, #tpu.memory_space<vmem_shared>>
      tpu.enqueue_dma source(%arg7 : memref<128x128xf32, #tpu.memory_space<vmem>>) target(%dma_start3A_106 : memref<128x128xf32, #tpu.memory_space<vmem_shared>>) target_semaphore(%run_scoped3A : memref<!tpu.dma_semaphore, #tpu.memory_space<semaphore_mem>>)
      %dma_wait3A_107 = arith.constant 0 : i32
      %dma_wait3A_108 = tpu.memref_slice %arg9[%add3A_31, %dma_wait3A_107] : memref<10240x128xf32, #tpu.memory_space<vmem_shared>> -> memref<128x128xf32, #tpu.memory_space<vmem_shared>>
      %dma_wait3A_109 = arith.constant 0 : i32
      %dma_wait3A_110 = tpu.memref_slice %arg9[%add3A_31, %dma_wait3A_109] : memref<10240x128xf32, #tpu.memory_space<vmem_shared>> -> memref<128x128xf32, #tpu.memory_space<vmem_shared>>
      tpu.wait_dma2 semaphore(%run_scoped3A : memref<!tpu.dma_semaphore, #tpu.memory_space<semaphore_mem>>) src(%arg7 : memref<128x128xf32, #tpu.memory_space<vmem>>) dst(%dma_wait3A_110 : memref<128x128xf32, #tpu.memory_space<vmem_shared>>)
      tpu.yield
    }) : () -> ()
    %add3A_32 = arith.constant 128 : i32
    %add3A_33 = arith.addi %mul3A_2, %add3A_32 : i32
    "tpu.region"() ({
      %run_scoped3A = tpu.sem_alloc : memref<!tpu.dma_semaphore, #tpu.memory_space<semaphore_mem>>
      %dma_start3A_103 = arith.constant 0 : i32
      %dma_start3A_104 = tpu.memref_slice %arg9[%add3A_33, %dma_start3A_103] : memref<10240x128xf32, #tpu.memory_space<vmem_shared>> -> memref<128x128xf32, #tpu.memory_space<vmem_shared>>
      %dma_start3A_105 = arith.constant 0 : i32
      %dma_start3A_106 = tpu.memref_slice %arg9[%add3A_33, %dma_start3A_105] : memref<10240x128xf32, #tpu.memory_space<vmem_shared>> -> memref<128x128xf32, #tpu.memory_space<vmem_shared>>
      tpu.enqueue_dma source(%arg7 : memref<128x128xf32, #tpu.memory_space<vmem>>) target(%dma_start3A_106 : memref<128x128xf32, #tpu.memory_space<vmem_shared>>) target_semaphore(%run_scoped3A : memref<!tpu.dma_semaphore, #tpu.memory_space<semaphore_mem>>)
      %dma_wait3A_107 = arith.constant 0 : i32
      %dma_wait3A_108 = tpu.memref_slice %arg9[%add3A_33, %dma_wait3A_107] : memref<10240x128xf32, #tpu.memory_space<vmem_shared>> -> memref<128x128xf32, #tpu.memory_space<vmem_shared>>
      %dma_wait3A_109 = arith.constant 0 : i32
      %dma_wait3A_110 = tpu.memref_slice %arg9[%add3A_33, %dma_wait3A_109] : memref<10240x128xf32, #tpu.memory_space<vmem_shared>> -> memref<128x128xf32, #tpu.memory_space<vmem_shared>>
      tpu.wait_dma2 semaphore(%run_scoped3A : memref<!tpu.dma_semaphore, #tpu.memory_space<semaphore_mem>>) src(%arg7 : memref<128x128xf32, #tpu.memory_space<vmem>>) dst(%dma_wait3A_110 : memref<128x128xf32, #tpu.memory_space<vmem_shared>>)
      tpu.yield
    }) : () -> ()
    %add3A_34 = arith.constant 256 : i32
    %add3A_35 = arith.addi %mul3A_2, %add3A_34 : i32
    "tpu.region"() ({
      %run_scoped3A = tpu.sem_alloc : memref<!tpu.dma_semaphore, #tpu.memory_space<semaphore_mem>>
      %dma_start3A_103 = arith.constant 0 : i32
      %dma_start3A_104 = tpu.memref_slice %arg9[%add3A_35, %dma_start3A_103] : memref<10240x128xf32, #tpu.memory_space<vmem_shared>> -> memref<128x128xf32, #tpu.memory_space<vmem_shared>>
      %dma_start3A_105 = arith.constant 0 : i32
      %dma_start3A_106 = tpu.memref_slice %arg9[%add3A_35, %dma_start3A_105] : memref<10240x128xf32, #tpu.memory_space<vmem_shared>> -> memref<128x128xf32, #tpu.memory_space<vmem_shared>>
      tpu.enqueue_dma source(%arg7 : memref<128x128xf32, #tpu.memory_space<vmem>>) target(%dma_start3A_106 : memref<128x128xf32, #tpu.memory_space<vmem_shared>>) target_semaphore(%run_scoped3A : memref<!tpu.dma_semaphore, #tpu.memory_space<semaphore_mem>>)
      %dma_wait3A_107 = arith.constant 0 : i32
      %dma_wait3A_108 = tpu.memref_slice %arg9[%add3A_35, %dma_wait3A_107] : memref<10240x128xf32, #tpu.memory_space<vmem_shared>> -> memref<128x128xf32, #tpu.memory_space<vmem_shared>>
      %dma_wait3A_109 = arith.constant 0 : i32
      %dma_wait3A_110 = tpu.memref_slice %arg9[%add3A_35, %dma_wait3A_109] : memref<10240x128xf32, #tpu.memory_space<vmem_shared>> -> memref<128x128xf32, #tpu.memory_space<vmem_shared>>
      tpu.wait_dma2 semaphore(%run_scoped3A : memref<!tpu.dma_semaphore, #tpu.memory_space<semaphore_mem>>) src(%arg7 : memref<128x128xf32, #tpu.memory_space<vmem>>) dst(%dma_wait3A_110 : memref<128x128xf32, #tpu.memory_space<vmem_shared>>)
      tpu.yield
    }) : () -> ()
    %add3A_36 = arith.constant 384 : i32
    %add3A_37 = arith.addi %mul3A_2, %add3A_36 : i32
    "tpu.region"() ({
      %run_scoped3A = tpu.sem_alloc : memref<!tpu.dma_semaphore, #tpu.memory_space<semaphore_mem>>
      %dma_start3A_103 = arith.constant 0 : i32
      %dma_start3A_104 = tpu.memref_slice %arg9[%add3A_37, %dma_start3A_103] : memref<10240x128xf32, #tpu.memory_space<vmem_shared>> -> memref<128x128xf32, #tpu.memory_space<vmem_shared>>
      %dma_start3A_105 = arith.constant 0 : i32
      %dma_start3A_106 = tpu.memref_slice %arg9[%add3A_37, %dma_start3A_105] : memref<10240x128xf32, #tpu.memory_space<vmem_shared>> -> memref<128x128xf32, #tpu.memory_space<vmem_shared>>
      tpu.enqueue_dma source(%arg7 : memref<128x128xf32, #tpu.memory_space<vmem>>) target(%dma_start3A_106 : memref<128x128xf32, #tpu.memory_space<vmem_shared>>) target_semaphore(%run_scoped3A : memref<!tpu.dma_semaphore, #tpu.memory_space<semaphore_mem>>)
      %dma_wait3A_107 = arith.constant 0 : i32
      %dma_wait3A_108 = tpu.memref_slice %arg9[%add3A_37, %dma_wait3A_107] : memref<10240x128xf32, #tpu.memory_space<vmem_shared>> -> memref<128x128xf32, #tpu.memory_space<vmem_shared>>
      %dma_wait3A_109 = arith.constant 0 : i32
      %dma_wait3A_110 = tpu.memref_slice %arg9[%add3A_37, %dma_wait3A_109] : memref<10240x128xf32, #tpu.memory_space<vmem_shared>> -> memref<128x128xf32, #tpu.memory_space<vmem_shared>>
      tpu.wait_dma2 semaphore(%run_scoped3A : memref<!tpu.dma_semaphore, #tpu.memory_space<semaphore_mem>>) src(%arg7 : memref<128x128xf32, #tpu.memory_space<vmem>>) dst(%dma_wait3A_110 : memref<128x128xf32, #tpu.memory_space<vmem_shared>>)
      tpu.yield
    }) : () -> ()
    %add3A_38 = arith.constant 512 : i32
    %add3A_39 = arith.addi %mul3A_2, %add3A_38 : i32
    "tpu.region"() ({
      %run_scoped3A = tpu.sem_alloc : memref<!tpu.dma_semaphore, #tpu.memory_space<semaphore_mem>>
      %dma_start3A_103 = arith.constant 0 : i32
      %dma_start3A_104 = tpu.memref_slice %arg9[%add3A_39, %dma_start3A_103] : memref<10240x128xf32, #tpu.memory_space<vmem_shared>> -> memref<128x128xf32, #tpu.memory_space<vmem_shared>>
      %dma_start3A_105 = arith.constant 0 : i32
      %dma_start3A_106 = tpu.memref_slice %arg9[%add3A_39, %dma_start3A_105] : memref<10240x128xf32, #tpu.memory_space<vmem_shared>> -> memref<128x128xf32, #tpu.memory_space<vmem_shared>>
      tpu.enqueue_dma source(%arg7 : memref<128x128xf32, #tpu.memory_space<vmem>>) target(%dma_start3A_106 : memref<128x128xf32, #tpu.memory_space<vmem_shared>>) target_semaphore(%run_scoped3A : memref<!tpu.dma_semaphore, #tpu.memory_space<semaphore_mem>>)
      %dma_wait3A_107 = arith.constant 0 : i32
      %dma_wait3A_108 = tpu.memref_slice %arg9[%add3A_39, %dma_wait3A_107] : memref<10240x128xf32, #tpu.memory_space<vmem_shared>> -> memref<128x128xf32, #tpu.memory_space<vmem_shared>>
      %dma_wait3A_109 = arith.constant 0 : i32
      %dma_wait3A_110 = tpu.memref_slice %arg9[%add3A_39, %dma_wait3A_109] : memref<10240x128xf32, #tpu.memory_space<vmem_shared>> -> memref<128x128xf32, #tpu.memory_space<vmem_shared>>
      tpu.wait_dma2 semaphore(%run_scoped3A : memref<!tpu.dma_semaphore, #tpu.memory_space<semaphore_mem>>) src(%arg7 : memref<128x128xf32, #tpu.memory_space<vmem>>) dst(%dma_wait3A_110 : memref<128x128xf32, #tpu.memory_space<vmem_shared>>)
      tpu.yield
    }) : () -> ()
    %barrier3A = arith.constant 0 : index
    tpu.barrier barrier_id(%barrier3A)
    %dma_wait3A = arith.constant 0 : i32
    %dma_wait3A_40 = arith.constant 0 : i32
    %dma_wait3A_41 = arith.constant 0 : i32
    %dma_wait3A_42 = arith.constant 0 : i32
    %dma_wait3A_43 = arith.constant 0 : i32
    %dma_wait3A_44 = tpu.memref_slice %arg3[%add3A, %dma_wait3A_40, %dma_wait3A_41, %dma_wait3A_42, %dma_wait3A_43] : memref<32x20x4x2x128xi32, #tpu.memory_space<hbm>> -> memref<1x20x4x2x128xi32, #tpu.memory_space<hbm>>
    %dma_wait3A_45 = tpu.memref_squeeze %dma_wait3A_44 : memref<1x20x4x2x128xi32, #tpu.memory_space<hbm>> -> memref<20x4x2x128xi32, #tpu.memory_space<hbm>>
    %dma_wait3A_46 = arith.constant 0 : i32
    %dma_wait3A_47 = arith.constant 0 : i32
    %dma_wait3A_48 = arith.constant 0 : i32
    %dma_wait3A_49 = tpu.memref_slice %dma_wait3A_45[%dma_wait3A, %dma_wait3A_46, %dma_wait3A_47, %dma_wait3A_48] : memref<20x4x2x128xi32, #tpu.memory_space<hbm>> -> memref<1x4x2x128xi32, #tpu.memory_space<hbm>>
    %dma_wait3A_50 = tpu.memref_squeeze %dma_wait3A_49 : memref<1x4x2x128xi32, #tpu.memory_space<hbm>> -> memref<4x2x128xi32, #tpu.memory_space<hbm>>
    %dma_wait3A_51 = arith.constant 0 : i32
    %dma_wait3A_52 = arith.constant 0 : i32
    %dma_wait3A_53 = arith.constant 0 : i32
    %dma_wait3A_54 = arith.constant 0 : i32
    %dma_wait3A_55 = tpu.memref_slice %arg3[%add3A, %dma_wait3A_51, %dma_wait3A_52, %dma_wait3A_53, %dma_wait3A_54] : memref<32x20x4x2x128xi32, #tpu.memory_space<hbm>> -> memref<1x20x4x2x128xi32, #tpu.memory_space<hbm>>
    %dma_wait3A_56 = tpu.memref_squeeze %dma_wait3A_55 : memref<1x20x4x2x128xi32, #tpu.memory_space<hbm>> -> memref<20x4x2x128xi32, #tpu.memory_space<hbm>>
    %dma_wait3A_57 = arith.constant 0 : i32
    %dma_wait3A_58 = arith.constant 0 : i32
    %dma_wait3A_59 = arith.constant 0 : i32
    %dma_wait3A_60 = tpu.memref_slice %dma_wait3A_56[%dma_wait3A, %dma_wait3A_57, %dma_wait3A_58, %dma_wait3A_59] : memref<20x4x2x128xi32, #tpu.memory_space<hbm>> -> memref<1x4x2x128xi32, #tpu.memory_space<hbm>>
    %dma_wait3A_61 = tpu.memref_squeeze %dma_wait3A_60 : memref<1x4x2x128xi32, #tpu.memory_space<hbm>> -> memref<4x2x128xi32, #tpu.memory_space<hbm>>
    tpu.wait_dma2 semaphore(%arg10 : memref<!tpu.dma_semaphore, #tpu.memory_space<semaphore_mem>>) src(%dma_wait3A_61 : memref<4x2x128xi32, #tpu.memory_space<hbm>>) dst(%arg5 : memref<4x2x128xi32, #tpu.memory_space<vmem>>)
    %dma_start3A_62 = arith.constant 0 : i32
    %dma_start3A_63 = arith.constant 0 : i32
    %dma_start3A_64 = arith.constant 0 : i32
    %dma_start3A_65 = arith.constant 0 : i32
    %dma_start3A_66 = tpu.memref_slice %arg5[%dma_start3A_62, %dma_start3A_64, %dma_start3A_65] : memref<4x2x128xi32, #tpu.memory_space<vmem>> -> memref<1x2x128xi32, #tpu.memory_space<vmem>>
    %dma_start3A_67 = tpu.memref_squeeze %dma_start3A_66 : memref<1x2x128xi32, #tpu.memory_space<vmem>> -> memref<2x128xi32, #tpu.memory_space<vmem>>
    %dma_start3A_68 = arith.constant 0 : i32
    %dma_start3A_69 = tpu.memref_slice %dma_start3A_67[%dma_start3A_63, %dma_start3A_68] : memref<2x128xi32, #tpu.memory_space<vmem>> -> memref<1x128xi32, #tpu.memory_space<vmem>>
    %dma_start3A_70 = tpu.memref_squeeze %dma_start3A_69 : memref<1x128xi32, #tpu.memory_space<vmem>> -> memref<128xi32, #tpu.memory_space<vmem>>
    %dma_start3A_71 = arith.constant 0 : i32
    %dma_start3A_72 = arith.constant 0 : i32
    %dma_start3A_73 = tpu.memref_slice %arg2[%dma_start3A_71, %dma_start3A_72] : memref<10240x128xf32, #tpu.memory_space<hbm>> -> memref<10240x128xf32, #tpu.memory_space<hbm>>
    tpu.enqueue_indirect_dma source(%dma_start3A_73 : memref<10240x128xf32, #tpu.memory_space<hbm>>) target(%arg7 : memref<128x128xf32, #tpu.memory_space<vmem>>) offsets(%dma_start3A_70 : memref<128xi32, #tpu.memory_space<vmem>>) semaphore(%arg12 : memref<!tpu.dma_semaphore, #tpu.memory_space<semaphore_mem>>)
    %scan3A_74 = arith.constant 0 : i32
    %scan3A_75 = arith.constant 0 : i32
    %scan3A_76 = arith.constant 10 : i32
    %scan3A_77 = arith.addi %scan3A_75, %scan3A_76 : i32
    %scan3A_78 = arith.constant 1 : i32
    scf.for %scan3A_103 = %scan3A_75 to %scan3A_77 step %scan3A_78  : i32 {
      %lt3A = arith.constant 9 : i32
      %lt3A_104 = arith.cmpi slt, %scan3A_103, %lt3A : i32
      %mul3A_105 = arith.constant 2 : i32
      %mul3A_106 = arith.muli %mul3A_105, %scan3A_103 : i32
      %add3A_107 = arith.constant 1 : i32
      %add3A_108 = arith.addi %mul3A_106, %add3A_107 : i32
      %mul3A_109 = arith.constant 2 : i32
      %mul3A_110 = arith.muli %mul3A_109, %scan3A_103 : i32
      %add3A_111 = arith.constant 1 : i32
      %add3A_112 = arith.addi %mul3A_110, %add3A_111 : i32
      %gt3A = arith.constant 0 : i32
      %gt3A_113 = arith.cmpi sgt, %scan3A_103, %gt3A : i32
      %dma_wait3A_114 = arith.constant 0 : i32
      %dma_wait3A_115 = arith.constant 0 : i32
      %dma_wait3A_116 = arith.constant 0 : i32
      %dma_wait3A_117 = arith.constant 0 : i32
      %dma_wait3A_118 = tpu.memref_slice %arg5[%dma_wait3A_114, %dma_wait3A_116, %dma_wait3A_117] : memref<4x2x128xi32, #tpu.memory_space<vmem>> -> memref<1x2x128xi32, #tpu.memory_space<vmem>>
      %dma_wait3A_119 = tpu.memref_squeeze %dma_wait3A_118 : memref<1x2x128xi32, #tpu.memory_space<vmem>> -> memref<2x128xi32, #tpu.memory_space<vmem>>
      %dma_wait3A_120 = arith.constant 0 : i32
      %dma_wait3A_121 = tpu.memref_slice %dma_wait3A_119[%dma_wait3A_115, %dma_wait3A_120] : memref<2x128xi32, #tpu.memory_space<vmem>> -> memref<1x128xi32, #tpu.memory_space<vmem>>
      %dma_wait3A_122 = tpu.memref_squeeze %dma_wait3A_121 : memref<1x128xi32, #tpu.memory_space<vmem>> -> memref<128xi32, #tpu.memory_space<vmem>>
      %dma_wait3A_123 = arith.constant 0 : i32
      %dma_wait3A_124 = arith.constant 0 : i32
      %dma_wait3A_125 = tpu.memref_slice %arg2[%dma_wait3A_123, %dma_wait3A_124] : memref<10240x128xf32, #tpu.memory_space<hbm>> -> memref<10240x128xf32, #tpu.memory_space<hbm>>
      tpu.wait_indirect_dma semaphore(%arg12 : memref<!tpu.dma_semaphore, #tpu.memory_space<semaphore_mem>>) src(%dma_wait3A_125 : memref<10240x128xf32, #tpu.memory_space<hbm>>) dst(%arg7 : memref<128x128xf32, #tpu.memory_space<vmem>>)
      %dma_start3A_126 = arith.constant 0 : i32
      %dma_start3A_127 = arith.constant 1 : i32
      %dma_start3A_128 = arith.constant 0 : i32
      %dma_start3A_129 = arith.constant 0 : i32
      %dma_start3A_130 = tpu.memref_slice %arg5[%dma_start3A_126, %dma_start3A_128, %dma_start3A_129] : memref<4x2x128xi32, #tpu.memory_space<vmem>> -> memref<1x2x128xi32, #tpu.memory_space<vmem>>
      %dma_start3A_131 = tpu.memref_squeeze %dma_start3A_130 : memref<1x2x128xi32, #tpu.memory_space<vmem>> -> memref<2x128xi32, #tpu.memory_space<vmem>>
      %dma_start3A_132 = arith.constant 0 : i32
      %dma_start3A_133 = tpu.memref_slice %dma_start3A_131[%dma_start3A_127, %dma_start3A_132] : memref<2x128xi32, #tpu.memory_space<vmem>> -> memref<1x128xi32, #tpu.memory_space<vmem>>
      %dma_start3A_134 = tpu.memref_squeeze %dma_start3A_133 : memref<1x128xi32, #tpu.memory_space<vmem>> -> memref<128xi32, #tpu.memory_space<vmem>>
      %dma_start3A_135 = arith.constant 0 : i32
      %dma_start3A_136 = arith.constant 0 : i32
      %dma_start3A_137 = tpu.memref_slice %arg9[%dma_start3A_135, %dma_start3A_136] : memref<10240x128xf32, #tpu.memory_space<vmem_shared>> -> memref<10240x128xf32, #tpu.memory_space<vmem_shared>>
      tpu.enqueue_indirect_dma source(%arg7 : memref<128x128xf32, #tpu.memory_space<vmem>>) target(%dma_start3A_137 : memref<10240x128xf32, #tpu.memory_space<vmem_shared>>) offsets(%dma_start3A_134 : memref<128xi32, #tpu.memory_space<vmem>>) semaphore(%arg14 : memref<!tpu.dma_semaphore, #tpu.memory_space<semaphore_mem>>) {add = true}
      %convert_element_type3A = arith.extui %gt3A_113 : i1 to i32
      %cond3A = arith.constant 0 : i32
      %cond3A_138 = arith.cmpi ne, %convert_element_type3A, %cond3A : i32
      scf.if %cond3A_138 {
        %dma_wait3A_533 = arith.constant 0 : i32
        %dma_wait3A_534 = arith.constant 1 : i32
        %dma_wait3A_535 = arith.constant 0 : i32
        %dma_wait3A_536 = arith.constant 0 : i32
        %dma_wait3A_537 = tpu.memref_slice %arg5[%dma_wait3A_533, %dma_wait3A_535, %dma_wait3A_536] : memref<4x2x128xi32, #tpu.memory_space<vmem>> -> memref<1x2x128xi32, #tpu.memory_space<vmem>>
        %dma_wait3A_538 = tpu.memref_squeeze %dma_wait3A_537 : memref<1x2x128xi32, #tpu.memory_space<vmem>> -> memref<2x128xi32, #tpu.memory_space<vmem>>
        %dma_wait3A_539 = arith.constant 0 : i32
        %dma_wait3A_540 = tpu.memref_slice %dma_wait3A_538[%dma_wait3A_534, %dma_wait3A_539] : memref<2x128xi32, #tpu.memory_space<vmem>> -> memref<1x128xi32, #tpu.memory_space<vmem>>
        %dma_wait3A_541 = tpu.memref_squeeze %dma_wait3A_540 : memref<1x128xi32, #tpu.memory_space<vmem>> -> memref<128xi32, #tpu.memory_space<vmem>>
        %dma_wait3A_542 = arith.constant 0 : i32
        %dma_wait3A_543 = arith.constant 0 : i32
        %dma_wait3A_544 = tpu.memref_slice %arg9[%dma_wait3A_542, %dma_wait3A_543] : memref<10240x128xf32, #tpu.memory_space<vmem_shared>> -> memref<10240x128xf32, #tpu.memory_space<vmem_shared>>
        tpu.wait_indirect_dma semaphore(%arg15 : memref<!tpu.dma_semaphore, #tpu.memory_space<semaphore_mem>>) src(%arg8 : memref<128x128xf32, #tpu.memory_space<vmem>>) dst(%dma_wait3A_544 : memref<10240x128xf32, #tpu.memory_space<vmem_shared>>)
      } else {
      }
      %dma_start3A_139 = arith.constant 0 : i32
      %dma_start3A_140 = arith.constant 0 : i32
      %dma_start3A_141 = arith.constant 0 : i32
      %dma_start3A_142 = arith.constant 0 : i32
      %dma_start3A_143 = tpu.memref_slice %arg3[%add3A, %dma_start3A_139, %dma_start3A_140, %dma_start3A_141, %dma_start3A_142] : memref<32x20x4x2x128xi32, #tpu.memory_space<hbm>> -> memref<1x20x4x2x128xi32, #tpu.memory_space<hbm>>
      %dma_start3A_144 = tpu.memref_squeeze %dma_start3A_143 : memref<1x20x4x2x128xi32, #tpu.memory_space<hbm>> -> memref<20x4x2x128xi32, #tpu.memory_space<hbm>>
      %dma_start3A_145 = arith.constant 0 : i32
      %dma_start3A_146 = arith.constant 0 : i32
      %dma_start3A_147 = arith.constant 0 : i32
      %dma_start3A_148 = tpu.memref_slice %dma_start3A_144[%add3A_112, %dma_start3A_145, %dma_start3A_146, %dma_start3A_147] : memref<20x4x2x128xi32, #tpu.memory_space<hbm>> -> memref<1x4x2x128xi32, #tpu.memory_space<hbm>>
      %dma_start3A_149 = tpu.memref_squeeze %dma_start3A_148 : memref<1x4x2x128xi32, #tpu.memory_space<hbm>> -> memref<4x2x128xi32, #tpu.memory_space<hbm>>
      %dma_start3A_150 = arith.constant 0 : i32
      %dma_start3A_151 = arith.constant 0 : i32
      %dma_start3A_152 = arith.constant 0 : i32
      %dma_start3A_153 = arith.constant 0 : i32
      %dma_start3A_154 = tpu.memref_slice %arg3[%add3A, %dma_start3A_150, %dma_start3A_151, %dma_start3A_152, %dma_start3A_153] : memref<32x20x4x2x128xi32, #tpu.memory_space<hbm>> -> memref<1x20x4x2x128xi32, #tpu.memory_space<hbm>>
      %dma_start3A_155 = tpu.memref_squeeze %dma_start3A_154 : memref<1x20x4x2x128xi32, #tpu.memory_space<hbm>> -> memref<20x4x2x128xi32, #tpu.memory_space<hbm>>
      %dma_start3A_156 = arith.constant 0 : i32
      %dma_start3A_157 = arith.constant 0 : i32
      %dma_start3A_158 = arith.constant 0 : i32
      %dma_start3A_159 = tpu.memref_slice %dma_start3A_155[%add3A_112, %dma_start3A_156, %dma_start3A_157, %dma_start3A_158] : memref<20x4x2x128xi32, #tpu.memory_space<hbm>> -> memref<1x4x2x128xi32, #tpu.memory_space<hbm>>
      %dma_start3A_160 = tpu.memref_squeeze %dma_start3A_159 : memref<1x4x2x128xi32, #tpu.memory_space<hbm>> -> memref<4x2x128xi32, #tpu.memory_space<hbm>>
      tpu.enqueue_dma source(%dma_start3A_160 : memref<4x2x128xi32, #tpu.memory_space<hbm>>) target(%arg6 : memref<4x2x128xi32, #tpu.memory_space<vmem>>) target_semaphore(%arg11 : memref<!tpu.dma_semaphore, #tpu.memory_space<semaphore_mem>>)
      %dma_start3A_161 = arith.constant 1 : i32
      %dma_start3A_162 = arith.constant 0 : i32
      %dma_start3A_163 = arith.constant 0 : i32
      %dma_start3A_164 = arith.constant 0 : i32
      %dma_start3A_165 = tpu.memref_slice %arg5[%dma_start3A_161, %dma_start3A_163, %dma_start3A_164] : memref<4x2x128xi32, #tpu.memory_space<vmem>> -> memref<1x2x128xi32, #tpu.memory_space<vmem>>
      %dma_start3A_166 = tpu.memref_squeeze %dma_start3A_165 : memref<1x2x128xi32, #tpu.memory_space<vmem>> -> memref<2x128xi32, #tpu.memory_space<vmem>>
      %dma_start3A_167 = arith.constant 0 : i32
      %dma_start3A_168 = tpu.memref_slice %dma_start3A_166[%dma_start3A_162, %dma_start3A_167] : memref<2x128xi32, #tpu.memory_space<vmem>> -> memref<1x128xi32, #tpu.memory_space<vmem>>
      %dma_start3A_169 = tpu.memref_squeeze %dma_start3A_168 : memref<1x128xi32, #tpu.memory_space<vmem>> -> memref<128xi32, #tpu.memory_space<vmem>>
      %dma_start3A_170 = arith.constant 0 : i32
      %dma_start3A_171 = arith.constant 0 : i32
      %dma_start3A_172 = tpu.memref_slice %arg2[%dma_start3A_170, %dma_start3A_171] : memref<10240x128xf32, #tpu.memory_space<hbm>> -> memref<10240x128xf32, #tpu.memory_space<hbm>>
      tpu.enqueue_indirect_dma source(%dma_start3A_172 : memref<10240x128xf32, #tpu.memory_space<hbm>>) target(%arg8 : memref<128x128xf32, #tpu.memory_space<vmem>>) offsets(%dma_start3A_169 : memref<128xi32, #tpu.memory_space<vmem>>) semaphore(%arg13 : memref<!tpu.dma_semaphore, #tpu.memory_space<semaphore_mem>>)
      %dma_wait3A_173 = arith.constant 1 : i32
      %dma_wait3A_174 = arith.constant 0 : i32
      %dma_wait3A_175 = arith.constant 0 : i32
      %dma_wait3A_176 = arith.constant 0 : i32
      %dma_wait3A_177 = tpu.memref_slice %arg5[%dma_wait3A_173, %dma_wait3A_175, %dma_wait3A_176] : memref<4x2x128xi32, #tpu.memory_space<vmem>> -> memref<1x2x128xi32, #tpu.memory_space<vmem>>
      %dma_wait3A_178 = tpu.memref_squeeze %dma_wait3A_177 : memref<1x2x128xi32, #tpu.memory_space<vmem>> -> memref<2x128xi32, #tpu.memory_space<vmem>>
      %dma_wait3A_179 = arith.constant 0 : i32
      %dma_wait3A_180 = tpu.memref_slice %dma_wait3A_178[%dma_wait3A_174, %dma_wait3A_179] : memref<2x128xi32, #tpu.memory_space<vmem>> -> memref<1x128xi32, #tpu.memory_space<vmem>>
      %dma_wait3A_181 = tpu.memref_squeeze %dma_wait3A_180 : memref<1x128xi32, #tpu.memory_space<vmem>> -> memref<128xi32, #tpu.memory_space<vmem>>
      %dma_wait3A_182 = arith.constant 0 : i32
      %dma_wait3A_183 = arith.constant 0 : i32
      %dma_wait3A_184 = tpu.memref_slice %arg2[%dma_wait3A_182, %dma_wait3A_183] : memref<10240x128xf32, #tpu.memory_space<hbm>> -> memref<10240x128xf32, #tpu.memory_space<hbm>>
      tpu.wait_indirect_dma semaphore(%arg13 : memref<!tpu.dma_semaphore, #tpu.memory_space<semaphore_mem>>) src(%dma_wait3A_184 : memref<10240x128xf32, #tpu.memory_space<hbm>>) dst(%arg8 : memref<128x128xf32, #tpu.memory_space<vmem>>)
      %dma_start3A_185 = arith.constant 1 : i32
      %dma_start3A_186 = arith.constant 1 : i32
      %dma_start3A_187 = arith.constant 0 : i32
      %dma_start3A_188 = arith.constant 0 : i32
      %dma_start3A_189 = tpu.memref_slice %arg5[%dma_start3A_185, %dma_start3A_187, %dma_start3A_188] : memref<4x2x128xi32, #tpu.memory_space<vmem>> -> memref<1x2x128xi32, #tpu.memory_space<vmem>>
      %dma_start3A_190 = tpu.memref_squeeze %dma_start3A_189 : memref<1x2x128xi32, #tpu.memory_space<vmem>> -> memref<2x128xi32, #tpu.memory_space<vmem>>
      %dma_start3A_191 = arith.constant 0 : i32
      %dma_start3A_192 = tpu.memref_slice %dma_start3A_190[%dma_start3A_186, %dma_start3A_191] : memref<2x128xi32, #tpu.memory_space<vmem>> -> memref<1x128xi32, #tpu.memory_space<vmem>>
      %dma_start3A_193 = tpu.memref_squeeze %dma_start3A_192 : memref<1x128xi32, #tpu.memory_space<vmem>> -> memref<128xi32, #tpu.memory_space<vmem>>
      %dma_start3A_194 = arith.constant 0 : i32
      %dma_start3A_195 = arith.constant 0 : i32
      %dma_start3A_196 = tpu.memref_slice %arg9[%dma_start3A_194, %dma_start3A_195] : memref<10240x128xf32, #tpu.memory_space<vmem_shared>> -> memref<10240x128xf32, #tpu.memory_space<vmem_shared>>
      tpu.enqueue_indirect_dma source(%arg8 : memref<128x128xf32, #tpu.memory_space<vmem>>) target(%dma_start3A_196 : memref<10240x128xf32, #tpu.memory_space<vmem_shared>>) offsets(%dma_start3A_193 : memref<128xi32, #tpu.memory_space<vmem>>) semaphore(%arg15 : memref<!tpu.dma_semaphore, #tpu.memory_space<semaphore_mem>>) {add = true}
      %dma_wait3A_197 = arith.constant 1 : i32
      %dma_wait3A_198 = arith.constant 1 : i32
      %dma_wait3A_199 = arith.constant 0 : i32
      %dma_wait3A_200 = arith.constant 0 : i32
      %dma_wait3A_201 = tpu.memref_slice %arg5[%dma_wait3A_197, %dma_wait3A_199, %dma_wait3A_200] : memref<4x2x128xi32, #tpu.memory_space<vmem>> -> memref<1x2x128xi32, #tpu.memory_space<vmem>>
      %dma_wait3A_202 = tpu.memref_squeeze %dma_wait3A_201 : memref<1x2x128xi32, #tpu.memory_space<vmem>> -> memref<2x128xi32, #tpu.memory_space<vmem>>
      %dma_wait3A_203 = arith.constant 0 : i32
      %dma_wait3A_204 = tpu.memref_slice %dma_wait3A_202[%dma_wait3A_198, %dma_wait3A_203] : memref<2x128xi32, #tpu.memory_space<vmem>> -> memref<1x128xi32, #tpu.memory_space<vmem>>
      %dma_wait3A_205 = tpu.memref_squeeze %dma_wait3A_204 : memref<1x128xi32, #tpu.memory_space<vmem>> -> memref<128xi32, #tpu.memory_space<vmem>>
      %dma_wait3A_206 = arith.constant 0 : i32
      %dma_wait3A_207 = arith.constant 0 : i32
      %dma_wait3A_208 = tpu.memref_slice %arg9[%dma_wait3A_206, %dma_wait3A_207] : memref<10240x128xf32, #tpu.memory_space<vmem_shared>> -> memref<10240x128xf32, #tpu.memory_space<vmem_shared>>
      tpu.wait_indirect_dma semaphore(%arg14 : memref<!tpu.dma_semaphore, #tpu.memory_space<semaphore_mem>>) src(%arg7 : memref<128x128xf32, #tpu.memory_space<vmem>>) dst(%dma_wait3A_208 : memref<10240x128xf32, #tpu.memory_space<vmem_shared>>)
      %dma_start3A_209 = arith.constant 2 : i32
      %dma_start3A_210 = arith.constant 0 : i32
      %dma_start3A_211 = arith.constant 0 : i32
      %dma_start3A_212 = arith.constant 0 : i32
      %dma_start3A_213 = tpu.memref_slice %arg5[%dma_start3A_209, %dma_start3A_211, %dma_start3A_212] : memref<4x2x128xi32, #tpu.memory_space<vmem>> -> memref<1x2x128xi32, #tpu.memory_space<vmem>>
      %dma_start3A_214 = tpu.memref_squeeze %dma_start3A_213 : memref<1x2x128xi32, #tpu.memory_space<vmem>> -> memref<2x128xi32, #tpu.memory_space<vmem>>
      %dma_start3A_215 = arith.constant 0 : i32
      %dma_start3A_216 = tpu.memref_slice %dma_start3A_214[%dma_start3A_210, %dma_start3A_215] : memref<2x128xi32, #tpu.memory_space<vmem>> -> memref<1x128xi32, #tpu.memory_space<vmem>>
      %dma_start3A_217 = tpu.memref_squeeze %dma_start3A_216 : memref<1x128xi32, #tpu.memory_space<vmem>> -> memref<128xi32, #tpu.memory_space<vmem>>
      %dma_start3A_218 = arith.constant 0 : i32
      %dma_start3A_219 = arith.constant 0 : i32
      %dma_start3A_220 = tpu.memref_slice %arg2[%dma_start3A_218, %dma_start3A_219] : memref<10240x128xf32, #tpu.memory_space<hbm>> -> memref<10240x128xf32, #tpu.memory_space<hbm>>
      tpu.enqueue_indirect_dma source(%dma_start3A_220 : memref<10240x128xf32, #tpu.memory_space<hbm>>) target(%arg7 : memref<128x128xf32, #tpu.memory_space<vmem>>) offsets(%dma_start3A_217 : memref<128xi32, #tpu.memory_space<vmem>>) semaphore(%arg12 : memref<!tpu.dma_semaphore, #tpu.memory_space<semaphore_mem>>)
      %dma_wait3A_221 = arith.constant 2 : i32
      %dma_wait3A_222 = arith.constant 0 : i32
      %dma_wait3A_223 = arith.constant 0 : i32
      %dma_wait3A_224 = arith.constant 0 : i32
      %dma_wait3A_225 = tpu.memref_slice %arg5[%dma_wait3A_221, %dma_wait3A_223, %dma_wait3A_224] : memref<4x2x128xi32, #tpu.memory_space<vmem>> -> memref<1x2x128xi32, #tpu.memory_space<vmem>>
      %dma_wait3A_226 = tpu.memref_squeeze %dma_wait3A_225 : memref<1x2x128xi32, #tpu.memory_space<vmem>> -> memref<2x128xi32, #tpu.memory_space<vmem>>
      %dma_wait3A_227 = arith.constant 0 : i32
      %dma_wait3A_228 = tpu.memref_slice %dma_wait3A_226[%dma_wait3A_222, %dma_wait3A_227] : memref<2x128xi32, #tpu.memory_space<vmem>> -> memref<1x128xi32, #tpu.memory_space<vmem>>
      %dma_wait3A_229 = tpu.memref_squeeze %dma_wait3A_228 : memref<1x128xi32, #tpu.memory_space<vmem>> -> memref<128xi32, #tpu.memory_space<vmem>>
      %dma_wait3A_230 = arith.constant 0 : i32
      %dma_wait3A_231 = arith.constant 0 : i32
      %dma_wait3A_232 = tpu.memref_slice %arg2[%dma_wait3A_230, %dma_wait3A_231] : memref<10240x128xf32, #tpu.memory_space<hbm>> -> memref<10240x128xf32, #tpu.memory_space<hbm>>
      tpu.wait_indirect_dma semaphore(%arg12 : memref<!tpu.dma_semaphore, #tpu.memory_space<semaphore_mem>>) src(%dma_wait3A_232 : memref<10240x128xf32, #tpu.memory_space<hbm>>) dst(%arg7 : memref<128x128xf32, #tpu.memory_space<vmem>>)
      %dma_start3A_233 = arith.constant 2 : i32
      %dma_start3A_234 = arith.constant 1 : i32
      %dma_start3A_235 = arith.constant 0 : i32
      %dma_start3A_236 = arith.constant 0 : i32
      %dma_start3A_237 = tpu.memref_slice %arg5[%dma_start3A_233, %dma_start3A_235, %dma_start3A_236] : memref<4x2x128xi32, #tpu.memory_space<vmem>> -> memref<1x2x128xi32, #tpu.memory_space<vmem>>
      %dma_start3A_238 = tpu.memref_squeeze %dma_start3A_237 : memref<1x2x128xi32, #tpu.memory_space<vmem>> -> memref<2x128xi32, #tpu.memory_space<vmem>>
      %dma_start3A_239 = arith.constant 0 : i32
      %dma_start3A_240 = tpu.memref_slice %dma_start3A_238[%dma_start3A_234, %dma_start3A_239] : memref<2x128xi32, #tpu.memory_space<vmem>> -> memref<1x128xi32, #tpu.memory_space<vmem>>
      %dma_start3A_241 = tpu.memref_squeeze %dma_start3A_240 : memref<1x128xi32, #tpu.memory_space<vmem>> -> memref<128xi32, #tpu.memory_space<vmem>>
      %dma_start3A_242 = arith.constant 0 : i32
      %dma_start3A_243 = arith.constant 0 : i32
      %dma_start3A_244 = tpu.memref_slice %arg9[%dma_start3A_242, %dma_start3A_243] : memref<10240x128xf32, #tpu.memory_space<vmem_shared>> -> memref<10240x128xf32, #tpu.memory_space<vmem_shared>>
      tpu.enqueue_indirect_dma source(%arg7 : memref<128x128xf32, #tpu.memory_space<vmem>>) target(%dma_start3A_244 : memref<10240x128xf32, #tpu.memory_space<vmem_shared>>) offsets(%dma_start3A_241 : memref<128xi32, #tpu.memory_space<vmem>>) semaphore(%arg14 : memref<!tpu.dma_semaphore, #tpu.memory_space<semaphore_mem>>) {add = true}
      %dma_wait3A_245 = arith.constant 2 : i32
      %dma_wait3A_246 = arith.constant 1 : i32
      %dma_wait3A_247 = arith.constant 0 : i32
      %dma_wait3A_248 = arith.constant 0 : i32
      %dma_wait3A_249 = tpu.memref_slice %arg5[%dma_wait3A_245, %dma_wait3A_247, %dma_wait3A_248] : memref<4x2x128xi32, #tpu.memory_space<vmem>> -> memref<1x2x128xi32, #tpu.memory_space<vmem>>
      %dma_wait3A_250 = tpu.memref_squeeze %dma_wait3A_249 : memref<1x2x128xi32, #tpu.memory_space<vmem>> -> memref<2x128xi32, #tpu.memory_space<vmem>>
      %dma_wait3A_251 = arith.constant 0 : i32
      %dma_wait3A_252 = tpu.memref_slice %dma_wait3A_250[%dma_wait3A_246, %dma_wait3A_251] : memref<2x128xi32, #tpu.memory_space<vmem>> -> memref<1x128xi32, #tpu.memory_space<vmem>>
      %dma_wait3A_253 = tpu.memref_squeeze %dma_wait3A_252 : memref<1x128xi32, #tpu.memory_space<vmem>> -> memref<128xi32, #tpu.memory_space<vmem>>
      %dma_wait3A_254 = arith.constant 0 : i32
      %dma_wait3A_255 = arith.constant 0 : i32
      %dma_wait3A_256 = tpu.memref_slice %arg9[%dma_wait3A_254, %dma_wait3A_255] : memref<10240x128xf32, #tpu.memory_space<vmem_shared>> -> memref<10240x128xf32, #tpu.memory_space<vmem_shared>>
      tpu.wait_indirect_dma semaphore(%arg15 : memref<!tpu.dma_semaphore, #tpu.memory_space<semaphore_mem>>) src(%arg8 : memref<128x128xf32, #tpu.memory_space<vmem>>) dst(%dma_wait3A_256 : memref<10240x128xf32, #tpu.memory_space<vmem_shared>>)
      %dma_start3A_257 = arith.constant 3 : i32
      %dma_start3A_258 = arith.constant 0 : i32
      %dma_start3A_259 = arith.constant 0 : i32
      %dma_start3A_260 = arith.constant 0 : i32
      %dma_start3A_261 = tpu.memref_slice %arg5[%dma_start3A_257, %dma_start3A_259, %dma_start3A_260] : memref<4x2x128xi32, #tpu.memory_space<vmem>> -> memref<1x2x128xi32, #tpu.memory_space<vmem>>
      %dma_start3A_262 = tpu.memref_squeeze %dma_start3A_261 : memref<1x2x128xi32, #tpu.memory_space<vmem>> -> memref<2x128xi32, #tpu.memory_space<vmem>>
      %dma_start3A_263 = arith.constant 0 : i32
      %dma_start3A_264 = tpu.memref_slice %dma_start3A_262[%dma_start3A_258, %dma_start3A_263] : memref<2x128xi32, #tpu.memory_space<vmem>> -> memref<1x128xi32, #tpu.memory_space<vmem>>
      %dma_start3A_265 = tpu.memref_squeeze %dma_start3A_264 : memref<1x128xi32, #tpu.memory_space<vmem>> -> memref<128xi32, #tpu.memory_space<vmem>>
      %dma_start3A_266 = arith.constant 0 : i32
      %dma_start3A_267 = arith.constant 0 : i32
      %dma_start3A_268 = tpu.memref_slice %arg2[%dma_start3A_266, %dma_start3A_267] : memref<10240x128xf32, #tpu.memory_space<hbm>> -> memref<10240x128xf32, #tpu.memory_space<hbm>>
      tpu.enqueue_indirect_dma source(%dma_start3A_268 : memref<10240x128xf32, #tpu.memory_space<hbm>>) target(%arg8 : memref<128x128xf32, #tpu.memory_space<vmem>>) offsets(%dma_start3A_265 : memref<128xi32, #tpu.memory_space<vmem>>) semaphore(%arg13 : memref<!tpu.dma_semaphore, #tpu.memory_space<semaphore_mem>>)
      %dma_wait3A_269 = arith.constant 3 : i32
      %dma_wait3A_270 = arith.constant 0 : i32
      %dma_wait3A_271 = arith.constant 0 : i32
      %dma_wait3A_272 = arith.constant 0 : i32
      %dma_wait3A_273 = tpu.memref_slice %arg5[%dma_wait3A_269, %dma_wait3A_271, %dma_wait3A_272] : memref<4x2x128xi32, #tpu.memory_space<vmem>> -> memref<1x2x128xi32, #tpu.memory_space<vmem>>
      %dma_wait3A_274 = tpu.memref_squeeze %dma_wait3A_273 : memref<1x2x128xi32, #tpu.memory_space<vmem>> -> memref<2x128xi32, #tpu.memory_space<vmem>>
      %dma_wait3A_275 = arith.constant 0 : i32
      %dma_wait3A_276 = tpu.memref_slice %dma_wait3A_274[%dma_wait3A_270, %dma_wait3A_275] : memref<2x128xi32, #tpu.memory_space<vmem>> -> memref<1x128xi32, #tpu.memory_space<vmem>>
      %dma_wait3A_277 = tpu.memref_squeeze %dma_wait3A_276 : memref<1x128xi32, #tpu.memory_space<vmem>> -> memref<128xi32, #tpu.memory_space<vmem>>
      %dma_wait3A_278 = arith.constant 0 : i32
      %dma_wait3A_279 = arith.constant 0 : i32
      %dma_wait3A_280 = tpu.memref_slice %arg2[%dma_wait3A_278, %dma_wait3A_279] : memref<10240x128xf32, #tpu.memory_space<hbm>> -> memref<10240x128xf32, #tpu.memory_space<hbm>>
      tpu.wait_indirect_dma semaphore(%arg13 : memref<!tpu.dma_semaphore, #tpu.memory_space<semaphore_mem>>) src(%dma_wait3A_280 : memref<10240x128xf32, #tpu.memory_space<hbm>>) dst(%arg8 : memref<128x128xf32, #tpu.memory_space<vmem>>)
      %dma_start3A_281 = arith.constant 3 : i32
      %dma_start3A_282 = arith.constant 1 : i32
      %dma_start3A_283 = arith.constant 0 : i32
      %dma_start3A_284 = arith.constant 0 : i32
      %dma_start3A_285 = tpu.memref_slice %arg5[%dma_start3A_281, %dma_start3A_283, %dma_start3A_284] : memref<4x2x128xi32, #tpu.memory_space<vmem>> -> memref<1x2x128xi32, #tpu.memory_space<vmem>>
      %dma_start3A_286 = tpu.memref_squeeze %dma_start3A_285 : memref<1x2x128xi32, #tpu.memory_space<vmem>> -> memref<2x128xi32, #tpu.memory_space<vmem>>
      %dma_start3A_287 = arith.constant 0 : i32
      %dma_start3A_288 = tpu.memref_slice %dma_start3A_286[%dma_start3A_282, %dma_start3A_287] : memref<2x128xi32, #tpu.memory_space<vmem>> -> memref<1x128xi32, #tpu.memory_space<vmem>>
      %dma_start3A_289 = tpu.memref_squeeze %dma_start3A_288 : memref<1x128xi32, #tpu.memory_space<vmem>> -> memref<128xi32, #tpu.memory_space<vmem>>
      %dma_start3A_290 = arith.constant 0 : i32
      %dma_start3A_291 = arith.constant 0 : i32
      %dma_start3A_292 = tpu.memref_slice %arg9[%dma_start3A_290, %dma_start3A_291] : memref<10240x128xf32, #tpu.memory_space<vmem_shared>> -> memref<10240x128xf32, #tpu.memory_space<vmem_shared>>
      tpu.enqueue_indirect_dma source(%arg8 : memref<128x128xf32, #tpu.memory_space<vmem>>) target(%dma_start3A_292 : memref<10240x128xf32, #tpu.memory_space<vmem_shared>>) offsets(%dma_start3A_289 : memref<128xi32, #tpu.memory_space<vmem>>) semaphore(%arg15 : memref<!tpu.dma_semaphore, #tpu.memory_space<semaphore_mem>>) {add = true}
      %dma_wait3A_293 = arith.constant 3 : i32
      %dma_wait3A_294 = arith.constant 1 : i32
      %dma_wait3A_295 = arith.constant 0 : i32
      %dma_wait3A_296 = arith.constant 0 : i32
      %dma_wait3A_297 = tpu.memref_slice %arg5[%dma_wait3A_293, %dma_wait3A_295, %dma_wait3A_296] : memref<4x2x128xi32, #tpu.memory_space<vmem>> -> memref<1x2x128xi32, #tpu.memory_space<vmem>>
      %dma_wait3A_298 = tpu.memref_squeeze %dma_wait3A_297 : memref<1x2x128xi32, #tpu.memory_space<vmem>> -> memref<2x128xi32, #tpu.memory_space<vmem>>
      %dma_wait3A_299 = arith.constant 0 : i32
      %dma_wait3A_300 = tpu.memref_slice %dma_wait3A_298[%dma_wait3A_294, %dma_wait3A_299] : memref<2x128xi32, #tpu.memory_space<vmem>> -> memref<1x128xi32, #tpu.memory_space<vmem>>
      %dma_wait3A_301 = tpu.memref_squeeze %dma_wait3A_300 : memref<1x128xi32, #tpu.memory_space<vmem>> -> memref<128xi32, #tpu.memory_space<vmem>>
      %dma_wait3A_302 = arith.constant 0 : i32
      %dma_wait3A_303 = arith.constant 0 : i32
      %dma_wait3A_304 = tpu.memref_slice %arg9[%dma_wait3A_302, %dma_wait3A_303] : memref<10240x128xf32, #tpu.memory_space<vmem_shared>> -> memref<10240x128xf32, #tpu.memory_space<vmem_shared>>
      tpu.wait_indirect_dma semaphore(%arg14 : memref<!tpu.dma_semaphore, #tpu.memory_space<semaphore_mem>>) src(%arg7 : memref<128x128xf32, #tpu.memory_space<vmem>>) dst(%dma_wait3A_304 : memref<10240x128xf32, #tpu.memory_space<vmem_shared>>)
      %dma_wait3A_305 = arith.constant 0 : i32
      %dma_wait3A_306 = arith.constant 0 : i32
      %dma_wait3A_307 = arith.constant 0 : i32
      %dma_wait3A_308 = arith.constant 0 : i32
      %dma_wait3A_309 = tpu.memref_slice %arg3[%add3A, %dma_wait3A_305, %dma_wait3A_306, %dma_wait3A_307, %dma_wait3A_308] : memref<32x20x4x2x128xi32, #tpu.memory_space<hbm>> -> memref<1x20x4x2x128xi32, #tpu.memory_space<hbm>>
      %dma_wait3A_310 = tpu.memref_squeeze %dma_wait3A_309 : memref<1x20x4x2x128xi32, #tpu.memory_space<hbm>> -> memref<20x4x2x128xi32, #tpu.memory_space<hbm>>
      %dma_wait3A_311 = arith.constant 0 : i32
      %dma_wait3A_312 = arith.constant 0 : i32
      %dma_wait3A_313 = arith.constant 0 : i32
      %dma_wait3A_314 = tpu.memref_slice %dma_wait3A_310[%add3A_108, %dma_wait3A_311, %dma_wait3A_312, %dma_wait3A_313] : memref<20x4x2x128xi32, #tpu.memory_space<hbm>> -> memref<1x4x2x128xi32, #tpu.memory_space<hbm>>
      %dma_wait3A_315 = tpu.memref_squeeze %dma_wait3A_314 : memref<1x4x2x128xi32, #tpu.memory_space<hbm>> -> memref<4x2x128xi32, #tpu.memory_space<hbm>>
      %dma_wait3A_316 = arith.constant 0 : i32
      %dma_wait3A_317 = arith.constant 0 : i32
      %dma_wait3A_318 = arith.constant 0 : i32
      %dma_wait3A_319 = arith.constant 0 : i32
      %dma_wait3A_320 = tpu.memref_slice %arg3[%add3A, %dma_wait3A_316, %dma_wait3A_317, %dma_wait3A_318, %dma_wait3A_319] : memref<32x20x4x2x128xi32, #tpu.memory_space<hbm>> -> memref<1x20x4x2x128xi32, #tpu.memory_space<hbm>>
      %dma_wait3A_321 = tpu.memref_squeeze %dma_wait3A_320 : memref<1x20x4x2x128xi32, #tpu.memory_space<hbm>> -> memref<20x4x2x128xi32, #tpu.memory_space<hbm>>
      %dma_wait3A_322 = arith.constant 0 : i32
      %dma_wait3A_323 = arith.constant 0 : i32
      %dma_wait3A_324 = arith.constant 0 : i32
      %dma_wait3A_325 = tpu.memref_slice %dma_wait3A_321[%add3A_108, %dma_wait3A_322, %dma_wait3A_323, %dma_wait3A_324] : memref<20x4x2x128xi32, #tpu.memory_space<hbm>> -> memref<1x4x2x128xi32, #tpu.memory_space<hbm>>
      %dma_wait3A_326 = tpu.memref_squeeze %dma_wait3A_325 : memref<1x4x2x128xi32, #tpu.memory_space<hbm>> -> memref<4x2x128xi32, #tpu.memory_space<hbm>>
      tpu.wait_dma2 semaphore(%arg11 : memref<!tpu.dma_semaphore, #tpu.memory_space<semaphore_mem>>) src(%dma_wait3A_326 : memref<4x2x128xi32, #tpu.memory_space<hbm>>) dst(%arg6 : memref<4x2x128xi32, #tpu.memory_space<vmem>>)
      %dma_start3A_327 = arith.constant 0 : i32
      %dma_start3A_328 = arith.constant 0 : i32
      %dma_start3A_329 = arith.constant 0 : i32
      %dma_start3A_330 = arith.constant 0 : i32
      %dma_start3A_331 = tpu.memref_slice %arg6[%dma_start3A_327, %dma_start3A_329, %dma_start3A_330] : memref<4x2x128xi32, #tpu.memory_space<vmem>> -> memref<1x2x128xi32, #tpu.memory_space<vmem>>
      %dma_start3A_332 = tpu.memref_squeeze %dma_start3A_331 : memref<1x2x128xi32, #tpu.memory_space<vmem>> -> memref<2x128xi32, #tpu.memory_space<vmem>>
      %dma_start3A_333 = arith.constant 0 : i32
      %dma_start3A_334 = tpu.memref_slice %dma_start3A_332[%dma_start3A_328, %dma_start3A_333] : memref<2x128xi32, #tpu.memory_space<vmem>> -> memref<1x128xi32, #tpu.memory_space<vmem>>
      %dma_start3A_335 = tpu.memref_squeeze %dma_start3A_334 : memref<1x128xi32, #tpu.memory_space<vmem>> -> memref<128xi32, #tpu.memory_space<vmem>>
      %dma_start3A_336 = arith.constant 0 : i32
      %dma_start3A_337 = arith.constant 0 : i32
      %dma_start3A_338 = tpu.memref_slice %arg2[%dma_start3A_336, %dma_start3A_337] : memref<10240x128xf32, #tpu.memory_space<hbm>> -> memref<10240x128xf32, #tpu.memory_space<hbm>>
      tpu.enqueue_indirect_dma source(%dma_start3A_338 : memref<10240x128xf32, #tpu.memory_space<hbm>>) target(%arg7 : memref<128x128xf32, #tpu.memory_space<vmem>>) offsets(%dma_start3A_335 : memref<128xi32, #tpu.memory_space<vmem>>) semaphore(%arg12 : memref<!tpu.dma_semaphore, #tpu.memory_space<semaphore_mem>>)
      %mul3A_339 = arith.constant 2 : i32
      %mul3A_340 = arith.muli %mul3A_339, %scan3A_103 : i32
      %add3A_341 = arith.constant 2 : i32
      %add3A_342 = arith.addi %mul3A_340, %add3A_341 : i32
      %mul3A_343 = arith.constant 2 : i32
      %mul3A_344 = arith.muli %mul3A_343, %scan3A_103 : i32
      %add3A_345 = arith.constant 2 : i32
      %add3A_346 = arith.addi %mul3A_344, %add3A_345 : i32
      %dma_wait3A_347 = arith.constant 0 : i32
      %dma_wait3A_348 = arith.constant 0 : i32
      %dma_wait3A_349 = arith.constant 0 : i32
      %dma_wait3A_350 = arith.constant 0 : i32
      %dma_wait3A_351 = tpu.memref_slice %arg6[%dma_wait3A_347, %dma_wait3A_349, %dma_wait3A_350] : memref<4x2x128xi32, #tpu.memory_space<vmem>> -> memref<1x2x128xi32, #tpu.memory_space<vmem>>
      %dma_wait3A_352 = tpu.memref_squeeze %dma_wait3A_351 : memref<1x2x128xi32, #tpu.memory_space<vmem>> -> memref<2x128xi32, #tpu.memory_space<vmem>>
      %dma_wait3A_353 = arith.constant 0 : i32
      %dma_wait3A_354 = tpu.memref_slice %dma_wait3A_352[%dma_wait3A_348, %dma_wait3A_353] : memref<2x128xi32, #tpu.memory_space<vmem>> -> memref<1x128xi32, #tpu.memory_space<vmem>>
      %dma_wait3A_355 = tpu.memref_squeeze %dma_wait3A_354 : memref<1x128xi32, #tpu.memory_space<vmem>> -> memref<128xi32, #tpu.memory_space<vmem>>
      %dma_wait3A_356 = arith.constant 0 : i32
      %dma_wait3A_357 = arith.constant 0 : i32
      %dma_wait3A_358 = tpu.memref_slice %arg2[%dma_wait3A_356, %dma_wait3A_357] : memref<10240x128xf32, #tpu.memory_space<hbm>> -> memref<10240x128xf32, #tpu.memory_space<hbm>>
      tpu.wait_indirect_dma semaphore(%arg12 : memref<!tpu.dma_semaphore, #tpu.memory_space<semaphore_mem>>) src(%dma_wait3A_358 : memref<10240x128xf32, #tpu.memory_space<hbm>>) dst(%arg7 : memref<128x128xf32, #tpu.memory_space<vmem>>)
      %dma_start3A_359 = arith.constant 0 : i32
      %dma_start3A_360 = arith.constant 1 : i32
      %dma_start3A_361 = arith.constant 0 : i32
      %dma_start3A_362 = arith.constant 0 : i32
      %dma_start3A_363 = tpu.memref_slice %arg6[%dma_start3A_359, %dma_start3A_361, %dma_start3A_362] : memref<4x2x128xi32, #tpu.memory_space<vmem>> -> memref<1x2x128xi32, #tpu.memory_space<vmem>>
      %dma_start3A_364 = tpu.memref_squeeze %dma_start3A_363 : memref<1x2x128xi32, #tpu.memory_space<vmem>> -> memref<2x128xi32, #tpu.memory_space<vmem>>
      %dma_start3A_365 = arith.constant 0 : i32
      %dma_start3A_366 = tpu.memref_slice %dma_start3A_364[%dma_start3A_360, %dma_start3A_365] : memref<2x128xi32, #tpu.memory_space<vmem>> -> memref<1x128xi32, #tpu.memory_space<vmem>>
      %dma_start3A_367 = tpu.memref_squeeze %dma_start3A_366 : memref<1x128xi32, #tpu.memory_space<vmem>> -> memref<128xi32, #tpu.memory_space<vmem>>
      %dma_start3A_368 = arith.constant 0 : i32
      %dma_start3A_369 = arith.constant 0 : i32
      %dma_start3A_370 = tpu.memref_slice %arg9[%dma_start3A_368, %dma_start3A_369] : memref<10240x128xf32, #tpu.memory_space<vmem_shared>> -> memref<10240x128xf32, #tpu.memory_space<vmem_shared>>
      tpu.enqueue_indirect_dma source(%arg7 : memref<128x128xf32, #tpu.memory_space<vmem>>) target(%dma_start3A_370 : memref<10240x128xf32, #tpu.memory_space<vmem_shared>>) offsets(%dma_start3A_367 : memref<128xi32, #tpu.memory_space<vmem>>) semaphore(%arg14 : memref<!tpu.dma_semaphore, #tpu.memory_space<semaphore_mem>>) {add = true}
      %dma_wait3A_371 = arith.constant 0 : i32
      %dma_wait3A_372 = arith.constant 1 : i32
      %dma_wait3A_373 = arith.constant 0 : i32
      %dma_wait3A_374 = arith.constant 0 : i32
      %dma_wait3A_375 = tpu.memref_slice %arg6[%dma_wait3A_371, %dma_wait3A_373, %dma_wait3A_374] : memref<4x2x128xi32, #tpu.memory_space<vmem>> -> memref<1x2x128xi32, #tpu.memory_space<vmem>>
      %dma_wait3A_376 = tpu.memref_squeeze %dma_wait3A_375 : memref<1x2x128xi32, #tpu.memory_space<vmem>> -> memref<2x128xi32, #tpu.memory_space<vmem>>
      %dma_wait3A_377 = arith.constant 0 : i32
      %dma_wait3A_378 = tpu.memref_slice %dma_wait3A_376[%dma_wait3A_372, %dma_wait3A_377] : memref<2x128xi32, #tpu.memory_space<vmem>> -> memref<1x128xi32, #tpu.memory_space<vmem>>
      %dma_wait3A_379 = tpu.memref_squeeze %dma_wait3A_378 : memref<1x128xi32, #tpu.memory_space<vmem>> -> memref<128xi32, #tpu.memory_space<vmem>>
      %dma_wait3A_380 = arith.constant 0 : i32
      %dma_wait3A_381 = arith.constant 0 : i32
      %dma_wait3A_382 = tpu.memref_slice %arg9[%dma_wait3A_380, %dma_wait3A_381] : memref<10240x128xf32, #tpu.memory_space<vmem_shared>> -> memref<10240x128xf32, #tpu.memory_space<vmem_shared>>
      tpu.wait_indirect_dma semaphore(%arg15 : memref<!tpu.dma_semaphore, #tpu.memory_space<semaphore_mem>>) src(%arg8 : memref<128x128xf32, #tpu.memory_space<vmem>>) dst(%dma_wait3A_382 : memref<10240x128xf32, #tpu.memory_space<vmem_shared>>)
      %convert_element_type3A_383 = arith.extui %lt3A_104 : i1 to i32
      %cond3A_384 = arith.constant 0 : i32
      %cond3A_385 = arith.cmpi ne, %convert_element_type3A_383, %cond3A_384 : i32
      scf.if %cond3A_385 {
        %dma_start3A_533 = arith.constant 0 : i32
        %dma_start3A_534 = arith.constant 0 : i32
        %dma_start3A_535 = arith.constant 0 : i32
        %dma_start3A_536 = arith.constant 0 : i32
        %dma_start3A_537 = tpu.memref_slice %arg3[%add3A, %dma_start3A_533, %dma_start3A_534, %dma_start3A_535, %dma_start3A_536] : memref<32x20x4x2x128xi32, #tpu.memory_space<hbm>> -> memref<1x20x4x2x128xi32, #tpu.memory_space<hbm>>
        %dma_start3A_538 = tpu.memref_squeeze %dma_start3A_537 : memref<1x20x4x2x128xi32, #tpu.memory_space<hbm>> -> memref<20x4x2x128xi32, #tpu.memory_space<hbm>>
        %dma_start3A_539 = arith.constant 0 : i32
        %dma_start3A_540 = arith.constant 0 : i32
        %dma_start3A_541 = arith.constant 0 : i32
        %dma_start3A_542 = tpu.memref_slice %dma_start3A_538[%add3A_346, %dma_start3A_539, %dma_start3A_540, %dma_start3A_541] : memref<20x4x2x128xi32, #tpu.memory_space<hbm>> -> memref<1x4x2x128xi32, #tpu.memory_space<hbm>>
        %dma_start3A_543 = tpu.memref_squeeze %dma_start3A_542 : memref<1x4x2x128xi32, #tpu.memory_space<hbm>> -> memref<4x2x128xi32, #tpu.memory_space<hbm>>
        %dma_start3A_544 = arith.constant 0 : i32
        %dma_start3A_545 = arith.constant 0 : i32
        %dma_start3A_546 = arith.constant 0 : i32
        %dma_start3A_547 = arith.constant 0 : i32
        %dma_start3A_548 = tpu.memref_slice %arg3[%add3A, %dma_start3A_544, %dma_start3A_545, %dma_start3A_546, %dma_start3A_547] : memref<32x20x4x2x128xi32, #tpu.memory_space<hbm>> -> memref<1x20x4x2x128xi32, #tpu.memory_space<hbm>>
        %dma_start3A_549 = tpu.memref_squeeze %dma_start3A_548 : memref<1x20x4x2x128xi32, #tpu.memory_space<hbm>> -> memref<20x4x2x128xi32, #tpu.memory_space<hbm>>
        %dma_start3A_550 = arith.constant 0 : i32
        %dma_start3A_551 = arith.constant 0 : i32
        %dma_start3A_552 = arith.constant 0 : i32
        %dma_start3A_553 = tpu.memref_slice %dma_start3A_549[%add3A_346, %dma_start3A_550, %dma_start3A_551, %dma_start3A_552] : memref<20x4x2x128xi32, #tpu.memory_space<hbm>> -> memref<1x4x2x128xi32, #tpu.memory_space<hbm>>
        %dma_start3A_554 = tpu.memref_squeeze %dma_start3A_553 : memref<1x4x2x128xi32, #tpu.memory_space<hbm>> -> memref<4x2x128xi32, #tpu.memory_space<hbm>>
        tpu.enqueue_dma source(%dma_start3A_554 : memref<4x2x128xi32, #tpu.memory_space<hbm>>) target(%arg5 : memref<4x2x128xi32, #tpu.memory_space<vmem>>) target_semaphore(%arg10 : memref<!tpu.dma_semaphore, #tpu.memory_space<semaphore_mem>>)
      } else {
      }
      %dma_start3A_386 = arith.constant 1 : i32
      %dma_start3A_387 = arith.constant 0 : i32
      %dma_start3A_388 = arith.constant 0 : i32
      %dma_start3A_389 = arith.constant 0 : i32
      %dma_start3A_390 = tpu.memref_slice %arg6[%dma_start3A_386, %dma_start3A_388, %dma_start3A_389] : memref<4x2x128xi32, #tpu.memory_space<vmem>> -> memref<1x2x128xi32, #tpu.memory_space<vmem>>
      %dma_start3A_391 = tpu.memref_squeeze %dma_start3A_390 : memref<1x2x128xi32, #tpu.memory_space<vmem>> -> memref<2x128xi32, #tpu.memory_space<vmem>>
      %dma_start3A_392 = arith.constant 0 : i32
      %dma_start3A_393 = tpu.memref_slice %dma_start3A_391[%dma_start3A_387, %dma_start3A_392] : memref<2x128xi32, #tpu.memory_space<vmem>> -> memref<1x128xi32, #tpu.memory_space<vmem>>
      %dma_start3A_394 = tpu.memref_squeeze %dma_start3A_393 : memref<1x128xi32, #tpu.memory_space<vmem>> -> memref<128xi32, #tpu.memory_space<vmem>>
      %dma_start3A_395 = arith.constant 0 : i32
      %dma_start3A_396 = arith.constant 0 : i32
      %dma_start3A_397 = tpu.memref_slice %arg2[%dma_start3A_395, %dma_start3A_396] : memref<10240x128xf32, #tpu.memory_space<hbm>> -> memref<10240x128xf32, #tpu.memory_space<hbm>>
      tpu.enqueue_indirect_dma source(%dma_start3A_397 : memref<10240x128xf32, #tpu.memory_space<hbm>>) target(%arg8 : memref<128x128xf32, #tpu.memory_space<vmem>>) offsets(%dma_start3A_394 : memref<128xi32, #tpu.memory_space<vmem>>) semaphore(%arg13 : memref<!tpu.dma_semaphore, #tpu.memory_space<semaphore_mem>>)
      %dma_wait3A_398 = arith.constant 1 : i32
      %dma_wait3A_399 = arith.constant 0 : i32
      %dma_wait3A_400 = arith.constant 0 : i32
      %dma_wait3A_401 = arith.constant 0 : i32
      %dma_wait3A_402 = tpu.memref_slice %arg6[%dma_wait3A_398, %dma_wait3A_400, %dma_wait3A_401] : memref<4x2x128xi32, #tpu.memory_space<vmem>> -> memref<1x2x128xi32, #tpu.memory_space<vmem>>
      %dma_wait3A_403 = tpu.memref_squeeze %dma_wait3A_402 : memref<1x2x128xi32, #tpu.memory_space<vmem>> -> memref<2x128xi32, #tpu.memory_space<vmem>>
      %dma_wait3A_404 = arith.constant 0 : i32
      %dma_wait3A_405 = tpu.memref_slice %dma_wait3A_403[%dma_wait3A_399, %dma_wait3A_404] : memref<2x128xi32, #tpu.memory_space<vmem>> -> memref<1x128xi32, #tpu.memory_space<vmem>>
      %dma_wait3A_406 = tpu.memref_squeeze %dma_wait3A_405 : memref<1x128xi32, #tpu.memory_space<vmem>> -> memref<128xi32, #tpu.memory_space<vmem>>
      %dma_wait3A_407 = arith.constant 0 : i32
      %dma_wait3A_408 = arith.constant 0 : i32
      %dma_wait3A_409 = tpu.memref_slice %arg2[%dma_wait3A_407, %dma_wait3A_408] : memref<10240x128xf32, #tpu.memory_space<hbm>> -> memref<10240x128xf32, #tpu.memory_space<hbm>>
      tpu.wait_indirect_dma semaphore(%arg13 : memref<!tpu.dma_semaphore, #tpu.memory_space<semaphore_mem>>) src(%dma_wait3A_409 : memref<10240x128xf32, #tpu.memory_space<hbm>>) dst(%arg8 : memref<128x128xf32, #tpu.memory_space<vmem>>)
      %dma_start3A_410 = arith.constant 1 : i32
      %dma_start3A_411 = arith.constant 1 : i32
      %dma_start3A_412 = arith.constant 0 : i32
      %dma_start3A_413 = arith.constant 0 : i32
      %dma_start3A_414 = tpu.memref_slice %arg6[%dma_start3A_410, %dma_start3A_412, %dma_start3A_413] : memref<4x2x128xi32, #tpu.memory_space<vmem>> -> memref<1x2x128xi32, #tpu.memory_space<vmem>>
      %dma_start3A_415 = tpu.memref_squeeze %dma_start3A_414 : memref<1x2x128xi32, #tpu.memory_space<vmem>> -> memref<2x128xi32, #tpu.memory_space<vmem>>
      %dma_start3A_416 = arith.constant 0 : i32
      %dma_start3A_417 = tpu.memref_slice %dma_start3A_415[%dma_start3A_411, %dma_start3A_416] : memref<2x128xi32, #tpu.memory_space<vmem>> -> memref<1x128xi32, #tpu.memory_space<vmem>>
      %dma_start3A_418 = tpu.memref_squeeze %dma_start3A_417 : memref<1x128xi32, #tpu.memory_space<vmem>> -> memref<128xi32, #tpu.memory_space<vmem>>
      %dma_start3A_419 = arith.constant 0 : i32
      %dma_start3A_420 = arith.constant 0 : i32
      %dma_start3A_421 = tpu.memref_slice %arg9[%dma_start3A_419, %dma_start3A_420] : memref<10240x128xf32, #tpu.memory_space<vmem_shared>> -> memref<10240x128xf32, #tpu.memory_space<vmem_shared>>
      tpu.enqueue_indirect_dma source(%arg8 : memref<128x128xf32, #tpu.memory_space<vmem>>) target(%dma_start3A_421 : memref<10240x128xf32, #tpu.memory_space<vmem_shared>>) offsets(%dma_start3A_418 : memref<128xi32, #tpu.memory_space<vmem>>) semaphore(%arg15 : memref<!tpu.dma_semaphore, #tpu.memory_space<semaphore_mem>>) {add = true}
      %dma_wait3A_422 = arith.constant 1 : i32
      %dma_wait3A_423 = arith.constant 1 : i32
      %dma_wait3A_424 = arith.constant 0 : i32
      %dma_wait3A_425 = arith.constant 0 : i32
      %dma_wait3A_426 = tpu.memref_slice %arg6[%dma_wait3A_422, %dma_wait3A_424, %dma_wait3A_425] : memref<4x2x128xi32, #tpu.memory_space<vmem>> -> memref<1x2x128xi32, #tpu.memory_space<vmem>>
      %dma_wait3A_427 = tpu.memref_squeeze %dma_wait3A_426 : memref<1x2x128xi32, #tpu.memory_space<vmem>> -> memref<2x128xi32, #tpu.memory_space<vmem>>
      %dma_wait3A_428 = arith.constant 0 : i32
      %dma_wait3A_429 = tpu.memref_slice %dma_wait3A_427[%dma_wait3A_423, %dma_wait3A_428] : memref<2x128xi32, #tpu.memory_space<vmem>> -> memref<1x128xi32, #tpu.memory_space<vmem>>
      %dma_wait3A_430 = tpu.memref_squeeze %dma_wait3A_429 : memref<1x128xi32, #tpu.memory_space<vmem>> -> memref<128xi32, #tpu.memory_space<vmem>>
      %dma_wait3A_431 = arith.constant 0 : i32
      %dma_wait3A_432 = arith.constant 0 : i32
      %dma_wait3A_433 = tpu.memref_slice %arg9[%dma_wait3A_431, %dma_wait3A_432] : memref<10240x128xf32, #tpu.memory_space<vmem_shared>> -> memref<10240x128xf32, #tpu.memory_space<vmem_shared>>
      tpu.wait_indirect_dma semaphore(%arg14 : memref<!tpu.dma_semaphore, #tpu.memory_space<semaphore_mem>>) src(%arg7 : memref<128x128xf32, #tpu.memory_space<vmem>>) dst(%dma_wait3A_433 : memref<10240x128xf32, #tpu.memory_space<vmem_shared>>)
      %dma_start3A_434 = arith.constant 2 : i32
      %dma_start3A_435 = arith.constant 0 : i32
      %dma_start3A_436 = arith.constant 0 : i32
      %dma_start3A_437 = arith.constant 0 : i32
      %dma_start3A_438 = tpu.memref_slice %arg6[%dma_start3A_434, %dma_start3A_436, %dma_start3A_437] : memref<4x2x128xi32, #tpu.memory_space<vmem>> -> memref<1x2x128xi32, #tpu.memory_space<vmem>>
      %dma_start3A_439 = tpu.memref_squeeze %dma_start3A_438 : memref<1x2x128xi32, #tpu.memory_space<vmem>> -> memref<2x128xi32, #tpu.memory_space<vmem>>
      %dma_start3A_440 = arith.constant 0 : i32
      %dma_start3A_441 = tpu.memref_slice %dma_start3A_439[%dma_start3A_435, %dma_start3A_440] : memref<2x128xi32, #tpu.memory_space<vmem>> -> memref<1x128xi32, #tpu.memory_space<vmem>>
      %dma_start3A_442 = tpu.memref_squeeze %dma_start3A_441 : memref<1x128xi32, #tpu.memory_space<vmem>> -> memref<128xi32, #tpu.memory_space<vmem>>
      %dma_start3A_443 = arith.constant 0 : i32
      %dma_start3A_444 = arith.constant 0 : i32
      %dma_start3A_445 = tpu.memref_slice %arg2[%dma_start3A_443, %dma_start3A_444] : memref<10240x128xf32, #tpu.memory_space<hbm>> -> memref<10240x128xf32, #tpu.memory_space<hbm>>
      tpu.enqueue_indirect_dma source(%dma_start3A_445 : memref<10240x128xf32, #tpu.memory_space<hbm>>) target(%arg7 : memref<128x128xf32, #tpu.memory_space<vmem>>) offsets(%dma_start3A_442 : memref<128xi32, #tpu.memory_space<vmem>>) semaphore(%arg12 : memref<!tpu.dma_semaphore, #tpu.memory_space<semaphore_mem>>)
      %dma_wait3A_446 = arith.constant 2 : i32
      %dma_wait3A_447 = arith.constant 0 : i32
      %dma_wait3A_448 = arith.constant 0 : i32
      %dma_wait3A_449 = arith.constant 0 : i32
      %dma_wait3A_450 = tpu.memref_slice %arg6[%dma_wait3A_446, %dma_wait3A_448, %dma_wait3A_449] : memref<4x2x128xi32, #tpu.memory_space<vmem>> -> memref<1x2x128xi32, #tpu.memory_space<vmem>>
      %dma_wait3A_451 = tpu.memref_squeeze %dma_wait3A_450 : memref<1x2x128xi32, #tpu.memory_space<vmem>> -> memref<2x128xi32, #tpu.memory_space<vmem>>
      %dma_wait3A_452 = arith.constant 0 : i32
      %dma_wait3A_453 = tpu.memref_slice %dma_wait3A_451[%dma_wait3A_447, %dma_wait3A_452] : memref<2x128xi32, #tpu.memory_space<vmem>> -> memref<1x128xi32, #tpu.memory_space<vmem>>
      %dma_wait3A_454 = tpu.memref_squeeze %dma_wait3A_453 : memref<1x128xi32, #tpu.memory_space<vmem>> -> memref<128xi32, #tpu.memory_space<vmem>>
      %dma_wait3A_455 = arith.constant 0 : i32
      %dma_wait3A_456 = arith.constant 0 : i32
      %dma_wait3A_457 = tpu.memref_slice %arg2[%dma_wait3A_455, %dma_wait3A_456] : memref<10240x128xf32, #tpu.memory_space<hbm>> -> memref<10240x128xf32, #tpu.memory_space<hbm>>
      tpu.wait_indirect_dma semaphore(%arg12 : memref<!tpu.dma_semaphore, #tpu.memory_space<semaphore_mem>>) src(%dma_wait3A_457 : memref<10240x128xf32, #tpu.memory_space<hbm>>) dst(%arg7 : memref<128x128xf32, #tpu.memory_space<vmem>>)
      %dma_start3A_458 = arith.constant 2 : i32
      %dma_start3A_459 = arith.constant 1 : i32
      %dma_start3A_460 = arith.constant 0 : i32
      %dma_start3A_461 = arith.constant 0 : i32
      %dma_start3A_462 = tpu.memref_slice %arg6[%dma_start3A_458, %dma_start3A_460, %dma_start3A_461] : memref<4x2x128xi32, #tpu.memory_space<vmem>> -> memref<1x2x128xi32, #tpu.memory_space<vmem>>
      %dma_start3A_463 = tpu.memref_squeeze %dma_start3A_462 : memref<1x2x128xi32, #tpu.memory_space<vmem>> -> memref<2x128xi32, #tpu.memory_space<vmem>>
      %dma_start3A_464 = arith.constant 0 : i32
      %dma_start3A_465 = tpu.memref_slice %dma_start3A_463[%dma_start3A_459, %dma_start3A_464] : memref<2x128xi32, #tpu.memory_space<vmem>> -> memref<1x128xi32, #tpu.memory_space<vmem>>
      %dma_start3A_466 = tpu.memref_squeeze %dma_start3A_465 : memref<1x128xi32, #tpu.memory_space<vmem>> -> memref<128xi32, #tpu.memory_space<vmem>>
      %dma_start3A_467 = arith.constant 0 : i32
      %dma_start3A_468 = arith.constant 0 : i32
      %dma_start3A_469 = tpu.memref_slice %arg9[%dma_start3A_467, %dma_start3A_468] : memref<10240x128xf32, #tpu.memory_space<vmem_shared>> -> memref<10240x128xf32, #tpu.memory_space<vmem_shared>>
      tpu.enqueue_indirect_dma source(%arg7 : memref<128x128xf32, #tpu.memory_space<vmem>>) target(%dma_start3A_469 : memref<10240x128xf32, #tpu.memory_space<vmem_shared>>) offsets(%dma_start3A_466 : memref<128xi32, #tpu.memory_space<vmem>>) semaphore(%arg14 : memref<!tpu.dma_semaphore, #tpu.memory_space<semaphore_mem>>) {add = true}
      %dma_wait3A_470 = arith.constant 2 : i32
      %dma_wait3A_471 = arith.constant 1 : i32
      %dma_wait3A_472 = arith.constant 0 : i32
      %dma_wait3A_473 = arith.constant 0 : i32
      %dma_wait3A_474 = tpu.memref_slice %arg6[%dma_wait3A_470, %dma_wait3A_472, %dma_wait3A_473] : memref<4x2x128xi32, #tpu.memory_space<vmem>> -> memref<1x2x128xi32, #tpu.memory_space<vmem>>
      %dma_wait3A_475 = tpu.memref_squeeze %dma_wait3A_474 : memref<1x2x128xi32, #tpu.memory_space<vmem>> -> memref<2x128xi32, #tpu.memory_space<vmem>>
      %dma_wait3A_476 = arith.constant 0 : i32
      %dma_wait3A_477 = tpu.memref_slice %dma_wait3A_475[%dma_wait3A_471, %dma_wait3A_476] : memref<2x128xi32, #tpu.memory_space<vmem>> -> memref<1x128xi32, #tpu.memory_space<vmem>>
      %dma_wait3A_478 = tpu.memref_squeeze %dma_wait3A_477 : memref<1x128xi32, #tpu.memory_space<vmem>> -> memref<128xi32, #tpu.memory_space<vmem>>
      %dma_wait3A_479 = arith.constant 0 : i32
      %dma_wait3A_480 = arith.constant 0 : i32
      %dma_wait3A_481 = tpu.memref_slice %arg9[%dma_wait3A_479, %dma_wait3A_480] : memref<10240x128xf32, #tpu.memory_space<vmem_shared>> -> memref<10240x128xf32, #tpu.memory_space<vmem_shared>>
      tpu.wait_indirect_dma semaphore(%arg15 : memref<!tpu.dma_semaphore, #tpu.memory_space<semaphore_mem>>) src(%arg8 : memref<128x128xf32, #tpu.memory_space<vmem>>) dst(%dma_wait3A_481 : memref<10240x128xf32, #tpu.memory_space<vmem_shared>>)
      %dma_start3A_482 = arith.constant 3 : i32
      %dma_start3A_483 = arith.constant 0 : i32
      %dma_start3A_484 = arith.constant 0 : i32
      %dma_start3A_485 = arith.constant 0 : i32
      %dma_start3A_486 = tpu.memref_slice %arg6[%dma_start3A_482, %dma_start3A_484, %dma_start3A_485] : memref<4x2x128xi32, #tpu.memory_space<vmem>> -> memref<1x2x128xi32, #tpu.memory_space<vmem>>
      %dma_start3A_487 = tpu.memref_squeeze %dma_start3A_486 : memref<1x2x128xi32, #tpu.memory_space<vmem>> -> memref<2x128xi32, #tpu.memory_space<vmem>>
      %dma_start3A_488 = arith.constant 0 : i32
      %dma_start3A_489 = tpu.memref_slice %dma_start3A_487[%dma_start3A_483, %dma_start3A_488] : memref<2x128xi32, #tpu.memory_space<vmem>> -> memref<1x128xi32, #tpu.memory_space<vmem>>
      %dma_start3A_490 = tpu.memref_squeeze %dma_start3A_489 : memref<1x128xi32, #tpu.memory_space<vmem>> -> memref<128xi32, #tpu.memory_space<vmem>>
      %dma_start3A_491 = arith.constant 0 : i32
      %dma_start3A_492 = arith.constant 0 : i32
      %dma_start3A_493 = tpu.memref_slice %arg2[%dma_start3A_491, %dma_start3A_492] : memref<10240x128xf32, #tpu.memory_space<hbm>> -> memref<10240x128xf32, #tpu.memory_space<hbm>>
      tpu.enqueue_indirect_dma source(%dma_start3A_493 : memref<10240x128xf32, #tpu.memory_space<hbm>>) target(%arg8 : memref<128x128xf32, #tpu.memory_space<vmem>>) offsets(%dma_start3A_490 : memref<128xi32, #tpu.memory_space<vmem>>) semaphore(%arg13 : memref<!tpu.dma_semaphore, #tpu.memory_space<semaphore_mem>>)
      %dma_wait3A_494 = arith.constant 3 : i32
      %dma_wait3A_495 = arith.constant 0 : i32
      %dma_wait3A_496 = arith.constant 0 : i32
      %dma_wait3A_497 = arith.constant 0 : i32
      %dma_wait3A_498 = tpu.memref_slice %arg6[%dma_wait3A_494, %dma_wait3A_496, %dma_wait3A_497] : memref<4x2x128xi32, #tpu.memory_space<vmem>> -> memref<1x2x128xi32, #tpu.memory_space<vmem>>
      %dma_wait3A_499 = tpu.memref_squeeze %dma_wait3A_498 : memref<1x2x128xi32, #tpu.memory_space<vmem>> -> memref<2x128xi32, #tpu.memory_space<vmem>>
      %dma_wait3A_500 = arith.constant 0 : i32
      %dma_wait3A_501 = tpu.memref_slice %dma_wait3A_499[%dma_wait3A_495, %dma_wait3A_500] : memref<2x128xi32, #tpu.memory_space<vmem>> -> memref<1x128xi32, #tpu.memory_space<vmem>>
      %dma_wait3A_502 = tpu.memref_squeeze %dma_wait3A_501 : memref<1x128xi32, #tpu.memory_space<vmem>> -> memref<128xi32, #tpu.memory_space<vmem>>
      %dma_wait3A_503 = arith.constant 0 : i32
      %dma_wait3A_504 = arith.constant 0 : i32
      %dma_wait3A_505 = tpu.memref_slice %arg2[%dma_wait3A_503, %dma_wait3A_504] : memref<10240x128xf32, #tpu.memory_space<hbm>> -> memref<10240x128xf32, #tpu.memory_space<hbm>>
      tpu.wait_indirect_dma semaphore(%arg13 : memref<!tpu.dma_semaphore, #tpu.memory_space<semaphore_mem>>) src(%dma_wait3A_505 : memref<10240x128xf32, #tpu.memory_space<hbm>>) dst(%arg8 : memref<128x128xf32, #tpu.memory_space<vmem>>)
      %dma_start3A_506 = arith.constant 3 : i32
      %dma_start3A_507 = arith.constant 1 : i32
      %dma_start3A_508 = arith.constant 0 : i32
      %dma_start3A_509 = arith.constant 0 : i32
      %dma_start3A_510 = tpu.memref_slice %arg6[%dma_start3A_506, %dma_start3A_508, %dma_start3A_509] : memref<4x2x128xi32, #tpu.memory_space<vmem>> -> memref<1x2x128xi32, #tpu.memory_space<vmem>>
      %dma_start3A_511 = tpu.memref_squeeze %dma_start3A_510 : memref<1x2x128xi32, #tpu.memory_space<vmem>> -> memref<2x128xi32, #tpu.memory_space<vmem>>
      %dma_start3A_512 = arith.constant 0 : i32
      %dma_start3A_513 = tpu.memref_slice %dma_start3A_511[%dma_start3A_507, %dma_start3A_512] : memref<2x128xi32, #tpu.memory_space<vmem>> -> memref<1x128xi32, #tpu.memory_space<vmem>>
      %dma_start3A_514 = tpu.memref_squeeze %dma_start3A_513 : memref<1x128xi32, #tpu.memory_space<vmem>> -> memref<128xi32, #tpu.memory_space<vmem>>
      %dma_start3A_515 = arith.constant 0 : i32
      %dma_start3A_516 = arith.constant 0 : i32
      %dma_start3A_517 = tpu.memref_slice %arg9[%dma_start3A_515, %dma_start3A_516] : memref<10240x128xf32, #tpu.memory_space<vmem_shared>> -> memref<10240x128xf32, #tpu.memory_space<vmem_shared>>
      tpu.enqueue_indirect_dma source(%arg8 : memref<128x128xf32, #tpu.memory_space<vmem>>) target(%dma_start3A_517 : memref<10240x128xf32, #tpu.memory_space<vmem_shared>>) offsets(%dma_start3A_514 : memref<128xi32, #tpu.memory_space<vmem>>) semaphore(%arg15 : memref<!tpu.dma_semaphore, #tpu.memory_space<semaphore_mem>>) {add = true}
      %dma_wait3A_518 = arith.constant 3 : i32
      %dma_wait3A_519 = arith.constant 1 : i32
      %dma_wait3A_520 = arith.constant 0 : i32
      %dma_wait3A_521 = arith.constant 0 : i32
      %dma_wait3A_522 = tpu.memref_slice %arg6[%dma_wait3A_518, %dma_wait3A_520, %dma_wait3A_521] : memref<4x2x128xi32, #tpu.memory_space<vmem>> -> memref<1x2x128xi32, #tpu.memory_space<vmem>>
      %dma_wait3A_523 = tpu.memref_squeeze %dma_wait3A_522 : memref<1x2x128xi32, #tpu.memory_space<vmem>> -> memref<2x128xi32, #tpu.memory_space<vmem>>
      %dma_wait3A_524 = arith.constant 0 : i32
      %dma_wait3A_525 = tpu.memref_slice %dma_wait3A_523[%dma_wait3A_519, %dma_wait3A_524] : memref<2x128xi32, #tpu.memory_space<vmem>> -> memref<1x128xi32, #tpu.memory_space<vmem>>
      %dma_wait3A_526 = tpu.memref_squeeze %dma_wait3A_525 : memref<1x128xi32, #tpu.memory_space<vmem>> -> memref<128xi32, #tpu.memory_space<vmem>>
      %dma_wait3A_527 = arith.constant 0 : i32
      %dma_wait3A_528 = arith.constant 0 : i32
      %dma_wait3A_529 = tpu.memref_slice %arg9[%dma_wait3A_527, %dma_wait3A_528] : memref<10240x128xf32, #tpu.memory_space<vmem_shared>> -> memref<10240x128xf32, #tpu.memory_space<vmem_shared>>
      tpu.wait_indirect_dma semaphore(%arg14 : memref<!tpu.dma_semaphore, #tpu.memory_space<semaphore_mem>>) src(%arg7 : memref<128x128xf32, #tpu.memory_space<vmem>>) dst(%dma_wait3A_529 : memref<10240x128xf32, #tpu.memory_space<vmem_shared>>)
      %convert_element_type3A_530 = arith.extui %lt3A_104 : i1 to i32
      %cond3A_531 = arith.constant 0 : i32
      %cond3A_532 = arith.cmpi ne, %convert_element_type3A_530, %cond3A_531 : i32
      scf.if %cond3A_532 {
        %dma_wait3A_533 = arith.constant 0 : i32
        %dma_wait3A_534 = arith.constant 0 : i32
        %dma_wait3A_535 = arith.constant 0 : i32
        %dma_wait3A_536 = arith.constant 0 : i32
        %dma_wait3A_537 = tpu.memref_slice %arg3[%add3A, %dma_wait3A_533, %dma_wait3A_534, %dma_wait3A_535, %dma_wait3A_536] : memref<32x20x4x2x128xi32, #tpu.memory_space<hbm>> -> memref<1x20x4x2x128xi32, #tpu.memory_space<hbm>>
        %dma_wait3A_538 = tpu.memref_squeeze %dma_wait3A_537 : memref<1x20x4x2x128xi32, #tpu.memory_space<hbm>> -> memref<20x4x2x128xi32, #tpu.memory_space<hbm>>
        %dma_wait3A_539 = arith.constant 0 : i32
        %dma_wait3A_540 = arith.constant 0 : i32
        %dma_wait3A_541 = arith.constant 0 : i32
        %dma_wait3A_542 = tpu.memref_slice %dma_wait3A_538[%add3A_342, %dma_wait3A_539, %dma_wait3A_540, %dma_wait3A_541] : memref<20x4x2x128xi32, #tpu.memory_space<hbm>> -> memref<1x4x2x128xi32, #tpu.memory_space<hbm>>
        %dma_wait3A_543 = tpu.memref_squeeze %dma_wait3A_542 : memref<1x4x2x128xi32, #tpu.memory_space<hbm>> -> memref<4x2x128xi32, #tpu.memory_space<hbm>>
        %dma_wait3A_544 = arith.constant 0 : i32
        %dma_wait3A_545 = arith.constant 0 : i32
        %dma_wait3A_546 = arith.constant 0 : i32
        %dma_wait3A_547 = arith.constant 0 : i32
        %dma_wait3A_548 = tpu.memref_slice %arg3[%add3A, %dma_wait3A_544, %dma_wait3A_545, %dma_wait3A_546, %dma_wait3A_547] : memref<32x20x4x2x128xi32, #tpu.memory_space<hbm>> -> memref<1x20x4x2x128xi32, #tpu.memory_space<hbm>>
        %dma_wait3A_549 = tpu.memref_squeeze %dma_wait3A_548 : memref<1x20x4x2x128xi32, #tpu.memory_space<hbm>> -> memref<20x4x2x128xi32, #tpu.memory_space<hbm>>
        %dma_wait3A_550 = arith.constant 0 : i32
        %dma_wait3A_551 = arith.constant 0 : i32
        %dma_wait3A_552 = arith.constant 0 : i32
        %dma_wait3A_553 = tpu.memref_slice %dma_wait3A_549[%add3A_342, %dma_wait3A_550, %dma_wait3A_551, %dma_wait3A_552] : memref<20x4x2x128xi32, #tpu.memory_space<hbm>> -> memref<1x4x2x128xi32, #tpu.memory_space<hbm>>
        %dma_wait3A_554 = tpu.memref_squeeze %dma_wait3A_553 : memref<1x4x2x128xi32, #tpu.memory_space<hbm>> -> memref<4x2x128xi32, #tpu.memory_space<hbm>>
        tpu.wait_dma2 semaphore(%arg10 : memref<!tpu.dma_semaphore, #tpu.memory_space<semaphore_mem>>) src(%dma_wait3A_554 : memref<4x2x128xi32, #tpu.memory_space<hbm>>) dst(%arg5 : memref<4x2x128xi32, #tpu.memory_space<vmem>>)
        %dma_start3A_555 = arith.constant 0 : i32
        %dma_start3A_556 = arith.constant 0 : i32
        %dma_start3A_557 = arith.constant 0 : i32
        %dma_start3A_558 = arith.constant 0 : i32
        %dma_start3A_559 = tpu.memref_slice %arg5[%dma_start3A_555, %dma_start3A_557, %dma_start3A_558] : memref<4x2x128xi32, #tpu.memory_space<vmem>> -> memref<1x2x128xi32, #tpu.memory_space<vmem>>
        %dma_start3A_560 = tpu.memref_squeeze %dma_start3A_559 : memref<1x2x128xi32, #tpu.memory_space<vmem>> -> memref<2x128xi32, #tpu.memory_space<vmem>>
        %dma_start3A_561 = arith.constant 0 : i32
        %dma_start3A_562 = tpu.memref_slice %dma_start3A_560[%dma_start3A_556, %dma_start3A_561] : memref<2x128xi32, #tpu.memory_space<vmem>> -> memref<1x128xi32, #tpu.memory_space<vmem>>
        %dma_start3A_563 = tpu.memref_squeeze %dma_start3A_562 : memref<1x128xi32, #tpu.memory_space<vmem>> -> memref<128xi32, #tpu.memory_space<vmem>>
        %dma_start3A_564 = arith.constant 0 : i32
        %dma_start3A_565 = arith.constant 0 : i32
        %dma_start3A_566 = tpu.memref_slice %arg2[%dma_start3A_564, %dma_start3A_565] : memref<10240x128xf32, #tpu.memory_space<hbm>> -> memref<10240x128xf32, #tpu.memory_space<hbm>>
        tpu.enqueue_indirect_dma source(%dma_start3A_566 : memref<10240x128xf32, #tpu.memory_space<hbm>>) target(%arg7 : memref<128x128xf32, #tpu.memory_space<vmem>>) offsets(%dma_start3A_563 : memref<128xi32, #tpu.memory_space<vmem>>) semaphore(%arg12 : memref<!tpu.dma_semaphore, #tpu.memory_space<semaphore_mem>>)
      } else {
      }
    }
    %scan3A_79 = arith.constant 10 : i32
    %dma_wait3A_80 = arith.constant 3 : i32
    %dma_wait3A_81 = arith.constant 1 : i32
    %dma_wait3A_82 = arith.constant 0 : i32
    %dma_wait3A_83 = arith.constant 0 : i32
    %dma_wait3A_84 = tpu.memref_slice %arg6[%dma_wait3A_80, %dma_wait3A_82, %dma_wait3A_83] : memref<4x2x128xi32, #tpu.memory_space<vmem>> -> memref<1x2x128xi32, #tpu.memory_space<vmem>>
    %dma_wait3A_85 = tpu.memref_squeeze %dma_wait3A_84 : memref<1x2x128xi32, #tpu.memory_space<vmem>> -> memref<2x128xi32, #tpu.memory_space<vmem>>
    %dma_wait3A_86 = arith.constant 0 : i32
    %dma_wait3A_87 = tpu.memref_slice %dma_wait3A_85[%dma_wait3A_81, %dma_wait3A_86] : memref<2x128xi32, #tpu.memory_space<vmem>> -> memref<1x128xi32, #tpu.memory_space<vmem>>
    %dma_wait3A_88 = tpu.memref_squeeze %dma_wait3A_87 : memref<1x128xi32, #tpu.memory_space<vmem>> -> memref<128xi32, #tpu.memory_space<vmem>>
    %dma_wait3A_89 = arith.constant 0 : i32
    %dma_wait3A_90 = arith.constant 0 : i32
    %dma_wait3A_91 = tpu.memref_slice %arg9[%dma_wait3A_89, %dma_wait3A_90] : memref<10240x128xf32, #tpu.memory_space<vmem_shared>> -> memref<10240x128xf32, #tpu.memory_space<vmem_shared>>
    tpu.wait_indirect_dma semaphore(%arg15 : memref<!tpu.dma_semaphore, #tpu.memory_space<semaphore_mem>>) src(%arg8 : memref<128x128xf32, #tpu.memory_space<vmem>>) dst(%dma_wait3A_91 : memref<10240x128xf32, #tpu.memory_space<vmem_shared>>)
    %barrier3A_92 = arith.constant 0 : index
    tpu.barrier barrier_id(%barrier3A_92)
    %add3A_93 = arith.constant 0 : i32
    %add3A_94 = arith.addi %mul3A_2, %add3A_93 : i32
    "tpu.region"() ({
      %run_scoped3A = tpu.sem_alloc : memref<!tpu.dma_semaphore, #tpu.memory_space<semaphore_mem>>
      %dma_start3A_103 = arith.constant 0 : i32
      %dma_start3A_104 = tpu.memref_slice %arg9[%add3A_94, %dma_start3A_103] : memref<10240x128xf32, #tpu.memory_space<vmem_shared>> -> memref<128x128xf32, #tpu.memory_space<vmem_shared>>
      %dma_start3A_105 = arith.constant 0 : i32
      %dma_start3A_106 = tpu.memref_slice %arg9[%add3A_94, %dma_start3A_105] : memref<10240x128xf32, #tpu.memory_space<vmem_shared>> -> memref<128x128xf32, #tpu.memory_space<vmem_shared>>
      tpu.enqueue_dma source(%dma_start3A_106 : memref<128x128xf32, #tpu.memory_space<vmem_shared>>) target(%arg7 : memref<128x128xf32, #tpu.memory_space<vmem>>) target_semaphore(%run_scoped3A : memref<!tpu.dma_semaphore, #tpu.memory_space<semaphore_mem>>)
      %dma_wait3A_107 = arith.constant 0 : i32
      %dma_wait3A_108 = tpu.memref_slice %arg9[%add3A_94, %dma_wait3A_107] : memref<10240x128xf32, #tpu.memory_space<vmem_shared>> -> memref<128x128xf32, #tpu.memory_space<vmem_shared>>
      %dma_wait3A_109 = arith.constant 0 : i32
      %dma_wait3A_110 = tpu.memref_slice %arg9[%add3A_94, %dma_wait3A_109] : memref<10240x128xf32, #tpu.memory_space<vmem_shared>> -> memref<128x128xf32, #tpu.memory_space<vmem_shared>>
      tpu.wait_dma2 semaphore(%run_scoped3A : memref<!tpu.dma_semaphore, #tpu.memory_space<semaphore_mem>>) src(%dma_wait3A_110 : memref<128x128xf32, #tpu.memory_space<vmem_shared>>) dst(%arg7 : memref<128x128xf32, #tpu.memory_space<vmem>>)
      tpu.yield
    }) : () -> ()
    "tpu.region"() ({
      %run_scoped3A = tpu.sem_alloc : memref<!tpu.dma_semaphore, #tpu.memory_space<semaphore_mem>>
      %dma_start3A_103 = arith.constant 0 : i32
      %dma_start3A_104 = arith.constant 0 : i32
      %dma_start3A_105 = tpu.memref_slice %arg4[%arg0, %dma_start3A_103, %dma_start3A_104] : memref<2x10240x128xf32, #tpu.memory_space<hbm>> -> memref<1x10240x128xf32, #tpu.memory_space<hbm>>
      %dma_start3A_106 = tpu.memref_squeeze %dma_start3A_105 : memref<1x10240x128xf32, #tpu.memory_space<hbm>> -> memref<10240x128xf32, #tpu.memory_space<hbm>>
      %dma_start3A_107 = arith.constant 0 : i32
      %dma_start3A_108 = tpu.memref_slice %dma_start3A_106[%add3A_94, %dma_start3A_107] : memref<10240x128xf32, #tpu.memory_space<hbm>> -> memref<128x128xf32, #tpu.memory_space<hbm>>
      %dma_start3A_109 = arith.constant 0 : i32
      %dma_start3A_110 = arith.constant 0 : i32
      %dma_start3A_111 = tpu.memref_slice %arg4[%arg0, %dma_start3A_109, %dma_start3A_110] : memref<2x10240x128xf32, #tpu.memory_space<hbm>> -> memref<1x10240x128xf32, #tpu.memory_space<hbm>>
      %dma_start3A_112 = tpu.memref_squeeze %dma_start3A_111 : memref<1x10240x128xf32, #tpu.memory_space<hbm>> -> memref<10240x128xf32, #tpu.memory_space<hbm>>
      %dma_start3A_113 = arith.constant 0 : i32
      %dma_start3A_114 = tpu.memref_slice %dma_start3A_112[%add3A_94, %dma_start3A_113] : memref<10240x128xf32, #tpu.memory_space<hbm>> -> memref<128x128xf32, #tpu.memory_space<hbm>>
      tpu.enqueue_dma source(%arg7 : memref<128x128xf32, #tpu.memory_space<vmem>>) target(%dma_start3A_114 : memref<128x128xf32, #tpu.memory_space<hbm>>) target_semaphore(%run_scoped3A : memref<!tpu.dma_semaphore, #tpu.memory_space<semaphore_mem>>)
      %dma_wait3A_115 = arith.constant 0 : i32
      %dma_wait3A_116 = arith.constant 0 : i32
      %dma_wait3A_117 = tpu.memref_slice %arg4[%arg0, %dma_wait3A_115, %dma_wait3A_116] : memref<2x10240x128xf32, #tpu.memory_space<hbm>> -> memref<1x10240x128xf32, #tpu.memory_space<hbm>>
      %dma_wait3A_118 = tpu.memref_squeeze %dma_wait3A_117 : memref<1x10240x128xf32, #tpu.memory_space<hbm>> -> memref<10240x128xf32, #tpu.memory_space<hbm>>
      %dma_wait3A_119 = arith.constant 0 : i32
      %dma_wait3A_120 = tpu.memref_slice %dma_wait3A_118[%add3A_94, %dma_wait3A_119] : memref<10240x128xf32, #tpu.memory_space<hbm>> -> memref<128x128xf32, #tpu.memory_space<hbm>>
      %dma_wait3A_121 = arith.constant 0 : i32
      %dma_wait3A_122 = arith.constant 0 : i32
      %dma_wait3A_123 = tpu.memref_slice %arg4[%arg0, %dma_wait3A_121, %dma_wait3A_122] : memref<2x10240x128xf32, #tpu.memory_space<hbm>> -> memref<1x10240x128xf32, #tpu.memory_space<hbm>>
      %dma_wait3A_124 = tpu.memref_squeeze %dma_wait3A_123 : memref<1x10240x128xf32, #tpu.memory_space<hbm>> -> memref<10240x128xf32, #tpu.memory_space<hbm>>
      %dma_wait3A_125 = arith.constant 0 : i32
      %dma_wait3A_126 = tpu.memref_slice %dma_wait3A_124[%add3A_94, %dma_wait3A_125] : memref<10240x128xf32, #tpu.memory_space<hbm>> -> memref<128x128xf32, #tpu.memory_space<hbm>>
      tpu.wait_dma2 semaphore(%run_scoped3A : memref<!tpu.dma_semaphore, #tpu.memory_space<semaphore_mem>>) src(%arg7 : memref<128x128xf32, #tpu.memory_space<vmem>>) dst(%dma_wait3A_126 : memref<128x128xf32, #tpu.memory_space<hbm>>)
      tpu.yield
    }) : () -> ()
    %add3A_95 = arith.constant 128 : i32
    %add3A_96 = arith.addi %mul3A_2, %add3A_95 : i32
    "tpu.region"() ({
      %run_scoped3A = tpu.sem_alloc : memref<!tpu.dma_semaphore, #tpu.memory_space<semaphore_mem>>
      %dma_start3A_103 = arith.constant 0 : i32
      %dma_start3A_104 = tpu.memref_slice %arg9[%add3A_96, %dma_start3A_103] : memref<10240x128xf32, #tpu.memory_space<vmem_shared>> -> memref<128x128xf32, #tpu.memory_space<vmem_shared>>
      %dma_start3A_105 = arith.constant 0 : i32
      %dma_start3A_106 = tpu.memref_slice %arg9[%add3A_96, %dma_start3A_105] : memref<10240x128xf32, #tpu.memory_space<vmem_shared>> -> memref<128x128xf32, #tpu.memory_space<vmem_shared>>
      tpu.enqueue_dma source(%dma_start3A_106 : memref<128x128xf32, #tpu.memory_space<vmem_shared>>) target(%arg7 : memref<128x128xf32, #tpu.memory_space<vmem>>) target_semaphore(%run_scoped3A : memref<!tpu.dma_semaphore, #tpu.memory_space<semaphore_mem>>)
      %dma_wait3A_107 = arith.constant 0 : i32
      %dma_wait3A_108 = tpu.memref_slice %arg9[%add3A_96, %dma_wait3A_107] : memref<10240x128xf32, #tpu.memory_space<vmem_shared>> -> memref<128x128xf32, #tpu.memory_space<vmem_shared>>
      %dma_wait3A_109 = arith.constant 0 : i32
      %dma_wait3A_110 = tpu.memref_slice %arg9[%add3A_96, %dma_wait3A_109] : memref<10240x128xf32, #tpu.memory_space<vmem_shared>> -> memref<128x128xf32, #tpu.memory_space<vmem_shared>>
      tpu.wait_dma2 semaphore(%run_scoped3A : memref<!tpu.dma_semaphore, #tpu.memory_space<semaphore_mem>>) src(%dma_wait3A_110 : memref<128x128xf32, #tpu.memory_space<vmem_shared>>) dst(%arg7 : memref<128x128xf32, #tpu.memory_space<vmem>>)
      tpu.yield
    }) : () -> ()
    "tpu.region"() ({
      %run_scoped3A = tpu.sem_alloc : memref<!tpu.dma_semaphore, #tpu.memory_space<semaphore_mem>>
      %dma_start3A_103 = arith.constant 0 : i32
      %dma_start3A_104 = arith.constant 0 : i32
      %dma_start3A_105 = tpu.memref_slice %arg4[%arg0, %dma_start3A_103, %dma_start3A_104] : memref<2x10240x128xf32, #tpu.memory_space<hbm>> -> memref<1x10240x128xf32, #tpu.memory_space<hbm>>
      %dma_start3A_106 = tpu.memref_squeeze %dma_start3A_105 : memref<1x10240x128xf32, #tpu.memory_space<hbm>> -> memref<10240x128xf32, #tpu.memory_space<hbm>>
      %dma_start3A_107 = arith.constant 0 : i32
      %dma_start3A_108 = tpu.memref_slice %dma_start3A_106[%add3A_96, %dma_start3A_107] : memref<10240x128xf32, #tpu.memory_space<hbm>> -> memref<128x128xf32, #tpu.memory_space<hbm>>
      %dma_start3A_109 = arith.constant 0 : i32
      %dma_start3A_110 = arith.constant 0 : i32
      %dma_start3A_111 = tpu.memref_slice %arg4[%arg0, %dma_start3A_109, %dma_start3A_110] : memref<2x10240x128xf32, #tpu.memory_space<hbm>> -> memref<1x10240x128xf32, #tpu.memory_space<hbm>>
      %dma_start3A_112 = tpu.memref_squeeze %dma_start3A_111 : memref<1x10240x128xf32, #tpu.memory_space<hbm>> -> memref<10240x128xf32, #tpu.memory_space<hbm>>
      %dma_start3A_113 = arith.constant 0 : i32
      %dma_start3A_114 = tpu.memref_slice %dma_start3A_112[%add3A_96, %dma_start3A_113] : memref<10240x128xf32, #tpu.memory_space<hbm>> -> memref<128x128xf32, #tpu.memory_space<hbm>>
      tpu.enqueue_dma source(%arg7 : memref<128x128xf32, #tpu.memory_space<vmem>>) target(%dma_start3A_114 : memref<128x128xf32, #tpu.memory_space<hbm>>) target_semaphore(%run_scoped3A : memref<!tpu.dma_semaphore, #tpu.memory_space<semaphore_mem>>)
      %dma_wait3A_115 = arith.constant 0 : i32
      %dma_wait3A_116 = arith.constant 0 : i32
      %dma_wait3A_117 = tpu.memref_slice %arg4[%arg0, %dma_wait3A_115, %dma_wait3A_116] : memref<2x10240x128xf32, #tpu.memory_space<hbm>> -> memref<1x10240x128xf32, #tpu.memory_space<hbm>>
      %dma_wait3A_118 = tpu.memref_squeeze %dma_wait3A_117 : memref<1x10240x128xf32, #tpu.memory_space<hbm>> -> memref<10240x128xf32, #tpu.memory_space<hbm>>
      %dma_wait3A_119 = arith.constant 0 : i32
      %dma_wait3A_120 = tpu.memref_slice %dma_wait3A_118[%add3A_96, %dma_wait3A_119] : memref<10240x128xf32, #tpu.memory_space<hbm>> -> memref<128x128xf32, #tpu.memory_space<hbm>>
      %dma_wait3A_121 = arith.constant 0 : i32
      %dma_wait3A_122 = arith.constant 0 : i32
      %dma_wait3A_123 = tpu.memref_slice %arg4[%arg0, %dma_wait3A_121, %dma_wait3A_122] : memref<2x10240x128xf32, #tpu.memory_space<hbm>> -> memref<1x10240x128xf32, #tpu.memory_space<hbm>>
      %dma_wait3A_124 = tpu.memref_squeeze %dma_wait3A_123 : memref<1x10240x128xf32, #tpu.memory_space<hbm>> -> memref<10240x128xf32, #tpu.memory_space<hbm>>
      %dma_wait3A_125 = arith.constant 0 : i32
      %dma_wait3A_126 = tpu.memref_slice %dma_wait3A_124[%add3A_96, %dma_wait3A_125] : memref<10240x128xf32, #tpu.memory_space<hbm>> -> memref<128x128xf32, #tpu.memory_space<hbm>>
      tpu.wait_dma2 semaphore(%run_scoped3A : memref<!tpu.dma_semaphore, #tpu.memory_space<semaphore_mem>>) src(%arg7 : memref<128x128xf32, #tpu.memory_space<vmem>>) dst(%dma_wait3A_126 : memref<128x128xf32, #tpu.memory_space<hbm>>)
      tpu.yield
    }) : () -> ()
    %add3A_97 = arith.constant 256 : i32
    %add3A_98 = arith.addi %mul3A_2, %add3A_97 : i32
    "tpu.region"() ({
      %run_scoped3A = tpu.sem_alloc : memref<!tpu.dma_semaphore, #tpu.memory_space<semaphore_mem>>
      %dma_start3A_103 = arith.constant 0 : i32
      %dma_start3A_104 = tpu.memref_slice %arg9[%add3A_98, %dma_start3A_103] : memref<10240x128xf32, #tpu.memory_space<vmem_shared>> -> memref<128x128xf32, #tpu.memory_space<vmem_shared>>
      %dma_start3A_105 = arith.constant 0 : i32
      %dma_start3A_106 = tpu.memref_slice %arg9[%add3A_98, %dma_start3A_105] : memref<10240x128xf32, #tpu.memory_space<vmem_shared>> -> memref<128x128xf32, #tpu.memory_space<vmem_shared>>
      tpu.enqueue_dma source(%dma_start3A_106 : memref<128x128xf32, #tpu.memory_space<vmem_shared>>) target(%arg7 : memref<128x128xf32, #tpu.memory_space<vmem>>) target_semaphore(%run_scoped3A : memref<!tpu.dma_semaphore, #tpu.memory_space<semaphore_mem>>)
      %dma_wait3A_107 = arith.constant 0 : i32
      %dma_wait3A_108 = tpu.memref_slice %arg9[%add3A_98, %dma_wait3A_107] : memref<10240x128xf32, #tpu.memory_space<vmem_shared>> -> memref<128x128xf32, #tpu.memory_space<vmem_shared>>
      %dma_wait3A_109 = arith.constant 0 : i32
      %dma_wait3A_110 = tpu.memref_slice %arg9[%add3A_98, %dma_wait3A_109] : memref<10240x128xf32, #tpu.memory_space<vmem_shared>> -> memref<128x128xf32, #tpu.memory_space<vmem_shared>>
      tpu.wait_dma2 semaphore(%run_scoped3A : memref<!tpu.dma_semaphore, #tpu.memory_space<semaphore_mem>>) src(%dma_wait3A_110 : memref<128x128xf32, #tpu.memory_space<vmem_shared>>) dst(%arg7 : memref<128x128xf32, #tpu.memory_space<vmem>>)
      tpu.yield
    }) : () -> ()
    "tpu.region"() ({
      %run_scoped3A = tpu.sem_alloc : memref<!tpu.dma_semaphore, #tpu.memory_space<semaphore_mem>>
      %dma_start3A_103 = arith.constant 0 : i32
      %dma_start3A_104 = arith.constant 0 : i32
      %dma_start3A_105 = tpu.memref_slice %arg4[%arg0, %dma_start3A_103, %dma_start3A_104] : memref<2x10240x128xf32, #tpu.memory_space<hbm>> -> memref<1x10240x128xf32, #tpu.memory_space<hbm>>
      %dma_start3A_106 = tpu.memref_squeeze %dma_start3A_105 : memref<1x10240x128xf32, #tpu.memory_space<hbm>> -> memref<10240x128xf32, #tpu.memory_space<hbm>>
      %dma_start3A_107 = arith.constant 0 : i32
      %dma_start3A_108 = tpu.memref_slice %dma_start3A_106[%add3A_98, %dma_start3A_107] : memref<10240x128xf32, #tpu.memory_space<hbm>> -> memref<128x128xf32, #tpu.memory_space<hbm>>
      %dma_start3A_109 = arith.constant 0 : i32
      %dma_start3A_110 = arith.constant 0 : i32
      %dma_start3A_111 = tpu.memref_slice %arg4[%arg0, %dma_start3A_109, %dma_start3A_110] : memref<2x10240x128xf32, #tpu.memory_space<hbm>> -> memref<1x10240x128xf32, #tpu.memory_space<hbm>>
      %dma_start3A_112 = tpu.memref_squeeze %dma_start3A_111 : memref<1x10240x128xf32, #tpu.memory_space<hbm>> -> memref<10240x128xf32, #tpu.memory_space<hbm>>
      %dma_start3A_113 = arith.constant 0 : i32
      %dma_start3A_114 = tpu.memref_slice %dma_start3A_112[%add3A_98, %dma_start3A_113] : memref<10240x128xf32, #tpu.memory_space<hbm>> -> memref<128x128xf32, #tpu.memory_space<hbm>>
      tpu.enqueue_dma source(%arg7 : memref<128x128xf32, #tpu.memory_space<vmem>>) target(%dma_start3A_114 : memref<128x128xf32, #tpu.memory_space<hbm>>) target_semaphore(%run_scoped3A : memref<!tpu.dma_semaphore, #tpu.memory_space<semaphore_mem>>)
      %dma_wait3A_115 = arith.constant 0 : i32
      %dma_wait3A_116 = arith.constant 0 : i32
      %dma_wait3A_117 = tpu.memref_slice %arg4[%arg0, %dma_wait3A_115, %dma_wait3A_116] : memref<2x10240x128xf32, #tpu.memory_space<hbm>> -> memref<1x10240x128xf32, #tpu.memory_space<hbm>>
      %dma_wait3A_118 = tpu.memref_squeeze %dma_wait3A_117 : memref<1x10240x128xf32, #tpu.memory_space<hbm>> -> memref<10240x128xf32, #tpu.memory_space<hbm>>
      %dma_wait3A_119 = arith.constant 0 : i32
      %dma_wait3A_120 = tpu.memref_slice %dma_wait3A_118[%add3A_98, %dma_wait3A_119] : memref<10240x128xf32, #tpu.memory_space<hbm>> -> memref<128x128xf32, #tpu.memory_space<hbm>>
      %dma_wait3A_121 = arith.constant 0 : i32
      %dma_wait3A_122 = arith.constant 0 : i32
      %dma_wait3A_123 = tpu.memref_slice %arg4[%arg0, %dma_wait3A_121, %dma_wait3A_122] : memref<2x10240x128xf32, #tpu.memory_space<hbm>> -> memref<1x10240x128xf32, #tpu.memory_space<hbm>>
      %dma_wait3A_124 = tpu.memref_squeeze %dma_wait3A_123 : memref<1x10240x128xf32, #tpu.memory_space<hbm>> -> memref<10240x128xf32, #tpu.memory_space<hbm>>
      %dma_wait3A_125 = arith.constant 0 : i32
      %dma_wait3A_126 = tpu.memref_slice %dma_wait3A_124[%add3A_98, %dma_wait3A_125] : memref<10240x128xf32, #tpu.memory_space<hbm>> -> memref<128x128xf32, #tpu.memory_space<hbm>>
      tpu.wait_dma2 semaphore(%run_scoped3A : memref<!tpu.dma_semaphore, #tpu.memory_space<semaphore_mem>>) src(%arg7 : memref<128x128xf32, #tpu.memory_space<vmem>>) dst(%dma_wait3A_126 : memref<128x128xf32, #tpu.memory_space<hbm>>)
      tpu.yield
    }) : () -> ()
    %add3A_99 = arith.constant 384 : i32
    %add3A_100 = arith.addi %mul3A_2, %add3A_99 : i32
    "tpu.region"() ({
      %run_scoped3A = tpu.sem_alloc : memref<!tpu.dma_semaphore, #tpu.memory_space<semaphore_mem>>
      %dma_start3A_103 = arith.constant 0 : i32
      %dma_start3A_104 = tpu.memref_slice %arg9[%add3A_100, %dma_start3A_103] : memref<10240x128xf32, #tpu.memory_space<vmem_shared>> -> memref<128x128xf32, #tpu.memory_space<vmem_shared>>
      %dma_start3A_105 = arith.constant 0 : i32
      %dma_start3A_106 = tpu.memref_slice %arg9[%add3A_100, %dma_start3A_105] : memref<10240x128xf32, #tpu.memory_space<vmem_shared>> -> memref<128x128xf32, #tpu.memory_space<vmem_shared>>
      tpu.enqueue_dma source(%dma_start3A_106 : memref<128x128xf32, #tpu.memory_space<vmem_shared>>) target(%arg7 : memref<128x128xf32, #tpu.memory_space<vmem>>) target_semaphore(%run_scoped3A : memref<!tpu.dma_semaphore, #tpu.memory_space<semaphore_mem>>)
      %dma_wait3A_107 = arith.constant 0 : i32
      %dma_wait3A_108 = tpu.memref_slice %arg9[%add3A_100, %dma_wait3A_107] : memref<10240x128xf32, #tpu.memory_space<vmem_shared>> -> memref<128x128xf32, #tpu.memory_space<vmem_shared>>
      %dma_wait3A_109 = arith.constant 0 : i32
      %dma_wait3A_110 = tpu.memref_slice %arg9[%add3A_100, %dma_wait3A_109] : memref<10240x128xf32, #tpu.memory_space<vmem_shared>> -> memref<128x128xf32, #tpu.memory_space<vmem_shared>>
      tpu.wait_dma2 semaphore(%run_scoped3A : memref<!tpu.dma_semaphore, #tpu.memory_space<semaphore_mem>>) src(%dma_wait3A_110 : memref<128x128xf32, #tpu.memory_space<vmem_shared>>) dst(%arg7 : memref<128x128xf32, #tpu.memory_space<vmem>>)
      tpu.yield
    }) : () -> ()
    "tpu.region"() ({
      %run_scoped3A = tpu.sem_alloc : memref<!tpu.dma_semaphore, #tpu.memory_space<semaphore_mem>>
      %dma_start3A_103 = arith.constant 0 : i32
      %dma_start3A_104 = arith.constant 0 : i32
      %dma_start3A_105 = tpu.memref_slice %arg4[%arg0, %dma_start3A_103, %dma_start3A_104] : memref<2x10240x128xf32, #tpu.memory_space<hbm>> -> memref<1x10240x128xf32, #tpu.memory_space<hbm>>
      %dma_start3A_106 = tpu.memref_squeeze %dma_start3A_105 : memref<1x10240x128xf32, #tpu.memory_space<hbm>> -> memref<10240x128xf32, #tpu.memory_space<hbm>>
      %dma_start3A_107 = arith.constant 0 : i32
      %dma_start3A_108 = tpu.memref_slice %dma_start3A_106[%add3A_100, %dma_start3A_107] : memref<10240x128xf32, #tpu.memory_space<hbm>> -> memref<128x128xf32, #tpu.memory_space<hbm>>
      %dma_start3A_109 = arith.constant 0 : i32
      %dma_start3A_110 = arith.constant 0 : i32
      %dma_start3A_111 = tpu.memref_slice %arg4[%arg0, %dma_start3A_109, %dma_start3A_110] : memref<2x10240x128xf32, #tpu.memory_space<hbm>> -> memref<1x10240x128xf32, #tpu.memory_space<hbm>>
      %dma_start3A_112 = tpu.memref_squeeze %dma_start3A_111 : memref<1x10240x128xf32, #tpu.memory_space<hbm>> -> memref<10240x128xf32, #tpu.memory_space<hbm>>
      %dma_start3A_113 = arith.constant 0 : i32
      %dma_start3A_114 = tpu.memref_slice %dma_start3A_112[%add3A_100, %dma_start3A_113] : memref<10240x128xf32, #tpu.memory_space<hbm>> -> memref<128x128xf32, #tpu.memory_space<hbm>>
      tpu.enqueue_dma source(%arg7 : memref<128x128xf32, #tpu.memory_space<vmem>>) target(%dma_start3A_114 : memref<128x128xf32, #tpu.memory_space<hbm>>) target_semaphore(%run_scoped3A : memref<!tpu.dma_semaphore, #tpu.memory_space<semaphore_mem>>)
      %dma_wait3A_115 = arith.constant 0 : i32
      %dma_wait3A_116 = arith.constant 0 : i32
      %dma_wait3A_117 = tpu.memref_slice %arg4[%arg0, %dma_wait3A_115, %dma_wait3A_116] : memref<2x10240x128xf32, #tpu.memory_space<hbm>> -> memref<1x10240x128xf32, #tpu.memory_space<hbm>>
      %dma_wait3A_118 = tpu.memref_squeeze %dma_wait3A_117 : memref<1x10240x128xf32, #tpu.memory_space<hbm>> -> memref<10240x128xf32, #tpu.memory_space<hbm>>
      %dma_wait3A_119 = arith.constant 0 : i32
      %dma_wait3A_120 = tpu.memref_slice %dma_wait3A_118[%add3A_100, %dma_wait3A_119] : memref<10240x128xf32, #tpu.memory_space<hbm>> -> memref<128x128xf32, #tpu.memory_space<hbm>>
      %dma_wait3A_121 = arith.constant 0 : i32
      %dma_wait3A_122 = arith.constant 0 : i32
      %dma_wait3A_123 = tpu.memref_slice %arg4[%arg0, %dma_wait3A_121, %dma_wait3A_122] : memref<2x10240x128xf32, #tpu.memory_space<hbm>> -> memref<1x10240x128xf32, #tpu.memory_space<hbm>>
      %dma_wait3A_124 = tpu.memref_squeeze %dma_wait3A_123 : memref<1x10240x128xf32, #tpu.memory_space<hbm>> -> memref<10240x128xf32, #tpu.memory_space<hbm>>
      %dma_wait3A_125 = arith.constant 0 : i32
      %dma_wait3A_126 = tpu.memref_slice %dma_wait3A_124[%add3A_100, %dma_wait3A_125] : memref<10240x128xf32, #tpu.memory_space<hbm>> -> memref<128x128xf32, #tpu.memory_space<hbm>>
      tpu.wait_dma2 semaphore(%run_scoped3A : memref<!tpu.dma_semaphore, #tpu.memory_space<semaphore_mem>>) src(%arg7 : memref<128x128xf32, #tpu.memory_space<vmem>>) dst(%dma_wait3A_126 : memref<128x128xf32, #tpu.memory_space<hbm>>)
      tpu.yield
    }) : () -> ()
    %add3A_101 = arith.constant 512 : i32
    %add3A_102 = arith.addi %mul3A_2, %add3A_101 : i32
    "tpu.region"() ({
      %run_scoped3A = tpu.sem_alloc : memref<!tpu.dma_semaphore, #tpu.memory_space<semaphore_mem>>
      %dma_start3A_103 = arith.constant 0 : i32
      %dma_start3A_104 = tpu.memref_slice %arg9[%add3A_102, %dma_start3A_103] : memref<10240x128xf32, #tpu.memory_space<vmem_shared>> -> memref<128x128xf32, #tpu.memory_space<vmem_shared>>
      %dma_start3A_105 = arith.constant 0 : i32
      %dma_start3A_106 = tpu.memref_slice %arg9[%add3A_102, %dma_start3A_105] : memref<10240x128xf32, #tpu.memory_space<vmem_shared>> -> memref<128x128xf32, #tpu.memory_space<vmem_shared>>
      tpu.enqueue_dma source(%dma_start3A_106 : memref<128x128xf32, #tpu.memory_space<vmem_shared>>) target(%arg7 : memref<128x128xf32, #tpu.memory_space<vmem>>) target_semaphore(%run_scoped3A : memref<!tpu.dma_semaphore, #tpu.memory_space<semaphore_mem>>)
      %dma_wait3A_107 = arith.constant 0 : i32
      %dma_wait3A_108 = tpu.memref_slice %arg9[%add3A_102, %dma_wait3A_107] : memref<10240x128xf32, #tpu.memory_space<vmem_shared>> -> memref<128x128xf32, #tpu.memory_space<vmem_shared>>
      %dma_wait3A_109 = arith.constant 0 : i32
      %dma_wait3A_110 = tpu.memref_slice %arg9[%add3A_102, %dma_wait3A_109] : memref<10240x128xf32, #tpu.memory_space<vmem_shared>> -> memref<128x128xf32, #tpu.memory_space<vmem_shared>>
      tpu.wait_dma2 semaphore(%run_scoped3A : memref<!tpu.dma_semaphore, #tpu.memory_space<semaphore_mem>>) src(%dma_wait3A_110 : memref<128x128xf32, #tpu.memory_space<vmem_shared>>) dst(%arg7 : memref<128x128xf32, #tpu.memory_space<vmem>>)
      tpu.yield
    }) : () -> ()
    "tpu.region"() ({
      %run_scoped3A = tpu.sem_alloc : memref<!tpu.dma_semaphore, #tpu.memory_space<semaphore_mem>>
      %dma_start3A_103 = arith.constant 0 : i32
      %dma_start3A_104 = arith.constant 0 : i32
      %dma_start3A_105 = tpu.memref_slice %arg4[%arg0, %dma_start3A_103, %dma_start3A_104] : memref<2x10240x128xf32, #tpu.memory_space<hbm>> -> memref<1x10240x128xf32, #tpu.memory_space<hbm>>
      %dma_start3A_106 = tpu.memref_squeeze %dma_start3A_105 : memref<1x10240x128xf32, #tpu.memory_space<hbm>> -> memref<10240x128xf32, #tpu.memory_space<hbm>>
      %dma_start3A_107 = arith.constant 0 : i32
      %dma_start3A_108 = tpu.memref_slice %dma_start3A_106[%add3A_102, %dma_start3A_107] : memref<10240x128xf32, #tpu.memory_space<hbm>> -> memref<128x128xf32, #tpu.memory_space<hbm>>
      %dma_start3A_109 = arith.constant 0 : i32
      %dma_start3A_110 = arith.constant 0 : i32
      %dma_start3A_111 = tpu.memref_slice %arg4[%arg0, %dma_start3A_109, %dma_start3A_110] : memref<2x10240x128xf32, #tpu.memory_space<hbm>> -> memref<1x10240x128xf32, #tpu.memory_space<hbm>>
      %dma_start3A_112 = tpu.memref_squeeze %dma_start3A_111 : memref<1x10240x128xf32, #tpu.memory_space<hbm>> -> memref<10240x128xf32, #tpu.memory_space<hbm>>
      %dma_start3A_113 = arith.constant 0 : i32
      %dma_start3A_114 = tpu.memref_slice %dma_start3A_112[%add3A_102, %dma_start3A_113] : memref<10240x128xf32, #tpu.memory_space<hbm>> -> memref<128x128xf32, #tpu.memory_space<hbm>>
      tpu.enqueue_dma source(%arg7 : memref<128x128xf32, #tpu.memory_space<vmem>>) target(%dma_start3A_114 : memref<128x128xf32, #tpu.memory_space<hbm>>) target_semaphore(%run_scoped3A : memref<!tpu.dma_semaphore, #tpu.memory_space<semaphore_mem>>)
      %dma_wait3A_115 = arith.constant 0 : i32
      %dma_wait3A_116 = arith.constant 0 : i32
      %dma_wait3A_117 = tpu.memref_slice %arg4[%arg0, %dma_wait3A_115, %dma_wait3A_116] : memref<2x10240x128xf32, #tpu.memory_space<hbm>> -> memref<1x10240x128xf32, #tpu.memory_space<hbm>>
      %dma_wait3A_118 = tpu.memref_squeeze %dma_wait3A_117 : memref<1x10240x128xf32, #tpu.memory_space<hbm>> -> memref<10240x128xf32, #tpu.memory_space<hbm>>
      %dma_wait3A_119 = arith.constant 0 : i32
      %dma_wait3A_120 = tpu.memref_slice %dma_wait3A_118[%add3A_102, %dma_wait3A_119] : memref<10240x128xf32, #tpu.memory_space<hbm>> -> memref<128x128xf32, #tpu.memory_space<hbm>>
      %dma_wait3A_121 = arith.constant 0 : i32
      %dma_wait3A_122 = arith.constant 0 : i32
      %dma_wait3A_123 = tpu.memref_slice %arg4[%arg0, %dma_wait3A_121, %dma_wait3A_122] : memref<2x10240x128xf32, #tpu.memory_space<hbm>> -> memref<1x10240x128xf32, #tpu.memory_space<hbm>>
      %dma_wait3A_124 = tpu.memref_squeeze %dma_wait3A_123 : memref<1x10240x128xf32, #tpu.memory_space<hbm>> -> memref<10240x128xf32, #tpu.memory_space<hbm>>
      %dma_wait3A_125 = arith.constant 0 : i32
      %dma_wait3A_126 = tpu.memref_slice %dma_wait3A_124[%add3A_102, %dma_wait3A_125] : memref<10240x128xf32, #tpu.memory_space<hbm>> -> memref<128x128xf32, #tpu.memory_space<hbm>>
      tpu.wait_dma2 semaphore(%run_scoped3A : memref<!tpu.dma_semaphore, #tpu.memory_space<semaphore_mem>>) src(%arg7 : memref<128x128xf32, #tpu.memory_space<vmem>>) dst(%dma_wait3A_126 : memref<128x128xf32, #tpu.memory_space<hbm>>)
      tpu.yield
    }) : () -> ()
    return
  }
}

module attributes {stable_mosaic.version = 14 : i64} {
  func.func @body(%arg0: i32, %arg1: memref<2048x128xf32, #tpu.memory_space<vmem>>, %arg2: memref<128x128xf32, #tpu.memory_space<vmem>>, %arg3: memref<2x2048xf32, #tpu.memory_space<vmem>>, %arg4: memref<2048x128xf32, #tpu.memory_space<vmem>>, %arg5: memref<2048xf32, #tpu.memory_space<vmem>>) attributes {dimension_semantics = [#tpu.dimension_semantics<arbitrary>], iteration_bounds = array<i64: 5>, scalar_prefetch = 0 : i64, scratch_operands = 0 : i64, tpu.core_type = #tpu.core_type<tc>, window_params = [{transform_indices = @transform_0, window_bounds = array<i64: 2048, 128>}, {pipeline_mode = #tpu.pipeline_mode<synchronous>, transform_indices = @transform_1, window_bounds = array<i64: 128, 128>}, {transform_indices = @transform_2, window_bounds = array<i64: 2, 2048>}, {transform_indices = @transform_3, window_bounds = array<i64: 2048, 128>}, {transform_indices = @transform_4, window_bounds = array<i64: 2048>}]} {
    %get3A = arith.constant 0 : index
    %get3A_0 = arith.constant 0 : index
    %get3A_1 = vector.load %arg3[%get3A, %get3A_0] : memref<2x2048xf32, #tpu.memory_space<vmem>>, vector<2x2048xf32>
    %reduce_sum3A = arith.constant dense<0.000000e+00> : vector<2048xf32>
    %reduce_sum3A_2 = vector.multi_reduction <add>, %get3A_1, %reduce_sum3A [0] : vector<2x2048xf32> to vector<2048xf32>
    %add3A = arith.constant 1.000000e+00 : f32
    %add3A_3 = vector.broadcast %add3A : f32 to vector<2048xf32>
    %add3A_4 = arith.addf %reduce_sum3A_2, %add3A_3 : vector<2048xf32>
    %rsqrt3A = math.rsqrt %add3A_4 : vector<2048xf32>
    %get3A_5 = arith.constant 0 : index
    %get3A_6 = arith.constant 0 : index
    %get3A_7 = vector.load %arg1[%get3A_5, %get3A_6] : memref<2048x128xf32, #tpu.memory_space<vmem>>, vector<2048x128xf32>
    %get3A_8 = arith.constant 0 : index
    %get3A_9 = arith.constant 0 : index
    %get3A_10 = vector.load %arg2[%get3A_8, %get3A_9] : memref<128x128xf32, #tpu.memory_space<vmem>>, vector<128x128xf32>
    %dot_general3A = arith.constant dense<0.000000e+00> : vector<2048x128xf32>
    %dot_general3A_11 = tpu.matmul %get3A_7, %get3A_10, %dot_general3A {dimension_numbers = #tpu.dot_dimension_numbers<[1], [0], [0], [1], [0, 0, 1, 1], [], []>, precision = #tpu.contract_precision<fp32>, transpose_lhs_hint = false} : vector<2048x128xf32>, vector<128x128xf32>, vector<2048x128xf32> -> vector<2048x128xf32>
    %broadcast_in_dim3A = vector.shape_cast %rsqrt3A : vector<2048xf32> to vector<2048x1xf32>
    %mul3A = vector.broadcast %broadcast_in_dim3A : vector<2048x1xf32> to vector<2048x128xf32>
    %mul3A_12 = arith.mulf %dot_general3A_11, %mul3A : vector<2048x128xf32>
    %swap3A = arith.constant 0 : index
    %swap3A_13 = arith.constant 0 : index
    %swap3A_14 = vector.load %arg4[%swap3A, %swap3A_13] : memref<2048x128xf32, #tpu.memory_space<vmem>>, vector<2048x128xf32>
    tpu.vector_store %arg4[%swap3A, %swap3A_13], %mul3A_12 {strides = array<i32>} : memref<2048x128xf32, #tpu.memory_space<vmem>>, vector<2048x128xf32>,
    %swap3A_15 = arith.constant 0 : index
    %swap3A_16 = vector.load %arg5[%swap3A_15] : memref<2048xf32, #tpu.memory_space<vmem>>, vector<2048xf32>
    tpu.vector_store %arg5[%swap3A_15], %rsqrt3A {strides = array<i32>} : memref<2048xf32, #tpu.memory_space<vmem>>, vector<2048xf32>,
    return
  }
  func.func @transform_0(%arg0: i32) -> (i32, i32) {
    %c0_i32 = arith.constant 0 : i32
    %c0_i32_0 = arith.constant 0 : i32
    return %arg0, %c0_i32 : i32, i32
  }
  func.func @transform_1(%arg0: i32) -> (i32, i32) {
    %c0_i32 = arith.constant 0 : i32
    %c0_i32_0 = arith.constant 0 : i32
    %c0_i32_1 = arith.constant 0 : i32
    return %c0_i32, %c0_i32_0 : i32, i32
  }
  func.func @transform_2(%arg0: i32) -> (i32, i32) {
    %c0_i32 = arith.constant 0 : i32
    %c0_i32_0 = arith.constant 0 : i32
    return %c0_i32, %arg0 : i32, i32
  }
  func.func @transform_3(%arg0: i32) -> (i32, i32) {
    %c0_i32 = arith.constant 0 : i32
    %c0_i32_0 = arith.constant 0 : i32
    return %arg0, %c0_i32 : i32, i32
  }
  func.func @transform_4(%arg0: i32) -> i32 {
    %c0_i32 = arith.constant 0 : i32
    return %arg0 : i32
  }
}

module attributes {stable_mosaic.version = 14 : i64} {
  func.func @body(%arg0: i32, %arg1: memref<2x2048x128xf32, #tpu.memory_space<vmem>>, %arg2: memref<2048x128xf32, #tpu.memory_space<vmem>>, %arg3: memref<2048xf32, #tpu.memory_space<vmem>>, %arg4: memref<128xf32, #tpu.memory_space<vmem>>, %arg5: memref<128x128xf32, #tpu.memory_space<vmem>>, %arg6: memref<2048x128xf32, #tpu.memory_space<vmem>>, %arg7: memref<2048x128xf32, #tpu.memory_space<vmem>>) attributes {dimension_semantics = [#tpu.dimension_semantics<arbitrary>], iteration_bounds = array<i64: 5>, scalar_prefetch = 0 : i64, scratch_operands = 0 : i64, tpu.core_type = #tpu.core_type<tc>, window_params = [{transform_indices = @transform_0, window_bounds = array<i64: 2, 2048, 128>}, {transform_indices = @transform_1, window_bounds = array<i64: 2048, 128>}, {transform_indices = @transform_2, window_bounds = array<i64: 2048>}, {pipeline_mode = #tpu.pipeline_mode<synchronous>, transform_indices = @transform_3, window_bounds = array<i64: 128>}, {pipeline_mode = #tpu.pipeline_mode<synchronous>, transform_indices = @transform_4, window_bounds = array<i64: 128, 128>}, {transform_indices = @transform_5, window_bounds = array<i64: 2048, 128>}, {transform_indices = @transform_6, window_bounds = array<i64: 2048, 128>}]} {
    %get3A = arith.constant 0 : index
    %get3A_0 = arith.constant 0 : index
    %get3A_1 = arith.constant 0 : index
    %get3A_2 = vector.load %arg1[%get3A, %get3A_0, %get3A_1] : memref<2x2048x128xf32, #tpu.memory_space<vmem>>, vector<1x2048x128xf32>
    %get3A_3 = vector.shape_cast %get3A_2 : vector<1x2048x128xf32> to vector<2048x128xf32>
    %get3A_4 = arith.constant 1 : index
    %get3A_5 = arith.constant 0 : index
    %get3A_6 = arith.constant 0 : index
    %get3A_7 = vector.load %arg1[%get3A_4, %get3A_5, %get3A_6] : memref<2x2048x128xf32, #tpu.memory_space<vmem>>, vector<1x2048x128xf32>
    %get3A_8 = vector.shape_cast %get3A_7 : vector<1x2048x128xf32> to vector<2048x128xf32>
    %add3A = arith.addf %get3A_3, %get3A_8 : vector<2048x128xf32>
    %get3A_9 = arith.constant 0 : index
    %get3A_10 = arith.constant 0 : index
    %get3A_11 = vector.load %arg2[%get3A_9, %get3A_10] : memref<2048x128xf32, #tpu.memory_space<vmem>>, vector<2048x128xf32>
    %add3A_12 = arith.addf %add3A, %get3A_11 : vector<2048x128xf32>
    %get3A_13 = arith.constant 0 : index
    %get3A_14 = vector.load %arg3[%get3A_13] : memref<2048xf32, #tpu.memory_space<vmem>>, vector<2048xf32>
    %broadcast_in_dim3A = vector.shape_cast %get3A_14 : vector<2048xf32> to vector<2048x1xf32>
    %mul3A = vector.broadcast %broadcast_in_dim3A : vector<2048x1xf32> to vector<2048x128xf32>
    %mul3A_15 = arith.mulf %add3A_12, %mul3A : vector<2048x128xf32>
    %get3A_16 = arith.constant 0 : index
    %get3A_17 = vector.load %arg4[%get3A_16] : memref<128xf32, #tpu.memory_space<vmem>>, vector<128xf32>
    %broadcast_in_dim3A_18 = vector.shape_cast %get3A_17 : vector<128xf32> to vector<1x128xf32>
    %add3A_19 = vector.broadcast %broadcast_in_dim3A_18 : vector<1x128xf32> to vector<2048x128xf32>
    %add3A_20 = arith.addf %mul3A_15, %add3A_19 : vector<2048x128xf32>
    %max3A = arith.constant 0.000000e+00 : f32
    %max3A_21 = vector.broadcast %max3A : f32 to vector<2048x128xf32>
    %max3A_22 = arith.maximumf %add3A_20, %max3A_21 : vector<2048x128xf32>
    %swap3A = arith.constant 0 : index
    %swap3A_23 = arith.constant 0 : index
    %swap3A_24 = vector.load %arg6[%swap3A, %swap3A_23] : memref<2048x128xf32, #tpu.memory_space<vmem>>, vector<2048x128xf32>
    tpu.vector_store %arg6[%swap3A, %swap3A_23], %max3A_22 {strides = array<i32>} : memref<2048x128xf32, #tpu.memory_space<vmem>>, vector<2048x128xf32>,
    %mul3A_25 = arith.constant 2048 : i32
    %mul3A_26 = arith.muli %arg0, %mul3A_25 : i32
    %iota3A = tpu.iota {dimensions = array<i32: 0>} : vector<2048x1xi32>
    %add3A_27 = vector.broadcast %mul3A_26 : i32 to vector<2048x1xi32>
    %add3A_28 = arith.addi %add3A_27, %iota3A : vector<2048x1xi32>
    %get3A_29 = arith.constant 0 : index
    %get3A_30 = arith.constant 0 : index
    %get3A_31 = vector.load %arg5[%get3A_29, %get3A_30] : memref<128x128xf32, #tpu.memory_space<vmem>>, vector<128x128xf32>
    %dot_general3A = arith.constant dense<0.000000e+00> : vector<2048x128xf32>
    %dot_general3A_32 = tpu.matmul %max3A_22, %get3A_31, %dot_general3A {dimension_numbers = #tpu.dot_dimension_numbers<[1], [0], [0], [1], [0, 0, 1, 1], [], []>, precision = #tpu.contract_precision<fp32>, transpose_lhs_hint = false} : vector<2048x128xf32>, vector<128x128xf32>, vector<2048x128xf32> -> vector<2048x128xf32>
    %mul3A_33 = vector.broadcast %broadcast_in_dim3A : vector<2048x1xf32> to vector<2048x128xf32>
    %mul3A_34 = arith.mulf %dot_general3A_32, %mul3A_33 : vector<2048x128xf32>
    %lt3A = arith.constant 10000 : i32
    %lt3A_35 = vector.broadcast %lt3A : i32 to vector<2048x1xi32>
    %lt3A_36 = arith.cmpi slt, %add3A_28, %lt3A_35 : vector<2048x1xi32>
    %jit3A = arith.constant 0.000000e+00 : f32
    %broadcast_in_dim3A_37 = vector.shape_cast %lt3A_36 : vector<2048x1xi1> to vector<2048x1xi1>
    %broadcast_in_dim3A_38 = vector.broadcast %broadcast_in_dim3A_37 : vector<2048x1xi1> to vector<2048x128xi1>
    %broadcast_in_dim3A_39 = vector.broadcast %jit3A : f32 to vector<2048x128xf32>
    %select_n3A = arith.select %broadcast_in_dim3A_38, %mul3A_34, %broadcast_in_dim3A_39 : vector<2048x128xi1>, vector<2048x128xf32>
    %swap3A_40 = arith.constant 0 : index
    %swap3A_41 = arith.constant 0 : index
    %swap3A_42 = vector.load %arg7[%swap3A_40, %swap3A_41] : memref<2048x128xf32, #tpu.memory_space<vmem>>, vector<2048x128xf32>
    tpu.vector_store %arg7[%swap3A_40, %swap3A_41], %select_n3A {strides = array<i32>} : memref<2048x128xf32, #tpu.memory_space<vmem>>, vector<2048x128xf32>,
    return
  }
  func.func @transform_0(%arg0: i32) -> (i32, i32, i32) {
    %c0_i32 = arith.constant 0 : i32
    %c0_i32_0 = arith.constant 0 : i32
    %c0_i32_1 = arith.constant 0 : i32
    return %c0_i32, %arg0, %c0_i32_0 : i32, i32, i32
  }
  func.func @transform_1(%arg0: i32) -> (i32, i32) {
    %c0_i32 = arith.constant 0 : i32
    %c0_i32_0 = arith.constant 0 : i32
    return %arg0, %c0_i32 : i32, i32
  }
  func.func @transform_2(%arg0: i32) -> i32 {
    %c0_i32 = arith.constant 0 : i32
    return %arg0 : i32
  }
  func.func @transform_3(%arg0: i32) -> i32 {
    %c0_i32 = arith.constant 0 : i32
    %c0_i32_0 = arith.constant 0 : i32
    return %c0_i32 : i32
  }
  func.func @transform_4(%arg0: i32) -> (i32, i32) {
    %c0_i32 = arith.constant 0 : i32
    %c0_i32_0 = arith.constant 0 : i32
    %c0_i32_1 = arith.constant 0 : i32
    return %c0_i32, %c0_i32_0 : i32, i32
  }
  func.func @transform_5(%arg0: i32) -> (i32, i32) {
    %c0_i32 = arith.constant 0 : i32
    %c0_i32_0 = arith.constant 0 : i32
    return %arg0, %c0_i32 : i32, i32
  }
  func.func @transform_6(%arg0: i32) -> (i32, i32) {
    %c0_i32 = arith.constant 0 : i32
    %c0_i32_0 = arith.constant 0 : i32
    return %arg0, %c0_i32 : i32, i32
  }
}

module attributes {stable_mosaic.version = 14 : i64} {
  func.func @body(%arg0: i32, %arg1: memref<2x2048x128xf32, #tpu.memory_space<vmem>>, %arg2: memref<2048x128xf32, #tpu.memory_space<vmem>>, %arg3: memref<2048xf32, #tpu.memory_space<vmem>>, %arg4: memref<128xf32, #tpu.memory_space<vmem>>, %arg5: memref<2048x128xf32, #tpu.memory_space<vmem>>, %arg6: memref<2048xf32, #tpu.memory_space<vmem>>, %arg7: memref<128x128xf32, #tpu.memory_space<vmem>>, %arg8: memref<128x128xf32, #tpu.memory_space<vmem>>, %arg9: memref<128xf32, #tpu.memory_space<vmem>>, %arg10: memref<128xf32, #tpu.memory_space<vmem>>, %arg11: memref<2048x128xf32, #tpu.memory_space<vmem>>) attributes {dimension_semantics = [#tpu.dimension_semantics<arbitrary>], iteration_bounds = array<i64: 5>, scalar_prefetch = 0 : i64, scratch_operands = 0 : i64, tpu.core_type = #tpu.core_type<tc>, window_params = [{transform_indices = @transform_0, window_bounds = array<i64: 2, 2048, 128>}, {transform_indices = @transform_1, window_bounds = array<i64: 2048, 128>}, {transform_indices = @transform_2, window_bounds = array<i64: 2048>}, {pipeline_mode = #tpu.pipeline_mode<synchronous>, transform_indices = @transform_3, window_bounds = array<i64: 128>}, {transform_indices = @transform_4, window_bounds = array<i64: 2048, 128>}, {transform_indices = @transform_5, window_bounds = array<i64: 2048>}, {pipeline_mode = #tpu.pipeline_mode<synchronous>, transform_indices = @transform_6, window_bounds = array<i64: 128, 128>}, {pipeline_mode = #tpu.pipeline_mode<synchronous>, transform_indices = @transform_7, window_bounds = array<i64: 128, 128>}, {pipeline_mode = #tpu.pipeline_mode<synchronous>, transform_indices = @transform_8, window_bounds = array<i64: 128>}, {pipeline_mode = #tpu.pipeline_mode<synchronous>, transform_indices = @transform_9, window_bounds = array<i64: 128>}, {transform_indices = @transform_10, window_bounds = array<i64: 2048, 128>}]} {
    %get3A = arith.constant 0 : index
    %get3A_0 = vector.load %arg3[%get3A] : memref<2048xf32, #tpu.memory_space<vmem>>, vector<2048xf32>
    %broadcast_in_dim3A = vector.shape_cast %get3A_0 : vector<2048xf32> to vector<2048x1xf32>
    %get3A_1 = arith.constant 0 : index
    %get3A_2 = arith.constant 0 : index
    %get3A_3 = arith.constant 0 : index
    %get3A_4 = vector.load %arg1[%get3A_1, %get3A_2, %get3A_3] : memref<2x2048x128xf32, #tpu.memory_space<vmem>>, vector<1x2048x128xf32>
    %get3A_5 = vector.shape_cast %get3A_4 : vector<1x2048x128xf32> to vector<2048x128xf32>
    %get3A_6 = arith.constant 1 : index
    %get3A_7 = arith.constant 0 : index
    %get3A_8 = arith.constant 0 : index
    %get3A_9 = vector.load %arg1[%get3A_6, %get3A_7, %get3A_8] : memref<2x2048x128xf32, #tpu.memory_space<vmem>>, vector<1x2048x128xf32>
    %get3A_10 = vector.shape_cast %get3A_9 : vector<1x2048x128xf32> to vector<2048x128xf32>
    %add3A = arith.addf %get3A_5, %get3A_10 : vector<2048x128xf32>
    %get3A_11 = arith.constant 0 : index
    %get3A_12 = arith.constant 0 : index
    %get3A_13 = vector.load %arg2[%get3A_11, %get3A_12] : memref<2048x128xf32, #tpu.memory_space<vmem>>, vector<2048x128xf32>
    %add3A_14 = arith.addf %add3A, %get3A_13 : vector<2048x128xf32>
    %mul3A = vector.broadcast %broadcast_in_dim3A : vector<2048x1xf32> to vector<2048x128xf32>
    %mul3A_15 = arith.mulf %add3A_14, %mul3A : vector<2048x128xf32>
    %get3A_16 = arith.constant 0 : index
    %get3A_17 = vector.load %arg4[%get3A_16] : memref<128xf32, #tpu.memory_space<vmem>>, vector<128xf32>
    %broadcast_in_dim3A_18 = vector.shape_cast %get3A_17 : vector<128xf32> to vector<1x128xf32>
    %add3A_19 = vector.broadcast %broadcast_in_dim3A_18 : vector<1x128xf32> to vector<2048x128xf32>
    %add3A_20 = arith.addf %mul3A_15, %add3A_19 : vector<2048x128xf32>
    %max3A = arith.constant 0.000000e+00 : f32
    %max3A_21 = vector.broadcast %max3A : f32 to vector<2048x128xf32>
    %max3A_22 = arith.maximumf %add3A_20, %max3A_21 : vector<2048x128xf32>
    %get3A_23 = arith.constant 0 : index
    %get3A_24 = vector.load %arg6[%get3A_23] : memref<2048xf32, #tpu.memory_space<vmem>>, vector<2048xf32>
    %broadcast_in_dim3A_25 = vector.shape_cast %get3A_24 : vector<2048xf32> to vector<2048x1xf32>
    %get3A_26 = arith.constant 0 : index
    %get3A_27 = arith.constant 0 : index
    %get3A_28 = vector.load %arg5[%get3A_26, %get3A_27] : memref<2048x128xf32, #tpu.memory_space<vmem>>, vector<2048x128xf32>
    %mul3A_29 = vector.broadcast %broadcast_in_dim3A_25 : vector<2048x1xf32> to vector<2048x128xf32>
    %mul3A_30 = arith.mulf %mul3A_29, %max3A_22 : vector<2048x128xf32>
    %sub3A = arith.constant 1.000000e+00 : f32
    %sub3A_31 = vector.broadcast %sub3A : f32 to vector<2048x1xf32>
    %sub3A_32 = arith.subf %sub3A_31, %broadcast_in_dim3A_25 : vector<2048x1xf32>
    %mul3A_33 = vector.broadcast %sub3A_32 : vector<2048x1xf32> to vector<2048x128xf32>
    %mul3A_34 = arith.mulf %mul3A_33, %get3A_28 : vector<2048x128xf32>
    %add3A_35 = arith.addf %mul3A_30, %mul3A_34 : vector<2048x128xf32>
    %get3A_36 = arith.constant 0 : index
    %get3A_37 = arith.constant 0 : index
    %get3A_38 = vector.load %arg7[%get3A_36, %get3A_37] : memref<128x128xf32, #tpu.memory_space<vmem>>, vector<128x128xf32>
    %dot_general3A = arith.constant dense<0.000000e+00> : vector<2048x128xf32>
    %dot_general3A_39 = tpu.matmul %get3A_28, %get3A_38, %dot_general3A {dimension_numbers = #tpu.dot_dimension_numbers<[1], [0], [0], [1], [0, 0, 1, 1], [], []>, precision = #tpu.contract_precision<fp32>, transpose_lhs_hint = false} : vector<2048x128xf32>, vector<128x128xf32>, vector<2048x128xf32> -> vector<2048x128xf32>
    %get3A_40 = arith.constant 0 : index
    %get3A_41 = vector.load %arg9[%get3A_40] : memref<128xf32, #tpu.memory_space<vmem>>, vector<128xf32>
    %broadcast_in_dim3A_42 = vector.shape_cast %get3A_41 : vector<128xf32> to vector<1x128xf32>
    %add3A_43 = vector.broadcast %broadcast_in_dim3A_42 : vector<1x128xf32> to vector<2048x128xf32>
    %add3A_44 = arith.addf %dot_general3A_39, %add3A_43 : vector<2048x128xf32>
    %get3A_45 = arith.constant 0 : index
    %get3A_46 = arith.constant 0 : index
    %get3A_47 = vector.load %arg8[%get3A_45, %get3A_46] : memref<128x128xf32, #tpu.memory_space<vmem>>, vector<128x128xf32>
    %dot_general3A_48 = arith.constant dense<0.000000e+00> : vector<2048x128xf32>
    %dot_general3A_49 = tpu.matmul %add3A_35, %get3A_47, %dot_general3A_48 {dimension_numbers = #tpu.dot_dimension_numbers<[1], [0], [0], [1], [0, 0, 1, 1], [], []>, precision = #tpu.contract_precision<fp32>, transpose_lhs_hint = false} : vector<2048x128xf32>, vector<128x128xf32>, vector<2048x128xf32> -> vector<2048x128xf32>
    %get3A_50 = arith.constant 0 : index
    %get3A_51 = vector.load %arg10[%get3A_50] : memref<128xf32, #tpu.memory_space<vmem>>, vector<128xf32>
    %broadcast_in_dim3A_52 = vector.shape_cast %get3A_51 : vector<128xf32> to vector<1x128xf32>
    %add3A_53 = vector.broadcast %broadcast_in_dim3A_52 : vector<1x128xf32> to vector<2048x128xf32>
    %add3A_54 = arith.addf %dot_general3A_49, %add3A_53 : vector<2048x128xf32>
    %mul3A_55 = arith.constant 5.000000e-01 : f32
    %mul3A_56 = vector.broadcast %mul3A_55 : f32 to vector<2048x128xf32>
    %mul3A_57 = arith.mulf %mul3A_56, %add3A_44 : vector<2048x128xf32>
    %mul3A_58 = arith.constant 5.000000e-01 : f32
    %mul3A_59 = vector.broadcast %mul3A_58 : f32 to vector<2048x128xf32>
    %mul3A_60 = arith.mulf %mul3A_59, %add3A_54 : vector<2048x128xf32>
    %add3A_61 = arith.addf %mul3A_57, %mul3A_60 : vector<2048x128xf32>
    %swap3A = arith.constant 0 : index
    %swap3A_62 = arith.constant 0 : index
    %swap3A_63 = vector.load %arg11[%swap3A, %swap3A_62] : memref<2048x128xf32, #tpu.memory_space<vmem>>, vector<2048x128xf32>
    tpu.vector_store %arg11[%swap3A, %swap3A_62], %add3A_61 {strides = array<i32>} : memref<2048x128xf32, #tpu.memory_space<vmem>>, vector<2048x128xf32>,
    return
  }
  func.func @transform_0(%arg0: i32) -> (i32, i32, i32) {
    %c0_i32 = arith.constant 0 : i32
    %c0_i32_0 = arith.constant 0 : i32
    %c0_i32_1 = arith.constant 0 : i32
    return %c0_i32, %arg0, %c0_i32_0 : i32, i32, i32
  }
  func.func @transform_1(%arg0: i32) -> (i32, i32) {
    %c0_i32 = arith.constant 0 : i32
    %c0_i32_0 = arith.constant 0 : i32
    return %arg0, %c0_i32 : i32, i32
  }
  func.func @transform_2(%arg0: i32) -> i32 {
    %c0_i32 = arith.constant 0 : i32
    return %arg0 : i32
  }
  func.func @transform_3(%arg0: i32) -> i32 {
    %c0_i32 = arith.constant 0 : i32
    %c0_i32_0 = arith.constant 0 : i32
    return %c0_i32 : i32
  }
  func.func @transform_4(%arg0: i32) -> (i32, i32) {
    %c0_i32 = arith.constant 0 : i32
    %c0_i32_0 = arith.constant 0 : i32
    return %arg0, %c0_i32 : i32, i32
  }
  func.func @transform_5(%arg0: i32) -> i32 {
    %c0_i32 = arith.constant 0 : i32
    return %arg0 : i32
  }
  func.func @transform_6(%arg0: i32) -> (i32, i32) {
    %c0_i32 = arith.constant 0 : i32
    %c0_i32_0 = arith.constant 0 : i32
    %c0_i32_1 = arith.constant 0 : i32
    return %c0_i32, %c0_i32_0 : i32, i32
  }
  func.func @transform_7(%arg0: i32) -> (i32, i32) {
    %c0_i32 = arith.constant 0 : i32
    %c0_i32_0 = arith.constant 0 : i32
    %c0_i32_1 = arith.constant 0 : i32
    return %c0_i32, %c0_i32_0 : i32, i32
  }
  func.func @transform_8(%arg0: i32) -> i32 {
    %c0_i32 = arith.constant 0 : i32
    %c0_i32_0 = arith.constant 0 : i32
    return %c0_i32 : i32
  }
  func.func @transform_9(%arg0: i32) -> i32 {
    %c0_i32 = arith.constant 0 : i32
    %c0_i32_0 = arith.constant 0 : i32
    return %c0_i32 : i32
  }
  func.func @transform_10(%arg0: i32) -> (i32, i32) {
    %c0_i32 = arith.constant 0 : i32
    %c0_i32_0 = arith.constant 0 : i32
    return %arg0, %c0_i32 : i32, i32
  }
}

</mosaic_0001>

<sc_bundles>
// kernel: kernel.11.cloned.1.call-start
scs
__scs_entry_jumppad:
0x0: {  	(pc) =	sbr.rel $0x88, $3  }
0x1: {  	(tag) =	ssettag $0x0;
	lr =	simm.s32 $0x1  }
0x2: {  	[smem:$0x3F96] =	sst lr;
	_ =	strace $0xD0000000  }
0x3: {  	_ = 	snop  }
0x4: {  	_ = 	snop  }
0x5: {  	_ = 	snop  }
0x6: {  	_ = 	snop  }
0x7: {  	_ = 	snop  }
__scs_overlays_trampoline_lowered:
0x8: {  	[smem:$0x3FA5] =	sst s0  }
0x9: {  	[smem:$0x3FA6] =	sst s1  }
0xa: {  	[smem:$0x3FA7] =	sst s2  }
0xb: {  	[smem:$0x3FA8] =	sst s3  }
0xc: {  	[smem:$0x3FA9] =	sst s4  }
0xd: {  	[smem:$0x3FAA] =	sst s5  }
0xe: {  	[smem:$0x3FAB] =	sst s6  }
0xf: {  	[smem:$0x3FAC] =	sst s7  }
0x10: {  	[smem:$0x3FAD] =	sst s8  }
0x11: {  	[smem:$0x3FAE] =	sst s9;
	s0 =	simm.s32 @!p0 $0x0  }
0x12: {  	s1 =	sld [smem:$0x3F94];
	s0 =	simm.s32 @p0 $0x1  }
0x13: {  	[smem:$0x3FAF] =	sst s0;
	s0 =	simm.s32 @!p1 $0x0  }
0x14: {  	s2 =	sld [smem:$0x3F93];
	s0 =	simm.s32 @p1 $0x1  }
0x15: {  	[smem:$0x3FB0] =	sst s0;
	s0 =	simm.s32 @!p2 $0x0  }
0x16: {  	s3 =	sld [smem:$0x3FDB];
	s0 =	simm.s32 @p2 $0x1  }
0x17: {  	s4 =	simm.s32 $0x1BF5;
	[smem:$0x3FB2] =	sst s0  }
0x18: {  	s0 =	sld [smem:$0x3F95];
	_ =	swait.ge [sflag:s4], $0x0  }
0x19: {  	s7 =	sld [smem:$0x3F96]  }
0x1a: {  	s8 =	sadd.s32 $0xFFFFE003, lr  }
0x1b: {  	s9 =	sadd.s32 $0xFFFFFEF7, lr;
	s5 =	simm.s32 $0xFFFFFFFF;
	p2 =	slt.u32 s8, $0xFFFFF086  }
0x1c: {  	p1 =	slt.u32 s9, $0xF7A;
	s5 =	simm.s32 @!p2 $0x0  }
0x1d: {  	s5 =	simm.s32 @p1 $0x1;
	p0 =	seq.s32 s7, s2  }
0x1e: {  	s7 =	smul.u32 @!p0 $0xF7A, s2;
	p2 =	seq.s32 @!p0 s5, $0x0  }
0x1f: {  	s9 =	smul.u32 $0xF7A, s1;
	s8 =	simm.s32 @!p0 $0x1BF5;
	p2 =	por !p2, p0  }
0x20: {  	[sflag:s8] =	ssyncset.s32 @!p0 $0xFFFFF086;
	s6 =	sadd.s32 @!p0 s3, s7;
	s7 =	simm.s32 @!p0 $0x108  }
0x21: {  	s3 =	sadd.s32 s3, s9;
	s6 =	sadd.s32 @!p0 $0x88, s6;
	s7 =	simm.s32 @p2 $0x1082  }
0x22: {  	[simem:s7], [sflag:s8] =	dma.local @!p0 [hbm:s6], $0xF7A  }
0x23: {  	s9 =	sor.u32 $0xD0000000, s2;
	s6 =	simm.s32 $0x108;
	_ =	swait.ge @!p0 [sflag:s8], $0x0  }
0x24: {  	s3 =	sadd.s32 $0x88, s3;
	s6 =	simm.s32 @!p1 $0x1082;
	[sflag:s4] =	ssyncset.s32 $0xFFFFF086  }
0x25: {  	[simem:s6], [sflag:s4] =	dma.local [hbm:s3], $0xF7A  }
0x26: {  	[smem:$0x3F96] =	sst s1;
	(tag) =	ssettag s2;
	_ =	strace s9  }
0x27: {  	s1 =	sld [smem:$0x3FA6]  }
0x28: {  	s2 =	sld [smem:$0x3FA7]  }
0x29: {  	s4 =	sld [smem:$0x3FA9]  }
0x2a: {  	p0 =	seq.s32 s5, $0x0;
	s5 =	sld [smem:$0x3FAA]  }
0x2b: {  	s6 =	sld [smem:$0x3FAB]  }
0x2c: {  	s7 =	sld [smem:$0x3FAC]  }
0x2d: {  	s3 =	simm.s32 $0x108;
	s8 =	sld [smem:$0x3FAD]  }
0x2e: {  	s3 =	simm.s32 @!p0 $0x1082;
	s9 =	sld [smem:$0x3FAE]  }
0x2f: {  	lr =	sadd.s32 s0, s3;
	s0 =	sld [smem:$0x3FA5]  }
0x30: {  	s3 =	sld [smem:$0x3FA8]  }
0x31: {  	[smem:$0x3FB1] =	sst s10  }
0x32: {  	s10 =	sld [smem:$0x3FAF];
	_ =	sdelay $0x3  }
0x33: {  	p0 =	seq.s32 s10, $0x1;
	s10 =	sld [smem:$0x3FB1];
	_ =	sdelay $0x3  }
0x34: {  	[smem:$0x3FB1] =	sst s10  }
0x35: {  	s10 =	sld [smem:$0x3FB0];
	_ =	sdelay $0x3  }
0x36: {  	p1 =	seq.s32 s10, $0x1;
	s10 =	sld [smem:$0x3FB1];
	_ =	sdelay $0x3  }
0x37: {  	[smem:$0x3FB1] =	sst s10  }
0x38: {  	s10 =	sld [smem:$0x3FB2]  }
0x39: {  	_ = 	snop;
	(pc) =	sbr.ind lr, $3  }
0x3a: {  	_ = 	snop  }
0x3b: {  	_ = 	snop  }
0x3c: {  	p2 =	seq.s32 s10, $0x1;
	s10 =	sld [smem:$0x3FB1]  }
0x3d: {  	_ =	shalt  }
0x3e: {  	_ =	shalt  }
0x3f: {  	_ =	shalt  }
0x40: {  	_ =	shalt  }
0x41: {  	_ =	shalt  }
0x42: {  	_ =	shalt  }
0x43: {  	_ =	shalt  }
0x44: {  	_ =	shalt  }
0x45: {  	_ =	shalt  }
0x46: {  	_ =	shalt  }
0x47: {  	_ =	shalt  }
0x48: {  	_ =	shalt  }
0x49: {  	_ =	shalt  }
0x4a: {  	_ =	shalt  }
0x4b: {  	_ =	shalt  }
0x4c: {  	_ =	shalt  }
0x4d: {  	_ =	shalt  }
0x4e: {  	_ =	shalt  }
0x4f: {  	_ =	shalt  }
0x50: {  	_ =	shalt  }
0x51: {  	_ =	shalt  }
0x52: {  	_ =	shalt  }
0x53: {  	_ =	shalt  }
0x54: {  	_ =	shalt  }
0x55: {  	_ =	shalt  }
0x56: {  	_ =	shalt  }
0x57: {  	_ =	shalt  }
0x58: {  	_ =	shalt  }
0x59: {  	_ =	shalt  }
0x5a: {  	_ =	shalt  }
0x5b: {  	_ =	shalt  }
0x5c: {  	_ =	shalt  }
0x5d: {  	_ =	shalt  }
0x5e: {  	_ =	shalt  }
0x5f: {  	_ =	shalt  }
0x60: {  	_ =	shalt  }
0x61: {  	_ =	shalt  }
0x62: {  	_ =	shalt  }
0x63: {  	_ =	shalt  }
0x64: {  	_ =	shalt  }
0x65: {  	_ =	shalt  }
0x66: {  	_ =	shalt  }
0x67: {  	_ =	shalt  }
0x68: {  	_ =	shalt  }
0x69: {  	_ =	shalt  }
0x6a: {  	_ =	shalt  }
0x6b: {  	_ =	shalt  }
0x6c: {  	_ =	shalt  }
0x6d: {  	_ =	shalt  }
0x6e: {  	_ =	shalt  }
0x6f: {  	_ =	shalt  }
0x70: {  	_ =	shalt  }
0x71: {  	_ =	shalt  }
0x72: {  	_ =	shalt  }
0x73: {  	_ =	shalt  }
0x74: {  	_ =	shalt  }
0x75: {  	_ =	shalt  }
0x76: {  	_ =	shalt  }
0x77: {  	_ =	shalt  }
0x78: {  	_ =	shalt  }
0x79: {  	_ =	shalt  }
0x7a: {  	_ =	shalt  }
0x7b: {  	_ =	shalt  }
0x7c: {  	_ =	shalt  }
0x7d: {  	_ =	shalt  }
0x7e: {  	_ =	shalt  }
0x7f: {  	_ =	shalt  }
0x80: {  	_ =	shalt  }
0x81: {  	_ =	shalt  }
0x82: {  	_ =	shalt  }
0x83: {  	_ =	shalt  }
0x84: {  	_ =	shalt  }
0x85: {  	_ =	shalt  }
0x86: {  	_ =	shalt  }
0x87: {  	_ =	shalt  }
.Lfunc_end0:
.L_simem_size_0:
called_computation.1_lowered:
.L_overlay_start_0:
0x88: {  	s2 =	sld [smem:$0x3FD9]  }
0x89: {  	s3 =	sld [smem:$0x3FFE];
	_ =	sdelay $0x1  }
0x8a: {  	s1 =	srdreg.scid  }
0x8b: {  	s0 =	sand.u32 $0x1, s1  }
0x8c: {  	s16 =	sshll.u32 s0, $0xA;
	s2 =	sadd.s32 s3, s2  }
0x8d: {  	s2 =	sadd.s32 s2, s16  }
0x8e: {  	[smem:$0x3FBD] =	sst s2  }
0x8f: {  	_ = 	snop  }
0x90: {  	(tm) =	ssettm $0x1  }
0x91: {  	s17 =	sld [smem:$0x3FFB];
	_ =	sdelay $0x3  }
0x92: {  	_ =	strace s17  }
0x93: {  	s2 =	sld [smem:$0x3FFC];
	_ =	sdelay $0x3  }
0x94: {  	_ =	strace s2  }
0x95: {  	s2 =	sld [smem:$0x3FFD];
	_ =	sdelay $0x3  }
0x96: {  	_ =	strace s2  }
0x97: {  	_ =	strace $0x8FFFFFFF  }
0x98: {  	s18 =	sld [smem:$0x3FDB];
	_ =	sdelay $0x1  }
0x99: {  	s19 =	simm.s32 $_scs_section_size  }
0x9a: {  	s4 =	simm.s32 $_size__tile_overlayer_lowered;
	s5 =	simm.s32 $_tile_overlayer_lowered  }
0x9b: {  	s22 =	simm.s32 $0x1BFF;
	s21 =	sshll.u32 s5, $0x1;
	s2 =	sadd.s32 s19, s18  }
0x9c: {  	s6 =	simm.s32 $0x0;
	s20 =	sshll.u32 s4, $0x1;
	s4 =	sadd.s32 s21, s2  }
0x9d: {  	[timem:s6], [sflag:s22] =	dma.local [hbm:s4], s20  }
0x9e: {  	_ =	swait.ge [sflag:s22], s20  }
0x9f: {  	s3 =	ssub.s32 $0x0, s20;
	[sflag:s22] =	ssyncset.done $0x0  }
0xa0: {  	[sflag:s22] =	ssyncadd.s32 s3;
	_ =	sdelay $0x1  }
0xa1: {  	s23 =	simm.s32 $0x1B8B  }
0xa2: {  	_ =	swait.ge [sflag:s23], $0x1  }
0xa3: {  	[sflag:s23] =	ssyncset.done $0x0  }
0xa4: {  	s25 =	simm.s32 $0x1B8E;
	s24 =	sld [smem:$0x3FFE];
	[sflag:s23] =	ssyncadd.s32 $0xFFFFFFFF  }
0xa5: {  	s26 =	simm.s32 $execute0_lowered;
	[smem:$0x3FD2] =	sst s25  }
0xa6: {  	s4 =	sshll.u32 s26, $0x1;
	_ =	strace $0x80000049;
	[dreg:$0x1] =	wrdreg $0xFFFFFFFF  }
0xa7: {  	s28 =	simm.s32 $_size_execute0_lowered;
	s2 =	sadd.s32 s2, s4;
	[dreg:$0x0] =	wrdreg $0x0  }
0xa8: {  	s4 =	sshll.u32 s28, $0x1;
	[dreg:$0x2] =	wrdreg s2  }
0xa9: {  	[dreg:$0x3] =	wrdreg s4  }
0xaa: {  	[dreg:$0x4] =	wrdreg $0xC0  }
0xab: {  	_ =	task [dreg:s6], $0x5FFFF  }
0xac: {  	[dreg:$0x1] =	wrdreg $0xFFFFFFFF  }
0xad: {  	[dreg:$0x0] =	wrdreg $0x60  }
0xae: {  	[dreg:$0x2] =	wrdreg s24  }
0xaf: {  	[dreg:$0x3] =	wrdreg $0x88000  }
0xb0: {  	[dreg:$0x4] =	wrdreg $0x9  }
0xb1: {  	_ =	task.clear_ibuf [dreg:s6], $0x5FFFF;
	_ =	strace $0x90000049  }
0xb2: {  	s29 =	simm.s32 $0x9;
	_ =	strace $0x8000004B  }
0xb3: {  	_ =	swait.ge [sflag:s29], $0x1  }
0xb4: {  	[sflag:s29] =	ssyncadd.s32 $0xFFFFFFFF  }
0xb5: {  	_ =	strace $0x9000004B  }
0xb6: {  	_ =	sfence  }
0xb7: {  	s30 =	sld [smem:$0x0];
	_ =	sdelay $0x2  }
0xb8: {  	s31 =	sshll.u32 s1, $0xD;
	s1 =	sshrl.u32 s1, $0x2  }
0xb9: {  	s3 =	sand.u32 $0x4000, s31;
	s1 =	sadd.s32 s1, s30  }
0xba: {  	s0 =	sor.u32 s3, s0;
	s1 =	sshll.u32 s1, $0x11  }
0xbb: {  	s0 =	sor.u32 s1, s0  }
0xbc: {  	s0 =	sadd.s32 $0x8F2B, s0  }
0xbd: {  	[sflag:s0] =	ssyncadd.remote.s32 $0x1  }
0xbe: {  	_ =	sfence.sel $0xFFFF  }
0xbf: {  	[dreg:$0x0] =	wrdreg $0xFFFFFFFF;
	(pc) =	sbr.abs _section_cstart, $3  }
0xc0: {  	[dreg:$0x1] =	wrdreg $0xFFFFFFFF  }
0xc1: {  	_ =	task.clear_ibuf [dreg:s6], $0x2FFFF;
	_ =	strace $0x9FFFFFFF  }
0xc2: {  	(tm) =	ssettm $0x7FFFFFFF  }
0xc3: {  	_ =	shalt  }
tec
execute0_lowered:
.L_overlay_start_1:
0x0: {  	(tag) =	ssettag $0x1  }
0x1: {  	s1 =	rddreg [dreg:$0x0]  }
0x2: {  	s0 =	srdreg.scid;
	s2 =	rddreg [dreg:$0x1]  }
0x3: {  	s12 =	stileid.u32;
	s3 =	simm.s32 $0x0;
	s28 =	simm.s32 $0x5  }
0x4: {  	s29 =	simm.s32 $0x200;
	s30 =	simm.s32 $0x280;
	s7 =	smul.u32 $0x280, s12  }
0x5: {  	s31 =	simm.s32 $0x6;
	s0 =	sand.u32 $0x1, s0;
	s9 =	smul.u32 $0x50000, s12  }
0x6: {  	[smem:$0x7FF] =	sst s3;
	s21 =	smul.u32 $0x2800, s12;
	s4 =	sshll.u32 s0, $0x4  }
0x7: {  	_ =	strace $0x8000004A;
	s6 =	smul.u32 $0x28000, s0;
	s0 =	ssub.s32 $0x2, s0  }
0x8: {  	s4 =	sor.u32 s12, s4;
	s8 =	sshrl.u32 s0, $0x1;
	s13 =	sadd.s32 $0x80, s7  }
0x9: {  	s14 =	sshrl.u32 s9, $0x2;
	s17 =	sadd.s32 $0x100, s7;
	s10 =	sadd.s32 $0x180, s7  }
0xa: {  	s7 =	sadd.s32 $0x200, s7;
	s12 =	simm.s32 $0x800;
	s5 =	smul.u32 $0xA00, s4  }
0xb: {  	s4 =	sadd.s32 $0x22600, s1;
	s0 =	ssub.s32 s0, s8;
	s15 =	sshll.u32 s13, $0x7  }
0xc: {  	s8 =	sadd.s32 s14, s2;
	s18 =	sshll.u32 s17, $0x7;
	s19 =	sshll.u32 s10, $0x7  }
0xd: {  	s11 =	sshll.u32 s7, $0x7;
	s10 =	sshll.u32 s10, $0x4;
	s7 =	sshll.u32 s7, $0x4  }
0xe: {  	s14 =	simm.s32 $0x1;
	[dreg:$0x3] =	wrdreg s8;
	s16 =	sadd.s32 s15, s2  }
0xf: {  	s9 =	sadd.s32 s18, s2;
	s20 =	sadd.s32 s11, s2;
	s8 =	sshll.u32 s17, $0x4  }
0x10: {  	s0 =	smax.u32 s0, $0x1;
	s15 =	simm.s32 $0x80;
	s17 =	simm.s32 $0x400  }
0x11: {  	s18 =	simm.s32 $0x100;
	s11 =	simm.s32 $0x2;
	[dreg:$0x4] =	wrdreg s16  }
0x12: {  	s5 =	sadd.s32 s5, s1;
	s1 =	sadd.s32 s6, s1;
	[dreg:$0x5] =	wrdreg s9  }
0x13: {  	s9 =	sadd.s32 s19, s2;
	[dreg:$0x7] =	wrdreg s20;
	s6 =	sshll.u32 s13, $0x4  }
0x14: {  	[dreg:$0x8] =	wrdreg s0;
	s13 =	simm.s32 $0x7;
	s16 =	simm.s32 $0x3  }
0x15: {  	s19 =	simm.s32 $0x4800;
	s0 =	simm.s32 $0x300;
	s20 =	simm.s32 $0x480  }
0x16: {  	s5 =	sadd.s32 $0xE600, s5;
	[dreg:$0x6] =	wrdreg s9;
	s1 =	sadd.s32 $0x4A600, s1  }
0x17: {  	s9 =	simm.s32 $0x0;
	s22 =	sadd.s32 s21, s1;
	s23 =	sadd.s32 s6, s1  }
0x18: {  	s24 =	sadd.s32 s8, s1;
	s25 =	sadd.s32 s10, s1;
	[dreg:$0x9] =	wrdreg s22  }
.Ltmp0:
0x19: {  	s26 =	sadd.s32 s7, s1;
	[dreg:$0xa] =	wrdreg s23;
	(pc) =	sbr.rel .LBB2_1-.Ltmp0, $4  }
0x1a: {  	s1 =	simm.s32 $0x380;
	s21 =	simm.s32 $0x500;
	[dreg:$0xb] =	wrdreg s24  }
0x1b: {  	s6 =	simm.s32 $0x700;
	s7 =	simm.s32 $0x780;
	[dreg:$0xc] =	wrdreg s25  }
0x1c: {  	[dreg:$0xd] =	wrdreg s26;
	s25 =	simm.s32 $0x4;
	s26 =	simm.s32 $0x180  }
0x1d: {  	v0 =	vimm.f32 $0.0e+00;
	s22 =	simm.s32 $0x580;
	s23 =	simm.s32 $0x600;
	s24 =	simm.s32 $0x680  }
.LBB2_6:
0x1e: {  	_ =	swait.ge [sflag:s31], $0x4000  }
0x1f: {  	[sflag:s31] =	ssyncset.done $0x0  }
0x20: {  	[sflag:s31] =	ssyncadd.s32 $0xFFFFC000  }
0x21: {  	[bflag:$0x0] =	sbarrier.arrive $0xFFFF  }
0x22: {  	s8 =	rddreg [dreg:$0x3]  }
0x23: {  	[tilespmem:s12], [sflag:$0x7] =	stream.linear.gather [spmem:s8], $0x4000, $0x38;
	[tilespmem:$0x1C800] =	vst v63  }
0x24: {  	_ =	swait.ge [sflag:s13], $0x4000  }
0x25: {  	[sflag:s13] =	ssyncset.done $0x0  }
0x26: {  	s9 =	rddreg [dreg:$0x9];
	[sflag:s13] =	ssyncadd.s32 $0xFFFFC000  }
0x27: {  	[hbm4b:s9+s3] =	stream.linear.scatter [tilespmem:s12], [sflag:$0x7], $0x4000, $0x38;
	[tilespmem:$0x1C800] =	vst v63  }
0x28: {  	_ =	swait.ge [sflag:s13], $0x4000  }
0x29: {  	[sflag:s13] =	ssyncset.done $0x0  }
0x2a: {  	s10 =	rddreg [dreg:$0x4];
	[sflag:s13] =	ssyncadd.s32 $0xFFFFC000  }
0x2b: {  	[tilespmem:s12], [sflag:$0x7] =	stream.linear.gather [spmem:s10], $0x4000, $0x38;
	[tilespmem:$0x1C800] =	vst v63  }
0x2c: {  	_ =	swait.ge [sflag:s13], $0x4000  }
0x2d: {  	[sflag:s13] =	ssyncset.done $0x0  }
0x2e: {  	s9 =	rddreg [dreg:$0xa];
	[sflag:s13] =	ssyncadd.s32 $0xFFFFC000  }
0x2f: {  	[hbm4b:s9+s3] =	stream.linear.scatter [tilespmem:s12], [sflag:$0x7], $0x4000, $0x38;
	[tilespmem:$0x1C800] =	vst v63  }
0x30: {  	_ =	swait.ge [sflag:s13], $0x4000  }
0x31: {  	[sflag:s13] =	ssyncset.done $0x0  }
0x32: {  	s10 =	rddreg [dreg:$0x5];
	[sflag:s13] =	ssyncadd.s32 $0xFFFFC000  }
0x33: {  	[tilespmem:s12], [sflag:$0x7] =	stream.linear.gather [spmem:s10], $0x4000, $0x38;
	[tilespmem:$0x1C800] =	vst v63  }
0x34: {  	_ =	swait.ge [sflag:s13], $0x4000  }
0x35: {  	[sflag:s13] =	ssyncset.done $0x0  }
0x36: {  	s9 =	rddreg [dreg:$0xb];
	[sflag:s13] =	ssyncadd.s32 $0xFFFFC000  }
0x37: {  	[hbm4b:s9+s3] =	stream.linear.scatter [tilespmem:s12], [sflag:$0x7], $0x4000, $0x38;
	[tilespmem:$0x1C800] =	vst v63  }
0x38: {  	_ =	swait.ge [sflag:s13], $0x4000  }
0x39: {  	[sflag:s13] =	ssyncset.done $0x0  }
0x3a: {  	s10 =	rddreg [dreg:$0x6];
	[sflag:s13] =	ssyncadd.s32 $0xFFFFC000  }
0x3b: {  	[tilespmem:s12], [sflag:$0x7] =	stream.linear.gather [spmem:s10], $0x4000, $0x38;
	[tilespmem:$0x1C800] =	vst v63  }
0x3c: {  	_ =	swait.ge [sflag:s13], $0x4000  }
0x3d: {  	[sflag:s13] =	ssyncset.done $0x0  }
0x3e: {  	s9 =	rddreg [dreg:$0xc];
	[sflag:s13] =	ssyncadd.s32 $0xFFFFC000  }
0x3f: {  	[hbm4b:s9+s3] =	stream.linear.scatter [tilespmem:s12], [sflag:$0x7], $0x4000, $0x38;
	[tilespmem:$0x1C800] =	vst v63  }
0x40: {  	_ =	swait.ge [sflag:s13], $0x4000  }
0x41: {  	[sflag:s13] =	ssyncset.done $0x0  }
0x42: {  	s10 =	rddreg [dreg:$0x7];
	[sflag:s13] =	ssyncadd.s32 $0xFFFFC000  }
0x43: {  	[tilespmem:s12], [sflag:$0x7] =	stream.linear.gather [spmem:s10], $0x4000, $0x38;
	[tilespmem:$0x1C800] =	vst v63  }
0x44: {  	_ =	swait.ge [sflag:s13], $0x4000  }
0x45: {  	[sflag:s13] =	ssyncset.done $0x0  }
0x46: {  	s9 =	rddreg [dreg:$0xd];
	[sflag:s13] =	ssyncadd.s32 $0xFFFFC000  }
0x47: {  	[hbm4b:s9+s3] =	stream.linear.scatter [tilespmem:s12], [sflag:$0x7], $0x4000, $0x38;
	[tilespmem:$0x1C800] =	vst v63  }
0x48: {  	_ =	swait.ge [sflag:s13], $0x4000  }
0x49: {  	s9 =	rddreg [dreg:$0xe]  }
0x4a: {  	s10 =	rddreg [dreg:$0x8];
	s9 =	sadd.s32 $0x1, s9  }
0x4b: {  	p0 =	sne.s32 s9, s10  }
.Ltmp1:
0x4c: {  	_ = 	snop;
	(pc) =	sbr.rel @!p0 .LBB2_7-.Ltmp1, $3  }
0x4d: {  	_ =	sdelay $0x1  }
0x4e: {  	[sflag:s13] =	ssyncset.done $0x0  }
0x4f: {  	[sflag:s13] =	ssyncadd.s32 $0xFFFFC000  }
.LBB2_1:
0x50: {  	[tilespmem:s3], [sflag:$0x1] =	stream.linear.gather [hbm4b:s5+s3], $0x400, $0x38;
	[tilespmem:$0x1C800] =	vst v63  }
0x51: {  	[dreg:$0xe] =	wrdreg s9;
	s9 =	simm.s32 $0x0;
	s10 =	simm.s32 $0x200  }
.LBB2_2:
0x52: {  	p0 =	sne.s32 s10, $0xFE00;
	[tilespmem:s9+$0x870] =	vst v0  }
0x53: {  	[tilespmem:s9+$0x800] =	vst v0  }
0x54: {  	[tilespmem:s9+$0x810] =	vst v0  }
.Ltmp2:
0x55: {  	[tilespmem:s9+$0x820] =	vst v0;
	(pc) =	sbr.rel @p0 .LBB2_2-.Ltmp2, $4  }
0x56: {  	[tilespmem:s9+$0x830] =	vst v0  }
0x57: {  	[tilespmem:s9+$0x840] =	vst v0  }
0x58: {  	[tilespmem:s9+$0x850] =	vst v0  }
0x59: {  	[tilespmem:s9+$0x860] =	vst v0;
	s9 =	sshra.s32 s10, $0x2;
	s10 =	sadd.s32 $0x200, s10  }
0x5a: {  	[tilespmem:s9+$0x870] =	vst v0  }
0x5b: {  	[tilespmem:s9+$0x800] =	vst v0  }
0x5c: {  	[tilespmem:s9+$0x810] =	vst v0  }
0x5d: {  	[tilespmem:s9+$0x820] =	vst v0  }
0x5e: {  	[tilespmem:s9+$0x830] =	vst v0  }
0x5f: {  	[tilespmem:s9+$0x840] =	vst v0  }
0x60: {  	[tilespmem:s9+$0x850] =	vst v0  }
0x61: {  	[tilespmem:s9+$0x860] =	vst v0;
	s8 =	rddreg [dreg:$0x3]  }
0x62: {  	[spmem:s8] =	stream.linear.scatter [tilespmem:s12], [sflag:$0x7], $0x4000, $0x38;
	[tilespmem:$0x1C800] =	vst v63  }
0x63: {  	_ =	swait.ge [sflag:s13], $0x4000  }
0x64: {  	[sflag:s13] =	ssyncset.done $0x0  }
0x65: {  	s9 =	rddreg [dreg:$0x4];
	[sflag:s13] =	ssyncadd.s32 $0xFFFFC000  }
0x66: {  	[spmem:s9] =	stream.linear.scatter [tilespmem:s12], [sflag:$0x7], $0x4000, $0x38;
	[tilespmem:$0x1C800] =	vst v63  }
0x67: {  	_ =	swait.ge [sflag:s13], $0x4000  }
0x68: {  	[sflag:s13] =	ssyncset.done $0x0  }
0x69: {  	s10 =	rddreg [dreg:$0x5];
	[sflag:s13] =	ssyncadd.s32 $0xFFFFC000  }
0x6a: {  	[spmem:s10] =	stream.linear.scatter [tilespmem:s12], [sflag:$0x7], $0x4000, $0x38;
	[tilespmem:$0x1C800] =	vst v63  }
0x6b: {  	_ =	swait.ge [sflag:s13], $0x4000  }
0x6c: {  	[sflag:s13] =	ssyncset.done $0x0  }
0x6d: {  	s9 =	rddreg [dreg:$0x6];
	[sflag:s13] =	ssyncadd.s32 $0xFFFFC000  }
0x6e: {  	[spmem:s9] =	stream.linear.scatter [tilespmem:s12], [sflag:$0x7], $0x4000, $0x38;
	[tilespmem:$0x1C800] =	vst v63  }
0x6f: {  	_ =	swait.ge [sflag:s13], $0x4000  }
0x70: {  	[sflag:s13] =	ssyncset.done $0x0  }
0x71: {  	s10 =	rddreg [dreg:$0x7];
	[sflag:s13] =	ssyncadd.s32 $0xFFFFC000  }
0x72: {  	[spmem:s10] =	stream.linear.scatter [tilespmem:s12], [sflag:$0x7], $0x4000, $0x38;
	[tilespmem:$0x1C800] =	vst v63  }
0x73: {  	_ =	swait.ge [sflag:s13], $0x4000  }
0x74: {  	[sflag:s13] =	ssyncset.done $0x0  }
0x75: {  	[sflag:s13] =	ssyncadd.s32 $0xFFFFC000  }
0x76: {  	[bflag:$0x0] =	sbarrier.arrive $0xFFFF  }
0x77: {  	_ =	swait.ge [sflag:s14], $0x400  }
0x78: {  	[sflag:s14] =	ssyncset.done $0x0  }
0x79: {  	s9 =	simm.s32 $0x0;
	[sflag:s14] =	ssyncadd.s32 $0xFFFFFC00  }
0x7a: {  	[tilespmem:s12], [sflag:$0x3] =	stream.indirect.gather [hbm4b:s4+s15], $0x80, s9, s15, $0xb8;
	[tilespmem:$0x1C800] =	vst v63  }
.LBB2_4:
0x7b: {  	_ =	swait.ge [sflag:s16], $0x4000  }
0x7c: {  	p0 =	seq.s32 s9, $0x0;
	[sflag:s16] =	ssyncset.done $0x0  }
0x7d: {  	s10 =	simm.s32 @!p0 $0x6;
	[sflag:s16] =	ssyncadd.s32 $0xFFFFC000  }
0x7e: {  	[spmem:s2] =	stream.indirect.scatter.add.f32 [tilespmem:s12], [sflag:$0x5], $0x80, s15, s15, $0xb8;
	[tilespmem:$0x1C800] =	vst v63  }
0x7f: {  	_ =	swait.ge @!p0 [sflag:s10], $0x4000  }
0x80: {  	s8 =	sadd.s32 s9, s5;
	[sflag:s10] =	ssyncset.done @!p0 $0x0  }
0x81: {  	s8 =	sadd.s32 $0x80, s8;
	[sflag:s10] =	ssyncadd.s32 @!p0 $0xFFFFC000  }
0x82: {  	[tilespmem:s17], [sflag:$0x2] =	stream.linear.gather [hbm4b:s8+s3], $0x400, $0x38;
	[tilespmem:$0x1C800] =	vst v63  }
0x83: {  	_ = 	snop  }
0x84: {  	[tilespmem:s19], [sflag:$0x4] =	stream.indirect.gather [hbm4b:s4+s15], $0x80, s18, s15, $0xb8;
	[tilespmem:$0x1C800] =	vst v63  }
0x85: {  	_ =	swait.ge [sflag:s25], $0x4000  }
0x86: {  	[sflag:s25] =	ssyncset.done $0x0  }
0x87: {  	[sflag:s25] =	ssyncadd.s32 $0xFFFFC000  }
0x88: {  	[spmem:s2] =	stream.indirect.scatter.add.f32 [tilespmem:s19], [sflag:$0x6], $0x80, s26, s15, $0xb8;
	[tilespmem:$0x1C800] =	vst v63  }
0x89: {  	_ =	swait.ge [sflag:s28], $0x4000  }
0x8a: {  	[sflag:s28] =	ssyncset.done $0x0  }
0x8b: {  	[sflag:s28] =	ssyncadd.s32 $0xFFFFC000  }
0x8c: {  	[tilespmem:s12], [sflag:$0x3] =	stream.indirect.gather [hbm4b:s4+s15], $0x80, s29, s15, $0xb8;
	[tilespmem:$0x1C800] =	vst v63  }
0x8d: {  	_ =	swait.ge [sflag:s16], $0x4000  }
0x8e: {  	[sflag:s16] =	ssyncset.done $0x0  }
0x8f: {  	[sflag:s16] =	ssyncadd.s32 $0xFFFFC000  }
0x90: {  	[spmem:s2] =	stream.indirect.scatter.add.f32 [tilespmem:s12], [sflag:$0x5], $0x80, s30, s15, $0xb8;
	[tilespmem:$0x1C800] =	vst v63  }
0x91: {  	_ =	swait.ge [sflag:s31], $0x4000  }
0x92: {  	[sflag:s31] =	ssyncset.done $0x0  }
0x93: {  	[sflag:s31] =	ssyncadd.s32 $0xFFFFC000  }
0x94: {  	[tilespmem:s19], [sflag:$0x4] =	stream.indirect.gather [hbm4b:s4+s15], $0x80, s0, s15, $0xb8;
	[tilespmem:$0x1C800] =	vst v63  }
0x95: {  	_ =	swait.ge [sflag:s25], $0x4000  }
0x96: {  	[sflag:s25] =	ssyncset.done $0x0  }
0x97: {  	[sflag:s25] =	ssyncadd.s32 $0xFFFFC000  }
0x98: {  	[spmem:s2] =	stream.indirect.scatter.add.f32 [tilespmem:s19], [sflag:$0x6], $0x80, s1, s15, $0xb8;
	[tilespmem:$0x1C800] =	vst v63  }
0x99: {  	_ =	swait.ge [sflag:s28], $0x4000  }
0x9a: {  	[sflag:s28] =	ssyncset.done $0x0  }
0x9b: {  	[sflag:s28] =	ssyncadd.s32 $0xFFFFC000  }
0x9c: {  	_ =	swait.ge [sflag:s11], $0x400  }
0x9d: {  	[sflag:s11] =	ssyncset.done $0x0  }
0x9e: {  	[sflag:s11] =	ssyncadd.s32 $0xFFFFFC00  }
0x9f: {  	[tilespmem:s12], [sflag:$0x3] =	stream.indirect.gather [hbm4b:s4+s15], $0x80, s17, s15, $0xb8;
	[tilespmem:$0x1C800] =	vst v63  }
0xa0: {  	_ =	swait.ge [sflag:s16], $0x4000  }
0xa1: {  	[sflag:s16] =	ssyncset.done $0x0  }
0xa2: {  	[sflag:s16] =	ssyncadd.s32 $0xFFFFC000  }
0xa3: {  	[spmem:s2] =	stream.indirect.scatter.add.f32 [tilespmem:s12], [sflag:$0x5], $0x80, s20, s15, $0xb8;
	[tilespmem:$0x1C800] =	vst v63  }
0xa4: {  	p0 =	seq.s32 s9, $0x900;
	_ =	swait.ge [sflag:s31], $0x4000  }
0xa5: {  	s8 =	sadd.s32 @!p0 s9, s5;
	[sflag:s31] =	ssyncset.done $0x0  }
0xa6: {  	s10 =	simm.s32 @!p0 $0x0;
	s8 =	sadd.s32 @!p0 $0x100, s8;
	[sflag:s31] =	ssyncadd.s32 $0xFFFFC000  }
0xa7: {  	[tilespmem:s10], [sflag:$0x1] =	stream.linear.gather @!p0 [hbm4b:s8+s10], $0x400, $0x38;
	[tilespmem:$0x1C800] =	vst v63  }
0xa8: {  	_ = 	snop  }
0xa9: {  	[tilespmem:s19], [sflag:$0x4] =	stream.indirect.gather [hbm4b:s4+s15], $0x80, s21, s15, $0xb8;
	[tilespmem:$0x1C800] =	vst v63  }
0xaa: {  	_ =	swait.ge [sflag:s25], $0x4000  }
0xab: {  	[sflag:s25] =	ssyncset.done $0x0  }
0xac: {  	[sflag:s25] =	ssyncadd.s32 $0xFFFFC000  }
0xad: {  	[spmem:s2] =	stream.indirect.scatter.add.f32 [tilespmem:s19], [sflag:$0x6], $0x80, s22, s15, $0xb8;
	[tilespmem:$0x1C800] =	vst v63  }
0xae: {  	_ =	swait.ge [sflag:s28], $0x4000  }
0xaf: {  	[sflag:s28] =	ssyncset.done $0x0  }
0xb0: {  	[sflag:s28] =	ssyncadd.s32 $0xFFFFC000  }
0xb1: {  	[tilespmem:s12], [sflag:$0x3] =	stream.indirect.gather [hbm4b:s4+s15], $0x80, s23, s15, $0xb8;
	[tilespmem:$0x1C800] =	vst v63  }
0xb2: {  	_ =	swait.ge [sflag:s16], $0x4000  }
0xb3: {  	[sflag:s16] =	ssyncset.done $0x0  }
0xb4: {  	[sflag:s16] =	ssyncadd.s32 $0xFFFFC000  }
0xb5: {  	[spmem:s2] =	stream.indirect.scatter.add.f32 [tilespmem:s12], [sflag:$0x5], $0x80, s24, s15, $0xb8;
	[tilespmem:$0x1C800] =	vst v63  }
0xb6: {  	_ =	swait.ge [sflag:s31], $0x4000  }
0xb7: {  	[sflag:s31] =	ssyncset.done $0x0  }
0xb8: {  	[sflag:s31] =	ssyncadd.s32 $0xFFFFC000  }
0xb9: {  	[tilespmem:s19], [sflag:$0x4] =	stream.indirect.gather [hbm4b:s4+s15], $0x80, s6, s15, $0xb8;
	[tilespmem:$0x1C800] =	vst v63  }
0xba: {  	_ =	swait.ge [sflag:s25], $0x4000  }
0xbb: {  	[sflag:s25] =	ssyncset.done $0x0  }
.Ltmp3:
0xbc: {  	[sflag:s25] =	ssyncadd.s32 $0xFFFFC000;
	(pc) =	sbr.rel @p0 .LBB2_6-.Ltmp3, $4  }
0xbd: {  	[spmem:s2] =	stream.indirect.scatter.add.f32 [tilespmem:s19], [sflag:$0x6], $0x80, s7, s15, $0xb8;
	[tilespmem:$0x1C800] =	vst v63  }
0xbe: {  	_ =	swait.ge [sflag:s28], $0x4000  }
0xbf: {  	[sflag:s28] =	ssyncset.done $0x0  }
0xc0: {  	[sflag:s28] =	ssyncadd.s32 $0xFFFFC000  }
.Ltmp4:
0xc1: {  	(pc) =	sbr.rel .LBB2_4-.Ltmp4, $4  }
0xc2: {  	_ =	swait.ge [sflag:s14], $0x400  }
0xc3: {  	[sflag:s14] =	ssyncset.done $0x0  }
0xc4: {  	s9 =	sadd.s32 $0x100, s9;
	[sflag:s14] =	ssyncadd.s32 $0xFFFFFC00  }
0xc5: {  	[tilespmem:s12], [sflag:$0x3] =	stream.indirect.gather [hbm4b:s4+s15], $0x80, s3, s15, $0xb8;
	[tilespmem:$0x1C800] =	vst v63  }
.LBB2_7:
0xc6: {  	_ =	sfence.sel $0x180000  }
0xc7: {  	[bflag:$0x0] =	sbarrier.arrive $0xFFFF  }
0xc8: {  	_ =	strace $0x9000004A  }
0xc9: {  	s0 =	stileid.u32;
	[bflag:$0x2] =	sbarrier.arrive $0xFFFF  }
0xca: {  	p0 =	sne.s32 s0, $0x0;
	s0 =	rddreg [dreg:$0x2]  }
0xcb: {  	s0 =	sadd.s32 @!p0 $0x100000, s0  }
0xcc: {  	[sflag:s0] =	ssyncadd.tile.s32 @!p0 $0x1;
	_ =	shalt  }
.Lfunc_end2:
_tile_overlayer_lowered:
.L_overlay_start_2:
0xcd: {  	(tag) =	ssettag $0x2  }
0xce: {  	s0 =	rddreg [dreg:$0x0];
	s2 =	stileid.u32  }
0xcf: {  	s1 =	rddreg [dreg:$0x1];
	p0 =	sne.s32 s2, $0x0  }
0xd0: {  	s3 =	rddreg [dreg:$0x2];
	[bflag:$0x3] =	sbarrier.arrive $0xFFFF;
	s2 =	simm.s32 @!p0 $0x1C07  }
0xd1: {  	[timem:s3], [sflag:s2] =	dma.local @!p0 [hbm:s0], s1  }
0xd2: {  	s0 =	simm.s32 @!p0 $0x7  }
0xd3: {  	_ =	swait.ge @!p0 [sflag:s0], s1  }
0xd4: {  	s1 =	ssub.s32 @!p0 $0x0, s1;
	[sflag:s0] =	ssyncset.done @!p0 $0x0  }
0xd5: {  	[sflag:s0] =	ssyncadd.s32 @!p0 s1  }
0xd6: {  	[bflag:$0x3] =	sbarrier.arrive $0xFFFF  }
0xd7: {  	_ =	shalt  }

// kernel: kernel.14.cloned.1.call-start
scs
__scs_entry_jumppad:
0x0: {  	(pc) =	sbr.rel $0x88, $3  }
0x1: {  	(tag) =	ssettag $0x0;
	lr =	simm.s32 $0x1  }
0x2: {  	[smem:$0x3F96] =	sst lr;
	_ =	strace $0xD0000000  }
0x3: {  	_ = 	snop  }
0x4: {  	_ = 	snop  }
0x5: {  	_ = 	snop  }
0x6: {  	_ = 	snop  }
0x7: {  	_ = 	snop  }
__scs_overlays_trampoline_lowered:
0x8: {  	[smem:$0x3FA5] =	sst s0  }
0x9: {  	[smem:$0x3FA6] =	sst s1  }
0xa: {  	[smem:$0x3FA7] =	sst s2  }
0xb: {  	[smem:$0x3FA8] =	sst s3  }
0xc: {  	[smem:$0x3FA9] =	sst s4  }
0xd: {  	[smem:$0x3FAA] =	sst s5  }
0xe: {  	[smem:$0x3FAB] =	sst s6  }
0xf: {  	[smem:$0x3FAC] =	sst s7  }
0x10: {  	[smem:$0x3FAD] =	sst s8  }
0x11: {  	[smem:$0x3FAE] =	sst s9;
	s0 =	simm.s32 @!p0 $0x0  }
0x12: {  	s1 =	sld [smem:$0x3F94];
	s0 =	simm.s32 @p0 $0x1  }
0x13: {  	[smem:$0x3FAF] =	sst s0;
	s0 =	simm.s32 @!p1 $0x0  }
0x14: {  	s2 =	sld [smem:$0x3F93];
	s0 =	simm.s32 @p1 $0x1  }
0x15: {  	[smem:$0x3FB0] =	sst s0;
	s0 =	simm.s32 @!p2 $0x0  }
0x16: {  	s3 =	sld [smem:$0x3FDB];
	s0 =	simm.s32 @p2 $0x1  }
0x17: {  	s4 =	simm.s32 $0x1BF5;
	[smem:$0x3FB2] =	sst s0  }
0x18: {  	s0 =	sld [smem:$0x3F95];
	_ =	swait.ge [sflag:s4], $0x0  }
0x19: {  	s7 =	sld [smem:$0x3F96]  }
0x1a: {  	s8 =	sadd.s32 $0xFFFFE003, lr  }
0x1b: {  	s9 =	sadd.s32 $0xFFFFFEF7, lr;
	s5 =	simm.s32 $0xFFFFFFFF;
	p2 =	slt.u32 s8, $0xFFFFF086  }
0x1c: {  	p1 =	slt.u32 s9, $0xF7A;
	s5 =	simm.s32 @!p2 $0x0  }
0x1d: {  	s5 =	simm.s32 @p1 $0x1;
	p0 =	seq.s32 s7, s2  }
0x1e: {  	s7 =	smul.u32 @!p0 $0xF7A, s2;
	p2 =	seq.s32 @!p0 s5, $0x0  }
0x1f: {  	s9 =	smul.u32 $0xF7A, s1;
	s8 =	simm.s32 @!p0 $0x1BF5;
	p2 =	por !p2, p0  }
0x20: {  	[sflag:s8] =	ssyncset.s32 @!p0 $0xFFFFF086;
	s6 =	sadd.s32 @!p0 s3, s7;
	s7 =	simm.s32 @!p0 $0x108  }
0x21: {  	s3 =	sadd.s32 s3, s9;
	s6 =	sadd.s32 @!p0 $0x88, s6;
	s7 =	simm.s32 @p2 $0x1082  }
0x22: {  	[simem:s7], [sflag:s8] =	dma.local @!p0 [hbm:s6], $0xF7A  }
0x23: {  	s9 =	sor.u32 $0xD0000000, s2;
	s6 =	simm.s32 $0x108;
	_ =	swait.ge @!p0 [sflag:s8], $0x0  }
0x24: {  	s3 =	sadd.s32 $0x88, s3;
	s6 =	simm.s32 @!p1 $0x1082;
	[sflag:s4] =	ssyncset.s32 $0xFFFFF086  }
0x25: {  	[simem:s6], [sflag:s4] =	dma.local [hbm:s3], $0xF7A  }
0x26: {  	[smem:$0x3F96] =	sst s1;
	(tag) =	ssettag s2;
	_ =	strace s9  }
0x27: {  	s1 =	sld [smem:$0x3FA6]  }
0x28: {  	s2 =	sld [smem:$0x3FA7]  }
0x29: {  	s4 =	sld [smem:$0x3FA9]  }
0x2a: {  	p0 =	seq.s32 s5, $0x0;
	s5 =	sld [smem:$0x3FAA]  }
0x2b: {  	s6 =	sld [smem:$0x3FAB]  }
0x2c: {  	s7 =	sld [smem:$0x3FAC]  }
0x2d: {  	s3 =	simm.s32 $0x108;
	s8 =	sld [smem:$0x3FAD]  }
0x2e: {  	s3 =	simm.s32 @!p0 $0x1082;
	s9 =	sld [smem:$0x3FAE]  }
0x2f: {  	lr =	sadd.s32 s0, s3;
	s0 =	sld [smem:$0x3FA5]  }
0x30: {  	s3 =	sld [smem:$0x3FA8]  }
0x31: {  	[smem:$0x3FB1] =	sst s10  }
0x32: {  	s10 =	sld [smem:$0x3FAF];
	_ =	sdelay $0x3  }
0x33: {  	p0 =	seq.s32 s10, $0x1;
	s10 =	sld [smem:$0x3FB1];
	_ =	sdelay $0x3  }
0x34: {  	[smem:$0x3FB1] =	sst s10  }
0x35: {  	s10 =	sld [smem:$0x3FB0];
	_ =	sdelay $0x3  }
0x36: {  	p1 =	seq.s32 s10, $0x1;
	s10 =	sld [smem:$0x3FB1];
	_ =	sdelay $0x3  }
0x37: {  	[smem:$0x3FB1] =	sst s10  }
0x38: {  	s10 =	sld [smem:$0x3FB2]  }
0x39: {  	_ = 	snop;
	(pc) =	sbr.ind lr, $3  }
0x3a: {  	_ = 	snop  }
0x3b: {  	_ = 	snop  }
0x3c: {  	p2 =	seq.s32 s10, $0x1;
	s10 =	sld [smem:$0x3FB1]  }
0x3d: {  	_ =	shalt  }
0x3e: {  	_ =	shalt  }
0x3f: {  	_ =	shalt  }
0x40: {  	_ =	shalt  }
0x41: {  	_ =	shalt  }
0x42: {  	_ =	shalt  }
0x43: {  	_ =	shalt  }
0x44: {  	_ =	shalt  }
0x45: {  	_ =	shalt  }
0x46: {  	_ =	shalt  }
0x47: {  	_ =	shalt  }
0x48: {  	_ =	shalt  }
0x49: {  	_ =	shalt  }
0x4a: {  	_ =	shalt  }
0x4b: {  	_ =	shalt  }
0x4c: {  	_ =	shalt  }
0x4d: {  	_ =	shalt  }
0x4e: {  	_ =	shalt  }
0x4f: {  	_ =	shalt  }
0x50: {  	_ =	shalt  }
0x51: {  	_ =	shalt  }
0x52: {  	_ =	shalt  }
0x53: {  	_ =	shalt  }
0x54: {  	_ =	shalt  }
0x55: {  	_ =	shalt  }
0x56: {  	_ =	shalt  }
0x57: {  	_ =	shalt  }
0x58: {  	_ =	shalt  }
0x59: {  	_ =	shalt  }
0x5a: {  	_ =	shalt  }
0x5b: {  	_ =	shalt  }
0x5c: {  	_ =	shalt  }
0x5d: {  	_ =	shalt  }
0x5e: {  	_ =	shalt  }
0x5f: {  	_ =	shalt  }
0x60: {  	_ =	shalt  }
0x61: {  	_ =	shalt  }
0x62: {  	_ =	shalt  }
0x63: {  	_ =	shalt  }
0x64: {  	_ =	shalt  }
0x65: {  	_ =	shalt  }
0x66: {  	_ =	shalt  }
0x67: {  	_ =	shalt  }
0x68: {  	_ =	shalt  }
0x69: {  	_ =	shalt  }
0x6a: {  	_ =	shalt  }
0x6b: {  	_ =	shalt  }
0x6c: {  	_ =	shalt  }
0x6d: {  	_ =	shalt  }
0x6e: {  	_ =	shalt  }
0x6f: {  	_ =	shalt  }
0x70: {  	_ =	shalt  }
0x71: {  	_ =	shalt  }
0x72: {  	_ =	shalt  }
0x73: {  	_ =	shalt  }
0x74: {  	_ =	shalt  }
0x75: {  	_ =	shalt  }
0x76: {  	_ =	shalt  }
0x77: {  	_ =	shalt  }
0x78: {  	_ =	shalt  }
0x79: {  	_ =	shalt  }
0x7a: {  	_ =	shalt  }
0x7b: {  	_ =	shalt  }
0x7c: {  	_ =	shalt  }
0x7d: {  	_ =	shalt  }
0x7e: {  	_ =	shalt  }
0x7f: {  	_ =	shalt  }
0x80: {  	_ =	shalt  }
0x81: {  	_ =	shalt  }
0x82: {  	_ =	shalt  }
0x83: {  	_ =	shalt  }
0x84: {  	_ =	shalt  }
0x85: {  	_ =	shalt  }
0x86: {  	_ =	shalt  }
0x87: {  	_ =	shalt  }
.Lfunc_end0:
.L_simem_size_0:
called_computation.2_lowered:
.L_overlay_start_0:
0x88: {  	s2 =	sld [smem:$0x3FD9]  }
0x89: {  	s3 =	sld [smem:$0x3FFE];
	_ =	sdelay $0x1  }
0x8a: {  	s1 =	srdreg.scid  }
0x8b: {  	s0 =	sand.u32 $0x1, s1  }
0x8c: {  	s16 =	sshll.u32 s0, $0xA;
	s2 =	sadd.s32 s3, s2  }
0x8d: {  	s2 =	sadd.s32 s2, s16  }
0x8e: {  	[smem:$0x3FBD] =	sst s2  }
0x8f: {  	_ = 	snop  }
0x90: {  	(tm) =	ssettm $0x1  }
0x91: {  	s17 =	sld [smem:$0x3FFB];
	_ =	sdelay $0x3  }
0x92: {  	_ =	strace s17  }
0x93: {  	s2 =	sld [smem:$0x3FFC];
	_ =	sdelay $0x3  }
0x94: {  	_ =	strace s2  }
0x95: {  	s2 =	sld [smem:$0x3FFD];
	_ =	sdelay $0x3  }
0x96: {  	_ =	strace s2  }
0x97: {  	_ =	strace $0x8FFFFFFF  }
0x98: {  	s18 =	sld [smem:$0x3FDB];
	_ =	sdelay $0x1  }
0x99: {  	s19 =	simm.s32 $_scs_section_size  }
0x9a: {  	s4 =	simm.s32 $_size__tile_overlayer_lowered;
	s5 =	simm.s32 $_tile_overlayer_lowered  }
0x9b: {  	s22 =	simm.s32 $0x1BFF;
	s21 =	sshll.u32 s5, $0x1;
	s2 =	sadd.s32 s19, s18  }
0x9c: {  	s6 =	simm.s32 $0x0;
	s20 =	sshll.u32 s4, $0x1;
	s4 =	sadd.s32 s21, s2  }
0x9d: {  	[timem:s6], [sflag:s22] =	dma.local [hbm:s4], s20  }
0x9e: {  	_ =	swait.ge [sflag:s22], s20  }
0x9f: {  	s3 =	ssub.s32 $0x0, s20;
	[sflag:s22] =	ssyncset.done $0x0  }
0xa0: {  	[sflag:s22] =	ssyncadd.s32 s3;
	_ =	sdelay $0x1  }
0xa1: {  	s23 =	simm.s32 $0x1B8B  }
0xa2: {  	_ =	swait.ge [sflag:s23], $0x1  }
0xa3: {  	[sflag:s23] =	ssyncset.done $0x0  }
0xa4: {  	s25 =	simm.s32 $0x1B8E;
	s24 =	sld [smem:$0x3FFE];
	[sflag:s23] =	ssyncadd.s32 $0xFFFFFFFF  }
0xa5: {  	s26 =	simm.s32 $execute0_lowered;
	[smem:$0x3FD2] =	sst s25  }
0xa6: {  	s4 =	sshll.u32 s26, $0x1;
	_ =	strace $0x8000004C;
	[dreg:$0x1] =	wrdreg $0xFFFFFFFF  }
0xa7: {  	s28 =	simm.s32 $_size_execute0_lowered;
	s2 =	sadd.s32 s2, s4;
	[dreg:$0x0] =	wrdreg $0x0  }
0xa8: {  	s4 =	sshll.u32 s28, $0x1;
	[dreg:$0x2] =	wrdreg s2  }
0xa9: {  	[dreg:$0x3] =	wrdreg s4  }
0xaa: {  	[dreg:$0x4] =	wrdreg $0xC0  }
0xab: {  	_ =	task [dreg:s6], $0x5FFFF  }
0xac: {  	[dreg:$0x1] =	wrdreg $0xFFFFFFFF  }
0xad: {  	[dreg:$0x0] =	wrdreg $0x60  }
0xae: {  	[dreg:$0x2] =	wrdreg s24  }
0xaf: {  	[dreg:$0x3] =	wrdreg $0x88000  }
0xb0: {  	[dreg:$0x4] =	wrdreg $0x9  }
0xb1: {  	_ =	task.clear_ibuf [dreg:s6], $0x5FFFF;
	_ =	strace $0x9000004C  }
0xb2: {  	s29 =	simm.s32 $0x9;
	_ =	strace $0x8000004E  }
0xb3: {  	_ =	swait.ge [sflag:s29], $0x1  }
0xb4: {  	[sflag:s29] =	ssyncadd.s32 $0xFFFFFFFF  }
0xb5: {  	_ =	strace $0x9000004E  }
0xb6: {  	_ =	sfence  }
0xb7: {  	s30 =	sld [smem:$0x0];
	_ =	sdelay $0x2  }
0xb8: {  	s31 =	sshll.u32 s1, $0xD;
	s1 =	sshrl.u32 s1, $0x2  }
0xb9: {  	s3 =	sand.u32 $0x4000, s31;
	s1 =	sadd.s32 s1, s30  }
0xba: {  	s0 =	sor.u32 s3, s0;
	s1 =	sshll.u32 s1, $0x11  }
0xbb: {  	s0 =	sor.u32 s1, s0  }
0xbc: {  	s0 =	sadd.s32 $0x8F2B, s0  }
0xbd: {  	[sflag:s0] =	ssyncadd.remote.s32 $0x1  }
0xbe: {  	_ =	sfence.sel $0xFFFF  }
0xbf: {  	[dreg:$0x0] =	wrdreg $0xFFFFFFFF;
	(pc) =	sbr.abs _section_cstart, $3  }
0xc0: {  	[dreg:$0x1] =	wrdreg $0xFFFFFFFF  }
0xc1: {  	_ =	task.clear_ibuf [dreg:s6], $0x2FFFF;
	_ =	strace $0x9FFFFFFF  }
0xc2: {  	(tm) =	ssettm $0x7FFFFFFF  }
0xc3: {  	_ =	shalt  }
tec
execute0_lowered:
.L_overlay_start_1:
0x0: {  	(tag) =	ssettag $0x1  }
0x1: {  	s1 =	rddreg [dreg:$0x0]  }
0x2: {  	s0 =	srdreg.scid;
	s2 =	rddreg [dreg:$0x1]  }
0x3: {  	s12 =	stileid.u32;
	s3 =	simm.s32 $0x0;
	s28 =	simm.s32 $0x5  }
0x4: {  	s29 =	simm.s32 $0x200;
	s30 =	simm.s32 $0x280;
	s7 =	smul.u32 $0x280, s12  }
0x5: {  	s31 =	simm.s32 $0x6;
	s0 =	sand.u32 $0x1, s0;
	s9 =	smul.u32 $0x50000, s12  }
0x6: {  	[smem:$0x7FF] =	sst s3;
	s21 =	smul.u32 $0x2800, s12;
	s4 =	sshll.u32 s0, $0x4  }
0x7: {  	_ =	strace $0x8000004D;
	s6 =	smul.u32 $0x28000, s0;
	s0 =	ssub.s32 $0x2, s0  }
0x8: {  	s4 =	sor.u32 s12, s4;
	s8 =	sshrl.u32 s0, $0x1;
	s13 =	sadd.s32 $0x80, s7  }
0x9: {  	s14 =	sshrl.u32 s9, $0x2;
	s17 =	sadd.s32 $0x100, s7;
	s10 =	sadd.s32 $0x180, s7  }
0xa: {  	s7 =	sadd.s32 $0x200, s7;
	s12 =	simm.s32 $0x800;
	s5 =	smul.u32 $0xA00, s4  }
0xb: {  	s4 =	sadd.s32 $0x22600, s1;
	s0 =	ssub.s32 s0, s8;
	s15 =	sshll.u32 s13, $0x7  }
0xc: {  	s8 =	sadd.s32 s14, s2;
	s18 =	sshll.u32 s17, $0x7;
	s19 =	sshll.u32 s10, $0x7  }
0xd: {  	s11 =	sshll.u32 s7, $0x7;
	s10 =	sshll.u32 s10, $0x4;
	s7 =	sshll.u32 s7, $0x4  }
0xe: {  	s14 =	simm.s32 $0x1;
	[dreg:$0x3] =	wrdreg s8;
	s16 =	sadd.s32 s15, s2  }
0xf: {  	s9 =	sadd.s32 s18, s2;
	s20 =	sadd.s32 s11, s2;
	s8 =	sshll.u32 s17, $0x4  }
0x10: {  	s0 =	smax.u32 s0, $0x1;
	s15 =	simm.s32 $0x80;
	s17 =	simm.s32 $0x400  }
0x11: {  	s18 =	simm.s32 $0x100;
	s11 =	simm.s32 $0x2;
	[dreg:$0x4] =	wrdreg s16  }
0x12: {  	s5 =	sadd.s32 s5, s1;
	s1 =	sadd.s32 s6, s1;
	[dreg:$0x5] =	wrdreg s9  }
0x13: {  	s9 =	sadd.s32 s19, s2;
	[dreg:$0x7] =	wrdreg s20;
	s6 =	sshll.u32 s13, $0x4  }
0x14: {  	[dreg:$0x8] =	wrdreg s0;
	s13 =	simm.s32 $0x7;
	s16 =	simm.s32 $0x3  }
0x15: {  	s19 =	simm.s32 $0x4800;
	s0 =	simm.s32 $0x300;
	s20 =	simm.s32 $0x480  }
0x16: {  	s5 =	sadd.s32 $0xE600, s5;
	[dreg:$0x6] =	wrdreg s9;
	s1 =	sadd.s32 $0x4A600, s1  }
0x17: {  	s9 =	simm.s32 $0x0;
	s22 =	sadd.s32 s21, s1;
	s23 =	sadd.s32 s6, s1  }
0x18: {  	s24 =	sadd.s32 s8, s1;
	s25 =	sadd.s32 s10, s1;
	[dreg:$0x9] =	wrdreg s22  }
.Ltmp0:
0x19: {  	s26 =	sadd.s32 s7, s1;
	[dreg:$0xa] =	wrdreg s23;
	(pc) =	sbr.rel .LBB2_1-.Ltmp0, $4  }
0x1a: {  	s1 =	simm.s32 $0x380;
	s21 =	simm.s32 $0x500;
	[dreg:$0xb] =	wrdreg s24  }
0x1b: {  	s6 =	simm.s32 $0x700;
	s7 =	simm.s32 $0x780;
	[dreg:$0xc] =	wrdreg s25  }
0x1c: {  	[dreg:$0xd] =	wrdreg s26;
	s25 =	simm.s32 $0x4;
	s26 =	simm.s32 $0x180  }
0x1d: {  	v0 =	vimm.f32 $0.0e+00;
	s22 =	simm.s32 $0x580;
	s23 =	simm.s32 $0x600;
	s24 =	simm.s32 $0x680  }
.LBB2_6:
0x1e: {  	_ =	swait.ge [sflag:s31], $0x4000  }
0x1f: {  	[sflag:s31] =	ssyncset.done $0x0  }
0x20: {  	[sflag:s31] =	ssyncadd.s32 $0xFFFFC000  }
0x21: {  	[bflag:$0x0] =	sbarrier.arrive $0xFFFF  }
0x22: {  	s8 =	rddreg [dreg:$0x3]  }
0x23: {  	[tilespmem:s12], [sflag:$0x7] =	stream.linear.gather [spmem:s8], $0x4000, $0x38;
	[tilespmem:$0x1C800] =	vst v63  }
0x24: {  	_ =	swait.ge [sflag:s13], $0x4000  }
0x25: {  	[sflag:s13] =	ssyncset.done $0x0  }
0x26: {  	s9 =	rddreg [dreg:$0x9];
	[sflag:s13] =	ssyncadd.s32 $0xFFFFC000  }
0x27: {  	[hbm4b:s9+s3] =	stream.linear.scatter [tilespmem:s12], [sflag:$0x7], $0x4000, $0x38;
	[tilespmem:$0x1C800] =	vst v63  }
0x28: {  	_ =	swait.ge [sflag:s13], $0x4000  }
0x29: {  	[sflag:s13] =	ssyncset.done $0x0  }
0x2a: {  	s10 =	rddreg [dreg:$0x4];
	[sflag:s13] =	ssyncadd.s32 $0xFFFFC000  }
0x2b: {  	[tilespmem:s12], [sflag:$0x7] =	stream.linear.gather [spmem:s10], $0x4000, $0x38;
	[tilespmem:$0x1C800] =	vst v63  }
0x2c: {  	_ =	swait.ge [sflag:s13], $0x4000  }
0x2d: {  	[sflag:s13] =	ssyncset.done $0x0  }
0x2e: {  	s9 =	rddreg [dreg:$0xa];
	[sflag:s13] =	ssyncadd.s32 $0xFFFFC000  }
0x2f: {  	[hbm4b:s9+s3] =	stream.linear.scatter [tilespmem:s12], [sflag:$0x7], $0x4000, $0x38;
	[tilespmem:$0x1C800] =	vst v63  }
0x30: {  	_ =	swait.ge [sflag:s13], $0x4000  }
0x31: {  	[sflag:s13] =	ssyncset.done $0x0  }
0x32: {  	s10 =	rddreg [dreg:$0x5];
	[sflag:s13] =	ssyncadd.s32 $0xFFFFC000  }
0x33: {  	[tilespmem:s12], [sflag:$0x7] =	stream.linear.gather [spmem:s10], $0x4000, $0x38;
	[tilespmem:$0x1C800] =	vst v63  }
0x34: {  	_ =	swait.ge [sflag:s13], $0x4000  }
0x35: {  	[sflag:s13] =	ssyncset.done $0x0  }
0x36: {  	s9 =	rddreg [dreg:$0xb];
	[sflag:s13] =	ssyncadd.s32 $0xFFFFC000  }
0x37: {  	[hbm4b:s9+s3] =	stream.linear.scatter [tilespmem:s12], [sflag:$0x7], $0x4000, $0x38;
	[tilespmem:$0x1C800] =	vst v63  }
0x38: {  	_ =	swait.ge [sflag:s13], $0x4000  }
0x39: {  	[sflag:s13] =	ssyncset.done $0x0  }
0x3a: {  	s10 =	rddreg [dreg:$0x6];
	[sflag:s13] =	ssyncadd.s32 $0xFFFFC000  }
0x3b: {  	[tilespmem:s12], [sflag:$0x7] =	stream.linear.gather [spmem:s10], $0x4000, $0x38;
	[tilespmem:$0x1C800] =	vst v63  }
0x3c: {  	_ =	swait.ge [sflag:s13], $0x4000  }
0x3d: {  	[sflag:s13] =	ssyncset.done $0x0  }
0x3e: {  	s9 =	rddreg [dreg:$0xc];
	[sflag:s13] =	ssyncadd.s32 $0xFFFFC000  }
0x3f: {  	[hbm4b:s9+s3] =	stream.linear.scatter [tilespmem:s12], [sflag:$0x7], $0x4000, $0x38;
	[tilespmem:$0x1C800] =	vst v63  }
0x40: {  	_ =	swait.ge [sflag:s13], $0x4000  }
0x41: {  	[sflag:s13] =	ssyncset.done $0x0  }
0x42: {  	s10 =	rddreg [dreg:$0x7];
	[sflag:s13] =	ssyncadd.s32 $0xFFFFC000  }
0x43: {  	[tilespmem:s12], [sflag:$0x7] =	stream.linear.gather [spmem:s10], $0x4000, $0x38;
	[tilespmem:$0x1C800] =	vst v63  }
0x44: {  	_ =	swait.ge [sflag:s13], $0x4000  }
0x45: {  	[sflag:s13] =	ssyncset.done $0x0  }
0x46: {  	s9 =	rddreg [dreg:$0xd];
	[sflag:s13] =	ssyncadd.s32 $0xFFFFC000  }
0x47: {  	[hbm4b:s9+s3] =	stream.linear.scatter [tilespmem:s12], [sflag:$0x7], $0x4000, $0x38;
	[tilespmem:$0x1C800] =	vst v63  }
0x48: {  	_ =	swait.ge [sflag:s13], $0x4000  }
0x49: {  	s9 =	rddreg [dreg:$0xe]  }
0x4a: {  	s10 =	rddreg [dreg:$0x8];
	s9 =	sadd.s32 $0x1, s9  }
0x4b: {  	p0 =	sne.s32 s9, s10  }
.Ltmp1:
0x4c: {  	_ = 	snop;
	(pc) =	sbr.rel @!p0 .LBB2_7-.Ltmp1, $3  }
0x4d: {  	_ =	sdelay $0x1  }
0x4e: {  	[sflag:s13] =	ssyncset.done $0x0  }
0x4f: {  	[sflag:s13] =	ssyncadd.s32 $0xFFFFC000  }
.LBB2_1:
0x50: {  	[tilespmem:s3], [sflag:$0x1] =	stream.linear.gather [hbm4b:s5+s3], $0x400, $0x38;
	[tilespmem:$0x1C800] =	vst v63  }
0x51: {  	[dreg:$0xe] =	wrdreg s9;
	s9 =	simm.s32 $0x0;
	s10 =	simm.s32 $0x200  }
.LBB2_2:
0x52: {  	p0 =	sne.s32 s10, $0xFE00;
	[tilespmem:s9+$0x870] =	vst v0  }
0x53: {  	[tilespmem:s9+$0x800] =	vst v0  }
0x54: {  	[tilespmem:s9+$0x810] =	vst v0  }
.Ltmp2:
0x55: {  	[tilespmem:s9+$0x820] =	vst v0;
	(pc) =	sbr.rel @p0 .LBB2_2-.Ltmp2, $4  }
0x56: {  	[tilespmem:s9+$0x830] =	vst v0  }
0x57: {  	[tilespmem:s9+$0x840] =	vst v0  }
0x58: {  	[tilespmem:s9+$0x850] =	vst v0  }
0x59: {  	[tilespmem:s9+$0x860] =	vst v0;
	s9 =	sshra.s32 s10, $0x2;
	s10 =	sadd.s32 $0x200, s10  }
0x5a: {  	[tilespmem:s9+$0x870] =	vst v0  }
0x5b: {  	[tilespmem:s9+$0x800] =	vst v0  }
0x5c: {  	[tilespmem:s9+$0x810] =	vst v0  }
0x5d: {  	[tilespmem:s9+$0x820] =	vst v0  }
0x5e: {  	[tilespmem:s9+$0x830] =	vst v0  }
0x5f: {  	[tilespmem:s9+$0x840] =	vst v0  }
0x60: {  	[tilespmem:s9+$0x850] =	vst v0  }
0x61: {  	[tilespmem:s9+$0x860] =	vst v0;
	s8 =	rddreg [dreg:$0x3]  }
0x62: {  	[spmem:s8] =	stream.linear.scatter [tilespmem:s12], [sflag:$0x7], $0x4000, $0x38;
	[tilespmem:$0x1C800] =	vst v63  }
0x63: {  	_ =	swait.ge [sflag:s13], $0x4000  }
0x64: {  	[sflag:s13] =	ssyncset.done $0x0  }
0x65: {  	s9 =	rddreg [dreg:$0x4];
	[sflag:s13] =	ssyncadd.s32 $0xFFFFC000  }
0x66: {  	[spmem:s9] =	stream.linear.scatter [tilespmem:s12], [sflag:$0x7], $0x4000, $0x38;
	[tilespmem:$0x1C800] =	vst v63  }
0x67: {  	_ =	swait.ge [sflag:s13], $0x4000  }
0x68: {  	[sflag:s13] =	ssyncset.done $0x0  }
0x69: {  	s10 =	rddreg [dreg:$0x5];
	[sflag:s13] =	ssyncadd.s32 $0xFFFFC000  }
0x6a: {  	[spmem:s10] =	stream.linear.scatter [tilespmem:s12], [sflag:$0x7], $0x4000, $0x38;
	[tilespmem:$0x1C800] =	vst v63  }
0x6b: {  	_ =	swait.ge [sflag:s13], $0x4000  }
0x6c: {  	[sflag:s13] =	ssyncset.done $0x0  }
0x6d: {  	s9 =	rddreg [dreg:$0x6];
	[sflag:s13] =	ssyncadd.s32 $0xFFFFC000  }
0x6e: {  	[spmem:s9] =	stream.linear.scatter [tilespmem:s12], [sflag:$0x7], $0x4000, $0x38;
	[tilespmem:$0x1C800] =	vst v63  }
0x6f: {  	_ =	swait.ge [sflag:s13], $0x4000  }
0x70: {  	[sflag:s13] =	ssyncset.done $0x0  }
0x71: {  	s10 =	rddreg [dreg:$0x7];
	[sflag:s13] =	ssyncadd.s32 $0xFFFFC000  }
0x72: {  	[spmem:s10] =	stream.linear.scatter [tilespmem:s12], [sflag:$0x7], $0x4000, $0x38;
	[tilespmem:$0x1C800] =	vst v63  }
0x73: {  	_ =	swait.ge [sflag:s13], $0x4000  }
0x74: {  	[sflag:s13] =	ssyncset.done $0x0  }
0x75: {  	[sflag:s13] =	ssyncadd.s32 $0xFFFFC000  }
0x76: {  	[bflag:$0x0] =	sbarrier.arrive $0xFFFF  }
0x77: {  	_ =	swait.ge [sflag:s14], $0x400  }
0x78: {  	[sflag:s14] =	ssyncset.done $0x0  }
0x79: {  	s9 =	simm.s32 $0x0;
	[sflag:s14] =	ssyncadd.s32 $0xFFFFFC00  }
0x7a: {  	[tilespmem:s12], [sflag:$0x3] =	stream.indirect.gather [hbm4b:s4+s15], $0x80, s9, s15, $0xb8;
	[tilespmem:$0x1C800] =	vst v63  }
.LBB2_4:
0x7b: {  	_ =	swait.ge [sflag:s16], $0x4000  }
0x7c: {  	p0 =	seq.s32 s9, $0x0;
	[sflag:s16] =	ssyncset.done $0x0  }
0x7d: {  	s10 =	simm.s32 @!p0 $0x6;
	[sflag:s16] =	ssyncadd.s32 $0xFFFFC000  }
0x7e: {  	[spmem:s2] =	stream.indirect.scatter.add.f32 [tilespmem:s12], [sflag:$0x5], $0x80, s15, s15, $0xb8;
	[tilespmem:$0x1C800] =	vst v63  }
0x7f: {  	_ =	swait.ge @!p0 [sflag:s10], $0x4000  }
0x80: {  	s8 =	sadd.s32 s9, s5;
	[sflag:s10] =	ssyncset.done @!p0 $0x0  }
0x81: {  	s8 =	sadd.s32 $0x80, s8;
	[sflag:s10] =	ssyncadd.s32 @!p0 $0xFFFFC000  }
0x82: {  	[tilespmem:s17], [sflag:$0x2] =	stream.linear.gather [hbm4b:s8+s3], $0x400, $0x38;
	[tilespmem:$0x1C800] =	vst v63  }
0x83: {  	_ = 	snop  }
0x84: {  	[tilespmem:s19], [sflag:$0x4] =	stream.indirect.gather [hbm4b:s4+s15], $0x80, s18, s15, $0xb8;
	[tilespmem:$0x1C800] =	vst v63  }
0x85: {  	_ =	swait.ge [sflag:s25], $0x4000  }
0x86: {  	[sflag:s25] =	ssyncset.done $0x0  }
0x87: {  	[sflag:s25] =	ssyncadd.s32 $0xFFFFC000  }
0x88: {  	[spmem:s2] =	stream.indirect.scatter.add.f32 [tilespmem:s19], [sflag:$0x6], $0x80, s26, s15, $0xb8;
	[tilespmem:$0x1C800] =	vst v63  }
0x89: {  	_ =	swait.ge [sflag:s28], $0x4000  }
0x8a: {  	[sflag:s28] =	ssyncset.done $0x0  }
0x8b: {  	[sflag:s28] =	ssyncadd.s32 $0xFFFFC000  }
0x8c: {  	[tilespmem:s12], [sflag:$0x3] =	stream.indirect.gather [hbm4b:s4+s15], $0x80, s29, s15, $0xb8;
	[tilespmem:$0x1C800] =	vst v63  }
0x8d: {  	_ =	swait.ge [sflag:s16], $0x4000  }
0x8e: {  	[sflag:s16] =	ssyncset.done $0x0  }
0x8f: {  	[sflag:s16] =	ssyncadd.s32 $0xFFFFC000  }
0x90: {  	[spmem:s2] =	stream.indirect.scatter.add.f32 [tilespmem:s12], [sflag:$0x5], $0x80, s30, s15, $0xb8;
	[tilespmem:$0x1C800] =	vst v63  }
0x91: {  	_ =	swait.ge [sflag:s31], $0x4000  }
0x92: {  	[sflag:s31] =	ssyncset.done $0x0  }
0x93: {  	[sflag:s31] =	ssyncadd.s32 $0xFFFFC000  }
0x94: {  	[tilespmem:s19], [sflag:$0x4] =	stream.indirect.gather [hbm4b:s4+s15], $0x80, s0, s15, $0xb8;
	[tilespmem:$0x1C800] =	vst v63  }
0x95: {  	_ =	swait.ge [sflag:s25], $0x4000  }
0x96: {  	[sflag:s25] =	ssyncset.done $0x0  }
0x97: {  	[sflag:s25] =	ssyncadd.s32 $0xFFFFC000  }
0x98: {  	[spmem:s2] =	stream.indirect.scatter.add.f32 [tilespmem:s19], [sflag:$0x6], $0x80, s1, s15, $0xb8;
	[tilespmem:$0x1C800] =	vst v63  }
0x99: {  	_ =	swait.ge [sflag:s28], $0x4000  }
0x9a: {  	[sflag:s28] =	ssyncset.done $0x0  }
0x9b: {  	[sflag:s28] =	ssyncadd.s32 $0xFFFFC000  }
0x9c: {  	_ =	swait.ge [sflag:s11], $0x400  }
0x9d: {  	[sflag:s11] =	ssyncset.done $0x0  }
0x9e: {  	[sflag:s11] =	ssyncadd.s32 $0xFFFFFC00  }
0x9f: {  	[tilespmem:s12], [sflag:$0x3] =	stream.indirect.gather [hbm4b:s4+s15], $0x80, s17, s15, $0xb8;
	[tilespmem:$0x1C800] =	vst v63  }
0xa0: {  	_ =	swait.ge [sflag:s16], $0x4000  }
0xa1: {  	[sflag:s16] =	ssyncset.done $0x0  }
0xa2: {  	[sflag:s16] =	ssyncadd.s32 $0xFFFFC000  }
0xa3: {  	[spmem:s2] =	stream.indirect.scatter.add.f32 [tilespmem:s12], [sflag:$0x5], $0x80, s20, s15, $0xb8;
	[tilespmem:$0x1C800] =	vst v63  }
0xa4: {  	p0 =	seq.s32 s9, $0x900;
	_ =	swait.ge [sflag:s31], $0x4000  }
0xa5: {  	s8 =	sadd.s32 @!p0 s9, s5;
	[sflag:s31] =	ssyncset.done $0x0  }
0xa6: {  	s10 =	simm.s32 @!p0 $0x0;
	s8 =	sadd.s32 @!p0 $0x100, s8;
	[sflag:s31] =	ssyncadd.s32 $0xFFFFC000  }
0xa7: {  	[tilespmem:s10], [sflag:$0x1] =	stream.linear.gather @!p0 [hbm4b:s8+s10], $0x400, $0x38;
	[tilespmem:$0x1C800] =	vst v63  }
0xa8: {  	_ = 	snop  }
0xa9: {  	[tilespmem:s19], [sflag:$0x4] =	stream.indirect.gather [hbm4b:s4+s15], $0x80, s21, s15, $0xb8;
	[tilespmem:$0x1C800] =	vst v63  }
0xaa: {  	_ =	swait.ge [sflag:s25], $0x4000  }
0xab: {  	[sflag:s25] =	ssyncset.done $0x0  }
0xac: {  	[sflag:s25] =	ssyncadd.s32 $0xFFFFC000  }
0xad: {  	[spmem:s2] =	stream.indirect.scatter.add.f32 [tilespmem:s19], [sflag:$0x6], $0x80, s22, s15, $0xb8;
	[tilespmem:$0x1C800] =	vst v63  }
0xae: {  	_ =	swait.ge [sflag:s28], $0x4000  }
0xaf: {  	[sflag:s28] =	ssyncset.done $0x0  }
0xb0: {  	[sflag:s28] =	ssyncadd.s32 $0xFFFFC000  }
0xb1: {  	[tilespmem:s12], [sflag:$0x3] =	stream.indirect.gather [hbm4b:s4+s15], $0x80, s23, s15, $0xb8;
	[tilespmem:$0x1C800] =	vst v63  }
0xb2: {  	_ =	swait.ge [sflag:s16], $0x4000  }
0xb3: {  	[sflag:s16] =	ssyncset.done $0x0  }
0xb4: {  	[sflag:s16] =	ssyncadd.s32 $0xFFFFC000  }
0xb5: {  	[spmem:s2] =	stream.indirect.scatter.add.f32 [tilespmem:s12], [sflag:$0x5], $0x80, s24, s15, $0xb8;
	[tilespmem:$0x1C800] =	vst v63  }
0xb6: {  	_ =	swait.ge [sflag:s31], $0x4000  }
0xb7: {  	[sflag:s31] =	ssyncset.done $0x0  }
0xb8: {  	[sflag:s31] =	ssyncadd.s32 $0xFFFFC000  }
0xb9: {  	[tilespmem:s19], [sflag:$0x4] =	stream.indirect.gather [hbm4b:s4+s15], $0x80, s6, s15, $0xb8;
	[tilespmem:$0x1C800] =	vst v63  }
0xba: {  	_ =	swait.ge [sflag:s25], $0x4000  }
0xbb: {  	[sflag:s25] =	ssyncset.done $0x0  }
.Ltmp3:
0xbc: {  	[sflag:s25] =	ssyncadd.s32 $0xFFFFC000;
	(pc) =	sbr.rel @p0 .LBB2_6-.Ltmp3, $4  }
0xbd: {  	[spmem:s2] =	stream.indirect.scatter.add.f32 [tilespmem:s19], [sflag:$0x6], $0x80, s7, s15, $0xb8;
	[tilespmem:$0x1C800] =	vst v63  }
0xbe: {  	_ =	swait.ge [sflag:s28], $0x4000  }
0xbf: {  	[sflag:s28] =	ssyncset.done $0x0  }
0xc0: {  	[sflag:s28] =	ssyncadd.s32 $0xFFFFC000  }
.Ltmp4:
0xc1: {  	(pc) =	sbr.rel .LBB2_4-.Ltmp4, $4  }
0xc2: {  	_ =	swait.ge [sflag:s14], $0x400  }
0xc3: {  	[sflag:s14] =	ssyncset.done $0x0  }
0xc4: {  	s9 =	sadd.s32 $0x100, s9;
	[sflag:s14] =	ssyncadd.s32 $0xFFFFFC00  }
0xc5: {  	[tilespmem:s12], [sflag:$0x3] =	stream.indirect.gather [hbm4b:s4+s15], $0x80, s3, s15, $0xb8;
	[tilespmem:$0x1C800] =	vst v63  }
.LBB2_7:
0xc6: {  	_ =	sfence.sel $0x180000  }
0xc7: {  	[bflag:$0x0] =	sbarrier.arrive $0xFFFF  }
0xc8: {  	_ =	strace $0x9000004D  }
0xc9: {  	s0 =	stileid.u32;
	[bflag:$0x2] =	sbarrier.arrive $0xFFFF  }
0xca: {  	p0 =	sne.s32 s0, $0x0;
	s0 =	rddreg [dreg:$0x2]  }
0xcb: {  	s0 =	sadd.s32 @!p0 $0x100000, s0  }
0xcc: {  	[sflag:s0] =	ssyncadd.tile.s32 @!p0 $0x1;
	_ =	shalt  }
.Lfunc_end2:
_tile_overlayer_lowered:
.L_overlay_start_2:
0xcd: {  	(tag) =	ssettag $0x2  }
0xce: {  	s0 =	rddreg [dreg:$0x0];
	s2 =	stileid.u32  }
0xcf: {  	s1 =	rddreg [dreg:$0x1];
	p0 =	sne.s32 s2, $0x0  }
0xd0: {  	s3 =	rddreg [dreg:$0x2];
	[bflag:$0x3] =	sbarrier.arrive $0xFFFF;
	s2 =	simm.s32 @!p0 $0x1C07  }
0xd1: {  	[timem:s3], [sflag:s2] =	dma.local @!p0 [hbm:s0], s1  }
0xd2: {  	s0 =	simm.s32 @!p0 $0x7  }
0xd3: {  	_ =	swait.ge @!p0 [sflag:s0], s1  }
0xd4: {  	s1 =	ssub.s32 @!p0 $0x0, s1;
	[sflag:s0] =	ssyncset.done @!p0 $0x0  }
0xd5: {  	[sflag:s0] =	ssyncadd.s32 @!p0 s1  }
0xd6: {  	[bflag:$0x3] =	sbarrier.arrive $0xFFFF  }
0xd7: {  	_ =	shalt  }

// kernel: kernel.8.cloned.1.call-start
scs
__scs_entry_jumppad:
0x0: {  	(pc) =	sbr.rel $0x88, $3  }
0x1: {  	(tag) =	ssettag $0x0;
	lr =	simm.s32 $0x1  }
0x2: {  	[smem:$0x3F96] =	sst lr;
	_ =	strace $0xD0000000  }
0x3: {  	_ = 	snop  }
0x4: {  	_ = 	snop  }
0x5: {  	_ = 	snop  }
0x6: {  	_ = 	snop  }
0x7: {  	_ = 	snop  }
__scs_overlays_trampoline_lowered:
0x8: {  	[smem:$0x3FA5] =	sst s0  }
0x9: {  	[smem:$0x3FA6] =	sst s1  }
0xa: {  	[smem:$0x3FA7] =	sst s2  }
0xb: {  	[smem:$0x3FA8] =	sst s3  }
0xc: {  	[smem:$0x3FA9] =	sst s4  }
0xd: {  	[smem:$0x3FAA] =	sst s5  }
0xe: {  	[smem:$0x3FAB] =	sst s6  }
0xf: {  	[smem:$0x3FAC] =	sst s7  }
0x10: {  	[smem:$0x3FAD] =	sst s8  }
0x11: {  	[smem:$0x3FAE] =	sst s9;
	s0 =	simm.s32 @!p0 $0x0  }
0x12: {  	s1 =	sld [smem:$0x3F94];
	s0 =	simm.s32 @p0 $0x1  }
0x13: {  	[smem:$0x3FAF] =	sst s0;
	s0 =	simm.s32 @!p1 $0x0  }
0x14: {  	s2 =	sld [smem:$0x3F93];
	s0 =	simm.s32 @p1 $0x1  }
0x15: {  	[smem:$0x3FB0] =	sst s0;
	s0 =	simm.s32 @!p2 $0x0  }
0x16: {  	s3 =	sld [smem:$0x3FDB];
	s0 =	simm.s32 @p2 $0x1  }
0x17: {  	s4 =	simm.s32 $0x1BF5;
	[smem:$0x3FB2] =	sst s0  }
0x18: {  	s0 =	sld [smem:$0x3F95];
	_ =	swait.ge [sflag:s4], $0x0  }
0x19: {  	s7 =	sld [smem:$0x3F96]  }
0x1a: {  	s8 =	sadd.s32 $0xFFFFE003, lr  }
0x1b: {  	s9 =	sadd.s32 $0xFFFFFEF7, lr;
	s5 =	simm.s32 $0xFFFFFFFF;
	p2 =	slt.u32 s8, $0xFFFFF086  }
0x1c: {  	p1 =	slt.u32 s9, $0xF7A;
	s5 =	simm.s32 @!p2 $0x0  }
0x1d: {  	s5 =	simm.s32 @p1 $0x1;
	p0 =	seq.s32 s7, s2  }
0x1e: {  	s7 =	smul.u32 @!p0 $0xF7A, s2;
	p2 =	seq.s32 @!p0 s5, $0x0  }
0x1f: {  	s9 =	smul.u32 $0xF7A, s1;
	s8 =	simm.s32 @!p0 $0x1BF5;
	p2 =	por !p2, p0  }
0x20: {  	[sflag:s8] =	ssyncset.s32 @!p0 $0xFFFFF086;
	s6 =	sadd.s32 @!p0 s3, s7;
	s7 =	simm.s32 @!p0 $0x108  }
0x21: {  	s3 =	sadd.s32 s3, s9;
	s6 =	sadd.s32 @!p0 $0x88, s6;
	s7 =	simm.s32 @p2 $0x1082  }
0x22: {  	[simem:s7], [sflag:s8] =	dma.local @!p0 [hbm:s6], $0xF7A  }
0x23: {  	s9 =	sor.u32 $0xD0000000, s2;
	s6 =	simm.s32 $0x108;
	_ =	swait.ge @!p0 [sflag:s8], $0x0  }
0x24: {  	s3 =	sadd.s32 $0x88, s3;
	s6 =	simm.s32 @!p1 $0x1082;
	[sflag:s4] =	ssyncset.s32 $0xFFFFF086  }
0x25: {  	[simem:s6], [sflag:s4] =	dma.local [hbm:s3], $0xF7A  }
0x26: {  	[smem:$0x3F96] =	sst s1;
	(tag) =	ssettag s2;
	_ =	strace s9  }
0x27: {  	s1 =	sld [smem:$0x3FA6]  }
0x28: {  	s2 =	sld [smem:$0x3FA7]  }
0x29: {  	s4 =	sld [smem:$0x3FA9]  }
0x2a: {  	p0 =	seq.s32 s5, $0x0;
	s5 =	sld [smem:$0x3FAA]  }
0x2b: {  	s6 =	sld [smem:$0x3FAB]  }
0x2c: {  	s7 =	sld [smem:$0x3FAC]  }
0x2d: {  	s3 =	simm.s32 $0x108;
	s8 =	sld [smem:$0x3FAD]  }
0x2e: {  	s3 =	simm.s32 @!p0 $0x1082;
	s9 =	sld [smem:$0x3FAE]  }
0x2f: {  	lr =	sadd.s32 s0, s3;
	s0 =	sld [smem:$0x3FA5]  }
0x30: {  	s3 =	sld [smem:$0x3FA8]  }
0x31: {  	[smem:$0x3FB1] =	sst s10  }
0x32: {  	s10 =	sld [smem:$0x3FAF];
	_ =	sdelay $0x3  }
0x33: {  	p0 =	seq.s32 s10, $0x1;
	s10 =	sld [smem:$0x3FB1];
	_ =	sdelay $0x3  }
0x34: {  	[smem:$0x3FB1] =	sst s10  }
0x35: {  	s10 =	sld [smem:$0x3FB0];
	_ =	sdelay $0x3  }
0x36: {  	p1 =	seq.s32 s10, $0x1;
	s10 =	sld [smem:$0x3FB1];
	_ =	sdelay $0x3  }
0x37: {  	[smem:$0x3FB1] =	sst s10  }
0x38: {  	s10 =	sld [smem:$0x3FB2]  }
0x39: {  	_ = 	snop;
	(pc) =	sbr.ind lr, $3  }
0x3a: {  	_ = 	snop  }
0x3b: {  	_ = 	snop  }
0x3c: {  	p2 =	seq.s32 s10, $0x1;
	s10 =	sld [smem:$0x3FB1]  }
0x3d: {  	_ =	shalt  }
0x3e: {  	_ =	shalt  }
0x3f: {  	_ =	shalt  }
0x40: {  	_ =	shalt  }
0x41: {  	_ =	shalt  }
0x42: {  	_ =	shalt  }
0x43: {  	_ =	shalt  }
0x44: {  	_ =	shalt  }
0x45: {  	_ =	shalt  }
0x46: {  	_ =	shalt  }
0x47: {  	_ =	shalt  }
0x48: {  	_ =	shalt  }
0x49: {  	_ =	shalt  }
0x4a: {  	_ =	shalt  }
0x4b: {  	_ =	shalt  }
0x4c: {  	_ =	shalt  }
0x4d: {  	_ =	shalt  }
0x4e: {  	_ =	shalt  }
0x4f: {  	_ =	shalt  }
0x50: {  	_ =	shalt  }
0x51: {  	_ =	shalt  }
0x52: {  	_ =	shalt  }
0x53: {  	_ =	shalt  }
0x54: {  	_ =	shalt  }
0x55: {  	_ =	shalt  }
0x56: {  	_ =	shalt  }
0x57: {  	_ =	shalt  }
0x58: {  	_ =	shalt  }
0x59: {  	_ =	shalt  }
0x5a: {  	_ =	shalt  }
0x5b: {  	_ =	shalt  }
0x5c: {  	_ =	shalt  }
0x5d: {  	_ =	shalt  }
0x5e: {  	_ =	shalt  }
0x5f: {  	_ =	shalt  }
0x60: {  	_ =	shalt  }
0x61: {  	_ =	shalt  }
0x62: {  	_ =	shalt  }
0x63: {  	_ =	shalt  }
0x64: {  	_ =	shalt  }
0x65: {  	_ =	shalt  }
0x66: {  	_ =	shalt  }
0x67: {  	_ =	shalt  }
0x68: {  	_ =	shalt  }
0x69: {  	_ =	shalt  }
0x6a: {  	_ =	shalt  }
0x6b: {  	_ =	shalt  }
0x6c: {  	_ =	shalt  }
0x6d: {  	_ =	shalt  }
0x6e: {  	_ =	shalt  }
0x6f: {  	_ =	shalt  }
0x70: {  	_ =	shalt  }
0x71: {  	_ =	shalt  }
0x72: {  	_ =	shalt  }
0x73: {  	_ =	shalt  }
0x74: {  	_ =	shalt  }
0x75: {  	_ =	shalt  }
0x76: {  	_ =	shalt  }
0x77: {  	_ =	shalt  }
0x78: {  	_ =	shalt  }
0x79: {  	_ =	shalt  }
0x7a: {  	_ =	shalt  }
0x7b: {  	_ =	shalt  }
0x7c: {  	_ =	shalt  }
0x7d: {  	_ =	shalt  }
0x7e: {  	_ =	shalt  }
0x7f: {  	_ =	shalt  }
0x80: {  	_ =	shalt  }
0x81: {  	_ =	shalt  }
0x82: {  	_ =	shalt  }
0x83: {  	_ =	shalt  }
0x84: {  	_ =	shalt  }
0x85: {  	_ =	shalt  }
0x86: {  	_ =	shalt  }
0x87: {  	_ =	shalt  }
.Lfunc_end0:
.L_simem_size_0:
called_computation_lowered:
.L_overlay_start_0:
0x88: {  	s2 =	sld [smem:$0x3FD9]  }
0x89: {  	s3 =	sld [smem:$0x3FFE];
	_ =	sdelay $0x1  }
0x8a: {  	s1 =	srdreg.scid  }
0x8b: {  	s0 =	sand.u32 $0x1, s1  }
0x8c: {  	s16 =	sshll.u32 s0, $0xA;
	s2 =	sadd.s32 s3, s2  }
0x8d: {  	s2 =	sadd.s32 s2, s16  }
0x8e: {  	[smem:$0x3FBD] =	sst s2  }
0x8f: {  	_ = 	snop  }
0x90: {  	(tm) =	ssettm $0x1  }
0x91: {  	s17 =	sld [smem:$0x3FFB];
	_ =	sdelay $0x3  }
0x92: {  	_ =	strace s17  }
0x93: {  	s2 =	sld [smem:$0x3FFC];
	_ =	sdelay $0x3  }
0x94: {  	_ =	strace s2  }
0x95: {  	s2 =	sld [smem:$0x3FFD];
	_ =	sdelay $0x3  }
0x96: {  	_ =	strace s2  }
0x97: {  	_ =	strace $0x8FFFFFFF  }
0x98: {  	s18 =	sld [smem:$0x3FDB];
	_ =	sdelay $0x1  }
0x99: {  	s19 =	simm.s32 $_scs_section_size  }
0x9a: {  	s4 =	simm.s32 $_size__tile_overlayer_lowered;
	s5 =	simm.s32 $_tile_overlayer_lowered  }
0x9b: {  	s22 =	simm.s32 $0x1BFF;
	s21 =	sshll.u32 s5, $0x1;
	s2 =	sadd.s32 s19, s18  }
0x9c: {  	s6 =	simm.s32 $0x0;
	s20 =	sshll.u32 s4, $0x1;
	s4 =	sadd.s32 s21, s2  }
0x9d: {  	[timem:s6], [sflag:s22] =	dma.local [hbm:s4], s20  }
0x9e: {  	_ =	swait.ge [sflag:s22], s20  }
0x9f: {  	s3 =	ssub.s32 $0x0, s20;
	[sflag:s22] =	ssyncset.done $0x0  }
0xa0: {  	[sflag:s22] =	ssyncadd.s32 s3;
	_ =	sdelay $0x1  }
0xa1: {  	s23 =	simm.s32 $0x1B8B  }
0xa2: {  	_ =	swait.ge [sflag:s23], $0x1  }
0xa3: {  	[sflag:s23] =	ssyncset.done $0x0  }
0xa4: {  	s25 =	simm.s32 $0x1B8E;
	s24 =	sld [smem:$0x3FFE];
	[sflag:s23] =	ssyncadd.s32 $0xFFFFFFFF  }
0xa5: {  	s26 =	simm.s32 $execute0_lowered;
	[smem:$0x3FD2] =	sst s25  }
0xa6: {  	s4 =	sshll.u32 s26, $0x1;
	_ =	strace $0x80000046;
	[dreg:$0x1] =	wrdreg $0xFFFFFFFF  }
0xa7: {  	s28 =	simm.s32 $_size_execute0_lowered;
	s2 =	sadd.s32 s2, s4;
	[dreg:$0x0] =	wrdreg $0x0  }
0xa8: {  	s4 =	sshll.u32 s28, $0x1;
	[dreg:$0x2] =	wrdreg s2  }
0xa9: {  	[dreg:$0x3] =	wrdreg s4  }
0xaa: {  	[dreg:$0x4] =	wrdreg $0xC0  }
0xab: {  	_ =	task [dreg:s6], $0x5FFFF  }
0xac: {  	[dreg:$0x1] =	wrdreg $0xFFFFFFFF  }
0xad: {  	[dreg:$0x0] =	wrdreg $0x60  }
0xae: {  	[dreg:$0x2] =	wrdreg s24  }
0xaf: {  	[dreg:$0x3] =	wrdreg $0x2B000  }
0xb0: {  	[dreg:$0x4] =	wrdreg $0x9  }
0xb1: {  	_ =	task.clear_ibuf [dreg:s6], $0x5FFFF;
	_ =	strace $0x90000046  }
0xb2: {  	s29 =	simm.s32 $0x9;
	_ =	strace $0x80000048  }
0xb3: {  	_ =	swait.ge [sflag:s29], $0x1  }
0xb4: {  	[sflag:s29] =	ssyncadd.s32 $0xFFFFFFFF  }
0xb5: {  	_ =	strace $0x90000048  }
0xb6: {  	_ =	sfence  }
0xb7: {  	s30 =	sld [smem:$0x0];
	_ =	sdelay $0x2  }
0xb8: {  	s31 =	sshll.u32 s1, $0xD;
	s1 =	sshrl.u32 s1, $0x2  }
0xb9: {  	s3 =	sand.u32 $0x4000, s31;
	s1 =	sadd.s32 s1, s30  }
0xba: {  	s0 =	sor.u32 s3, s0;
	s1 =	sshll.u32 s1, $0x11  }
0xbb: {  	s0 =	sor.u32 s1, s0  }
0xbc: {  	s0 =	sadd.s32 $0x8F2B, s0  }
0xbd: {  	[sflag:s0] =	ssyncadd.remote.s32 $0x1  }
0xbe: {  	_ =	sfence.sel $0xFFFF  }
0xbf: {  	[dreg:$0x0] =	wrdreg $0xFFFFFFFF;
	(pc) =	sbr.abs _section_cstart, $3  }
0xc0: {  	[dreg:$0x1] =	wrdreg $0xFFFFFFFF  }
0xc1: {  	_ =	task.clear_ibuf [dreg:s6], $0x2FFFF;
	_ =	strace $0x9FFFFFFF  }
0xc2: {  	(tm) =	ssettm $0x7FFFFFFF  }
0xc3: {  	_ =	shalt  }
tec
execute0_lowered:
.L_overlay_start_1:
0x0: {  	(tag) =	ssettag $0x1  }
0x1: {  	s5 =	rddreg [dreg:$0x0]  }
0x2: {  	s2 =	rddreg [dreg:$0x1]  }
0x3: {  	s0 =	srdreg.scid;
	s1 =	rddreg [dreg:$0x2]  }
0x4: {  	s3 =	simm.s32 $0x0;
	s10 =	simm.s32 $0x2800;
	s13 =	simm.s32 $0x0  }
0x5: {  	s4 =	sand.u32 $0x1, s0;
	s0 =	stileid.u32;
	[smem:$0x7FF] =	sst s3  }
0x6: {  	s6 =	sshll.u32 s4, $0x4;
	s4 =	ssub.s32 $0x2, s4;
	s8 =	smul.u32 $0xA00, s0  }
0x7: {  	_ =	strace $0x80000047;
	s12 =	smul.u32 $0xA0, s0;
	s7 =	sor.u32 s0, s6  }
0x8: {  	s9 =	sshrl.u32 s4, $0x1;
	s6 =	sadd.s32 s6, s5;
	s7 =	smul.u32 $0x500, s7  }
0x9: {  	s9 =	ssub.s32 s4, s9;
	s31 =	sshrl.u32 s8, $0x2;
	s11 =	sadd.s32 $0xDC00, s6  }
0xa: {  	s8 =	simm.s32 $0x2880;
	s6 =	smax.u32 s9, $0x1;
	s9 =	simm.s32 $0x80  }
0xb: {  	s11 =	sadd.s32 s12, s11;
	s12 =	simm.s32 $0x100;
	s7 =	sadd.s32 s7, s5  }
0xc: {  	v0 =	vimm.f32 $1.000000000e+00;
	v1 =	vimm.f32 $0.0e+00;
	s5 =	sadd.s32 s31, s2;
	s4 =	sadd.s32 $0x3C00, s7;
	s7 =	simm.s32 $0x1  }
.LBB2_1:
0xd: {  	[tilespmem:s3], [sflag:$0x1] =	stream.linear.gather [hbm4b:s4+s3], $0x2800, $0x38;
	[tilespmem:$0x2D80] =	vst v63  }
0xe: {  	_ =	swait.ge [sflag:s7], $0x2800  }
0xf: {  	[sflag:s7] =	ssyncset.done $0x0  }
0x10: {  	[sflag:s7] =	ssyncadd.s32 $0xFFFFD800  }
0x11: {  	[tilespmem:$0x2800] =	vst v0  }
0x12: {  	[tilespmem:$0x2810] =	vst v0  }
0x13: {  	[tilespmem:$0x2820] =	vst v0  }
0x14: {  	[tilespmem:$0x2830] =	vst v0  }
0x15: {  	[tilespmem:$0x2840] =	vst v0  }
0x16: {  	[tilespmem:$0x2850] =	vst v0  }
0x17: {  	[tilespmem:$0x2860] =	vst v0  }
0x18: {  	[tilespmem:$0x2870] =	vst v0  }
0x19: {  	[tilespmem:$0x2880] =	vst v1  }
0x1a: {  	[tilespmem:$0x2890] =	vst v1  }
0x1b: {  	[tilespmem:$0x28A0] =	vst v1  }
0x1c: {  	[tilespmem:$0x28B0] =	vst v1  }
0x1d: {  	[tilespmem:$0x28C0] =	vst v1  }
0x1e: {  	[tilespmem:$0x28D0] =	vst v1  }
0x1f: {  	[tilespmem:$0x28E0] =	vst v1  }
0x20: {  	[tilespmem:$0x28F0] =	vst v1  }
0x21: {  	[tilespmem:$0x2900] =	vst v1  }
0x22: {  	[tilespmem:$0x2910] =	vst v1  }
0x23: {  	[tilespmem:$0x2920] =	vst v1  }
0x24: {  	[tilespmem:$0x2930] =	vst v1  }
0x25: {  	[tilespmem:$0x2940] =	vst v1  }
0x26: {  	[tilespmem:$0x2950] =	vst v1  }
0x27: {  	[tilespmem:$0x2960] =	vst v1  }
0x28: {  	[tilespmem:$0x2970] =	vst v1  }
0x29: {  	[tilespmem:$0x2980] =	vst v1  }
0x2a: {  	[tilespmem:$0x2990] =	vst v1  }
0x2b: {  	[tilespmem:$0x29A0] =	vst v1  }
0x2c: {  	[tilespmem:$0x29B0] =	vst v1  }
0x2d: {  	[tilespmem:$0x29C0] =	vst v1  }
0x2e: {  	[tilespmem:$0x29D0] =	vst v1  }
0x2f: {  	[tilespmem:$0x29E0] =	vst v1  }
0x30: {  	[tilespmem:$0x29F0] =	vst v1  }
0x31: {  	[tilespmem:$0x2A00] =	vst v1  }
0x32: {  	[tilespmem:$0x2A10] =	vst v1  }
0x33: {  	[tilespmem:$0x2A20] =	vst v1  }
0x34: {  	[tilespmem:$0x2A30] =	vst v1  }
0x35: {  	[tilespmem:$0x2A40] =	vst v1  }
0x36: {  	[tilespmem:$0x2A50] =	vst v1  }
0x37: {  	[tilespmem:$0x2A60] =	vst v1  }
0x38: {  	[tilespmem:$0x2A70] =	vst v1  }
0x39: {  	[tilespmem:$0x2A80] =	vst v1  }
0x3a: {  	[tilespmem:$0x2A90] =	vst v1  }
0x3b: {  	[tilespmem:$0x2AA0] =	vst v1  }
0x3c: {  	[tilespmem:$0x2AB0] =	vst v1  }
0x3d: {  	[tilespmem:$0x2AC0] =	vst v1  }
0x3e: {  	[tilespmem:$0x2AD0] =	vst v1  }
0x3f: {  	[tilespmem:$0x2AE0] =	vst v1  }
0x40: {  	[tilespmem:$0x2AF0] =	vst v1  }
0x41: {  	[spmem:s5] =	stream.linear.scatter [tilespmem:s8], [sflag:$0x1], $0x280, $0x38;
	[tilespmem:$0x2D80] =	vst v63  }
0x42: {  	_ =	swait.ge [sflag:s7], $0x280  }
0x43: {  	[sflag:s7] =	ssyncset.done $0x0  }
0x44: {  	[sflag:s7] =	ssyncadd.s32 $0xFFFFFD80  }
0x45: {  	s14 =	simm.s32 $0x0;
	[bflag:$0x0] =	sbarrier.arrive $0xFFFF  }
0x46: {  	[spmem:s2] =	stream.indirect.scatter.add.f32 [tilespmem:s10], [sflag:$0x1], $0x1, s14, s9, $0xb8;
	[tilespmem:$0x2D80] =	vst v63  }
0x47: {  	_ =	swait.ge [sflag:s7], $0x80  }
0x48: {  	s14 =	simm.s32 $0x200;
	[sflag:s7] =	ssyncset.done $0x0  }
.LBB2_2:
0x49: {  	s15 =	sshra.s32 s14, $0x2;
	[sflag:s7] =	ssyncadd.s32 $0xFFFFFF80;
	p0 =	sne.s32 s14, $0x9E00  }
0x4a: {  	[spmem:s2] =	stream.indirect.scatter.add.f32 [tilespmem:s10], [sflag:$0x1], $0x1, s15, s9, $0xb8;
	[tilespmem:$0x2D80] =	vst v63  }
.Ltmp0:
0x4b: {  	_ = 	snop;
	(pc) =	sbr.rel @p0 .LBB2_2-.Ltmp0, $4  }
0x4c: {  	_ = 	snop  }
0x4d: {  	s14 =	sadd.s32 $0x200, s14  }
0x4e: {  	_ =	swait.ge [sflag:s7], $0x80  }
0x4f: {  	[sflag:s7] =	ssyncset.done $0x0  }
0x50: {  	[sflag:s7] =	ssyncadd.s32 $0xFFFFFF80  }
0x51: {  	[bflag:$0x0] =	sbarrier.arrive $0xFFFF  }
0x52: {  	[tilespmem:s8], [sflag:$0x1] =	stream.linear.gather [spmem:s5], $0x280, $0x38;
	[tilespmem:$0x2D80] =	vst v63  }
0x53: {  	s13 =	sadd.s32 $0x1, s13;
	_ =	swait.ge [sflag:s7], $0x280  }
0x54: {  	p0 =	sne.s32 s13, s6;
	[sflag:s7] =	ssyncset.done $0x0  }
.Ltmp1:
0x55: {  	[sflag:s7] =	ssyncadd.s32 $0xFFFFFD80;
	(pc) =	sbr.rel @p0 .LBB2_1-.Ltmp1, $4  }
0x56: {  	[hbm4b:s11+s9] =	stream.strided.scatter [tilespmem:s8], [sflag:$0x1], $0x280, s12, s9, $0x38;
	[tilespmem:$0x2D80] =	vst v63  }
0x57: {  	_ =	swait.ge [sflag:s7], $0x280  }
0x58: {  	[sflag:s7] =	ssyncset.done $0x0  }
0x59: {  	[sflag:s7] =	ssyncadd.s32 $0xFFFFFD80  }
0x5a: {  	_ =	sfence.sel $0x180000  }
0x5b: {  	[bflag:$0x0] =	sbarrier.arrive $0xFFFF  }
0x5c: {  	p0 =	sne.s32 s0, $0x0;
	_ =	strace $0x90000047  }
0x5d: {  	s0 =	sadd.s32 @!p0 $0x100000, s1;
	[bflag:$0x2] =	sbarrier.arrive $0xFFFF  }
0x5e: {  	[sflag:s0] =	ssyncadd.tile.s32 @!p0 $0x1;
	_ =	shalt  }
.Lfunc_end2:
_tile_overlayer_lowered:
.L_overlay_start_2:
0x5f: {  	(tag) =	ssettag $0x2  }
0x60: {  	s0 =	rddreg [dreg:$0x0];
	s2 =	stileid.u32  }
0x61: {  	s1 =	rddreg [dreg:$0x1];
	p0 =	sne.s32 s2, $0x0  }
0x62: {  	s3 =	rddreg [dreg:$0x2];
	[bflag:$0x3] =	sbarrier.arrive $0xFFFF;
	s2 =	simm.s32 @!p0 $0x1C01  }
0x63: {  	[timem:s3], [sflag:s2] =	dma.local @!p0 [hbm:s0], s1  }
0x64: {  	s0 =	simm.s32 @!p0 $0x1  }
0x65: {  	_ =	swait.ge @!p0 [sflag:s0], s1  }
0x66: {  	s1 =	ssub.s32 @!p0 $0x0, s1;
	[sflag:s0] =	ssyncset.done @!p0 $0x0  }
0x67: {  	[sflag:s0] =	ssyncadd.s32 @!p0 s1  }
0x68: {  	[bflag:$0x3] =	sbarrier.arrive $0xFFFF  }
0x69: {  	_ =	shalt  }

</sc_bundles>
